<compile_context>
chip_gen: v7x
topology: tpu7x:2x2x1
jax: 0.10.2.dev20260603
libtpu: 0.0.44.dev20260713+nightly
codegen_flags: <defaults>
</compile_context>

<pallas_src>
import functools

import jax
import jax.numpy as jnp
from jax import lax
from jax.experimental import pallas as pl
from jax.experimental.pallas import tpu as pltpu
from jax.experimental.pallas import tpu_sc as plsc

_NUM_CORES = 2
_NUM_SUBCORES = 16
_NUM_WORKERS = _NUM_CORES * _NUM_SUBCORES
_LANES = 16
_CHUNK = 128


@functools.partial(jax.jit, static_argnames=())
def kernel(user_ids, item_ids, embedding_table):
    batch = user_ids.shape[0]
    dim = embedding_table.shape[1]
    assert batch % (_NUM_WORKERS * _LANES) == 0
    b_per_w = batch // _NUM_WORKERS
    n_chunks = b_per_w // _CHUNK
    groups_per_chunk = _CHUNK // _LANES

    mesh = plsc.VectorSubcoreMesh(core_axis_name="c", subcore_axis_name="s")

    @functools.partial(
        pl.kernel,
        mesh=mesh,
        compiler_params=pltpu.CompilerParams(
            needs_layout_passes=False, use_tc_tiling_on_sc=True),
        out_type=jax.ShapeDtypeStruct((batch,), jnp.float32),
        scratch_types=[
            pltpu.VMEM_SHARED((_NUM_SUBCORES, b_per_w), jnp.int32),
            pltpu.VMEM_SHARED((_NUM_SUBCORES, b_per_w), jnp.int32),
            pltpu.SMEM((b_per_w,), jnp.int32),
            pltpu.SMEM((b_per_w,), jnp.int32),
            pltpu.VMEM((_CHUNK, 32), jnp.float32),
            pltpu.VMEM((_CHUNK, 32), jnp.float32),
            pltpu.VMEM((_CHUNK, 32), jnp.float32),
            pltpu.VMEM((_CHUNK, 32), jnp.float32),
            pltpu.VMEM((b_per_w,), jnp.float32),
            pltpu.SemaphoreType.DMA,
            pltpu.SemaphoreType.DMA,
        ],
    )
    def sc_kernel(uids_hbm, iids_hbm, table_hbm, out_hbm,
                  ids_u, ids_i, sm_u, sm_i,
                  u0, i0, u1, i1, out_v, sem0, sem1):
        wid = lax.axis_index("s") * _NUM_CORES + lax.axis_index("c")
        base = pl.multiple_of(wid * b_per_w, 8)

        sid = lax.axis_index("s")
        pltpu.sync_copy(uids_hbm.at[pl.ds(base, b_per_w)], ids_u.at[sid])
        pltpu.sync_copy(iids_hbm.at[pl.ds(base, b_per_w)], ids_i.at[sid])
        pltpu.sync_copy(ids_u.at[sid], sm_u)
        pltpu.sync_copy(ids_i.at[sid], sm_i)

        lane_iota = lax.broadcasted_iota(jnp.int32, (_LANES,), 0)
        bufs = [(u0, i0, sem0), (u1, i1, sem1)]

        def fire(chunk, bufpair):
            u_rows, i_rows, sem = bufpair
            off0 = chunk * _CHUNK

            def fetch_body(j, carry):
                uid = sm_u[off0 + j]
                iid = sm_i[off0 + j]
                pltpu.async_copy(
                    table_hbm.at[pl.ds(uid, 1)], u_rows.at[pl.ds(j, 1)], sem)
                pltpu.async_copy(
                    table_hbm.at[pl.ds(iid, 1)], i_rows.at[pl.ds(j, 1)], sem)
                return carry

            lax.fori_loop(0, _CHUNK, fetch_body, 0, unroll=8)

        def drain(bufpair):
            u_rows, i_rows, sem = bufpair
            pltpu.make_async_copy(
                table_hbm.at[pl.ds(0, _CHUNK)], u_rows, sem).wait()
            pltpu.make_async_copy(
                table_hbm.at[pl.ds(0, _CHUNK)], i_rows, sem).wait()

        def compute(chunk, bufpair):
            u_rows, i_rows, _ = bufpair
            off0 = chunk * _CHUNK

            def group_body(g, carry):
                rows = g * _LANES + lane_iota
                acc = jnp.zeros((_LANES,), jnp.float32)
                for d in range(dim):
                    cols = jnp.full((_LANES,), d, jnp.int32)
                    gu = plsc.load_gather(u_rows, [rows, cols])
                    gi = plsc.load_gather(i_rows, [rows, cols])
                    acc = acc + gu * gi
                out_v[pl.ds(off0 + g * _LANES, _LANES)] = acc
                return carry

            lax.fori_loop(0, groups_per_chunk, group_body, 0)

        fire(0, bufs[0])
        for c in range(n_chunks):
            if c + 1 < n_chunks:
                fire(c + 1, bufs[(c + 1) % 2])
            drain(bufs[c % 2])
            compute(c, bufs[c % 2])

        pltpu.sync_copy(out_v, out_hbm.at[pl.ds(base, b_per_w)])

    return sc_kernel(user_ids, item_ids, embedding_table)

# --- scband reference (transcript-rebuilt; emitter-appended) ---
"""Pipeline reference for scband-base-matrix-factorization-12893491823091 (READ-ONLY COPY).

The authoritative reference and input builder live on the scoring server;
editing this copy changes nothing except your own understanding.
"""

import jax, jax.numpy as jnp
import numpy as np

NUM_USERS = 1000000
NUM_ITEMS = 100000
EMBED_DIM = 32
BATCH = 16384


def setup_inputs(seed: int = 0) -> dict:
    key = jax.random.key(seed)
    k1, k2, k3 = jax.random.split(key, 3)
    embedding_table = jax.random.normal(k1, (NUM_USERS + NUM_ITEMS, EMBED_DIM), dtype=jnp.float32)
    user_ids = jax.random.randint(k2, (BATCH,), 0, NUM_USERS, dtype=jnp.int64 if jax.config.jax_enable_x64 else jnp.int32)
    item_ids = jax.random.randint(k3, (BATCH,), 0, NUM_USERS + NUM_ITEMS, dtype=jnp.int64 if jax.config.jax_enable_x64 else jnp.int32)
    return {"user_ids": user_ids, "item_ids": item_ids, "embedding_table": embedding_table}


def reference(user_ids, item_ids, embedding_table):
    # get_user_embedding: embedding_table(user_ids)
    user_emb = jnp.take(embedding_table, user_ids, axis=0)
    # get_item_embedding: embedding_table(item_ids) (ids already offset into shared table)
    item_emb = jnp.take(embedding_table, item_ids, axis=0)
    # canonical MF forward: dot-product interaction score per (user, item) pair
    scores = jnp.sum(user_emb * item_emb, axis=-1)
    return scores

if __name__ == "__main__":
    import jax
    _d = setup_inputs()
    print(jax.jit(kernel)(*tuple(_d.values())))

</pallas_src>

<mosaic_0001>
#map = affine_map<(d0, d1) -> (0)>
#map1 = affine_map<(d0, d1) -> (0, 0)>
module attributes {stable_mosaic.version = 14 : i64} {
  func.func @sc_kernel(%arg0: i32, %arg1: i32, %arg2: memref<16384xi32, #tpu.memory_space<hbm>>, %arg3: memref<16384xi32, #tpu.memory_space<hbm>>, %arg4: memref<1100000x32xf32, #tpu.memory_space<hbm>>, %arg5: memref<16384xf32, #tpu.memory_space<hbm>>, %arg6: memref<16x512xi32, #tpu.memory_space<vmem_shared>>, %arg7: memref<16x512xi32, #tpu.memory_space<vmem_shared>>, %arg8: memref<512xi32, #tpu.memory_space<smem>>, %arg9: memref<512xi32, #tpu.memory_space<smem>>, %arg10: memref<128x32xf32, #tpu.memory_space<vmem>>, %arg11: memref<128x32xf32, #tpu.memory_space<vmem>>, %arg12: memref<128x32xf32, #tpu.memory_space<vmem>>, %arg13: memref<128x32xf32, #tpu.memory_space<vmem>>, %arg14: memref<512xf32, #tpu.memory_space<vmem>>, %arg15: memref<!tpu.dma_semaphore, #tpu.memory_space<semaphore_mem>>, %arg16: memref<!tpu.dma_semaphore, #tpu.memory_space<semaphore_mem>>) attributes {dimension_semantics = [#tpu.dimension_semantics<core_parallel>, #tpu.dimension_semantics<subcore_parallel>], iteration_bounds = array<i64: 2, 16>, scalar_prefetch = 0 : i64, scratch_operands = 11 : i64, tpu.core_type = #tpu.core_type<sc_vector_subcore>, window_params = [{transform_indices = #map}, {transform_indices = #map}, {transform_indices = #map1}, {transform_indices = #map}]} {
    %mul3A = arith.constant 2 : i32
    %mul3A_0 = arith.muli %arg1, %mul3A : i32
    %add3A = arith.addi %mul3A_0, %arg0 : i32
    %mul3A_1 = arith.constant 512 : i32
    %mul3A_2 = arith.muli %add3A, %mul3A_1 : i32
    %multiple_of3A = tpu.assume_multiple %mul3A_2, 8 : i32
    "tpu.region"() ({
      %run_scoped3A = tpu.sem_alloc : memref<!tpu.dma_semaphore, #tpu.memory_space<semaphore_mem>>
      %dma_start3A = arith.constant 0 : i32
      %dma_start3A_97 = tpu.memref_slice %arg6[%arg1, %dma_start3A] : memref<16x512xi32, #tpu.memory_space<vmem_shared>> -> memref<1x512xi32, #tpu.memory_space<vmem_shared>>
      %dma_start3A_98 = tpu.memref_squeeze %dma_start3A_97 : memref<1x512xi32, #tpu.memory_space<vmem_shared>> -> memref<512xi32, #tpu.memory_space<vmem_shared>>
      %dma_start3A_99 = tpu.memref_slice %arg2[%multiple_of3A] : memref<16384xi32, #tpu.memory_space<hbm>> -> memref<512xi32, #tpu.memory_space<hbm>>
      tpu.enqueue_dma source(%dma_start3A_99 : memref<512xi32, #tpu.memory_space<hbm>>) target(%dma_start3A_98 : memref<512xi32, #tpu.memory_space<vmem_shared>>) target_semaphore(%run_scoped3A : memref<!tpu.dma_semaphore, #tpu.memory_space<semaphore_mem>>)
      %dma_wait3A_100 = arith.constant 0 : i32
      %dma_wait3A_101 = tpu.memref_slice %arg6[%arg1, %dma_wait3A_100] : memref<16x512xi32, #tpu.memory_space<vmem_shared>> -> memref<1x512xi32, #tpu.memory_space<vmem_shared>>
      %dma_wait3A_102 = tpu.memref_squeeze %dma_wait3A_101 : memref<1x512xi32, #tpu.memory_space<vmem_shared>> -> memref<512xi32, #tpu.memory_space<vmem_shared>>
      %dma_wait3A_103 = tpu.memref_slice %arg2[%multiple_of3A] : memref<16384xi32, #tpu.memory_space<hbm>> -> memref<512xi32, #tpu.memory_space<hbm>>
      tpu.wait_dma2 semaphore(%run_scoped3A : memref<!tpu.dma_semaphore, #tpu.memory_space<semaphore_mem>>) src(%dma_wait3A_103 : memref<512xi32, #tpu.memory_space<hbm>>) dst(%dma_wait3A_102 : memref<512xi32, #tpu.memory_space<vmem_shared>>)
      tpu.yield
    }) : () -> ()
    "tpu.region"() ({
      %run_scoped3A = tpu.sem_alloc : memref<!tpu.dma_semaphore, #tpu.memory_space<semaphore_mem>>
      %dma_start3A = arith.constant 0 : i32
      %dma_start3A_97 = tpu.memref_slice %arg7[%arg1, %dma_start3A] : memref<16x512xi32, #tpu.memory_space<vmem_shared>> -> memref<1x512xi32, #tpu.memory_space<vmem_shared>>
      %dma_start3A_98 = tpu.memref_squeeze %dma_start3A_97 : memref<1x512xi32, #tpu.memory_space<vmem_shared>> -> memref<512xi32, #tpu.memory_space<vmem_shared>>
      %dma_start3A_99 = tpu.memref_slice %arg3[%multiple_of3A] : memref<16384xi32, #tpu.memory_space<hbm>> -> memref<512xi32, #tpu.memory_space<hbm>>
      tpu.enqueue_dma source(%dma_start3A_99 : memref<512xi32, #tpu.memory_space<hbm>>) target(%dma_start3A_98 : memref<512xi32, #tpu.memory_space<vmem_shared>>) target_semaphore(%run_scoped3A : memref<!tpu.dma_semaphore, #tpu.memory_space<semaphore_mem>>)
      %dma_wait3A_100 = arith.constant 0 : i32
      %dma_wait3A_101 = tpu.memref_slice %arg7[%arg1, %dma_wait3A_100] : memref<16x512xi32, #tpu.memory_space<vmem_shared>> -> memref<1x512xi32, #tpu.memory_space<vmem_shared>>
      %dma_wait3A_102 = tpu.memref_squeeze %dma_wait3A_101 : memref<1x512xi32, #tpu.memory_space<vmem_shared>> -> memref<512xi32, #tpu.memory_space<vmem_shared>>
      %dma_wait3A_103 = tpu.memref_slice %arg3[%multiple_of3A] : memref<16384xi32, #tpu.memory_space<hbm>> -> memref<512xi32, #tpu.memory_space<hbm>>
      tpu.wait_dma2 semaphore(%run_scoped3A : memref<!tpu.dma_semaphore, #tpu.memory_space<semaphore_mem>>) src(%dma_wait3A_103 : memref<512xi32, #tpu.memory_space<hbm>>) dst(%dma_wait3A_102 : memref<512xi32, #tpu.memory_space<vmem_shared>>)
      tpu.yield
    }) : () -> ()
    "tpu.region"() ({
      %run_scoped3A = tpu.sem_alloc : memref<!tpu.dma_semaphore, #tpu.memory_space<semaphore_mem>>
      %dma_start3A = arith.constant 0 : i32
      %dma_start3A_97 = tpu.memref_slice %arg6[%arg1, %dma_start3A] : memref<16x512xi32, #tpu.memory_space<vmem_shared>> -> memref<1x512xi32, #tpu.memory_space<vmem_shared>>
      %dma_start3A_98 = tpu.memref_squeeze %dma_start3A_97 : memref<1x512xi32, #tpu.memory_space<vmem_shared>> -> memref<512xi32, #tpu.memory_space<vmem_shared>>
      tpu.enqueue_dma source(%dma_start3A_98 : memref<512xi32, #tpu.memory_space<vmem_shared>>) target(%arg8 : memref<512xi32, #tpu.memory_space<smem>>) target_semaphore(%run_scoped3A : memref<!tpu.dma_semaphore, #tpu.memory_space<semaphore_mem>>)
      %dma_wait3A_99 = arith.constant 0 : i32
      %dma_wait3A_100 = tpu.memref_slice %arg6[%arg1, %dma_wait3A_99] : memref<16x512xi32, #tpu.memory_space<vmem_shared>> -> memref<1x512xi32, #tpu.memory_space<vmem_shared>>
      %dma_wait3A_101 = tpu.memref_squeeze %dma_wait3A_100 : memref<1x512xi32, #tpu.memory_space<vmem_shared>> -> memref<512xi32, #tpu.memory_space<vmem_shared>>
      tpu.wait_dma2 semaphore(%run_scoped3A : memref<!tpu.dma_semaphore, #tpu.memory_space<semaphore_mem>>) src(%dma_wait3A_101 : memref<512xi32, #tpu.memory_space<vmem_shared>>) dst(%arg8 : memref<512xi32, #tpu.memory_space<smem>>)
      tpu.yield
    }) : () -> ()
    "tpu.region"() ({
      %run_scoped3A = tpu.sem_alloc : memref<!tpu.dma_semaphore, #tpu.memory_space<semaphore_mem>>
      %dma_start3A = arith.constant 0 : i32
      %dma_start3A_97 = tpu.memref_slice %arg7[%arg1, %dma_start3A] : memref<16x512xi32, #tpu.memory_space<vmem_shared>> -> memref<1x512xi32, #tpu.memory_space<vmem_shared>>
      %dma_start3A_98 = tpu.memref_squeeze %dma_start3A_97 : memref<1x512xi32, #tpu.memory_space<vmem_shared>> -> memref<512xi32, #tpu.memory_space<vmem_shared>>
      tpu.enqueue_dma source(%dma_start3A_98 : memref<512xi32, #tpu.memory_space<vmem_shared>>) target(%arg9 : memref<512xi32, #tpu.memory_space<smem>>) target_semaphore(%run_scoped3A : memref<!tpu.dma_semaphore, #tpu.memory_space<semaphore_mem>>)
      %dma_wait3A_99 = arith.constant 0 : i32
      %dma_wait3A_100 = tpu.memref_slice %arg7[%arg1, %dma_wait3A_99] : memref<16x512xi32, #tpu.memory_space<vmem_shared>> -> memref<1x512xi32, #tpu.memory_space<vmem_shared>>
      %dma_wait3A_101 = tpu.memref_squeeze %dma_wait3A_100 : memref<1x512xi32, #tpu.memory_space<vmem_shared>> -> memref<512xi32, #tpu.memory_space<vmem_shared>>
      tpu.wait_dma2 semaphore(%run_scoped3A : memref<!tpu.dma_semaphore, #tpu.memory_space<semaphore_mem>>) src(%dma_wait3A_101 : memref<512xi32, #tpu.memory_space<vmem_shared>>) dst(%arg9 : memref<512xi32, #tpu.memory_space<smem>>)
      tpu.yield
    }) : () -> ()
    %iota3A = tpu.iota {dimensions = array<i32: 0>} : vector<16xi32>
    %scan3A = arith.constant 0 : i32
    %scan3A_3 = arith.constant 0 : i32
    %scan3A_4 = arith.constant 128 : i32
    %scan3A_5 = arith.addi %scan3A_3, %scan3A_4 : i32
    %scan3A_6 = arith.constant 8 : i32
    scf.for %scan3A_97 = %scan3A_3 to %scan3A_5 step %scan3A_6  : i32 {
      %add3A_98 = arith.constant 0 : i32
      %add3A_99 = arith.addi %add3A_98, %scan3A_97 : i32
      %get3A = arith.index_cast %add3A_99 : i32 to index
      %get3A_100 = memref.load %arg8[%get3A] : memref<512xi32, #tpu.memory_space<smem>>
      %add3A_101 = arith.constant 0 : i32
      %add3A_102 = arith.addi %add3A_101, %scan3A_97 : i32
      %get3A_103 = arith.index_cast %add3A_102 : i32 to index
      %get3A_104 = memref.load %arg9[%get3A_103] : memref<512xi32, #tpu.memory_space<smem>>
      %dma_start3A = arith.constant 0 : i32
      %dma_start3A_105 = tpu.memref_slice %arg10[%scan3A_97, %dma_start3A] : memref<128x32xf32, #tpu.memory_space<vmem>> -> memref<1x32xf32, #tpu.memory_space<vmem>>
      %dma_start3A_106 = arith.constant 0 : i32
      %dma_start3A_107 = tpu.memref_slice %arg4[%get3A_100, %dma_start3A_106] : memref<1100000x32xf32, #tpu.memory_space<hbm>> -> memref<1x32xf32, #tpu.memory_space<hbm>>
      %dma_start3A_108 = arith.constant 0 : i32
      %dma_start3A_109 = tpu.memref_slice %arg10[%scan3A_97, %dma_start3A_108] : memref<128x32xf32, #tpu.memory_space<vmem>> -> memref<1x32xf32, #tpu.memory_space<vmem>>
      %dma_start3A_110 = arith.constant 0 : i32
      %dma_start3A_111 = tpu.memref_slice %arg4[%get3A_100, %dma_start3A_110] : memref<1100000x32xf32, #tpu.memory_space<hbm>> -> memref<1x32xf32, #tpu.memory_space<hbm>>
      tpu.enqueue_dma source(%dma_start3A_111 : memref<1x32xf32, #tpu.memory_space<hbm>>) target(%dma_start3A_109 : memref<1x32xf32, #tpu.memory_space<vmem>>) target_semaphore(%arg15 : memref<!tpu.dma_semaphore, #tpu.memory_space<semaphore_mem>>)
      %dma_start3A_112 = arith.constant 0 : i32
      %dma_start3A_113 = tpu.memref_slice %arg11[%scan3A_97, %dma_start3A_112] : memref<128x32xf32, #tpu.memory_space<vmem>> -> memref<1x32xf32, #tpu.memory_space<vmem>>
      %dma_start3A_114 = arith.constant 0 : i32
      %dma_start3A_115 = tpu.memref_slice %arg4[%get3A_104, %dma_start3A_114] : memref<1100000x32xf32, #tpu.memory_space<hbm>> -> memref<1x32xf32, #tpu.memory_space<hbm>>
      %dma_start3A_116 = arith.constant 0 : i32
      %dma_start3A_117 = tpu.memref_slice %arg11[%scan3A_97, %dma_start3A_116] : memref<128x32xf32, #tpu.memory_space<vmem>> -> memref<1x32xf32, #tpu.memory_space<vmem>>
      %dma_start3A_118 = arith.constant 0 : i32
      %dma_start3A_119 = tpu.memref_slice %arg4[%get3A_104, %dma_start3A_118] : memref<1100000x32xf32, #tpu.memory_space<hbm>> -> memref<1x32xf32, #tpu.memory_space<hbm>>
      tpu.enqueue_dma source(%dma_start3A_119 : memref<1x32xf32, #tpu.memory_space<hbm>>) target(%dma_start3A_117 : memref<1x32xf32, #tpu.memory_space<vmem>>) target_semaphore(%arg15 : memref<!tpu.dma_semaphore, #tpu.memory_space<semaphore_mem>>)
      %scan3A_120 = arith.constant 1 : i32
      %scan3A_121 = arith.addi %scan3A_97, %scan3A_120 : i32
      %add3A_122 = arith.constant 0 : i32
      %add3A_123 = arith.addi %add3A_122, %scan3A_121 : i32
      %get3A_124 = arith.index_cast %add3A_123 : i32 to index
      %get3A_125 = memref.load %arg8[%get3A_124] : memref<512xi32, #tpu.memory_space<smem>>
      %add3A_126 = arith.constant 0 : i32
      %add3A_127 = arith.addi %add3A_126, %scan3A_121 : i32
      %get3A_128 = arith.index_cast %add3A_127 : i32 to index
      %get3A_129 = memref.load %arg9[%get3A_128] : memref<512xi32, #tpu.memory_space<smem>>
      %dma_start3A_130 = arith.constant 0 : i32
      %dma_start3A_131 = tpu.memref_slice %arg10[%scan3A_121, %dma_start3A_130] : memref<128x32xf32, #tpu.memory_space<vmem>> -> memref<1x32xf32, #tpu.memory_space<vmem>>
      %dma_start3A_132 = arith.constant 0 : i32
      %dma_start3A_133 = tpu.memref_slice %arg4[%get3A_125, %dma_start3A_132] : memref<1100000x32xf32, #tpu.memory_space<hbm>> -> memref<1x32xf32, #tpu.memory_space<hbm>>
      %dma_start3A_134 = arith.constant 0 : i32
      %dma_start3A_135 = tpu.memref_slice %arg10[%scan3A_121, %dma_start3A_134] : memref<128x32xf32, #tpu.memory_space<vmem>> -> memref<1x32xf32, #tpu.memory_space<vmem>>
      %dma_start3A_136 = arith.constant 0 : i32
      %dma_start3A_137 = tpu.memref_slice %arg4[%get3A_125, %dma_start3A_136] : memref<1100000x32xf32, #tpu.memory_space<hbm>> -> memref<1x32xf32, #tpu.memory_space<hbm>>
      tpu.enqueue_dma source(%dma_start3A_137 : memref<1x32xf32, #tpu.memory_space<hbm>>) target(%dma_start3A_135 : memref<1x32xf32, #tpu.memory_space<vmem>>) target_semaphore(%arg15 : memref<!tpu.dma_semaphore, #tpu.memory_space<semaphore_mem>>)
      %dma_start3A_138 = arith.constant 0 : i32
      %dma_start3A_139 = tpu.memref_slice %arg11[%scan3A_121, %dma_start3A_138] : memref<128x32xf32, #tpu.memory_space<vmem>> -> memref<1x32xf32, #tpu.memory_space<vmem>>
      %dma_start3A_140 = arith.constant 0 : i32
      %dma_start3A_141 = tpu.memref_slice %arg4[%get3A_129, %dma_start3A_140] : memref<1100000x32xf32, #tpu.memory_space<hbm>> -> memref<1x32xf32, #tpu.memory_space<hbm>>
      %dma_start3A_142 = arith.constant 0 : i32
      %dma_start3A_143 = tpu.memref_slice %arg11[%scan3A_121, %dma_start3A_142] : memref<128x32xf32, #tpu.memory_space<vmem>> -> memref<1x32xf32, #tpu.memory_space<vmem>>
      %dma_start3A_144 = arith.constant 0 : i32
      %dma_start3A_145 = tpu.memref_slice %arg4[%get3A_129, %dma_start3A_144] : memref<1100000x32xf32, #tpu.memory_space<hbm>> -> memref<1x32xf32, #tpu.memory_space<hbm>>
      tpu.enqueue_dma source(%dma_start3A_145 : memref<1x32xf32, #tpu.memory_space<hbm>>) target(%dma_start3A_143 : memref<1x32xf32, #tpu.memory_space<vmem>>) target_semaphore(%arg15 : memref<!tpu.dma_semaphore, #tpu.memory_space<semaphore_mem>>)
      %scan3A_146 = arith.constant 2 : i32
      %scan3A_147 = arith.addi %scan3A_97, %scan3A_146 : i32
      %add3A_148 = arith.constant 0 : i32
      %add3A_149 = arith.addi %add3A_148, %scan3A_147 : i32
      %get3A_150 = arith.index_cast %add3A_149 : i32 to index
      %get3A_151 = memref.load %arg8[%get3A_150] : memref<512xi32, #tpu.memory_space<smem>>
      %add3A_152 = arith.constant 0 : i32
      %add3A_153 = arith.addi %add3A_152, %scan3A_147 : i32
      %get3A_154 = arith.index_cast %add3A_153 : i32 to index
      %get3A_155 = memref.load %arg9[%get3A_154] : memref<512xi32, #tpu.memory_space<smem>>
      %dma_start3A_156 = arith.constant 0 : i32
      %dma_start3A_157 = tpu.memref_slice %arg10[%scan3A_147, %dma_start3A_156] : memref<128x32xf32, #tpu.memory_space<vmem>> -> memref<1x32xf32, #tpu.memory_space<vmem>>
      %dma_start3A_158 = arith.constant 0 : i32
      %dma_start3A_159 = tpu.memref_slice %arg4[%get3A_151, %dma_start3A_158] : memref<1100000x32xf32, #tpu.memory_space<hbm>> -> memref<1x32xf32, #tpu.memory_space<hbm>>
      %dma_start3A_160 = arith.constant 0 : i32
      %dma_start3A_161 = tpu.memref_slice %arg10[%scan3A_147, %dma_start3A_160] : memref<128x32xf32, #tpu.memory_space<vmem>> -> memref<1x32xf32, #tpu.memory_space<vmem>>
      %dma_start3A_162 = arith.constant 0 : i32
      %dma_start3A_163 = tpu.memref_slice %arg4[%get3A_151, %dma_start3A_162] : memref<1100000x32xf32, #tpu.memory_space<hbm>> -> memref<1x32xf32, #tpu.memory_space<hbm>>
      tpu.enqueue_dma source(%dma_start3A_163 : memref<1x32xf32, #tpu.memory_space<hbm>>) target(%dma_start3A_161 : memref<1x32xf32, #tpu.memory_space<vmem>>) target_semaphore(%arg15 : memref<!tpu.dma_semaphore, #tpu.memory_space<semaphore_mem>>)
      %dma_start3A_164 = arith.constant 0 : i32
      %dma_start3A_165 = tpu.memref_slice %arg11[%scan3A_147, %dma_start3A_164] : memref<128x32xf32, #tpu.memory_space<vmem>> -> memref<1x32xf32, #tpu.memory_space<vmem>>
      %dma_start3A_166 = arith.constant 0 : i32
      %dma_start3A_167 = tpu.memref_slice %arg4[%get3A_155, %dma_start3A_166] : memref<1100000x32xf32, #tpu.memory_space<hbm>> -> memref<1x32xf32, #tpu.memory_space<hbm>>
      %dma_start3A_168 = arith.constant 0 : i32
      %dma_start3A_169 = tpu.memref_slice %arg11[%scan3A_147, %dma_start3A_168] : memref<128x32xf32, #tpu.memory_space<vmem>> -> memref<1x32xf32, #tpu.memory_space<vmem>>
      %dma_start3A_170 = arith.constant 0 : i32
      %dma_start3A_171 = tpu.memref_slice %arg4[%get3A_155, %dma_start3A_170] : memref<1100000x32xf32, #tpu.memory_space<hbm>> -> memref<1x32xf32, #tpu.memory_space<hbm>>
      tpu.enqueue_dma source(%dma_start3A_171 : memref<1x32xf32, #tpu.memory_space<hbm>>) target(%dma_start3A_169 : memref<1x32xf32, #tpu.memory_space<vmem>>) target_semaphore(%arg15 : memref<!tpu.dma_semaphore, #tpu.memory_space<semaphore_mem>>)
      %scan3A_172 = arith.constant 3 : i32
      %scan3A_173 = arith.addi %scan3A_97, %scan3A_172 : i32
      %add3A_174 = arith.constant 0 : i32
      %add3A_175 = arith.addi %add3A_174, %scan3A_173 : i32
      %get3A_176 = arith.index_cast %add3A_175 : i32 to index
      %get3A_177 = memref.load %arg8[%get3A_176] : memref<512xi32, #tpu.memory_space<smem>>
      %add3A_178 = arith.constant 0 : i32
      %add3A_179 = arith.addi %add3A_178, %scan3A_173 : i32
      %get3A_180 = arith.index_cast %add3A_179 : i32 to index
      %get3A_181 = memref.load %arg9[%get3A_180] : memref<512xi32, #tpu.memory_space<smem>>
      %dma_start3A_182 = arith.constant 0 : i32
      %dma_start3A_183 = tpu.memref_slice %arg10[%scan3A_173, %dma_start3A_182] : memref<128x32xf32, #tpu.memory_space<vmem>> -> memref<1x32xf32, #tpu.memory_space<vmem>>
      %dma_start3A_184 = arith.constant 0 : i32
      %dma_start3A_185 = tpu.memref_slice %arg4[%get3A_177, %dma_start3A_184] : memref<1100000x32xf32, #tpu.memory_space<hbm>> -> memref<1x32xf32, #tpu.memory_space<hbm>>
      %dma_start3A_186 = arith.constant 0 : i32
      %dma_start3A_187 = tpu.memref_slice %arg10[%scan3A_173, %dma_start3A_186] : memref<128x32xf32, #tpu.memory_space<vmem>> -> memref<1x32xf32, #tpu.memory_space<vmem>>
      %dma_start3A_188 = arith.constant 0 : i32
      %dma_start3A_189 = tpu.memref_slice %arg4[%get3A_177, %dma_start3A_188] : memref<1100000x32xf32, #tpu.memory_space<hbm>> -> memref<1x32xf32, #tpu.memory_space<hbm>>
      tpu.enqueue_dma source(%dma_start3A_189 : memref<1x32xf32, #tpu.memory_space<hbm>>) target(%dma_start3A_187 : memref<1x32xf32, #tpu.memory_space<vmem>>) target_semaphore(%arg15 : memref<!tpu.dma_semaphore, #tpu.memory_space<semaphore_mem>>)
      %dma_start3A_190 = arith.constant 0 : i32
      %dma_start3A_191 = tpu.memref_slice %arg11[%scan3A_173, %dma_start3A_190] : memref<128x32xf32, #tpu.memory_space<vmem>> -> memref<1x32xf32, #tpu.memory_space<vmem>>
      %dma_start3A_192 = arith.constant 0 : i32
      %dma_start3A_193 = tpu.memref_slice %arg4[%get3A_181, %dma_start3A_192] : memref<1100000x32xf32, #tpu.memory_space<hbm>> -> memref<1x32xf32, #tpu.memory_space<hbm>>
      %dma_start3A_194 = arith.constant 0 : i32
      %dma_start3A_195 = tpu.memref_slice %arg11[%scan3A_173, %dma_start3A_194] : memref<128x32xf32, #tpu.memory_space<vmem>> -> memref<1x32xf32, #tpu.memory_space<vmem>>
      %dma_start3A_196 = arith.constant 0 : i32
      %dma_start3A_197 = tpu.memref_slice %arg4[%get3A_181, %dma_start3A_196] : memref<1100000x32xf32, #tpu.memory_space<hbm>> -> memref<1x32xf32, #tpu.memory_space<hbm>>
      tpu.enqueue_dma source(%dma_start3A_197 : memref<1x32xf32, #tpu.memory_space<hbm>>) target(%dma_start3A_195 : memref<1x32xf32, #tpu.memory_space<vmem>>) target_semaphore(%arg15 : memref<!tpu.dma_semaphore, #tpu.memory_space<semaphore_mem>>)
      %scan3A_198 = arith.constant 4 : i32
      %scan3A_199 = arith.addi %scan3A_97, %scan3A_198 : i32
      %add3A_200 = arith.constant 0 : i32
      %add3A_201 = arith.addi %add3A_200, %scan3A_199 : i32
      %get3A_202 = arith.index_cast %add3A_201 : i32 to index
      %get3A_203 = memref.load %arg8[%get3A_202] : memref<512xi32, #tpu.memory_space<smem>>
      %add3A_204 = arith.constant 0 : i32
      %add3A_205 = arith.addi %add3A_204, %scan3A_199 : i32
      %get3A_206 = arith.index_cast %add3A_205 : i32 to index
      %get3A_207 = memref.load %arg9[%get3A_206] : memref<512xi32, #tpu.memory_space<smem>>
      %dma_start3A_208 = arith.constant 0 : i32
      %dma_start3A_209 = tpu.memref_slice %arg10[%scan3A_199, %dma_start3A_208] : memref<128x32xf32, #tpu.memory_space<vmem>> -> memref<1x32xf32, #tpu.memory_space<vmem>>
      %dma_start3A_210 = arith.constant 0 : i32
      %dma_start3A_211 = tpu.memref_slice %arg4[%get3A_203, %dma_start3A_210] : memref<1100000x32xf32, #tpu.memory_space<hbm>> -> memref<1x32xf32, #tpu.memory_space<hbm>>
      %dma_start3A_212 = arith.constant 0 : i32
      %dma_start3A_213 = tpu.memref_slice %arg10[%scan3A_199, %dma_start3A_212] : memref<128x32xf32, #tpu.memory_space<vmem>> -> memref<1x32xf32, #tpu.memory_space<vmem>>
      %dma_start3A_214 = arith.constant 0 : i32
      %dma_start3A_215 = tpu.memref_slice %arg4[%get3A_203, %dma_start3A_214] : memref<1100000x32xf32, #tpu.memory_space<hbm>> -> memref<1x32xf32, #tpu.memory_space<hbm>>
      tpu.enqueue_dma source(%dma_start3A_215 : memref<1x32xf32, #tpu.memory_space<hbm>>) target(%dma_start3A_213 : memref<1x32xf32, #tpu.memory_space<vmem>>) target_semaphore(%arg15 : memref<!tpu.dma_semaphore, #tpu.memory_space<semaphore_mem>>)
      %dma_start3A_216 = arith.constant 0 : i32
      %dma_start3A_217 = tpu.memref_slice %arg11[%scan3A_199, %dma_start3A_216] : memref<128x32xf32, #tpu.memory_space<vmem>> -> memref<1x32xf32, #tpu.memory_space<vmem>>
      %dma_start3A_218 = arith.constant 0 : i32
      %dma_start3A_219 = tpu.memref_slice %arg4[%get3A_207, %dma_start3A_218] : memref<1100000x32xf32, #tpu.memory_space<hbm>> -> memref<1x32xf32, #tpu.memory_space<hbm>>
      %dma_start3A_220 = arith.constant 0 : i32
      %dma_start3A_221 = tpu.memref_slice %arg11[%scan3A_199, %dma_start3A_220] : memref<128x32xf32, #tpu.memory_space<vmem>> -> memref<1x32xf32, #tpu.memory_space<vmem>>
      %dma_start3A_222 = arith.constant 0 : i32
      %dma_start3A_223 = tpu.memref_slice %arg4[%get3A_207, %dma_start3A_222] : memref<1100000x32xf32, #tpu.memory_space<hbm>> -> memref<1x32xf32, #tpu.memory_space<hbm>>
      tpu.enqueue_dma source(%dma_start3A_223 : memref<1x32xf32, #tpu.memory_space<hbm>>) target(%dma_start3A_221 : memref<1x32xf32, #tpu.memory_space<vmem>>) target_semaphore(%arg15 : memref<!tpu.dma_semaphore, #tpu.memory_space<semaphore_mem>>)
      %scan3A_224 = arith.constant 5 : i32
      %scan3A_225 = arith.addi %scan3A_97, %scan3A_224 : i32
      %add3A_226 = arith.constant 0 : i32
      %add3A_227 = arith.addi %add3A_226, %scan3A_225 : i32
      %get3A_228 = arith.index_cast %add3A_227 : i32 to index
      %get3A_229 = memref.load %arg8[%get3A_228] : memref<512xi32, #tpu.memory_space<smem>>
      %add3A_230 = arith.constant 0 : i32
      %add3A_231 = arith.addi %add3A_230, %scan3A_225 : i32
      %get3A_232 = arith.index_cast %add3A_231 : i32 to index
      %get3A_233 = memref.load %arg9[%get3A_232] : memref<512xi32, #tpu.memory_space<smem>>
      %dma_start3A_234 = arith.constant 0 : i32
      %dma_start3A_235 = tpu.memref_slice %arg10[%scan3A_225, %dma_start3A_234] : memref<128x32xf32, #tpu.memory_space<vmem>> -> memref<1x32xf32, #tpu.memory_space<vmem>>
      %dma_start3A_236 = arith.constant 0 : i32
      %dma_start3A_237 = tpu.memref_slice %arg4[%get3A_229, %dma_start3A_236] : memref<1100000x32xf32, #tpu.memory_space<hbm>> -> memref<1x32xf32, #tpu.memory_space<hbm>>
      %dma_start3A_238 = arith.constant 0 : i32
      %dma_start3A_239 = tpu.memref_slice %arg10[%scan3A_225, %dma_start3A_238] : memref<128x32xf32, #tpu.memory_space<vmem>> -> memref<1x32xf32, #tpu.memory_space<vmem>>
      %dma_start3A_240 = arith.constant 0 : i32
      %dma_start3A_241 = tpu.memref_slice %arg4[%get3A_229, %dma_start3A_240] : memref<1100000x32xf32, #tpu.memory_space<hbm>> -> memref<1x32xf32, #tpu.memory_space<hbm>>
      tpu.enqueue_dma source(%dma_start3A_241 : memref<1x32xf32, #tpu.memory_space<hbm>>) target(%dma_start3A_239 : memref<1x32xf32, #tpu.memory_space<vmem>>) target_semaphore(%arg15 : memref<!tpu.dma_semaphore, #tpu.memory_space<semaphore_mem>>)
      %dma_start3A_242 = arith.constant 0 : i32
      %dma_start3A_243 = tpu.memref_slice %arg11[%scan3A_225, %dma_start3A_242] : memref<128x32xf32, #tpu.memory_space<vmem>> -> memref<1x32xf32, #tpu.memory_space<vmem>>
      %dma_start3A_244 = arith.constant 0 : i32
      %dma_start3A_245 = tpu.memref_slice %arg4[%get3A_233, %dma_start3A_244] : memref<1100000x32xf32, #tpu.memory_space<hbm>> -> memref<1x32xf32, #tpu.memory_space<hbm>>
      %dma_start3A_246 = arith.constant 0 : i32
      %dma_start3A_247 = tpu.memref_slice %arg11[%scan3A_225, %dma_start3A_246] : memref<128x32xf32, #tpu.memory_space<vmem>> -> memref<1x32xf32, #tpu.memory_space<vmem>>
      %dma_start3A_248 = arith.constant 0 : i32
      %dma_start3A_249 = tpu.memref_slice %arg4[%get3A_233, %dma_start3A_248] : memref<1100000x32xf32, #tpu.memory_space<hbm>> -> memref<1x32xf32, #tpu.memory_space<hbm>>
      tpu.enqueue_dma source(%dma_start3A_249 : memref<1x32xf32, #tpu.memory_space<hbm>>) target(%dma_start3A_247 : memref<1x32xf32, #tpu.memory_space<vmem>>) target_semaphore(%arg15 : memref<!tpu.dma_semaphore, #tpu.memory_space<semaphore_mem>>)
      %scan3A_250 = arith.constant 6 : i32
      %scan3A_251 = arith.addi %scan3A_97, %scan3A_250 : i32
      %add3A_252 = arith.constant 0 : i32
      %add3A_253 = arith.addi %add3A_252, %scan3A_251 : i32
      %get3A_254 = arith.index_cast %add3A_253 : i32 to index
      %get3A_255 = memref.load %arg8[%get3A_254] : memref<512xi32, #tpu.memory_space<smem>>
      %add3A_256 = arith.constant 0 : i32
      %add3A_257 = arith.addi %add3A_256, %scan3A_251 : i32
      %get3A_258 = arith.index_cast %add3A_257 : i32 to index
      %get3A_259 = memref.load %arg9[%get3A_258] : memref<512xi32, #tpu.memory_space<smem>>
      %dma_start3A_260 = arith.constant 0 : i32
      %dma_start3A_261 = tpu.memref_slice %arg10[%scan3A_251, %dma_start3A_260] : memref<128x32xf32, #tpu.memory_space<vmem>> -> memref<1x32xf32, #tpu.memory_space<vmem>>
      %dma_start3A_262 = arith.constant 0 : i32
      %dma_start3A_263 = tpu.memref_slice %arg4[%get3A_255, %dma_start3A_262] : memref<1100000x32xf32, #tpu.memory_space<hbm>> -> memref<1x32xf32, #tpu.memory_space<hbm>>
      %dma_start3A_264 = arith.constant 0 : i32
      %dma_start3A_265 = tpu.memref_slice %arg10[%scan3A_251, %dma_start3A_264] : memref<128x32xf32, #tpu.memory_space<vmem>> -> memref<1x32xf32, #tpu.memory_space<vmem>>
      %dma_start3A_266 = arith.constant 0 : i32
      %dma_start3A_267 = tpu.memref_slice %arg4[%get3A_255, %dma_start3A_266] : memref<1100000x32xf32, #tpu.memory_space<hbm>> -> memref<1x32xf32, #tpu.memory_space<hbm>>
      tpu.enqueue_dma source(%dma_start3A_267 : memref<1x32xf32, #tpu.memory_space<hbm>>) target(%dma_start3A_265 : memref<1x32xf32, #tpu.memory_space<vmem>>) target_semaphore(%arg15 : memref<!tpu.dma_semaphore, #tpu.memory_space<semaphore_mem>>)
      %dma_start3A_268 = arith.constant 0 : i32
      %dma_start3A_269 = tpu.memref_slice %arg11[%scan3A_251, %dma_start3A_268] : memref<128x32xf32, #tpu.memory_space<vmem>> -> memref<1x32xf32, #tpu.memory_space<vmem>>
      %dma_start3A_270 = arith.constant 0 : i32
      %dma_start3A_271 = tpu.memref_slice %arg4[%get3A_259, %dma_start3A_270] : memref<1100000x32xf32, #tpu.memory_space<hbm>> -> memref<1x32xf32, #tpu.memory_space<hbm>>
      %dma_start3A_272 = arith.constant 0 : i32
      %dma_start3A_273 = tpu.memref_slice %arg11[%scan3A_251, %dma_start3A_272] : memref<128x32xf32, #tpu.memory_space<vmem>> -> memref<1x32xf32, #tpu.memory_space<vmem>>
      %dma_start3A_274 = arith.constant 0 : i32
      %dma_start3A_275 = tpu.memref_slice %arg4[%get3A_259, %dma_start3A_274] : memref<1100000x32xf32, #tpu.memory_space<hbm>> -> memref<1x32xf32, #tpu.memory_space<hbm>>
      tpu.enqueue_dma source(%dma_start3A_275 : memref<1x32xf32, #tpu.memory_space<hbm>>) target(%dma_start3A_273 : memref<1x32xf32, #tpu.memory_space<vmem>>) target_semaphore(%arg15 : memref<!tpu.dma_semaphore, #tpu.memory_space<semaphore_mem>>)
      %scan3A_276 = arith.constant 7 : i32
      %scan3A_277 = arith.addi %scan3A_97, %scan3A_276 : i32
      %add3A_278 = arith.constant 0 : i32
      %add3A_279 = arith.addi %add3A_278, %scan3A_277 : i32
      %get3A_280 = arith.index_cast %add3A_279 : i32 to index
      %get3A_281 = memref.load %arg8[%get3A_280] : memref<512xi32, #tpu.memory_space<smem>>
      %add3A_282 = arith.constant 0 : i32
      %add3A_283 = arith.addi %add3A_282, %scan3A_277 : i32
      %get3A_284 = arith.index_cast %add3A_283 : i32 to index
      %get3A_285 = memref.load %arg9[%get3A_284] : memref<512xi32, #tpu.memory_space<smem>>
      %dma_start3A_286 = arith.constant 0 : i32
      %dma_start3A_287 = tpu.memref_slice %arg10[%scan3A_277, %dma_start3A_286] : memref<128x32xf32, #tpu.memory_space<vmem>> -> memref<1x32xf32, #tpu.memory_space<vmem>>
      %dma_start3A_288 = arith.constant 0 : i32
      %dma_start3A_289 = tpu.memref_slice %arg4[%get3A_281, %dma_start3A_288] : memref<1100000x32xf32, #tpu.memory_space<hbm>> -> memref<1x32xf32, #tpu.memory_space<hbm>>
      %dma_start3A_290 = arith.constant 0 : i32
      %dma_start3A_291 = tpu.memref_slice %arg10[%scan3A_277, %dma_start3A_290] : memref<128x32xf32, #tpu.memory_space<vmem>> -> memref<1x32xf32, #tpu.memory_space<vmem>>
      %dma_start3A_292 = arith.constant 0 : i32
      %dma_start3A_293 = tpu.memref_slice %arg4[%get3A_281, %dma_start3A_292] : memref<1100000x32xf32, #tpu.memory_space<hbm>> -> memref<1x32xf32, #tpu.memory_space<hbm>>
      tpu.enqueue_dma source(%dma_start3A_293 : memref<1x32xf32, #tpu.memory_space<hbm>>) target(%dma_start3A_291 : memref<1x32xf32, #tpu.memory_space<vmem>>) target_semaphore(%arg15 : memref<!tpu.dma_semaphore, #tpu.memory_space<semaphore_mem>>)
      %dma_start3A_294 = arith.constant 0 : i32
      %dma_start3A_295 = tpu.memref_slice %arg11[%scan3A_277, %dma_start3A_294] : memref<128x32xf32, #tpu.memory_space<vmem>> -> memref<1x32xf32, #tpu.memory_space<vmem>>
      %dma_start3A_296 = arith.constant 0 : i32
      %dma_start3A_297 = tpu.memref_slice %arg4[%get3A_285, %dma_start3A_296] : memref<1100000x32xf32, #tpu.memory_space<hbm>> -> memref<1x32xf32, #tpu.memory_space<hbm>>
      %dma_start3A_298 = arith.constant 0 : i32
      %dma_start3A_299 = tpu.memref_slice %arg11[%scan3A_277, %dma_start3A_298] : memref<128x32xf32, #tpu.memory_space<vmem>> -> memref<1x32xf32, #tpu.memory_space<vmem>>
      %dma_start3A_300 = arith.constant 0 : i32
      %dma_start3A_301 = tpu.memref_slice %arg4[%get3A_285, %dma_start3A_300] : memref<1100000x32xf32, #tpu.memory_space<hbm>> -> memref<1x32xf32, #tpu.memory_space<hbm>>
      tpu.enqueue_dma source(%dma_start3A_301 : memref<1x32xf32, #tpu.memory_space<hbm>>) target(%dma_start3A_299 : memref<1x32xf32, #tpu.memory_space<vmem>>) target_semaphore(%arg15 : memref<!tpu.dma_semaphore, #tpu.memory_space<semaphore_mem>>)
    }
    %scan3A_7 = arith.constant 128 : i32
    %scan3A_8 = arith.constant 0 : i32
    %scan3A_9 = arith.constant 0 : i32
    %scan3A_10 = arith.constant 128 : i32
    %scan3A_11 = arith.addi %scan3A_9, %scan3A_10 : i32
    %scan3A_12 = arith.constant 8 : i32
    scf.for %scan3A_97 = %scan3A_9 to %scan3A_11 step %scan3A_12  : i32 {
      %add3A_98 = arith.constant 128 : i32
      %add3A_99 = arith.addi %add3A_98, %scan3A_97 : i32
      %get3A = arith.index_cast %add3A_99 : i32 to index
      %get3A_100 = memref.load %arg8[%get3A] : memref<512xi32, #tpu.memory_space<smem>>
      %add3A_101 = arith.constant 128 : i32
      %add3A_102 = arith.addi %add3A_101, %scan3A_97 : i32
      %get3A_103 = arith.index_cast %add3A_102 : i32 to index
      %get3A_104 = memref.load %arg9[%get3A_103] : memref<512xi32, #tpu.memory_space<smem>>
      %dma_start3A = arith.constant 0 : i32
      %dma_start3A_105 = tpu.memref_slice %arg12[%scan3A_97, %dma_start3A] : memref<128x32xf32, #tpu.memory_space<vmem>> -> memref<1x32xf32, #tpu.memory_space<vmem>>
      %dma_start3A_106 = arith.constant 0 : i32
      %dma_start3A_107 = tpu.memref_slice %arg4[%get3A_100, %dma_start3A_106] : memref<1100000x32xf32, #tpu.memory_space<hbm>> -> memref<1x32xf32, #tpu.memory_space<hbm>>
      %dma_start3A_108 = arith.constant 0 : i32
      %dma_start3A_109 = tpu.memref_slice %arg12[%scan3A_97, %dma_start3A_108] : memref<128x32xf32, #tpu.memory_space<vmem>> -> memref<1x32xf32, #tpu.memory_space<vmem>>
      %dma_start3A_110 = arith.constant 0 : i32
      %dma_start3A_111 = tpu.memref_slice %arg4[%get3A_100, %dma_start3A_110] : memref<1100000x32xf32, #tpu.memory_space<hbm>> -> memref<1x32xf32, #tpu.memory_space<hbm>>
      tpu.enqueue_dma source(%dma_start3A_111 : memref<1x32xf32, #tpu.memory_space<hbm>>) target(%dma_start3A_109 : memref<1x32xf32, #tpu.memory_space<vmem>>) target_semaphore(%arg16 : memref<!tpu.dma_semaphore, #tpu.memory_space<semaphore_mem>>)
      %dma_start3A_112 = arith.constant 0 : i32
      %dma_start3A_113 = tpu.memref_slice %arg13[%scan3A_97, %dma_start3A_112] : memref<128x32xf32, #tpu.memory_space<vmem>> -> memref<1x32xf32, #tpu.memory_space<vmem>>
      %dma_start3A_114 = arith.constant 0 : i32
      %dma_start3A_115 = tpu.memref_slice %arg4[%get3A_104, %dma_start3A_114] : memref<1100000x32xf32, #tpu.memory_space<hbm>> -> memref<1x32xf32, #tpu.memory_space<hbm>>
      %dma_start3A_116 = arith.constant 0 : i32
      %dma_start3A_117 = tpu.memref_slice %arg13[%scan3A_97, %dma_start3A_116] : memref<128x32xf32, #tpu.memory_space<vmem>> -> memref<1x32xf32, #tpu.memory_space<vmem>>
      %dma_start3A_118 = arith.constant 0 : i32
      %dma_start3A_119 = tpu.memref_slice %arg4[%get3A_104, %dma_start3A_118] : memref<1100000x32xf32, #tpu.memory_space<hbm>> -> memref<1x32xf32, #tpu.memory_space<hbm>>
      tpu.enqueue_dma source(%dma_start3A_119 : memref<1x32xf32, #tpu.memory_space<hbm>>) target(%dma_start3A_117 : memref<1x32xf32, #tpu.memory_space<vmem>>) target_semaphore(%arg16 : memref<!tpu.dma_semaphore, #tpu.memory_space<semaphore_mem>>)
      %scan3A_120 = arith.constant 1 : i32
      %scan3A_121 = arith.addi %scan3A_97, %scan3A_120 : i32
      %add3A_122 = arith.constant 128 : i32
      %add3A_123 = arith.addi %add3A_122, %scan3A_121 : i32
      %get3A_124 = arith.index_cast %add3A_123 : i32 to index
      %get3A_125 = memref.load %arg8[%get3A_124] : memref<512xi32, #tpu.memory_space<smem>>
      %add3A_126 = arith.constant 128 : i32
      %add3A_127 = arith.addi %add3A_126, %scan3A_121 : i32
      %get3A_128 = arith.index_cast %add3A_127 : i32 to index
      %get3A_129 = memref.load %arg9[%get3A_128] : memref<512xi32, #tpu.memory_space<smem>>
      %dma_start3A_130 = arith.constant 0 : i32
      %dma_start3A_131 = tpu.memref_slice %arg12[%scan3A_121, %dma_start3A_130] : memref<128x32xf32, #tpu.memory_space<vmem>> -> memref<1x32xf32, #tpu.memory_space<vmem>>
      %dma_start3A_132 = arith.constant 0 : i32
      %dma_start3A_133 = tpu.memref_slice %arg4[%get3A_125, %dma_start3A_132] : memref<1100000x32xf32, #tpu.memory_space<hbm>> -> memref<1x32xf32, #tpu.memory_space<hbm>>
      %dma_start3A_134 = arith.constant 0 : i32
      %dma_start3A_135 = tpu.memref_slice %arg12[%scan3A_121, %dma_start3A_134] : memref<128x32xf32, #tpu.memory_space<vmem>> -> memref<1x32xf32, #tpu.memory_space<vmem>>
      %dma_start3A_136 = arith.constant 0 : i32
      %dma_start3A_137 = tpu.memref_slice %arg4[%get3A_125, %dma_start3A_136] : memref<1100000x32xf32, #tpu.memory_space<hbm>> -> memref<1x32xf32, #tpu.memory_space<hbm>>
      tpu.enqueue_dma source(%dma_start3A_137 : memref<1x32xf32, #tpu.memory_space<hbm>>) target(%dma_start3A_135 : memref<1x32xf32, #tpu.memory_space<vmem>>) target_semaphore(%arg16 : memref<!tpu.dma_semaphore, #tpu.memory_space<semaphore_mem>>)
      %dma_start3A_138 = arith.constant 0 : i32
      %dma_start3A_139 = tpu.memref_slice %arg13[%scan3A_121, %dma_start3A_138] : memref<128x32xf32, #tpu.memory_space<vmem>> -> memref<1x32xf32, #tpu.memory_space<vmem>>
      %dma_start3A_140 = arith.constant 0 : i32
      %dma_start3A_141 = tpu.memref_slice %arg4[%get3A_129, %dma_start3A_140] : memref<1100000x32xf32, #tpu.memory_space<hbm>> -> memref<1x32xf32, #tpu.memory_space<hbm>>
      %dma_start3A_142 = arith.constant 0 : i32
      %dma_start3A_143 = tpu.memref_slice %arg13[%scan3A_121, %dma_start3A_142] : memref<128x32xf32, #tpu.memory_space<vmem>> -> memref<1x32xf32, #tpu.memory_space<vmem>>
      %dma_start3A_144 = arith.constant 0 : i32
      %dma_start3A_145 = tpu.memref_slice %arg4[%get3A_129, %dma_start3A_144] : memref<1100000x32xf32, #tpu.memory_space<hbm>> -> memref<1x32xf32, #tpu.memory_space<hbm>>
      tpu.enqueue_dma source(%dma_start3A_145 : memref<1x32xf32, #tpu.memory_space<hbm>>) target(%dma_start3A_143 : memref<1x32xf32, #tpu.memory_space<vmem>>) target_semaphore(%arg16 : memref<!tpu.dma_semaphore, #tpu.memory_space<semaphore_mem>>)
      %scan3A_146 = arith.constant 2 : i32
      %scan3A_147 = arith.addi %scan3A_97, %scan3A_146 : i32
      %add3A_148 = arith.constant 128 : i32
      %add3A_149 = arith.addi %add3A_148, %scan3A_147 : i32
      %get3A_150 = arith.index_cast %add3A_149 : i32 to index
      %get3A_151 = memref.load %arg8[%get3A_150] : memref<512xi32, #tpu.memory_space<smem>>
      %add3A_152 = arith.constant 128 : i32
      %add3A_153 = arith.addi %add3A_152, %scan3A_147 : i32
      %get3A_154 = arith.index_cast %add3A_153 : i32 to index
      %get3A_155 = memref.load %arg9[%get3A_154] : memref<512xi32, #tpu.memory_space<smem>>
      %dma_start3A_156 = arith.constant 0 : i32
      %dma_start3A_157 = tpu.memref_slice %arg12[%scan3A_147, %dma_start3A_156] : memref<128x32xf32, #tpu.memory_space<vmem>> -> memref<1x32xf32, #tpu.memory_space<vmem>>
      %dma_start3A_158 = arith.constant 0 : i32
      %dma_start3A_159 = tpu.memref_slice %arg4[%get3A_151, %dma_start3A_158] : memref<1100000x32xf32, #tpu.memory_space<hbm>> -> memref<1x32xf32, #tpu.memory_space<hbm>>
      %dma_start3A_160 = arith.constant 0 : i32
      %dma_start3A_161 = tpu.memref_slice %arg12[%scan3A_147, %dma_start3A_160] : memref<128x32xf32, #tpu.memory_space<vmem>> -> memref<1x32xf32, #tpu.memory_space<vmem>>
      %dma_start3A_162 = arith.constant 0 : i32
      %dma_start3A_163 = tpu.memref_slice %arg4[%get3A_151, %dma_start3A_162] : memref<1100000x32xf32, #tpu.memory_space<hbm>> -> memref<1x32xf32, #tpu.memory_space<hbm>>
      tpu.enqueue_dma source(%dma_start3A_163 : memref<1x32xf32, #tpu.memory_space<hbm>>) target(%dma_start3A_161 : memref<1x32xf32, #tpu.memory_space<vmem>>) target_semaphore(%arg16 : memref<!tpu.dma_semaphore, #tpu.memory_space<semaphore_mem>>)
      %dma_start3A_164 = arith.constant 0 : i32
      %dma_start3A_165 = tpu.memref_slice %arg13[%scan3A_147, %dma_start3A_164] : memref<128x32xf32, #tpu.memory_space<vmem>> -> memref<1x32xf32, #tpu.memory_space<vmem>>
      %dma_start3A_166 = arith.constant 0 : i32
      %dma_start3A_167 = tpu.memref_slice %arg4[%get3A_155, %dma_start3A_166] : memref<1100000x32xf32, #tpu.memory_space<hbm>> -> memref<1x32xf32, #tpu.memory_space<hbm>>
      %dma_start3A_168 = arith.constant 0 : i32
      %dma_start3A_169 = tpu.memref_slice %arg13[%scan3A_147, %dma_start3A_168] : memref<128x32xf32, #tpu.memory_space<vmem>> -> memref<1x32xf32, #tpu.memory_space<vmem>>
      %dma_start3A_170 = arith.constant 0 : i32
      %dma_start3A_171 = tpu.memref_slice %arg4[%get3A_155, %dma_start3A_170] : memref<1100000x32xf32, #tpu.memory_space<hbm>> -> memref<1x32xf32, #tpu.memory_space<hbm>>
      tpu.enqueue_dma source(%dma_start3A_171 : memref<1x32xf32, #tpu.memory_space<hbm>>) target(%dma_start3A_169 : memref<1x32xf32, #tpu.memory_space<vmem>>) target_semaphore(%arg16 : memref<!tpu.dma_semaphore, #tpu.memory_space<semaphore_mem>>)
      %scan3A_172 = arith.constant 3 : i32
      %scan3A_173 = arith.addi %scan3A_97, %scan3A_172 : i32
      %add3A_174 = arith.constant 128 : i32
      %add3A_175 = arith.addi %add3A_174, %scan3A_173 : i32
      %get3A_176 = arith.index_cast %add3A_175 : i32 to index
      %get3A_177 = memref.load %arg8[%get3A_176] : memref<512xi32, #tpu.memory_space<smem>>
      %add3A_178 = arith.constant 128 : i32
      %add3A_179 = arith.addi %add3A_178, %scan3A_173 : i32
      %get3A_180 = arith.index_cast %add3A_179 : i32 to index
      %get3A_181 = memref.load %arg9[%get3A_180] : memref<512xi32, #tpu.memory_space<smem>>
      %dma_start3A_182 = arith.constant 0 : i32
      %dma_start3A_183 = tpu.memref_slice %arg12[%scan3A_173, %dma_start3A_182] : memref<128x32xf32, #tpu.memory_space<vmem>> -> memref<1x32xf32, #tpu.memory_space<vmem>>
      %dma_start3A_184 = arith.constant 0 : i32
      %dma_start3A_185 = tpu.memref_slice %arg4[%get3A_177, %dma_start3A_184] : memref<1100000x32xf32, #tpu.memory_space<hbm>> -> memref<1x32xf32, #tpu.memory_space<hbm>>
      %dma_start3A_186 = arith.constant 0 : i32
      %dma_start3A_187 = tpu.memref_slice %arg12[%scan3A_173, %dma_start3A_186] : memref<128x32xf32, #tpu.memory_space<vmem>> -> memref<1x32xf32, #tpu.memory_space<vmem>>
      %dma_start3A_188 = arith.constant 0 : i32
      %dma_start3A_189 = tpu.memref_slice %arg4[%get3A_177, %dma_start3A_188] : memref<1100000x32xf32, #tpu.memory_space<hbm>> -> memref<1x32xf32, #tpu.memory_space<hbm>>
      tpu.enqueue_dma source(%dma_start3A_189 : memref<1x32xf32, #tpu.memory_space<hbm>>) target(%dma_start3A_187 : memref<1x32xf32, #tpu.memory_space<vmem>>) target_semaphore(%arg16 : memref<!tpu.dma_semaphore, #tpu.memory_space<semaphore_mem>>)
      %dma_start3A_190 = arith.constant 0 : i32
      %dma_start3A_191 = tpu.memref_slice %arg13[%scan3A_173, %dma_start3A_190] : memref<128x32xf32, #tpu.memory_space<vmem>> -> memref<1x32xf32, #tpu.memory_space<vmem>>
      %dma_start3A_192 = arith.constant 0 : i32
      %dma_start3A_193 = tpu.memref_slice %arg4[%get3A_181, %dma_start3A_192] : memref<1100000x32xf32, #tpu.memory_space<hbm>> -> memref<1x32xf32, #tpu.memory_space<hbm>>
      %dma_start3A_194 = arith.constant 0 : i32
      %dma_start3A_195 = tpu.memref_slice %arg13[%scan3A_173, %dma_start3A_194] : memref<128x32xf32, #tpu.memory_space<vmem>> -> memref<1x32xf32, #tpu.memory_space<vmem>>
      %dma_start3A_196 = arith.constant 0 : i32
      %dma_start3A_197 = tpu.memref_slice %arg4[%get3A_181, %dma_start3A_196] : memref<1100000x32xf32, #tpu.memory_space<hbm>> -> memref<1x32xf32, #tpu.memory_space<hbm>>
      tpu.enqueue_dma source(%dma_start3A_197 : memref<1x32xf32, #tpu.memory_space<hbm>>) target(%dma_start3A_195 : memref<1x32xf32, #tpu.memory_space<vmem>>) target_semaphore(%arg16 : memref<!tpu.dma_semaphore, #tpu.memory_space<semaphore_mem>>)
      %scan3A_198 = arith.constant 4 : i32
      %scan3A_199 = arith.addi %scan3A_97, %scan3A_198 : i32
      %add3A_200 = arith.constant 128 : i32
      %add3A_201 = arith.addi %add3A_200, %scan3A_199 : i32
      %get3A_202 = arith.index_cast %add3A_201 : i32 to index
      %get3A_203 = memref.load %arg8[%get3A_202] : memref<512xi32, #tpu.memory_space<smem>>
      %add3A_204 = arith.constant 128 : i32
      %add3A_205 = arith.addi %add3A_204, %scan3A_199 : i32
      %get3A_206 = arith.index_cast %add3A_205 : i32 to index
      %get3A_207 = memref.load %arg9[%get3A_206] : memref<512xi32, #tpu.memory_space<smem>>
      %dma_start3A_208 = arith.constant 0 : i32
      %dma_start3A_209 = tpu.memref_slice %arg12[%scan3A_199, %dma_start3A_208] : memref<128x32xf32, #tpu.memory_space<vmem>> -> memref<1x32xf32, #tpu.memory_space<vmem>>
      %dma_start3A_210 = arith.constant 0 : i32
      %dma_start3A_211 = tpu.memref_slice %arg4[%get3A_203, %dma_start3A_210] : memref<1100000x32xf32, #tpu.memory_space<hbm>> -> memref<1x32xf32, #tpu.memory_space<hbm>>
      %dma_start3A_212 = arith.constant 0 : i32
      %dma_start3A_213 = tpu.memref_slice %arg12[%scan3A_199, %dma_start3A_212] : memref<128x32xf32, #tpu.memory_space<vmem>> -> memref<1x32xf32, #tpu.memory_space<vmem>>
      %dma_start3A_214 = arith.constant 0 : i32
      %dma_start3A_215 = tpu.memref_slice %arg4[%get3A_203, %dma_start3A_214] : memref<1100000x32xf32, #tpu.memory_space<hbm>> -> memref<1x32xf32, #tpu.memory_space<hbm>>
      tpu.enqueue_dma source(%dma_start3A_215 : memref<1x32xf32, #tpu.memory_space<hbm>>) target(%dma_start3A_213 : memref<1x32xf32, #tpu.memory_space<vmem>>) target_semaphore(%arg16 : memref<!tpu.dma_semaphore, #tpu.memory_space<semaphore_mem>>)
      %dma_start3A_216 = arith.constant 0 : i32
      %dma_start3A_217 = tpu.memref_slice %arg13[%scan3A_199, %dma_start3A_216] : memref<128x32xf32, #tpu.memory_space<vmem>> -> memref<1x32xf32, #tpu.memory_space<vmem>>
      %dma_start3A_218 = arith.constant 0 : i32
      %dma_start3A_219 = tpu.memref_slice %arg4[%get3A_207, %dma_start3A_218] : memref<1100000x32xf32, #tpu.memory_space<hbm>> -> memref<1x32xf32, #tpu.memory_space<hbm>>
      %dma_start3A_220 = arith.constant 0 : i32
      %dma_start3A_221 = tpu.memref_slice %arg13[%scan3A_199, %dma_start3A_220] : memref<128x32xf32, #tpu.memory_space<vmem>> -> memref<1x32xf32, #tpu.memory_space<vmem>>
      %dma_start3A_222 = arith.constant 0 : i32
      %dma_start3A_223 = tpu.memref_slice %arg4[%get3A_207, %dma_start3A_222] : memref<1100000x32xf32, #tpu.memory_space<hbm>> -> memref<1x32xf32, #tpu.memory_space<hbm>>
      tpu.enqueue_dma source(%dma_start3A_223 : memref<1x32xf32, #tpu.memory_space<hbm>>) target(%dma_start3A_221 : memref<1x32xf32, #tpu.memory_space<vmem>>) target_semaphore(%arg16 : memref<!tpu.dma_semaphore, #tpu.memory_space<semaphore_mem>>)
      %scan3A_224 = arith.constant 5 : i32
      %scan3A_225 = arith.addi %scan3A_97, %scan3A_224 : i32
      %add3A_226 = arith.constant 128 : i32
      %add3A_227 = arith.addi %add3A_226, %scan3A_225 : i32
      %get3A_228 = arith.index_cast %add3A_227 : i32 to index
      %get3A_229 = memref.load %arg8[%get3A_228] : memref<512xi32, #tpu.memory_space<smem>>
      %add3A_230 = arith.constant 128 : i32
      %add3A_231 = arith.addi %add3A_230, %scan3A_225 : i32
      %get3A_232 = arith.index_cast %add3A_231 : i32 to index
      %get3A_233 = memref.load %arg9[%get3A_232] : memref<512xi32, #tpu.memory_space<smem>>
      %dma_start3A_234 = arith.constant 0 : i32
      %dma_start3A_235 = tpu.memref_slice %arg12[%scan3A_225, %dma_start3A_234] : memref<128x32xf32, #tpu.memory_space<vmem>> -> memref<1x32xf32, #tpu.memory_space<vmem>>
      %dma_start3A_236 = arith.constant 0 : i32
      %dma_start3A_237 = tpu.memref_slice %arg4[%get3A_229, %dma_start3A_236] : memref<1100000x32xf32, #tpu.memory_space<hbm>> -> memref<1x32xf32, #tpu.memory_space<hbm>>
      %dma_start3A_238 = arith.constant 0 : i32
      %dma_start3A_239 = tpu.memref_slice %arg12[%scan3A_225, %dma_start3A_238] : memref<128x32xf32, #tpu.memory_space<vmem>> -> memref<1x32xf32, #tpu.memory_space<vmem>>
      %dma_start3A_240 = arith.constant 0 : i32
      %dma_start3A_241 = tpu.memref_slice %arg4[%get3A_229, %dma_start3A_240] : memref<1100000x32xf32, #tpu.memory_space<hbm>> -> memref<1x32xf32, #tpu.memory_space<hbm>>
      tpu.enqueue_dma source(%dma_start3A_241 : memref<1x32xf32, #tpu.memory_space<hbm>>) target(%dma_start3A_239 : memref<1x32xf32, #tpu.memory_space<vmem>>) target_semaphore(%arg16 : memref<!tpu.dma_semaphore, #tpu.memory_space<semaphore_mem>>)
      %dma_start3A_242 = arith.constant 0 : i32
      %dma_start3A_243 = tpu.memref_slice %arg13[%scan3A_225, %dma_start3A_242] : memref<128x32xf32, #tpu.memory_space<vmem>> -> memref<1x32xf32, #tpu.memory_space<vmem>>
      %dma_start3A_244 = arith.constant 0 : i32
      %dma_start3A_245 = tpu.memref_slice %arg4[%get3A_233, %dma_start3A_244] : memref<1100000x32xf32, #tpu.memory_space<hbm>> -> memref<1x32xf32, #tpu.memory_space<hbm>>
      %dma_start3A_246 = arith.constant 0 : i32
      %dma_start3A_247 = tpu.memref_slice %arg13[%scan3A_225, %dma_start3A_246] : memref<128x32xf32, #tpu.memory_space<vmem>> -> memref<1x32xf32, #tpu.memory_space<vmem>>
      %dma_start3A_248 = arith.constant 0 : i32
      %dma_start3A_249 = tpu.memref_slice %arg4[%get3A_233, %dma_start3A_248] : memref<1100000x32xf32, #tpu.memory_space<hbm>> -> memref<1x32xf32, #tpu.memory_space<hbm>>
      tpu.enqueue_dma source(%dma_start3A_249 : memref<1x32xf32, #tpu.memory_space<hbm>>) target(%dma_start3A_247 : memref<1x32xf32, #tpu.memory_space<vmem>>) target_semaphore(%arg16 : memref<!tpu.dma_semaphore, #tpu.memory_space<semaphore_mem>>)
      %scan3A_250 = arith.constant 6 : i32
      %scan3A_251 = arith.addi %scan3A_97, %scan3A_250 : i32
      %add3A_252 = arith.constant 128 : i32
      %add3A_253 = arith.addi %add3A_252, %scan3A_251 : i32
      %get3A_254 = arith.index_cast %add3A_253 : i32 to index
      %get3A_255 = memref.load %arg8[%get3A_254] : memref<512xi32, #tpu.memory_space<smem>>
      %add3A_256 = arith.constant 128 : i32
      %add3A_257 = arith.addi %add3A_256, %scan3A_251 : i32
      %get3A_258 = arith.index_cast %add3A_257 : i32 to index
      %get3A_259 = memref.load %arg9[%get3A_258] : memref<512xi32, #tpu.memory_space<smem>>
      %dma_start3A_260 = arith.constant 0 : i32
      %dma_start3A_261 = tpu.memref_slice %arg12[%scan3A_251, %dma_start3A_260] : memref<128x32xf32, #tpu.memory_space<vmem>> -> memref<1x32xf32, #tpu.memory_space<vmem>>
      %dma_start3A_262 = arith.constant 0 : i32
      %dma_start3A_263 = tpu.memref_slice %arg4[%get3A_255, %dma_start3A_262] : memref<1100000x32xf32, #tpu.memory_space<hbm>> -> memref<1x32xf32, #tpu.memory_space<hbm>>
      %dma_start3A_264 = arith.constant 0 : i32
      %dma_start3A_265 = tpu.memref_slice %arg12[%scan3A_251, %dma_start3A_264] : memref<128x32xf32, #tpu.memory_space<vmem>> -> memref<1x32xf32, #tpu.memory_space<vmem>>
      %dma_start3A_266 = arith.constant 0 : i32
      %dma_start3A_267 = tpu.memref_slice %arg4[%get3A_255, %dma_start3A_266] : memref<1100000x32xf32, #tpu.memory_space<hbm>> -> memref<1x32xf32, #tpu.memory_space<hbm>>
      tpu.enqueue_dma source(%dma_start3A_267 : memref<1x32xf32, #tpu.memory_space<hbm>>) target(%dma_start3A_265 : memref<1x32xf32, #tpu.memory_space<vmem>>) target_semaphore(%arg16 : memref<!tpu.dma_semaphore, #tpu.memory_space<semaphore_mem>>)
      %dma_start3A_268 = arith.constant 0 : i32
      %dma_start3A_269 = tpu.memref_slice %arg13[%scan3A_251, %dma_start3A_268] : memref<128x32xf32, #tpu.memory_space<vmem>> -> memref<1x32xf32, #tpu.memory_space<vmem>>
      %dma_start3A_270 = arith.constant 0 : i32
      %dma_start3A_271 = tpu.memref_slice %arg4[%get3A_259, %dma_start3A_270] : memref<1100000x32xf32, #tpu.memory_space<hbm>> -> memref<1x32xf32, #tpu.memory_space<hbm>>
      %dma_start3A_272 = arith.constant 0 : i32
      %dma_start3A_273 = tpu.memref_slice %arg13[%scan3A_251, %dma_start3A_272] : memref<128x32xf32, #tpu.memory_space<vmem>> -> memref<1x32xf32, #tpu.memory_space<vmem>>
      %dma_start3A_274 = arith.constant 0 : i32
      %dma_start3A_275 = tpu.memref_slice %arg4[%get3A_259, %dma_start3A_274] : memref<1100000x32xf32, #tpu.memory_space<hbm>> -> memref<1x32xf32, #tpu.memory_space<hbm>>
      tpu.enqueue_dma source(%dma_start3A_275 : memref<1x32xf32, #tpu.memory_space<hbm>>) target(%dma_start3A_273 : memref<1x32xf32, #tpu.memory_space<vmem>>) target_semaphore(%arg16 : memref<!tpu.dma_semaphore, #tpu.memory_space<semaphore_mem>>)
      %scan3A_276 = arith.constant 7 : i32
      %scan3A_277 = arith.addi %scan3A_97, %scan3A_276 : i32
      %add3A_278 = arith.constant 128 : i32
      %add3A_279 = arith.addi %add3A_278, %scan3A_277 : i32
      %get3A_280 = arith.index_cast %add3A_279 : i32 to index
      %get3A_281 = memref.load %arg8[%get3A_280] : memref<512xi32, #tpu.memory_space<smem>>
      %add3A_282 = arith.constant 128 : i32
      %add3A_283 = arith.addi %add3A_282, %scan3A_277 : i32
      %get3A_284 = arith.index_cast %add3A_283 : i32 to index
      %get3A_285 = memref.load %arg9[%get3A_284] : memref<512xi32, #tpu.memory_space<smem>>
      %dma_start3A_286 = arith.constant 0 : i32
      %dma_start3A_287 = tpu.memref_slice %arg12[%scan3A_277, %dma_start3A_286] : memref<128x32xf32, #tpu.memory_space<vmem>> -> memref<1x32xf32, #tpu.memory_space<vmem>>
      %dma_start3A_288 = arith.constant 0 : i32
      %dma_start3A_289 = tpu.memref_slice %arg4[%get3A_281, %dma_start3A_288] : memref<1100000x32xf32, #tpu.memory_space<hbm>> -> memref<1x32xf32, #tpu.memory_space<hbm>>
      %dma_start3A_290 = arith.constant 0 : i32
      %dma_start3A_291 = tpu.memref_slice %arg12[%scan3A_277, %dma_start3A_290] : memref<128x32xf32, #tpu.memory_space<vmem>> -> memref<1x32xf32, #tpu.memory_space<vmem>>
      %dma_start3A_292 = arith.constant 0 : i32
      %dma_start3A_293 = tpu.memref_slice %arg4[%get3A_281, %dma_start3A_292] : memref<1100000x32xf32, #tpu.memory_space<hbm>> -> memref<1x32xf32, #tpu.memory_space<hbm>>
      tpu.enqueue_dma source(%dma_start3A_293 : memref<1x32xf32, #tpu.memory_space<hbm>>) target(%dma_start3A_291 : memref<1x32xf32, #tpu.memory_space<vmem>>) target_semaphore(%arg16 : memref<!tpu.dma_semaphore, #tpu.memory_space<semaphore_mem>>)
      %dma_start3A_294 = arith.constant 0 : i32
      %dma_start3A_295 = tpu.memref_slice %arg13[%scan3A_277, %dma_start3A_294] : memref<128x32xf32, #tpu.memory_space<vmem>> -> memref<1x32xf32, #tpu.memory_space<vmem>>
      %dma_start3A_296 = arith.constant 0 : i32
      %dma_start3A_297 = tpu.memref_slice %arg4[%get3A_285, %dma_start3A_296] : memref<1100000x32xf32, #tpu.memory_space<hbm>> -> memref<1x32xf32, #tpu.memory_space<hbm>>
      %dma_start3A_298 = arith.constant 0 : i32
      %dma_start3A_299 = tpu.memref_slice %arg13[%scan3A_277, %dma_start3A_298] : memref<128x32xf32, #tpu.memory_space<vmem>> -> memref<1x32xf32, #tpu.memory_space<vmem>>
      %dma_start3A_300 = arith.constant 0 : i32
      %dma_start3A_301 = tpu.memref_slice %arg4[%get3A_285, %dma_start3A_300] : memref<1100000x32xf32, #tpu.memory_space<hbm>> -> memref<1x32xf32, #tpu.memory_space<hbm>>
      tpu.enqueue_dma source(%dma_start3A_301 : memref<1x32xf32, #tpu.memory_space<hbm>>) target(%dma_start3A_299 : memref<1x32xf32, #tpu.memory_space<vmem>>) target_semaphore(%arg16 : memref<!tpu.dma_semaphore, #tpu.memory_space<semaphore_mem>>)
    }
    %scan3A_13 = arith.constant 128 : i32
    %dma_wait3A = arith.constant 0 : i32
    %dma_wait3A_14 = arith.constant 0 : i32
    %dma_wait3A_15 = tpu.memref_slice %arg4[%dma_wait3A, %dma_wait3A_14] : memref<1100000x32xf32, #tpu.memory_space<hbm>> -> memref<128x32xf32, #tpu.memory_space<hbm>>
    %dma_wait3A_16 = arith.constant 0 : i32
    %dma_wait3A_17 = arith.constant 0 : i32
    %dma_wait3A_18 = tpu.memref_slice %arg4[%dma_wait3A_16, %dma_wait3A_17] : memref<1100000x32xf32, #tpu.memory_space<hbm>> -> memref<128x32xf32, #tpu.memory_space<hbm>>
    tpu.wait_dma2 semaphore(%arg15 : memref<!tpu.dma_semaphore, #tpu.memory_space<semaphore_mem>>) src(%dma_wait3A_18 : memref<128x32xf32, #tpu.memory_space<hbm>>) dst(%arg10 : memref<128x32xf32, #tpu.memory_space<vmem>>)
    %dma_wait3A_19 = arith.constant 0 : i32
    %dma_wait3A_20 = arith.constant 0 : i32
    %dma_wait3A_21 = tpu.memref_slice %arg4[%dma_wait3A_19, %dma_wait3A_20] : memref<1100000x32xf32, #tpu.memory_space<hbm>> -> memref<128x32xf32, #tpu.memory_space<hbm>>
    %dma_wait3A_22 = arith.constant 0 : i32
    %dma_wait3A_23 = arith.constant 0 : i32
    %dma_wait3A_24 = tpu.memref_slice %arg4[%dma_wait3A_22, %dma_wait3A_23] : memref<1100000x32xf32, #tpu.memory_space<hbm>> -> memref<128x32xf32, #tpu.memory_space<hbm>>
    tpu.wait_dma2 semaphore(%arg15 : memref<!tpu.dma_semaphore, #tpu.memory_space<semaphore_mem>>) src(%dma_wait3A_24 : memref<128x32xf32, #tpu.memory_space<hbm>>) dst(%arg11 : memref<128x32xf32, #tpu.memory_space<vmem>>)
    %scan3A_25 = arith.constant 0 : i32
    %scan3A_26 = arith.constant 0 : i32
    %scan3A_27 = arith.constant 8 : i32
    %scan3A_28 = arith.addi %scan3A_26, %scan3A_27 : i32
    %scan3A_29 = arith.constant 1 : i32
    scf.for %scan3A_97 = %scan3A_26 to %scan3A_28 step %scan3A_29  : i32 {
      %mul3A_98 = arith.constant 16 : i32
      %mul3A_99 = arith.muli %scan3A_97, %mul3A_98 : i32
      %add3A_100 = vector.broadcast %mul3A_99 : i32 to vector<16xi32>
      %add3A_101 = arith.addi %add3A_100, %iota3A : vector<16xi32>
      %broadcast_in_dim3A = arith.constant 0.000000e+00 : f32
      %broadcast_in_dim3A_102 = vector.broadcast %broadcast_in_dim3A : f32 to vector<16xf32>
      %broadcast_in_dim3A_103 = arith.constant 0 : i32
      %broadcast_in_dim3A_104 = vector.broadcast %broadcast_in_dim3A_103 : i32 to vector<16xi32>
      %gather3A = tpu.vector_load_idx %arg10[%add3A_101, %broadcast_in_dim3A_104] : memref<128x32xf32, #tpu.memory_space<vmem>>[vector<16xi32>, vector<16xi32>], vector<16xf32>,
      %gather3A_105 = tpu.vector_load_idx %arg11[%add3A_101, %broadcast_in_dim3A_104] : memref<128x32xf32, #tpu.memory_space<vmem>>[vector<16xi32>, vector<16xi32>], vector<16xf32>,
      %mul3A_106 = arith.mulf %gather3A, %gather3A_105 : vector<16xf32>
      %add3A_107 = arith.addf %broadcast_in_dim3A_102, %mul3A_106 : vector<16xf32>
      %broadcast_in_dim3A_108 = arith.constant 1 : i32
      %broadcast_in_dim3A_109 = vector.broadcast %broadcast_in_dim3A_108 : i32 to vector<16xi32>
      %gather3A_110 = tpu.vector_load_idx %arg10[%add3A_101, %broadcast_in_dim3A_109] : memref<128x32xf32, #tpu.memory_space<vmem>>[vector<16xi32>, vector<16xi32>], vector<16xf32>,
      %gather3A_111 = tpu.vector_load_idx %arg11[%add3A_101, %broadcast_in_dim3A_109] : memref<128x32xf32, #tpu.memory_space<vmem>>[vector<16xi32>, vector<16xi32>], vector<16xf32>,
      %mul3A_112 = arith.mulf %gather3A_110, %gather3A_111 : vector<16xf32>
      %add3A_113 = arith.addf %add3A_107, %mul3A_112 : vector<16xf32>
      %broadcast_in_dim3A_114 = arith.constant 2 : i32
      %broadcast_in_dim3A_115 = vector.broadcast %broadcast_in_dim3A_114 : i32 to vector<16xi32>
      %gather3A_116 = tpu.vector_load_idx %arg10[%add3A_101, %broadcast_in_dim3A_115] : memref<128x32xf32, #tpu.memory_space<vmem>>[vector<16xi32>, vector<16xi32>], vector<16xf32>,
      %gather3A_117 = tpu.vector_load_idx %arg11[%add3A_101, %broadcast_in_dim3A_115] : memref<128x32xf32, #tpu.memory_space<vmem>>[vector<16xi32>, vector<16xi32>], vector<16xf32>,
      %mul3A_118 = arith.mulf %gather3A_116, %gather3A_117 : vector<16xf32>
      %add3A_119 = arith.addf %add3A_113, %mul3A_118 : vector<16xf32>
      %broadcast_in_dim3A_120 = arith.constant 3 : i32
      %broadcast_in_dim3A_121 = vector.broadcast %broadcast_in_dim3A_120 : i32 to vector<16xi32>
      %gather3A_122 = tpu.vector_load_idx %arg10[%add3A_101, %broadcast_in_dim3A_121] : memref<128x32xf32, #tpu.memory_space<vmem>>[vector<16xi32>, vector<16xi32>], vector<16xf32>,
      %gather3A_123 = tpu.vector_load_idx %arg11[%add3A_101, %broadcast_in_dim3A_121] : memref<128x32xf32, #tpu.memory_space<vmem>>[vector<16xi32>, vector<16xi32>], vector<16xf32>,
      %mul3A_124 = arith.mulf %gather3A_122, %gather3A_123 : vector<16xf32>
      %add3A_125 = arith.addf %add3A_119, %mul3A_124 : vector<16xf32>
      %broadcast_in_dim3A_126 = arith.constant 4 : i32
      %broadcast_in_dim3A_127 = vector.broadcast %broadcast_in_dim3A_126 : i32 to vector<16xi32>
      %gather3A_128 = tpu.vector_load_idx %arg10[%add3A_101, %broadcast_in_dim3A_127] : memref<128x32xf32, #tpu.memory_space<vmem>>[vector<16xi32>, vector<16xi32>], vector<16xf32>,
      %gather3A_129 = tpu.vector_load_idx %arg11[%add3A_101, %broadcast_in_dim3A_127] : memref<128x32xf32, #tpu.memory_space<vmem>>[vector<16xi32>, vector<16xi32>], vector<16xf32>,
      %mul3A_130 = arith.mulf %gather3A_128, %gather3A_129 : vector<16xf32>
      %add3A_131 = arith.addf %add3A_125, %mul3A_130 : vector<16xf32>
      %broadcast_in_dim3A_132 = arith.constant 5 : i32
      %broadcast_in_dim3A_133 = vector.broadcast %broadcast_in_dim3A_132 : i32 to vector<16xi32>
      %gather3A_134 = tpu.vector_load_idx %arg10[%add3A_101, %broadcast_in_dim3A_133] : memref<128x32xf32, #tpu.memory_space<vmem>>[vector<16xi32>, vector<16xi32>], vector<16xf32>,
      %gather3A_135 = tpu.vector_load_idx %arg11[%add3A_101, %broadcast_in_dim3A_133] : memref<128x32xf32, #tpu.memory_space<vmem>>[vector<16xi32>, vector<16xi32>], vector<16xf32>,
      %mul3A_136 = arith.mulf %gather3A_134, %gather3A_135 : vector<16xf32>
      %add3A_137 = arith.addf %add3A_131, %mul3A_136 : vector<16xf32>
      %broadcast_in_dim3A_138 = arith.constant 6 : i32
      %broadcast_in_dim3A_139 = vector.broadcast %broadcast_in_dim3A_138 : i32 to vector<16xi32>
      %gather3A_140 = tpu.vector_load_idx %arg10[%add3A_101, %broadcast_in_dim3A_139] : memref<128x32xf32, #tpu.memory_space<vmem>>[vector<16xi32>, vector<16xi32>], vector<16xf32>,
      %gather3A_141 = tpu.vector_load_idx %arg11[%add3A_101, %broadcast_in_dim3A_139] : memref<128x32xf32, #tpu.memory_space<vmem>>[vector<16xi32>, vector<16xi32>], vector<16xf32>,
      %mul3A_142 = arith.mulf %gather3A_140, %gather3A_141 : vector<16xf32>
      %add3A_143 = arith.addf %add3A_137, %mul3A_142 : vector<16xf32>
      %broadcast_in_dim3A_144 = arith.constant 7 : i32
      %broadcast_in_dim3A_145 = vector.broadcast %broadcast_in_dim3A_144 : i32 to vector<16xi32>
      %gather3A_146 = tpu.vector_load_idx %arg10[%add3A_101, %broadcast_in_dim3A_145] : memref<128x32xf32, #tpu.memory_space<vmem>>[vector<16xi32>, vector<16xi32>], vector<16xf32>,
      %gather3A_147 = tpu.vector_load_idx %arg11[%add3A_101, %broadcast_in_dim3A_145] : memref<128x32xf32, #tpu.memory_space<vmem>>[vector<16xi32>, vector<16xi32>], vector<16xf32>,
      %mul3A_148 = arith.mulf %gather3A_146, %gather3A_147 : vector<16xf32>
      %add3A_149 = arith.addf %add3A_143, %mul3A_148 : vector<16xf32>
      %broadcast_in_dim3A_150 = arith.constant 8 : i32
      %broadcast_in_dim3A_151 = vector.broadcast %broadcast_in_dim3A_150 : i32 to vector<16xi32>
      %gather3A_152 = tpu.vector_load_idx %arg10[%add3A_101, %broadcast_in_dim3A_151] : memref<128x32xf32, #tpu.memory_space<vmem>>[vector<16xi32>, vector<16xi32>], vector<16xf32>,
      %gather3A_153 = tpu.vector_load_idx %arg11[%add3A_101, %broadcast_in_dim3A_151] : memref<128x32xf32, #tpu.memory_space<vmem>>[vector<16xi32>, vector<16xi32>], vector<16xf32>,
      %mul3A_154 = arith.mulf %gather3A_152, %gather3A_153 : vector<16xf32>
      %add3A_155 = arith.addf %add3A_149, %mul3A_154 : vector<16xf32>
      %broadcast_in_dim3A_156 = arith.constant 9 : i32
      %broadcast_in_dim3A_157 = vector.broadcast %broadcast_in_dim3A_156 : i32 to vector<16xi32>
      %gather3A_158 = tpu.vector_load_idx %arg10[%add3A_101, %broadcast_in_dim3A_157] : memref<128x32xf32, #tpu.memory_space<vmem>>[vector<16xi32>, vector<16xi32>], vector<16xf32>,
      %gather3A_159 = tpu.vector_load_idx %arg11[%add3A_101, %broadcast_in_dim3A_157] : memref<128x32xf32, #tpu.memory_space<vmem>>[vector<16xi32>, vector<16xi32>], vector<16xf32>,
      %mul3A_160 = arith.mulf %gather3A_158, %gather3A_159 : vector<16xf32>
      %add3A_161 = arith.addf %add3A_155, %mul3A_160 : vector<16xf32>
      %broadcast_in_dim3A_162 = arith.constant 10 : i32
      %broadcast_in_dim3A_163 = vector.broadcast %broadcast_in_dim3A_162 : i32 to vector<16xi32>
      %gather3A_164 = tpu.vector_load_idx %arg10[%add3A_101, %broadcast_in_dim3A_163] : memref<128x32xf32, #tpu.memory_space<vmem>>[vector<16xi32>, vector<16xi32>], vector<16xf32>,
      %gather3A_165 = tpu.vector_load_idx %arg11[%add3A_101, %broadcast_in_dim3A_163] : memref<128x32xf32, #tpu.memory_space<vmem>>[vector<16xi32>, vector<16xi32>], vector<16xf32>,
      %mul3A_166 = arith.mulf %gather3A_164, %gather3A_165 : vector<16xf32>
      %add3A_167 = arith.addf %add3A_161, %mul3A_166 : vector<16xf32>
      %broadcast_in_dim3A_168 = arith.constant 11 : i32
      %broadcast_in_dim3A_169 = vector.broadcast %broadcast_in_dim3A_168 : i32 to vector<16xi32>
      %gather3A_170 = tpu.vector_load_idx %arg10[%add3A_101, %broadcast_in_dim3A_169] : memref<128x32xf32, #tpu.memory_space<vmem>>[vector<16xi32>, vector<16xi32>], vector<16xf32>,
      %gather3A_171 = tpu.vector_load_idx %arg11[%add3A_101, %broadcast_in_dim3A_169] : memref<128x32xf32, #tpu.memory_space<vmem>>[vector<16xi32>, vector<16xi32>], vector<16xf32>,
      %mul3A_172 = arith.mulf %gather3A_170, %gather3A_171 : vector<16xf32>
      %add3A_173 = arith.addf %add3A_167, %mul3A_172 : vector<16xf32>
      %broadcast_in_dim3A_174 = arith.constant 12 : i32
      %broadcast_in_dim3A_175 = vector.broadcast %broadcast_in_dim3A_174 : i32 to vector<16xi32>
      %gather3A_176 = tpu.vector_load_idx %arg10[%add3A_101, %broadcast_in_dim3A_175] : memref<128x32xf32, #tpu.memory_space<vmem>>[vector<16xi32>, vector<16xi32>], vector<16xf32>,
      %gather3A_177 = tpu.vector_load_idx %arg11[%add3A_101, %broadcast_in_dim3A_175] : memref<128x32xf32, #tpu.memory_space<vmem>>[vector<16xi32>, vector<16xi32>], vector<16xf32>,
      %mul3A_178 = arith.mulf %gather3A_176, %gather3A_177 : vector<16xf32>
      %add3A_179 = arith.addf %add3A_173, %mul3A_178 : vector<16xf32>
      %broadcast_in_dim3A_180 = arith.constant 13 : i32
      %broadcast_in_dim3A_181 = vector.broadcast %broadcast_in_dim3A_180 : i32 to vector<16xi32>
      %gather3A_182 = tpu.vector_load_idx %arg10[%add3A_101, %broadcast_in_dim3A_181] : memref<128x32xf32, #tpu.memory_space<vmem>>[vector<16xi32>, vector<16xi32>], vector<16xf32>,
      %gather3A_183 = tpu.vector_load_idx %arg11[%add3A_101, %broadcast_in_dim3A_181] : memref<128x32xf32, #tpu.memory_space<vmem>>[vector<16xi32>, vector<16xi32>], vector<16xf32>,
      %mul3A_184 = arith.mulf %gather3A_182, %gather3A_183 : vector<16xf32>
      %add3A_185 = arith.addf %add3A_179, %mul3A_184 : vector<16xf32>
      %broadcast_in_dim3A_186 = arith.constant 14 : i32
      %broadcast_in_dim3A_187 = vector.broadcast %broadcast_in_dim3A_186 : i32 to vector<16xi32>
      %gather3A_188 = tpu.vector_load_idx %arg10[%add3A_101, %broadcast_in_dim3A_187] : memref<128x32xf32, #tpu.memory_space<vmem>>[vector<16xi32>, vector<16xi32>], vector<16xf32>,
      %gather3A_189 = tpu.vector_load_idx %arg11[%add3A_101, %broadcast_in_dim3A_187] : memref<128x32xf32, #tpu.memory_space<vmem>>[vector<16xi32>, vector<16xi32>], vector<16xf32>,
      %mul3A_190 = arith.mulf %gather3A_188, %gather3A_189 : vector<16xf32>
      %add3A_191 = arith.addf %add3A_185, %mul3A_190 : vector<16xf32>
      %broadcast_in_dim3A_192 = arith.constant 15 : i32
      %broadcast_in_dim3A_193 = vector.broadcast %broadcast_in_dim3A_192 : i32 to vector<16xi32>
      %gather3A_194 = tpu.vector_load_idx %arg10[%add3A_101, %broadcast_in_dim3A_193] : memref<128x32xf32, #tpu.memory_space<vmem>>[vector<16xi32>, vector<16xi32>], vector<16xf32>,
      %gather3A_195 = tpu.vector_load_idx %arg11[%add3A_101, %broadcast_in_dim3A_193] : memref<128x32xf32, #tpu.memory_space<vmem>>[vector<16xi32>, vector<16xi32>], vector<16xf32>,
      %mul3A_196 = arith.mulf %gather3A_194, %gather3A_195 : vector<16xf32>
      %add3A_197 = arith.addf %add3A_191, %mul3A_196 : vector<16xf32>
      %broadcast_in_dim3A_198 = arith.constant 16 : i32
      %broadcast_in_dim3A_199 = vector.broadcast %broadcast_in_dim3A_198 : i32 to vector<16xi32>
      %gather3A_200 = tpu.vector_load_idx %arg10[%add3A_101, %broadcast_in_dim3A_199] : memref<128x32xf32, #tpu.memory_space<vmem>>[vector<16xi32>, vector<16xi32>], vector<16xf32>,
      %gather3A_201 = tpu.vector_load_idx %arg11[%add3A_101, %broadcast_in_dim3A_199] : memref<128x32xf32, #tpu.memory_space<vmem>>[vector<16xi32>, vector<16xi32>], vector<16xf32>,
      %mul3A_202 = arith.mulf %gather3A_200, %gather3A_201 : vector<16xf32>
      %add3A_203 = arith.addf %add3A_197, %mul3A_202 : vector<16xf32>
      %broadcast_in_dim3A_204 = arith.constant 17 : i32
      %broadcast_in_dim3A_205 = vector.broadcast %broadcast_in_dim3A_204 : i32 to vector<16xi32>
      %gather3A_206 = tpu.vector_load_idx %arg10[%add3A_101, %broadcast_in_dim3A_205] : memref<128x32xf32, #tpu.memory_space<vmem>>[vector<16xi32>, vector<16xi32>], vector<16xf32>,
      %gather3A_207 = tpu.vector_load_idx %arg11[%add3A_101, %broadcast_in_dim3A_205] : memref<128x32xf32, #tpu.memory_space<vmem>>[vector<16xi32>, vector<16xi32>], vector<16xf32>,
      %mul3A_208 = arith.mulf %gather3A_206, %gather3A_207 : vector<16xf32>
      %add3A_209 = arith.addf %add3A_203, %mul3A_208 : vector<16xf32>
      %broadcast_in_dim3A_210 = arith.constant 18 : i32
      %broadcast_in_dim3A_211 = vector.broadcast %broadcast_in_dim3A_210 : i32 to vector<16xi32>
      %gather3A_212 = tpu.vector_load_idx %arg10[%add3A_101, %broadcast_in_dim3A_211] : memref<128x32xf32, #tpu.memory_space<vmem>>[vector<16xi32>, vector<16xi32>], vector<16xf32>,
      %gather3A_213 = tpu.vector_load_idx %arg11[%add3A_101, %broadcast_in_dim3A_211] : memref<128x32xf32, #tpu.memory_space<vmem>>[vector<16xi32>, vector<16xi32>], vector<16xf32>,
      %mul3A_214 = arith.mulf %gather3A_212, %gather3A_213 : vector<16xf32>
      %add3A_215 = arith.addf %add3A_209, %mul3A_214 : vector<16xf32>
      %broadcast_in_dim3A_216 = arith.constant 19 : i32
      %broadcast_in_dim3A_217 = vector.broadcast %broadcast_in_dim3A_216 : i32 to vector<16xi32>
      %gather3A_218 = tpu.vector_load_idx %arg10[%add3A_101, %broadcast_in_dim3A_217] : memref<128x32xf32, #tpu.memory_space<vmem>>[vector<16xi32>, vector<16xi32>], vector<16xf32>,
      %gather3A_219 = tpu.vector_load_idx %arg11[%add3A_101, %broadcast_in_dim3A_217] : memref<128x32xf32, #tpu.memory_space<vmem>>[vector<16xi32>, vector<16xi32>], vector<16xf32>,
      %mul3A_220 = arith.mulf %gather3A_218, %gather3A_219 : vector<16xf32>
      %add3A_221 = arith.addf %add3A_215, %mul3A_220 : vector<16xf32>
      %broadcast_in_dim3A_222 = arith.constant 20 : i32
      %broadcast_in_dim3A_223 = vector.broadcast %broadcast_in_dim3A_222 : i32 to vector<16xi32>
      %gather3A_224 = tpu.vector_load_idx %arg10[%add3A_101, %broadcast_in_dim3A_223] : memref<128x32xf32, #tpu.memory_space<vmem>>[vector<16xi32>, vector<16xi32>], vector<16xf32>,
      %gather3A_225 = tpu.vector_load_idx %arg11[%add3A_101, %broadcast_in_dim3A_223] : memref<128x32xf32, #tpu.memory_space<vmem>>[vector<16xi32>, vector<16xi32>], vector<16xf32>,
      %mul3A_226 = arith.mulf %gather3A_224, %gather3A_225 : vector<16xf32>
      %add3A_227 = arith.addf %add3A_221, %mul3A_226 : vector<16xf32>
      %broadcast_in_dim3A_228 = arith.constant 21 : i32
      %broadcast_in_dim3A_229 = vector.broadcast %broadcast_in_dim3A_228 : i32 to vector<16xi32>
      %gather3A_230 = tpu.vector_load_idx %arg10[%add3A_101, %broadcast_in_dim3A_229] : memref<128x32xf32, #tpu.memory_space<vmem>>[vector<16xi32>, vector<16xi32>], vector<16xf32>,
      %gather3A_231 = tpu.vector_load_idx %arg11[%add3A_101, %broadcast_in_dim3A_229] : memref<128x32xf32, #tpu.memory_space<vmem>>[vector<16xi32>, vector<16xi32>], vector<16xf32>,
      %mul3A_232 = arith.mulf %gather3A_230, %gather3A_231 : vector<16xf32>
      %add3A_233 = arith.addf %add3A_227, %mul3A_232 : vector<16xf32>
      %broadcast_in_dim3A_234 = arith.constant 22 : i32
      %broadcast_in_dim3A_235 = vector.broadcast %broadcast_in_dim3A_234 : i32 to vector<16xi32>
      %gather3A_236 = tpu.vector_load_idx %arg10[%add3A_101, %broadcast_in_dim3A_235] : memref<128x32xf32, #tpu.memory_space<vmem>>[vector<16xi32>, vector<16xi32>], vector<16xf32>,
      %gather3A_237 = tpu.vector_load_idx %arg11[%add3A_101, %broadcast_in_dim3A_235] : memref<128x32xf32, #tpu.memory_space<vmem>>[vector<16xi32>, vector<16xi32>], vector<16xf32>,
      %mul3A_238 = arith.mulf %gather3A_236, %gather3A_237 : vector<16xf32>
      %add3A_239 = arith.addf %add3A_233, %mul3A_238 : vector<16xf32>
      %broadcast_in_dim3A_240 = arith.constant 23 : i32
      %broadcast_in_dim3A_241 = vector.broadcast %broadcast_in_dim3A_240 : i32 to vector<16xi32>
      %gather3A_242 = tpu.vector_load_idx %arg10[%add3A_101, %broadcast_in_dim3A_241] : memref<128x32xf32, #tpu.memory_space<vmem>>[vector<16xi32>, vector<16xi32>], vector<16xf32>,
      %gather3A_243 = tpu.vector_load_idx %arg11[%add3A_101, %broadcast_in_dim3A_241] : memref<128x32xf32, #tpu.memory_space<vmem>>[vector<16xi32>, vector<16xi32>], vector<16xf32>,
      %mul3A_244 = arith.mulf %gather3A_242, %gather3A_243 : vector<16xf32>
      %add3A_245 = arith.addf %add3A_239, %mul3A_244 : vector<16xf32>
      %broadcast_in_dim3A_246 = arith.constant 24 : i32
      %broadcast_in_dim3A_247 = vector.broadcast %broadcast_in_dim3A_246 : i32 to vector<16xi32>
      %gather3A_248 = tpu.vector_load_idx %arg10[%add3A_101, %broadcast_in_dim3A_247] : memref<128x32xf32, #tpu.memory_space<vmem>>[vector<16xi32>, vector<16xi32>], vector<16xf32>,
      %gather3A_249 = tpu.vector_load_idx %arg11[%add3A_101, %broadcast_in_dim3A_247] : memref<128x32xf32, #tpu.memory_space<vmem>>[vector<16xi32>, vector<16xi32>], vector<16xf32>,
      %mul3A_250 = arith.mulf %gather3A_248, %gather3A_249 : vector<16xf32>
      %add3A_251 = arith.addf %add3A_245, %mul3A_250 : vector<16xf32>
      %broadcast_in_dim3A_252 = arith.constant 25 : i32
      %broadcast_in_dim3A_253 = vector.broadcast %broadcast_in_dim3A_252 : i32 to vector<16xi32>
      %gather3A_254 = tpu.vector_load_idx %arg10[%add3A_101, %broadcast_in_dim3A_253] : memref<128x32xf32, #tpu.memory_space<vmem>>[vector<16xi32>, vector<16xi32>], vector<16xf32>,
      %gather3A_255 = tpu.vector_load_idx %arg11[%add3A_101, %broadcast_in_dim3A_253] : memref<128x32xf32, #tpu.memory_space<vmem>>[vector<16xi32>, vector<16xi32>], vector<16xf32>,
      %mul3A_256 = arith.mulf %gather3A_254, %gather3A_255 : vector<16xf32>
      %add3A_257 = arith.addf %add3A_251, %mul3A_256 : vector<16xf32>
      %broadcast_in_dim3A_258 = arith.constant 26 : i32
      %broadcast_in_dim3A_259 = vector.broadcast %broadcast_in_dim3A_258 : i32 to vector<16xi32>
      %gather3A_260 = tpu.vector_load_idx %arg10[%add3A_101, %broadcast_in_dim3A_259] : memref<128x32xf32, #tpu.memory_space<vmem>>[vector<16xi32>, vector<16xi32>], vector<16xf32>,
      %gather3A_261 = tpu.vector_load_idx %arg11[%add3A_101, %broadcast_in_dim3A_259] : memref<128x32xf32, #tpu.memory_space<vmem>>[vector<16xi32>, vector<16xi32>], vector<16xf32>,
      %mul3A_262 = arith.mulf %gather3A_260, %gather3A_261 : vector<16xf32>
      %add3A_263 = arith.addf %add3A_257, %mul3A_262 : vector<16xf32>
      %broadcast_in_dim3A_264 = arith.constant 27 : i32
      %broadcast_in_dim3A_265 = vector.broadcast %broadcast_in_dim3A_264 : i32 to vector<16xi32>
      %gather3A_266 = tpu.vector_load_idx %arg10[%add3A_101, %broadcast_in_dim3A_265] : memref<128x32xf32, #tpu.memory_space<vmem>>[vector<16xi32>, vector<16xi32>], vector<16xf32>,
      %gather3A_267 = tpu.vector_load_idx %arg11[%add3A_101, %broadcast_in_dim3A_265] : memref<128x32xf32, #tpu.memory_space<vmem>>[vector<16xi32>, vector<16xi32>], vector<16xf32>,
      %mul3A_268 = arith.mulf %gather3A_266, %gather3A_267 : vector<16xf32>
      %add3A_269 = arith.addf %add3A_263, %mul3A_268 : vector<16xf32>
      %broadcast_in_dim3A_270 = arith.constant 28 : i32
      %broadcast_in_dim3A_271 = vector.broadcast %broadcast_in_dim3A_270 : i32 to vector<16xi32>
      %gather3A_272 = tpu.vector_load_idx %arg10[%add3A_101, %broadcast_in_dim3A_271] : memref<128x32xf32, #tpu.memory_space<vmem>>[vector<16xi32>, vector<16xi32>], vector<16xf32>,
      %gather3A_273 = tpu.vector_load_idx %arg11[%add3A_101, %broadcast_in_dim3A_271] : memref<128x32xf32, #tpu.memory_space<vmem>>[vector<16xi32>, vector<16xi32>], vector<16xf32>,
      %mul3A_274 = arith.mulf %gather3A_272, %gather3A_273 : vector<16xf32>
      %add3A_275 = arith.addf %add3A_269, %mul3A_274 : vector<16xf32>
      %broadcast_in_dim3A_276 = arith.constant 29 : i32
      %broadcast_in_dim3A_277 = vector.broadcast %broadcast_in_dim3A_276 : i32 to vector<16xi32>
      %gather3A_278 = tpu.vector_load_idx %arg10[%add3A_101, %broadcast_in_dim3A_277] : memref<128x32xf32, #tpu.memory_space<vmem>>[vector<16xi32>, vector<16xi32>], vector<16xf32>,
      %gather3A_279 = tpu.vector_load_idx %arg11[%add3A_101, %broadcast_in_dim3A_277] : memref<128x32xf32, #tpu.memory_space<vmem>>[vector<16xi32>, vector<16xi32>], vector<16xf32>,
      %mul3A_280 = arith.mulf %gather3A_278, %gather3A_279 : vector<16xf32>
      %add3A_281 = arith.addf %add3A_275, %mul3A_280 : vector<16xf32>
      %broadcast_in_dim3A_282 = arith.constant 30 : i32
      %broadcast_in_dim3A_283 = vector.broadcast %broadcast_in_dim3A_282 : i32 to vector<16xi32>
      %gather3A_284 = tpu.vector_load_idx %arg10[%add3A_101, %broadcast_in_dim3A_283] : memref<128x32xf32, #tpu.memory_space<vmem>>[vector<16xi32>, vector<16xi32>], vector<16xf32>,
      %gather3A_285 = tpu.vector_load_idx %arg11[%add3A_101, %broadcast_in_dim3A_283] : memref<128x32xf32, #tpu.memory_space<vmem>>[vector<16xi32>, vector<16xi32>], vector<16xf32>,
      %mul3A_286 = arith.mulf %gather3A_284, %gather3A_285 : vector<16xf32>
      %add3A_287 = arith.addf %add3A_281, %mul3A_286 : vector<16xf32>
      %broadcast_in_dim3A_288 = arith.constant 31 : i32
      %broadcast_in_dim3A_289 = vector.broadcast %broadcast_in_dim3A_288 : i32 to vector<16xi32>
      %gather3A_290 = tpu.vector_load_idx %arg10[%add3A_101, %broadcast_in_dim3A_289] : memref<128x32xf32, #tpu.memory_space<vmem>>[vector<16xi32>, vector<16xi32>], vector<16xf32>,
      %gather3A_291 = tpu.vector_load_idx %arg11[%add3A_101, %broadcast_in_dim3A_289] : memref<128x32xf32, #tpu.memory_space<vmem>>[vector<16xi32>, vector<16xi32>], vector<16xf32>,
      %mul3A_292 = arith.mulf %gather3A_290, %gather3A_291 : vector<16xf32>
      %add3A_293 = arith.addf %add3A_287, %mul3A_292 : vector<16xf32>
      %mul3A_294 = arith.constant 16 : i32
      %mul3A_295 = arith.muli %scan3A_97, %mul3A_294 : i32
      %add3A_296 = arith.constant 0 : i32
      %add3A_297 = arith.addi %add3A_296, %mul3A_295 : i32
      %swap3A = arith.index_cast %add3A_297 : i32 to index
      %swap3A_298 = tpu.vector_load %arg14[%swap3A] {strides = array<i32>} : memref<512xf32, #tpu.memory_space<vmem>>, vector<16xf32>,
      tpu.vector_store %arg14[%swap3A], %add3A_293 {strides = array<i32>} : memref<512xf32, #tpu.memory_space<vmem>>, vector<16xf32>,
    }
    %scan3A_30 = arith.constant 8 : i32
    %scan3A_31 = arith.constant 0 : i32
    %scan3A_32 = arith.constant 0 : i32
    %scan3A_33 = arith.constant 128 : i32
    %scan3A_34 = arith.addi %scan3A_32, %scan3A_33 : i32
    %scan3A_35 = arith.constant 8 : i32
    scf.for %scan3A_97 = %scan3A_32 to %scan3A_34 step %scan3A_35  : i32 {
      %add3A_98 = arith.constant 256 : i32
      %add3A_99 = arith.addi %add3A_98, %scan3A_97 : i32
      %get3A = arith.index_cast %add3A_99 : i32 to index
      %get3A_100 = memref.load %arg8[%get3A] : memref<512xi32, #tpu.memory_space<smem>>
      %add3A_101 = arith.constant 256 : i32
      %add3A_102 = arith.addi %add3A_101, %scan3A_97 : i32
      %get3A_103 = arith.index_cast %add3A_102 : i32 to index
      %get3A_104 = memref.load %arg9[%get3A_103] : memref<512xi32, #tpu.memory_space<smem>>
      %dma_start3A = arith.constant 0 : i32
      %dma_start3A_105 = tpu.memref_slice %arg10[%scan3A_97, %dma_start3A] : memref<128x32xf32, #tpu.memory_space<vmem>> -> memref<1x32xf32, #tpu.memory_space<vmem>>
      %dma_start3A_106 = arith.constant 0 : i32
      %dma_start3A_107 = tpu.memref_slice %arg4[%get3A_100, %dma_start3A_106] : memref<1100000x32xf32, #tpu.memory_space<hbm>> -> memref<1x32xf32, #tpu.memory_space<hbm>>
      %dma_start3A_108 = arith.constant 0 : i32
      %dma_start3A_109 = tpu.memref_slice %arg10[%scan3A_97, %dma_start3A_108] : memref<128x32xf32, #tpu.memory_space<vmem>> -> memref<1x32xf32, #tpu.memory_space<vmem>>
      %dma_start3A_110 = arith.constant 0 : i32
      %dma_start3A_111 = tpu.memref_slice %arg4[%get3A_100, %dma_start3A_110] : memref<1100000x32xf32, #tpu.memory_space<hbm>> -> memref<1x32xf32, #tpu.memory_space<hbm>>
      tpu.enqueue_dma source(%dma_start3A_111 : memref<1x32xf32, #tpu.memory_space<hbm>>) target(%dma_start3A_109 : memref<1x32xf32, #tpu.memory_space<vmem>>) target_semaphore(%arg15 : memref<!tpu.dma_semaphore, #tpu.memory_space<semaphore_mem>>)
      %dma_start3A_112 = arith.constant 0 : i32
      %dma_start3A_113 = tpu.memref_slice %arg11[%scan3A_97, %dma_start3A_112] : memref<128x32xf32, #tpu.memory_space<vmem>> -> memref<1x32xf32, #tpu.memory_space<vmem>>
      %dma_start3A_114 = arith.constant 0 : i32
      %dma_start3A_115 = tpu.memref_slice %arg4[%get3A_104, %dma_start3A_114] : memref<1100000x32xf32, #tpu.memory_space<hbm>> -> memref<1x32xf32, #tpu.memory_space<hbm>>
      %dma_start3A_116 = arith.constant 0 : i32
      %dma_start3A_117 = tpu.memref_slice %arg11[%scan3A_97, %dma_start3A_116] : memref<128x32xf32, #tpu.memory_space<vmem>> -> memref<1x32xf32, #tpu.memory_space<vmem>>
      %dma_start3A_118 = arith.constant 0 : i32
      %dma_start3A_119 = tpu.memref_slice %arg4[%get3A_104, %dma_start3A_118] : memref<1100000x32xf32, #tpu.memory_space<hbm>> -> memref<1x32xf32, #tpu.memory_space<hbm>>
      tpu.enqueue_dma source(%dma_start3A_119 : memref<1x32xf32, #tpu.memory_space<hbm>>) target(%dma_start3A_117 : memref<1x32xf32, #tpu.memory_space<vmem>>) target_semaphore(%arg15 : memref<!tpu.dma_semaphore, #tpu.memory_space<semaphore_mem>>)
      %scan3A_120 = arith.constant 1 : i32
      %scan3A_121 = arith.addi %scan3A_97, %scan3A_120 : i32
      %add3A_122 = arith.constant 256 : i32
      %add3A_123 = arith.addi %add3A_122, %scan3A_121 : i32
      %get3A_124 = arith.index_cast %add3A_123 : i32 to index
      %get3A_125 = memref.load %arg8[%get3A_124] : memref<512xi32, #tpu.memory_space<smem>>
      %add3A_126 = arith.constant 256 : i32
      %add3A_127 = arith.addi %add3A_126, %scan3A_121 : i32
      %get3A_128 = arith.index_cast %add3A_127 : i32 to index
      %get3A_129 = memref.load %arg9[%get3A_128] : memref<512xi32, #tpu.memory_space<smem>>
      %dma_start3A_130 = arith.constant 0 : i32
      %dma_start3A_131 = tpu.memref_slice %arg10[%scan3A_121, %dma_start3A_130] : memref<128x32xf32, #tpu.memory_space<vmem>> -> memref<1x32xf32, #tpu.memory_space<vmem>>
      %dma_start3A_132 = arith.constant 0 : i32
      %dma_start3A_133 = tpu.memref_slice %arg4[%get3A_125, %dma_start3A_132] : memref<1100000x32xf32, #tpu.memory_space<hbm>> -> memref<1x32xf32, #tpu.memory_space<hbm>>
      %dma_start3A_134 = arith.constant 0 : i32
      %dma_start3A_135 = tpu.memref_slice %arg10[%scan3A_121, %dma_start3A_134] : memref<128x32xf32, #tpu.memory_space<vmem>> -> memref<1x32xf32, #tpu.memory_space<vmem>>
      %dma_start3A_136 = arith.constant 0 : i32
      %dma_start3A_137 = tpu.memref_slice %arg4[%get3A_125, %dma_start3A_136] : memref<1100000x32xf32, #tpu.memory_space<hbm>> -> memref<1x32xf32, #tpu.memory_space<hbm>>
      tpu.enqueue_dma source(%dma_start3A_137 : memref<1x32xf32, #tpu.memory_space<hbm>>) target(%dma_start3A_135 : memref<1x32xf32, #tpu.memory_space<vmem>>) target_semaphore(%arg15 : memref<!tpu.dma_semaphore, #tpu.memory_space<semaphore_mem>>)
      %dma_start3A_138 = arith.constant 0 : i32
      %dma_start3A_139 = tpu.memref_slice %arg11[%scan3A_121, %dma_start3A_138] : memref<128x32xf32, #tpu.memory_space<vmem>> -> memref<1x32xf32, #tpu.memory_space<vmem>>
      %dma_start3A_140 = arith.constant 0 : i32
      %dma_start3A_141 = tpu.memref_slice %arg4[%get3A_129, %dma_start3A_140] : memref<1100000x32xf32, #tpu.memory_space<hbm>> -> memref<1x32xf32, #tpu.memory_space<hbm>>
      %dma_start3A_142 = arith.constant 0 : i32
      %dma_start3A_143 = tpu.memref_slice %arg11[%scan3A_121, %dma_start3A_142] : memref<128x32xf32, #tpu.memory_space<vmem>> -> memref<1x32xf32, #tpu.memory_space<vmem>>
      %dma_start3A_144 = arith.constant 0 : i32
      %dma_start3A_145 = tpu.memref_slice %arg4[%get3A_129, %dma_start3A_144] : memref<1100000x32xf32, #tpu.memory_space<hbm>> -> memref<1x32xf32, #tpu.memory_space<hbm>>
      tpu.enqueue_dma source(%dma_start3A_145 : memref<1x32xf32, #tpu.memory_space<hbm>>) target(%dma_start3A_143 : memref<1x32xf32, #tpu.memory_space<vmem>>) target_semaphore(%arg15 : memref<!tpu.dma_semaphore, #tpu.memory_space<semaphore_mem>>)
      %scan3A_146 = arith.constant 2 : i32
      %scan3A_147 = arith.addi %scan3A_97, %scan3A_146 : i32
      %add3A_148 = arith.constant 256 : i32
      %add3A_149 = arith.addi %add3A_148, %scan3A_147 : i32
      %get3A_150 = arith.index_cast %add3A_149 : i32 to index
      %get3A_151 = memref.load %arg8[%get3A_150] : memref<512xi32, #tpu.memory_space<smem>>
      %add3A_152 = arith.constant 256 : i32
      %add3A_153 = arith.addi %add3A_152, %scan3A_147 : i32
      %get3A_154 = arith.index_cast %add3A_153 : i32 to index
      %get3A_155 = memref.load %arg9[%get3A_154] : memref<512xi32, #tpu.memory_space<smem>>
      %dma_start3A_156 = arith.constant 0 : i32
      %dma_start3A_157 = tpu.memref_slice %arg10[%scan3A_147, %dma_start3A_156] : memref<128x32xf32, #tpu.memory_space<vmem>> -> memref<1x32xf32, #tpu.memory_space<vmem>>
      %dma_start3A_158 = arith.constant 0 : i32
      %dma_start3A_159 = tpu.memref_slice %arg4[%get3A_151, %dma_start3A_158] : memref<1100000x32xf32, #tpu.memory_space<hbm>> -> memref<1x32xf32, #tpu.memory_space<hbm>>
      %dma_start3A_160 = arith.constant 0 : i32
      %dma_start3A_161 = tpu.memref_slice %arg10[%scan3A_147, %dma_start3A_160] : memref<128x32xf32, #tpu.memory_space<vmem>> -> memref<1x32xf32, #tpu.memory_space<vmem>>
      %dma_start3A_162 = arith.constant 0 : i32
      %dma_start3A_163 = tpu.memref_slice %arg4[%get3A_151, %dma_start3A_162] : memref<1100000x32xf32, #tpu.memory_space<hbm>> -> memref<1x32xf32, #tpu.memory_space<hbm>>
      tpu.enqueue_dma source(%dma_start3A_163 : memref<1x32xf32, #tpu.memory_space<hbm>>) target(%dma_start3A_161 : memref<1x32xf32, #tpu.memory_space<vmem>>) target_semaphore(%arg15 : memref<!tpu.dma_semaphore, #tpu.memory_space<semaphore_mem>>)
      %dma_start3A_164 = arith.constant 0 : i32
      %dma_start3A_165 = tpu.memref_slice %arg11[%scan3A_147, %dma_start3A_164] : memref<128x32xf32, #tpu.memory_space<vmem>> -> memref<1x32xf32, #tpu.memory_space<vmem>>
      %dma_start3A_166 = arith.constant 0 : i32
      %dma_start3A_167 = tpu.memref_slice %arg4[%get3A_155, %dma_start3A_166] : memref<1100000x32xf32, #tpu.memory_space<hbm>> -> memref<1x32xf32, #tpu.memory_space<hbm>>
      %dma_start3A_168 = arith.constant 0 : i32
      %dma_start3A_169 = tpu.memref_slice %arg11[%scan3A_147, %dma_start3A_168] : memref<128x32xf32, #tpu.memory_space<vmem>> -> memref<1x32xf32, #tpu.memory_space<vmem>>
      %dma_start3A_170 = arith.constant 0 : i32
      %dma_start3A_171 = tpu.memref_slice %arg4[%get3A_155, %dma_start3A_170] : memref<1100000x32xf32, #tpu.memory_space<hbm>> -> memref<1x32xf32, #tpu.memory_space<hbm>>
      tpu.enqueue_dma source(%dma_start3A_171 : memref<1x32xf32, #tpu.memory_space<hbm>>) target(%dma_start3A_169 : memref<1x32xf32, #tpu.memory_space<vmem>>) target_semaphore(%arg15 : memref<!tpu.dma_semaphore, #tpu.memory_space<semaphore_mem>>)
      %scan3A_172 = arith.constant 3 : i32
      %scan3A_173 = arith.addi %scan3A_97, %scan3A_172 : i32
      %add3A_174 = arith.constant 256 : i32
      %add3A_175 = arith.addi %add3A_174, %scan3A_173 : i32
      %get3A_176 = arith.index_cast %add3A_175 : i32 to index
      %get3A_177 = memref.load %arg8[%get3A_176] : memref<512xi32, #tpu.memory_space<smem>>
      %add3A_178 = arith.constant 256 : i32
      %add3A_179 = arith.addi %add3A_178, %scan3A_173 : i32
      %get3A_180 = arith.index_cast %add3A_179 : i32 to index
      %get3A_181 = memref.load %arg9[%get3A_180] : memref<512xi32, #tpu.memory_space<smem>>
      %dma_start3A_182 = arith.constant 0 : i32
      %dma_start3A_183 = tpu.memref_slice %arg10[%scan3A_173, %dma_start3A_182] : memref<128x32xf32, #tpu.memory_space<vmem>> -> memref<1x32xf32, #tpu.memory_space<vmem>>
      %dma_start3A_184 = arith.constant 0 : i32
      %dma_start3A_185 = tpu.memref_slice %arg4[%get3A_177, %dma_start3A_184] : memref<1100000x32xf32, #tpu.memory_space<hbm>> -> memref<1x32xf32, #tpu.memory_space<hbm>>
      %dma_start3A_186 = arith.constant 0 : i32
      %dma_start3A_187 = tpu.memref_slice %arg10[%scan3A_173, %dma_start3A_186] : memref<128x32xf32, #tpu.memory_space<vmem>> -> memref<1x32xf32, #tpu.memory_space<vmem>>
      %dma_start3A_188 = arith.constant 0 : i32
      %dma_start3A_189 = tpu.memref_slice %arg4[%get3A_177, %dma_start3A_188] : memref<1100000x32xf32, #tpu.memory_space<hbm>> -> memref<1x32xf32, #tpu.memory_space<hbm>>
      tpu.enqueue_dma source(%dma_start3A_189 : memref<1x32xf32, #tpu.memory_space<hbm>>) target(%dma_start3A_187 : memref<1x32xf32, #tpu.memory_space<vmem>>) target_semaphore(%arg15 : memref<!tpu.dma_semaphore, #tpu.memory_space<semaphore_mem>>)
      %dma_start3A_190 = arith.constant 0 : i32
      %dma_start3A_191 = tpu.memref_slice %arg11[%scan3A_173, %dma_start3A_190] : memref<128x32xf32, #tpu.memory_space<vmem>> -> memref<1x32xf32, #tpu.memory_space<vmem>>
      %dma_start3A_192 = arith.constant 0 : i32
      %dma_start3A_193 = tpu.memref_slice %arg4[%get3A_181, %dma_start3A_192] : memref<1100000x32xf32, #tpu.memory_space<hbm>> -> memref<1x32xf32, #tpu.memory_space<hbm>>
      %dma_start3A_194 = arith.constant 0 : i32
      %dma_start3A_195 = tpu.memref_slice %arg11[%scan3A_173, %dma_start3A_194] : memref<128x32xf32, #tpu.memory_space<vmem>> -> memref<1x32xf32, #tpu.memory_space<vmem>>
      %dma_start3A_196 = arith.constant 0 : i32
      %dma_start3A_197 = tpu.memref_slice %arg4[%get3A_181, %dma_start3A_196] : memref<1100000x32xf32, #tpu.memory_space<hbm>> -> memref<1x32xf32, #tpu.memory_space<hbm>>
      tpu.enqueue_dma source(%dma_start3A_197 : memref<1x32xf32, #tpu.memory_space<hbm>>) target(%dma_start3A_195 : memref<1x32xf32, #tpu.memory_space<vmem>>) target_semaphore(%arg15 : memref<!tpu.dma_semaphore, #tpu.memory_space<semaphore_mem>>)
      %scan3A_198 = arith.constant 4 : i32
      %scan3A_199 = arith.addi %scan3A_97, %scan3A_198 : i32
      %add3A_200 = arith.constant 256 : i32
      %add3A_201 = arith.addi %add3A_200, %scan3A_199 : i32
      %get3A_202 = arith.index_cast %add3A_201 : i32 to index
      %get3A_203 = memref.load %arg8[%get3A_202] : memref<512xi32, #tpu.memory_space<smem>>
      %add3A_204 = arith.constant 256 : i32
      %add3A_205 = arith.addi %add3A_204, %scan3A_199 : i32
      %get3A_206 = arith.index_cast %add3A_205 : i32 to index
      %get3A_207 = memref.load %arg9[%get3A_206] : memref<512xi32, #tpu.memory_space<smem>>
      %dma_start3A_208 = arith.constant 0 : i32
      %dma_start3A_209 = tpu.memref_slice %arg10[%scan3A_199, %dma_start3A_208] : memref<128x32xf32, #tpu.memory_space<vmem>> -> memref<1x32xf32, #tpu.memory_space<vmem>>
      %dma_start3A_210 = arith.constant 0 : i32
      %dma_start3A_211 = tpu.memref_slice %arg4[%get3A_203, %dma_start3A_210] : memref<1100000x32xf32, #tpu.memory_space<hbm>> -> memref<1x32xf32, #tpu.memory_space<hbm>>
      %dma_start3A_212 = arith.constant 0 : i32
      %dma_start3A_213 = tpu.memref_slice %arg10[%scan3A_199, %dma_start3A_212] : memref<128x32xf32, #tpu.memory_space<vmem>> -> memref<1x32xf32, #tpu.memory_space<vmem>>
      %dma_start3A_214 = arith.constant 0 : i32
      %dma_start3A_215 = tpu.memref_slice %arg4[%get3A_203, %dma_start3A_214] : memref<1100000x32xf32, #tpu.memory_space<hbm>> -> memref<1x32xf32, #tpu.memory_space<hbm>>
      tpu.enqueue_dma source(%dma_start3A_215 : memref<1x32xf32, #tpu.memory_space<hbm>>) target(%dma_start3A_213 : memref<1x32xf32, #tpu.memory_space<vmem>>) target_semaphore(%arg15 : memref<!tpu.dma_semaphore, #tpu.memory_space<semaphore_mem>>)
      %dma_start3A_216 = arith.constant 0 : i32
      %dma_start3A_217 = tpu.memref_slice %arg11[%scan3A_199, %dma_start3A_216] : memref<128x32xf32, #tpu.memory_space<vmem>> -> memref<1x32xf32, #tpu.memory_space<vmem>>
      %dma_start3A_218 = arith.constant 0 : i32
      %dma_start3A_219 = tpu.memref_slice %arg4[%get3A_207, %dma_start3A_218] : memref<1100000x32xf32, #tpu.memory_space<hbm>> -> memref<1x32xf32, #tpu.memory_space<hbm>>
      %dma_start3A_220 = arith.constant 0 : i32
      %dma_start3A_221 = tpu.memref_slice %arg11[%scan3A_199, %dma_start3A_220] : memref<128x32xf32, #tpu.memory_space<vmem>> -> memref<1x32xf32, #tpu.memory_space<vmem>>
      %dma_start3A_222 = arith.constant 0 : i32
      %dma_start3A_223 = tpu.memref_slice %arg4[%get3A_207, %dma_start3A_222] : memref<1100000x32xf32, #tpu.memory_space<hbm>> -> memref<1x32xf32, #tpu.memory_space<hbm>>
      tpu.enqueue_dma source(%dma_start3A_223 : memref<1x32xf32, #tpu.memory_space<hbm>>) target(%dma_start3A_221 : memref<1x32xf32, #tpu.memory_space<vmem>>) target_semaphore(%arg15 : memref<!tpu.dma_semaphore, #tpu.memory_space<semaphore_mem>>)
      %scan3A_224 = arith.constant 5 : i32
      %scan3A_225 = arith.addi %scan3A_97, %scan3A_224 : i32
      %add3A_226 = arith.constant 256 : i32
      %add3A_227 = arith.addi %add3A_226, %scan3A_225 : i32
      %get3A_228 = arith.index_cast %add3A_227 : i32 to index
      %get3A_229 = memref.load %arg8[%get3A_228] : memref<512xi32, #tpu.memory_space<smem>>
      %add3A_230 = arith.constant 256 : i32
      %add3A_231 = arith.addi %add3A_230, %scan3A_225 : i32
      %get3A_232 = arith.index_cast %add3A_231 : i32 to index
      %get3A_233 = memref.load %arg9[%get3A_232] : memref<512xi32, #tpu.memory_space<smem>>
      %dma_start3A_234 = arith.constant 0 : i32
      %dma_start3A_235 = tpu.memref_slice %arg10[%scan3A_225, %dma_start3A_234] : memref<128x32xf32, #tpu.memory_space<vmem>> -> memref<1x32xf32, #tpu.memory_space<vmem>>
      %dma_start3A_236 = arith.constant 0 : i32
      %dma_start3A_237 = tpu.memref_slice %arg4[%get3A_229, %dma_start3A_236] : memref<1100000x32xf32, #tpu.memory_space<hbm>> -> memref<1x32xf32, #tpu.memory_space<hbm>>
      %dma_start3A_238 = arith.constant 0 : i32
      %dma_start3A_239 = tpu.memref_slice %arg10[%scan3A_225, %dma_start3A_238] : memref<128x32xf32, #tpu.memory_space<vmem>> -> memref<1x32xf32, #tpu.memory_space<vmem>>
      %dma_start3A_240 = arith.constant 0 : i32
      %dma_start3A_241 = tpu.memref_slice %arg4[%get3A_229, %dma_start3A_240] : memref<1100000x32xf32, #tpu.memory_space<hbm>> -> memref<1x32xf32, #tpu.memory_space<hbm>>
      tpu.enqueue_dma source(%dma_start3A_241 : memref<1x32xf32, #tpu.memory_space<hbm>>) target(%dma_start3A_239 : memref<1x32xf32, #tpu.memory_space<vmem>>) target_semaphore(%arg15 : memref<!tpu.dma_semaphore, #tpu.memory_space<semaphore_mem>>)
      %dma_start3A_242 = arith.constant 0 : i32
      %dma_start3A_243 = tpu.memref_slice %arg11[%scan3A_225, %dma_start3A_242] : memref<128x32xf32, #tpu.memory_space<vmem>> -> memref<1x32xf32, #tpu.memory_space<vmem>>
      %dma_start3A_244 = arith.constant 0 : i32
      %dma_start3A_245 = tpu.memref_slice %arg4[%get3A_233, %dma_start3A_244] : memref<1100000x32xf32, #tpu.memory_space<hbm>> -> memref<1x32xf32, #tpu.memory_space<hbm>>
      %dma_start3A_246 = arith.constant 0 : i32
      %dma_start3A_247 = tpu.memref_slice %arg11[%scan3A_225, %dma_start3A_246] : memref<128x32xf32, #tpu.memory_space<vmem>> -> memref<1x32xf32, #tpu.memory_space<vmem>>
      %dma_start3A_248 = arith.constant 0 : i32
      %dma_start3A_249 = tpu.memref_slice %arg4[%get3A_233, %dma_start3A_248] : memref<1100000x32xf32, #tpu.memory_space<hbm>> -> memref<1x32xf32, #tpu.memory_space<hbm>>
      tpu.enqueue_dma source(%dma_start3A_249 : memref<1x32xf32, #tpu.memory_space<hbm>>) target(%dma_start3A_247 : memref<1x32xf32, #tpu.memory_space<vmem>>) target_semaphore(%arg15 : memref<!tpu.dma_semaphore, #tpu.memory_space<semaphore_mem>>)
      %scan3A_250 = arith.constant 6 : i32
      %scan3A_251 = arith.addi %scan3A_97, %scan3A_250 : i32
      %add3A_252 = arith.constant 256 : i32
      %add3A_253 = arith.addi %add3A_252, %scan3A_251 : i32
      %get3A_254 = arith.index_cast %add3A_253 : i32 to index
      %get3A_255 = memref.load %arg8[%get3A_254] : memref<512xi32, #tpu.memory_space<smem>>
      %add3A_256 = arith.constant 256 : i32
      %add3A_257 = arith.addi %add3A_256, %scan3A_251 : i32
      %get3A_258 = arith.index_cast %add3A_257 : i32 to index
      %get3A_259 = memref.load %arg9[%get3A_258] : memref<512xi32, #tpu.memory_space<smem>>
      %dma_start3A_260 = arith.constant 0 : i32
      %dma_start3A_261 = tpu.memref_slice %arg10[%scan3A_251, %dma_start3A_260] : memref<128x32xf32, #tpu.memory_space<vmem>> -> memref<1x32xf32, #tpu.memory_space<vmem>>
      %dma_start3A_262 = arith.constant 0 : i32
      %dma_start3A_263 = tpu.memref_slice %arg4[%get3A_255, %dma_start3A_262] : memref<1100000x32xf32, #tpu.memory_space<hbm>> -> memref<1x32xf32, #tpu.memory_space<hbm>>
      %dma_start3A_264 = arith.constant 0 : i32
      %dma_start3A_265 = tpu.memref_slice %arg10[%scan3A_251, %dma_start3A_264] : memref<128x32xf32, #tpu.memory_space<vmem>> -> memref<1x32xf32, #tpu.memory_space<vmem>>
      %dma_start3A_266 = arith.constant 0 : i32
      %dma_start3A_267 = tpu.memref_slice %arg4[%get3A_255, %dma_start3A_266] : memref<1100000x32xf32, #tpu.memory_space<hbm>> -> memref<1x32xf32, #tpu.memory_space<hbm>>
      tpu.enqueue_dma source(%dma_start3A_267 : memref<1x32xf32, #tpu.memory_space<hbm>>) target(%dma_start3A_265 : memref<1x32xf32, #tpu.memory_space<vmem>>) target_semaphore(%arg15 : memref<!tpu.dma_semaphore, #tpu.memory_space<semaphore_mem>>)
      %dma_start3A_268 = arith.constant 0 : i32
      %dma_start3A_269 = tpu.memref_slice %arg11[%scan3A_251, %dma_start3A_268] : memref<128x32xf32, #tpu.memory_space<vmem>> -> memref<1x32xf32, #tpu.memory_space<vmem>>
      %dma_start3A_270 = arith.constant 0 : i32
      %dma_start3A_271 = tpu.memref_slice %arg4[%get3A_259, %dma_start3A_270] : memref<1100000x32xf32, #tpu.memory_space<hbm>> -> memref<1x32xf32, #tpu.memory_space<hbm>>
      %dma_start3A_272 = arith.constant 0 : i32
      %dma_start3A_273 = tpu.memref_slice %arg11[%scan3A_251, %dma_start3A_272] : memref<128x32xf32, #tpu.memory_space<vmem>> -> memref<1x32xf32, #tpu.memory_space<vmem>>
      %dma_start3A_274 = arith.constant 0 : i32
      %dma_start3A_275 = tpu.memref_slice %arg4[%get3A_259, %dma_start3A_274] : memref<1100000x32xf32, #tpu.memory_space<hbm>> -> memref<1x32xf32, #tpu.memory_space<hbm>>
      tpu.enqueue_dma source(%dma_start3A_275 : memref<1x32xf32, #tpu.memory_space<hbm>>) target(%dma_start3A_273 : memref<1x32xf32, #tpu.memory_space<vmem>>) target_semaphore(%arg15 : memref<!tpu.dma_semaphore, #tpu.memory_space<semaphore_mem>>)
      %scan3A_276 = arith.constant 7 : i32
      %scan3A_277 = arith.addi %scan3A_97, %scan3A_276 : i32
      %add3A_278 = arith.constant 256 : i32
      %add3A_279 = arith.addi %add3A_278, %scan3A_277 : i32
      %get3A_280 = arith.index_cast %add3A_279 : i32 to index
      %get3A_281 = memref.load %arg8[%get3A_280] : memref<512xi32, #tpu.memory_space<smem>>
      %add3A_282 = arith.constant 256 : i32
      %add3A_283 = arith.addi %add3A_282, %scan3A_277 : i32
      %get3A_284 = arith.index_cast %add3A_283 : i32 to index
      %get3A_285 = memref.load %arg9[%get3A_284] : memref<512xi32, #tpu.memory_space<smem>>
      %dma_start3A_286 = arith.constant 0 : i32
      %dma_start3A_287 = tpu.memref_slice %arg10[%scan3A_277, %dma_start3A_286] : memref<128x32xf32, #tpu.memory_space<vmem>> -> memref<1x32xf32, #tpu.memory_space<vmem>>
      %dma_start3A_288 = arith.constant 0 : i32
      %dma_start3A_289 = tpu.memref_slice %arg4[%get3A_281, %dma_start3A_288] : memref<1100000x32xf32, #tpu.memory_space<hbm>> -> memref<1x32xf32, #tpu.memory_space<hbm>>
      %dma_start3A_290 = arith.constant 0 : i32
      %dma_start3A_291 = tpu.memref_slice %arg10[%scan3A_277, %dma_start3A_290] : memref<128x32xf32, #tpu.memory_space<vmem>> -> memref<1x32xf32, #tpu.memory_space<vmem>>
      %dma_start3A_292 = arith.constant 0 : i32
      %dma_start3A_293 = tpu.memref_slice %arg4[%get3A_281, %dma_start3A_292] : memref<1100000x32xf32, #tpu.memory_space<hbm>> -> memref<1x32xf32, #tpu.memory_space<hbm>>
      tpu.enqueue_dma source(%dma_start3A_293 : memref<1x32xf32, #tpu.memory_space<hbm>>) target(%dma_start3A_291 : memref<1x32xf32, #tpu.memory_space<vmem>>) target_semaphore(%arg15 : memref<!tpu.dma_semaphore, #tpu.memory_space<semaphore_mem>>)
      %dma_start3A_294 = arith.constant 0 : i32
      %dma_start3A_295 = tpu.memref_slice %arg11[%scan3A_277, %dma_start3A_294] : memref<128x32xf32, #tpu.memory_space<vmem>> -> memref<1x32xf32, #tpu.memory_space<vmem>>
      %dma_start3A_296 = arith.constant 0 : i32
      %dma_start3A_297 = tpu.memref_slice %arg4[%get3A_285, %dma_start3A_296] : memref<1100000x32xf32, #tpu.memory_space<hbm>> -> memref<1x32xf32, #tpu.memory_space<hbm>>
      %dma_start3A_298 = arith.constant 0 : i32
      %dma_start3A_299 = tpu.memref_slice %arg11[%scan3A_277, %dma_start3A_298] : memref<128x32xf32, #tpu.memory_space<vmem>> -> memref<1x32xf32, #tpu.memory_space<vmem>>
      %dma_start3A_300 = arith.constant 0 : i32
      %dma_start3A_301 = tpu.memref_slice %arg4[%get3A_285, %dma_start3A_300] : memref<1100000x32xf32, #tpu.memory_space<hbm>> -> memref<1x32xf32, #tpu.memory_space<hbm>>
      tpu.enqueue_dma source(%dma_start3A_301 : memref<1x32xf32, #tpu.memory_space<hbm>>) target(%dma_start3A_299 : memref<1x32xf32, #tpu.memory_space<vmem>>) target_semaphore(%arg15 : memref<!tpu.dma_semaphore, #tpu.memory_space<semaphore_mem>>)
    }
    %scan3A_36 = arith.constant 128 : i32
    %dma_wait3A_37 = arith.constant 0 : i32
    %dma_wait3A_38 = arith.constant 0 : i32
    %dma_wait3A_39 = tpu.memref_slice %arg4[%dma_wait3A_37, %dma_wait3A_38] : memref<1100000x32xf32, #tpu.memory_space<hbm>> -> memref<128x32xf32, #tpu.memory_space<hbm>>
    %dma_wait3A_40 = arith.constant 0 : i32
    %dma_wait3A_41 = arith.constant 0 : i32
    %dma_wait3A_42 = tpu.memref_slice %arg4[%dma_wait3A_40, %dma_wait3A_41] : memref<1100000x32xf32, #tpu.memory_space<hbm>> -> memref<128x32xf32, #tpu.memory_space<hbm>>
    tpu.wait_dma2 semaphore(%arg16 : memref<!tpu.dma_semaphore, #tpu.memory_space<semaphore_mem>>) src(%dma_wait3A_42 : memref<128x32xf32, #tpu.memory_space<hbm>>) dst(%arg12 : memref<128x32xf32, #tpu.memory_space<vmem>>)
    %dma_wait3A_43 = arith.constant 0 : i32
    %dma_wait3A_44 = arith.constant 0 : i32
    %dma_wait3A_45 = tpu.memref_slice %arg4[%dma_wait3A_43, %dma_wait3A_44] : memref<1100000x32xf32, #tpu.memory_space<hbm>> -> memref<128x32xf32, #tpu.memory_space<hbm>>
    %dma_wait3A_46 = arith.constant 0 : i32
    %dma_wait3A_47 = arith.constant 0 : i32
    %dma_wait3A_48 = tpu.memref_slice %arg4[%dma_wait3A_46, %dma_wait3A_47] : memref<1100000x32xf32, #tpu.memory_space<hbm>> -> memref<128x32xf32, #tpu.memory_space<hbm>>
    tpu.wait_dma2 semaphore(%arg16 : memref<!tpu.dma_semaphore, #tpu.memory_space<semaphore_mem>>) src(%dma_wait3A_48 : memref<128x32xf32, #tpu.memory_space<hbm>>) dst(%arg13 : memref<128x32xf32, #tpu.memory_space<vmem>>)
    %scan3A_49 = arith.constant 0 : i32
    %scan3A_50 = arith.constant 0 : i32
    %scan3A_51 = arith.constant 8 : i32
    %scan3A_52 = arith.addi %scan3A_50, %scan3A_51 : i32
    %scan3A_53 = arith.constant 1 : i32
    scf.for %scan3A_97 = %scan3A_50 to %scan3A_52 step %scan3A_53  : i32 {
      %mul3A_98 = arith.constant 16 : i32
      %mul3A_99 = arith.muli %scan3A_97, %mul3A_98 : i32
      %add3A_100 = vector.broadcast %mul3A_99 : i32 to vector<16xi32>
      %add3A_101 = arith.addi %add3A_100, %iota3A : vector<16xi32>
      %broadcast_in_dim3A = arith.constant 0.000000e+00 : f32
      %broadcast_in_dim3A_102 = vector.broadcast %broadcast_in_dim3A : f32 to vector<16xf32>
      %broadcast_in_dim3A_103 = arith.constant 0 : i32
      %broadcast_in_dim3A_104 = vector.broadcast %broadcast_in_dim3A_103 : i32 to vector<16xi32>
      %gather3A = tpu.vector_load_idx %arg12[%add3A_101, %broadcast_in_dim3A_104] : memref<128x32xf32, #tpu.memory_space<vmem>>[vector<16xi32>, vector<16xi32>], vector<16xf32>,
      %gather3A_105 = tpu.vector_load_idx %arg13[%add3A_101, %broadcast_in_dim3A_104] : memref<128x32xf32, #tpu.memory_space<vmem>>[vector<16xi32>, vector<16xi32>], vector<16xf32>,
      %mul3A_106 = arith.mulf %gather3A, %gather3A_105 : vector<16xf32>
      %add3A_107 = arith.addf %broadcast_in_dim3A_102, %mul3A_106 : vector<16xf32>
      %broadcast_in_dim3A_108 = arith.constant 1 : i32
      %broadcast_in_dim3A_109 = vector.broadcast %broadcast_in_dim3A_108 : i32 to vector<16xi32>
      %gather3A_110 = tpu.vector_load_idx %arg12[%add3A_101, %broadcast_in_dim3A_109] : memref<128x32xf32, #tpu.memory_space<vmem>>[vector<16xi32>, vector<16xi32>], vector<16xf32>,
      %gather3A_111 = tpu.vector_load_idx %arg13[%add3A_101, %broadcast_in_dim3A_109] : memref<128x32xf32, #tpu.memory_space<vmem>>[vector<16xi32>, vector<16xi32>], vector<16xf32>,
      %mul3A_112 = arith.mulf %gather3A_110, %gather3A_111 : vector<16xf32>
      %add3A_113 = arith.addf %add3A_107, %mul3A_112 : vector<16xf32>
      %broadcast_in_dim3A_114 = arith.constant 2 : i32
      %broadcast_in_dim3A_115 = vector.broadcast %broadcast_in_dim3A_114 : i32 to vector<16xi32>
      %gather3A_116 = tpu.vector_load_idx %arg12[%add3A_101, %broadcast_in_dim3A_115] : memref<128x32xf32, #tpu.memory_space<vmem>>[vector<16xi32>, vector<16xi32>], vector<16xf32>,
      %gather3A_117 = tpu.vector_load_idx %arg13[%add3A_101, %broadcast_in_dim3A_115] : memref<128x32xf32, #tpu.memory_space<vmem>>[vector<16xi32>, vector<16xi32>], vector<16xf32>,
      %mul3A_118 = arith.mulf %gather3A_116, %gather3A_117 : vector<16xf32>
      %add3A_119 = arith.addf %add3A_113, %mul3A_118 : vector<16xf32>
      %broadcast_in_dim3A_120 = arith.constant 3 : i32
      %broadcast_in_dim3A_121 = vector.broadcast %broadcast_in_dim3A_120 : i32 to vector<16xi32>
      %gather3A_122 = tpu.vector_load_idx %arg12[%add3A_101, %broadcast_in_dim3A_121] : memref<128x32xf32, #tpu.memory_space<vmem>>[vector<16xi32>, vector<16xi32>], vector<16xf32>,
      %gather3A_123 = tpu.vector_load_idx %arg13[%add3A_101, %broadcast_in_dim3A_121] : memref<128x32xf32, #tpu.memory_space<vmem>>[vector<16xi32>, vector<16xi32>], vector<16xf32>,
      %mul3A_124 = arith.mulf %gather3A_122, %gather3A_123 : vector<16xf32>
      %add3A_125 = arith.addf %add3A_119, %mul3A_124 : vector<16xf32>
      %broadcast_in_dim3A_126 = arith.constant 4 : i32
      %broadcast_in_dim3A_127 = vector.broadcast %broadcast_in_dim3A_126 : i32 to vector<16xi32>
      %gather3A_128 = tpu.vector_load_idx %arg12[%add3A_101, %broadcast_in_dim3A_127] : memref<128x32xf32, #tpu.memory_space<vmem>>[vector<16xi32>, vector<16xi32>], vector<16xf32>,
      %gather3A_129 = tpu.vector_load_idx %arg13[%add3A_101, %broadcast_in_dim3A_127] : memref<128x32xf32, #tpu.memory_space<vmem>>[vector<16xi32>, vector<16xi32>], vector<16xf32>,
      %mul3A_130 = arith.mulf %gather3A_128, %gather3A_129 : vector<16xf32>
      %add3A_131 = arith.addf %add3A_125, %mul3A_130 : vector<16xf32>
      %broadcast_in_dim3A_132 = arith.constant 5 : i32
      %broadcast_in_dim3A_133 = vector.broadcast %broadcast_in_dim3A_132 : i32 to vector<16xi32>
      %gather3A_134 = tpu.vector_load_idx %arg12[%add3A_101, %broadcast_in_dim3A_133] : memref<128x32xf32, #tpu.memory_space<vmem>>[vector<16xi32>, vector<16xi32>], vector<16xf32>,
      %gather3A_135 = tpu.vector_load_idx %arg13[%add3A_101, %broadcast_in_dim3A_133] : memref<128x32xf32, #tpu.memory_space<vmem>>[vector<16xi32>, vector<16xi32>], vector<16xf32>,
      %mul3A_136 = arith.mulf %gather3A_134, %gather3A_135 : vector<16xf32>
      %add3A_137 = arith.addf %add3A_131, %mul3A_136 : vector<16xf32>
      %broadcast_in_dim3A_138 = arith.constant 6 : i32
      %broadcast_in_dim3A_139 = vector.broadcast %broadcast_in_dim3A_138 : i32 to vector<16xi32>
      %gather3A_140 = tpu.vector_load_idx %arg12[%add3A_101, %broadcast_in_dim3A_139] : memref<128x32xf32, #tpu.memory_space<vmem>>[vector<16xi32>, vector<16xi32>], vector<16xf32>,
      %gather3A_141 = tpu.vector_load_idx %arg13[%add3A_101, %broadcast_in_dim3A_139] : memref<128x32xf32, #tpu.memory_space<vmem>>[vector<16xi32>, vector<16xi32>], vector<16xf32>,
      %mul3A_142 = arith.mulf %gather3A_140, %gather3A_141 : vector<16xf32>
      %add3A_143 = arith.addf %add3A_137, %mul3A_142 : vector<16xf32>
      %broadcast_in_dim3A_144 = arith.constant 7 : i32
      %broadcast_in_dim3A_145 = vector.broadcast %broadcast_in_dim3A_144 : i32 to vector<16xi32>
      %gather3A_146 = tpu.vector_load_idx %arg12[%add3A_101, %broadcast_in_dim3A_145] : memref<128x32xf32, #tpu.memory_space<vmem>>[vector<16xi32>, vector<16xi32>], vector<16xf32>,
      %gather3A_147 = tpu.vector_load_idx %arg13[%add3A_101, %broadcast_in_dim3A_145] : memref<128x32xf32, #tpu.memory_space<vmem>>[vector<16xi32>, vector<16xi32>], vector<16xf32>,
      %mul3A_148 = arith.mulf %gather3A_146, %gather3A_147 : vector<16xf32>
      %add3A_149 = arith.addf %add3A_143, %mul3A_148 : vector<16xf32>
      %broadcast_in_dim3A_150 = arith.constant 8 : i32
      %broadcast_in_dim3A_151 = vector.broadcast %broadcast_in_dim3A_150 : i32 to vector<16xi32>
      %gather3A_152 = tpu.vector_load_idx %arg12[%add3A_101, %broadcast_in_dim3A_151] : memref<128x32xf32, #tpu.memory_space<vmem>>[vector<16xi32>, vector<16xi32>], vector<16xf32>,
      %gather3A_153 = tpu.vector_load_idx %arg13[%add3A_101, %broadcast_in_dim3A_151] : memref<128x32xf32, #tpu.memory_space<vmem>>[vector<16xi32>, vector<16xi32>], vector<16xf32>,
      %mul3A_154 = arith.mulf %gather3A_152, %gather3A_153 : vector<16xf32>
      %add3A_155 = arith.addf %add3A_149, %mul3A_154 : vector<16xf32>
      %broadcast_in_dim3A_156 = arith.constant 9 : i32
      %broadcast_in_dim3A_157 = vector.broadcast %broadcast_in_dim3A_156 : i32 to vector<16xi32>
      %gather3A_158 = tpu.vector_load_idx %arg12[%add3A_101, %broadcast_in_dim3A_157] : memref<128x32xf32, #tpu.memory_space<vmem>>[vector<16xi32>, vector<16xi32>], vector<16xf32>,
      %gather3A_159 = tpu.vector_load_idx %arg13[%add3A_101, %broadcast_in_dim3A_157] : memref<128x32xf32, #tpu.memory_space<vmem>>[vector<16xi32>, vector<16xi32>], vector<16xf32>,
      %mul3A_160 = arith.mulf %gather3A_158, %gather3A_159 : vector<16xf32>
      %add3A_161 = arith.addf %add3A_155, %mul3A_160 : vector<16xf32>
      %broadcast_in_dim3A_162 = arith.constant 10 : i32
      %broadcast_in_dim3A_163 = vector.broadcast %broadcast_in_dim3A_162 : i32 to vector<16xi32>
      %gather3A_164 = tpu.vector_load_idx %arg12[%add3A_101, %broadcast_in_dim3A_163] : memref<128x32xf32, #tpu.memory_space<vmem>>[vector<16xi32>, vector<16xi32>], vector<16xf32>,
      %gather3A_165 = tpu.vector_load_idx %arg13[%add3A_101, %broadcast_in_dim3A_163] : memref<128x32xf32, #tpu.memory_space<vmem>>[vector<16xi32>, vector<16xi32>], vector<16xf32>,
      %mul3A_166 = arith.mulf %gather3A_164, %gather3A_165 : vector<16xf32>
      %add3A_167 = arith.addf %add3A_161, %mul3A_166 : vector<16xf32>
      %broadcast_in_dim3A_168 = arith.constant 11 : i32
      %broadcast_in_dim3A_169 = vector.broadcast %broadcast_in_dim3A_168 : i32 to vector<16xi32>
      %gather3A_170 = tpu.vector_load_idx %arg12[%add3A_101, %broadcast_in_dim3A_169] : memref<128x32xf32, #tpu.memory_space<vmem>>[vector<16xi32>, vector<16xi32>], vector<16xf32>,
      %gather3A_171 = tpu.vector_load_idx %arg13[%add3A_101, %broadcast_in_dim3A_169] : memref<128x32xf32, #tpu.memory_space<vmem>>[vector<16xi32>, vector<16xi32>], vector<16xf32>,
      %mul3A_172 = arith.mulf %gather3A_170, %gather3A_171 : vector<16xf32>
      %add3A_173 = arith.addf %add3A_167, %mul3A_172 : vector<16xf32>
      %broadcast_in_dim3A_174 = arith.constant 12 : i32
      %broadcast_in_dim3A_175 = vector.broadcast %broadcast_in_dim3A_174 : i32 to vector<16xi32>
      %gather3A_176 = tpu.vector_load_idx %arg12[%add3A_101, %broadcast_in_dim3A_175] : memref<128x32xf32, #tpu.memory_space<vmem>>[vector<16xi32>, vector<16xi32>], vector<16xf32>,
      %gather3A_177 = tpu.vector_load_idx %arg13[%add3A_101, %broadcast_in_dim3A_175] : memref<128x32xf32, #tpu.memory_space<vmem>>[vector<16xi32>, vector<16xi32>], vector<16xf32>,
      %mul3A_178 = arith.mulf %gather3A_176, %gather3A_177 : vector<16xf32>
      %add3A_179 = arith.addf %add3A_173, %mul3A_178 : vector<16xf32>
      %broadcast_in_dim3A_180 = arith.constant 13 : i32
      %broadcast_in_dim3A_181 = vector.broadcast %broadcast_in_dim3A_180 : i32 to vector<16xi32>
      %gather3A_182 = tpu.vector_load_idx %arg12[%add3A_101, %broadcast_in_dim3A_181] : memref<128x32xf32, #tpu.memory_space<vmem>>[vector<16xi32>, vector<16xi32>], vector<16xf32>,
      %gather3A_183 = tpu.vector_load_idx %arg13[%add3A_101, %broadcast_in_dim3A_181] : memref<128x32xf32, #tpu.memory_space<vmem>>[vector<16xi32>, vector<16xi32>], vector<16xf32>,
      %mul3A_184 = arith.mulf %gather3A_182, %gather3A_183 : vector<16xf32>
      %add3A_185 = arith.addf %add3A_179, %mul3A_184 : vector<16xf32>
      %broadcast_in_dim3A_186 = arith.constant 14 : i32
      %broadcast_in_dim3A_187 = vector.broadcast %broadcast_in_dim3A_186 : i32 to vector<16xi32>
      %gather3A_188 = tpu.vector_load_idx %arg12[%add3A_101, %broadcast_in_dim3A_187] : memref<128x32xf32, #tpu.memory_space<vmem>>[vector<16xi32>, vector<16xi32>], vector<16xf32>,
      %gather3A_189 = tpu.vector_load_idx %arg13[%add3A_101, %broadcast_in_dim3A_187] : memref<128x32xf32, #tpu.memory_space<vmem>>[vector<16xi32>, vector<16xi32>], vector<16xf32>,
      %mul3A_190 = arith.mulf %gather3A_188, %gather3A_189 : vector<16xf32>
      %add3A_191 = arith.addf %add3A_185, %mul3A_190 : vector<16xf32>
      %broadcast_in_dim3A_192 = arith.constant 15 : i32
      %broadcast_in_dim3A_193 = vector.broadcast %broadcast_in_dim3A_192 : i32 to vector<16xi32>
      %gather3A_194 = tpu.vector_load_idx %arg12[%add3A_101, %broadcast_in_dim3A_193] : memref<128x32xf32, #tpu.memory_space<vmem>>[vector<16xi32>, vector<16xi32>], vector<16xf32>,
      %gather3A_195 = tpu.vector_load_idx %arg13[%add3A_101, %broadcast_in_dim3A_193] : memref<128x32xf32, #tpu.memory_space<vmem>>[vector<16xi32>, vector<16xi32>], vector<16xf32>,
      %mul3A_196 = arith.mulf %gather3A_194, %gather3A_195 : vector<16xf32>
      %add3A_197 = arith.addf %add3A_191, %mul3A_196 : vector<16xf32>
      %broadcast_in_dim3A_198 = arith.constant 16 : i32
      %broadcast_in_dim3A_199 = vector.broadcast %broadcast_in_dim3A_198 : i32 to vector<16xi32>
      %gather3A_200 = tpu.vector_load_idx %arg12[%add3A_101, %broadcast_in_dim3A_199] : memref<128x32xf32, #tpu.memory_space<vmem>>[vector<16xi32>, vector<16xi32>], vector<16xf32>,
      %gather3A_201 = tpu.vector_load_idx %arg13[%add3A_101, %broadcast_in_dim3A_199] : memref<128x32xf32, #tpu.memory_space<vmem>>[vector<16xi32>, vector<16xi32>], vector<16xf32>,
      %mul3A_202 = arith.mulf %gather3A_200, %gather3A_201 : vector<16xf32>
      %add3A_203 = arith.addf %add3A_197, %mul3A_202 : vector<16xf32>
      %broadcast_in_dim3A_204 = arith.constant 17 : i32
      %broadcast_in_dim3A_205 = vector.broadcast %broadcast_in_dim3A_204 : i32 to vector<16xi32>
      %gather3A_206 = tpu.vector_load_idx %arg12[%add3A_101, %broadcast_in_dim3A_205] : memref<128x32xf32, #tpu.memory_space<vmem>>[vector<16xi32>, vector<16xi32>], vector<16xf32>,
      %gather3A_207 = tpu.vector_load_idx %arg13[%add3A_101, %broadcast_in_dim3A_205] : memref<128x32xf32, #tpu.memory_space<vmem>>[vector<16xi32>, vector<16xi32>], vector<16xf32>,
      %mul3A_208 = arith.mulf %gather3A_206, %gather3A_207 : vector<16xf32>
      %add3A_209 = arith.addf %add3A_203, %mul3A_208 : vector<16xf32>
      %broadcast_in_dim3A_210 = arith.constant 18 : i32
      %broadcast_in_dim3A_211 = vector.broadcast %broadcast_in_dim3A_210 : i32 to vector<16xi32>
      %gather3A_212 = tpu.vector_load_idx %arg12[%add3A_101, %broadcast_in_dim3A_211] : memref<128x32xf32, #tpu.memory_space<vmem>>[vector<16xi32>, vector<16xi32>], vector<16xf32>,
      %gather3A_213 = tpu.vector_load_idx %arg13[%add3A_101, %broadcast_in_dim3A_211] : memref<128x32xf32, #tpu.memory_space<vmem>>[vector<16xi32>, vector<16xi32>], vector<16xf32>,
      %mul3A_214 = arith.mulf %gather3A_212, %gather3A_213 : vector<16xf32>
      %add3A_215 = arith.addf %add3A_209, %mul3A_214 : vector<16xf32>
      %broadcast_in_dim3A_216 = arith.constant 19 : i32
      %broadcast_in_dim3A_217 = vector.broadcast %broadcast_in_dim3A_216 : i32 to vector<16xi32>
      %gather3A_218 = tpu.vector_load_idx %arg12[%add3A_101, %broadcast_in_dim3A_217] : memref<128x32xf32, #tpu.memory_space<vmem>>[vector<16xi32>, vector<16xi32>], vector<16xf32>,
      %gather3A_219 = tpu.vector_load_idx %arg13[%add3A_101, %broadcast_in_dim3A_217] : memref<128x32xf32, #tpu.memory_space<vmem>>[vector<16xi32>, vector<16xi32>], vector<16xf32>,
      %mul3A_220 = arith.mulf %gather3A_218, %gather3A_219 : vector<16xf32>
      %add3A_221 = arith.addf %add3A_215, %mul3A_220 : vector<16xf32>
      %broadcast_in_dim3A_222 = arith.constant 20 : i32
      %broadcast_in_dim3A_223 = vector.broadcast %broadcast_in_dim3A_222 : i32 to vector<16xi32>
      %gather3A_224 = tpu.vector_load_idx %arg12[%add3A_101, %broadcast_in_dim3A_223] : memref<128x32xf32, #tpu.memory_space<vmem>>[vector<16xi32>, vector<16xi32>], vector<16xf32>,
      %gather3A_225 = tpu.vector_load_idx %arg13[%add3A_101, %broadcast_in_dim3A_223] : memref<128x32xf32, #tpu.memory_space<vmem>>[vector<16xi32>, vector<16xi32>], vector<16xf32>,
      %mul3A_226 = arith.mulf %gather3A_224, %gather3A_225 : vector<16xf32>
      %add3A_227 = arith.addf %add3A_221, %mul3A_226 : vector<16xf32>
      %broadcast_in_dim3A_228 = arith.constant 21 : i32
      %broadcast_in_dim3A_229 = vector.broadcast %broadcast_in_dim3A_228 : i32 to vector<16xi32>
      %gather3A_230 = tpu.vector_load_idx %arg12[%add3A_101, %broadcast_in_dim3A_229] : memref<128x32xf32, #tpu.memory_space<vmem>>[vector<16xi32>, vector<16xi32>], vector<16xf32>,
      %gather3A_231 = tpu.vector_load_idx %arg13[%add3A_101, %broadcast_in_dim3A_229] : memref<128x32xf32, #tpu.memory_space<vmem>>[vector<16xi32>, vector<16xi32>], vector<16xf32>,
      %mul3A_232 = arith.mulf %gather3A_230, %gather3A_231 : vector<16xf32>
      %add3A_233 = arith.addf %add3A_227, %mul3A_232 : vector<16xf32>
      %broadcast_in_dim3A_234 = arith.constant 22 : i32
      %broadcast_in_dim3A_235 = vector.broadcast %broadcast_in_dim3A_234 : i32 to vector<16xi32>
      %gather3A_236 = tpu.vector_load_idx %arg12[%add3A_101, %broadcast_in_dim3A_235] : memref<128x32xf32, #tpu.memory_space<vmem>>[vector<16xi32>, vector<16xi32>], vector<16xf32>,
      %gather3A_237 = tpu.vector_load_idx %arg13[%add3A_101, %broadcast_in_dim3A_235] : memref<128x32xf32, #tpu.memory_space<vmem>>[vector<16xi32>, vector<16xi32>], vector<16xf32>,
      %mul3A_238 = arith.mulf %gather3A_236, %gather3A_237 : vector<16xf32>
      %add3A_239 = arith.addf %add3A_233, %mul3A_238 : vector<16xf32>
      %broadcast_in_dim3A_240 = arith.constant 23 : i32
      %broadcast_in_dim3A_241 = vector.broadcast %broadcast_in_dim3A_240 : i32 to vector<16xi32>
      %gather3A_242 = tpu.vector_load_idx %arg12[%add3A_101, %broadcast_in_dim3A_241] : memref<128x32xf32, #tpu.memory_space<vmem>>[vector<16xi32>, vector<16xi32>], vector<16xf32>,
      %gather3A_243 = tpu.vector_load_idx %arg13[%add3A_101, %broadcast_in_dim3A_241] : memref<128x32xf32, #tpu.memory_space<vmem>>[vector<16xi32>, vector<16xi32>], vector<16xf32>,
      %mul3A_244 = arith.mulf %gather3A_242, %gather3A_243 : vector<16xf32>
      %add3A_245 = arith.addf %add3A_239, %mul3A_244 : vector<16xf32>
      %broadcast_in_dim3A_246 = arith.constant 24 : i32
      %broadcast_in_dim3A_247 = vector.broadcast %broadcast_in_dim3A_246 : i32 to vector<16xi32>
      %gather3A_248 = tpu.vector_load_idx %arg12[%add3A_101, %broadcast_in_dim3A_247] : memref<128x32xf32, #tpu.memory_space<vmem>>[vector<16xi32>, vector<16xi32>], vector<16xf32>,
      %gather3A_249 = tpu.vector_load_idx %arg13[%add3A_101, %broadcast_in_dim3A_247] : memref<128x32xf32, #tpu.memory_space<vmem>>[vector<16xi32>, vector<16xi32>], vector<16xf32>,
      %mul3A_250 = arith.mulf %gather3A_248, %gather3A_249 : vector<16xf32>
      %add3A_251 = arith.addf %add3A_245, %mul3A_250 : vector<16xf32>
      %broadcast_in_dim3A_252 = arith.constant 25 : i32
      %broadcast_in_dim3A_253 = vector.broadcast %broadcast_in_dim3A_252 : i32 to vector<16xi32>
      %gather3A_254 = tpu.vector_load_idx %arg12[%add3A_101, %broadcast_in_dim3A_253] : memref<128x32xf32, #tpu.memory_space<vmem>>[vector<16xi32>, vector<16xi32>], vector<16xf32>,
      %gather3A_255 = tpu.vector_load_idx %arg13[%add3A_101, %broadcast_in_dim3A_253] : memref<128x32xf32, #tpu.memory_space<vmem>>[vector<16xi32>, vector<16xi32>], vector<16xf32>,
      %mul3A_256 = arith.mulf %gather3A_254, %gather3A_255 : vector<16xf32>
      %add3A_257 = arith.addf %add3A_251, %mul3A_256 : vector<16xf32>
      %broadcast_in_dim3A_258 = arith.constant 26 : i32
      %broadcast_in_dim3A_259 = vector.broadcast %broadcast_in_dim3A_258 : i32 to vector<16xi32>
      %gather3A_260 = tpu.vector_load_idx %arg12[%add3A_101, %broadcast_in_dim3A_259] : memref<128x32xf32, #tpu.memory_space<vmem>>[vector<16xi32>, vector<16xi32>], vector<16xf32>,
      %gather3A_261 = tpu.vector_load_idx %arg13[%add3A_101, %broadcast_in_dim3A_259] : memref<128x32xf32, #tpu.memory_space<vmem>>[vector<16xi32>, vector<16xi32>], vector<16xf32>,
      %mul3A_262 = arith.mulf %gather3A_260, %gather3A_261 : vector<16xf32>
      %add3A_263 = arith.addf %add3A_257, %mul3A_262 : vector<16xf32>
      %broadcast_in_dim3A_264 = arith.constant 27 : i32
      %broadcast_in_dim3A_265 = vector.broadcast %broadcast_in_dim3A_264 : i32 to vector<16xi32>
      %gather3A_266 = tpu.vector_load_idx %arg12[%add3A_101, %broadcast_in_dim3A_265] : memref<128x32xf32, #tpu.memory_space<vmem>>[vector<16xi32>, vector<16xi32>], vector<16xf32>,
      %gather3A_267 = tpu.vector_load_idx %arg13[%add3A_101, %broadcast_in_dim3A_265] : memref<128x32xf32, #tpu.memory_space<vmem>>[vector<16xi32>, vector<16xi32>], vector<16xf32>,
      %mul3A_268 = arith.mulf %gather3A_266, %gather3A_267 : vector<16xf32>
      %add3A_269 = arith.addf %add3A_263, %mul3A_268 : vector<16xf32>
      %broadcast_in_dim3A_270 = arith.constant 28 : i32
      %broadcast_in_dim3A_271 = vector.broadcast %broadcast_in_dim3A_270 : i32 to vector<16xi32>
      %gather3A_272 = tpu.vector_load_idx %arg12[%add3A_101, %broadcast_in_dim3A_271] : memref<128x32xf32, #tpu.memory_space<vmem>>[vector<16xi32>, vector<16xi32>], vector<16xf32>,
      %gather3A_273 = tpu.vector_load_idx %arg13[%add3A_101, %broadcast_in_dim3A_271] : memref<128x32xf32, #tpu.memory_space<vmem>>[vector<16xi32>, vector<16xi32>], vector<16xf32>,
      %mul3A_274 = arith.mulf %gather3A_272, %gather3A_273 : vector<16xf32>
      %add3A_275 = arith.addf %add3A_269, %mul3A_274 : vector<16xf32>
      %broadcast_in_dim3A_276 = arith.constant 29 : i32
      %broadcast_in_dim3A_277 = vector.broadcast %broadcast_in_dim3A_276 : i32 to vector<16xi32>
      %gather3A_278 = tpu.vector_load_idx %arg12[%add3A_101, %broadcast_in_dim3A_277] : memref<128x32xf32, #tpu.memory_space<vmem>>[vector<16xi32>, vector<16xi32>], vector<16xf32>,
      %gather3A_279 = tpu.vector_load_idx %arg13[%add3A_101, %broadcast_in_dim3A_277] : memref<128x32xf32, #tpu.memory_space<vmem>>[vector<16xi32>, vector<16xi32>], vector<16xf32>,
      %mul3A_280 = arith.mulf %gather3A_278, %gather3A_279 : vector<16xf32>
      %add3A_281 = arith.addf %add3A_275, %mul3A_280 : vector<16xf32>
      %broadcast_in_dim3A_282 = arith.constant 30 : i32
      %broadcast_in_dim3A_283 = vector.broadcast %broadcast_in_dim3A_282 : i32 to vector<16xi32>
      %gather3A_284 = tpu.vector_load_idx %arg12[%add3A_101, %broadcast_in_dim3A_283] : memref<128x32xf32, #tpu.memory_space<vmem>>[vector<16xi32>, vector<16xi32>], vector<16xf32>,
      %gather3A_285 = tpu.vector_load_idx %arg13[%add3A_101, %broadcast_in_dim3A_283] : memref<128x32xf32, #tpu.memory_space<vmem>>[vector<16xi32>, vector<16xi32>], vector<16xf32>,
      %mul3A_286 = arith.mulf %gather3A_284, %gather3A_285 : vector<16xf32>
      %add3A_287 = arith.addf %add3A_281, %mul3A_286 : vector<16xf32>
      %broadcast_in_dim3A_288 = arith.constant 31 : i32
      %broadcast_in_dim3A_289 = vector.broadcast %broadcast_in_dim3A_288 : i32 to vector<16xi32>
      %gather3A_290 = tpu.vector_load_idx %arg12[%add3A_101, %broadcast_in_dim3A_289] : memref<128x32xf32, #tpu.memory_space<vmem>>[vector<16xi32>, vector<16xi32>], vector<16xf32>,
      %gather3A_291 = tpu.vector_load_idx %arg13[%add3A_101, %broadcast_in_dim3A_289] : memref<128x32xf32, #tpu.memory_space<vmem>>[vector<16xi32>, vector<16xi32>], vector<16xf32>,
      %mul3A_292 = arith.mulf %gather3A_290, %gather3A_291 : vector<16xf32>
      %add3A_293 = arith.addf %add3A_287, %mul3A_292 : vector<16xf32>
      %mul3A_294 = arith.constant 16 : i32
      %mul3A_295 = arith.muli %scan3A_97, %mul3A_294 : i32
      %add3A_296 = arith.constant 128 : i32
      %add3A_297 = arith.addi %add3A_296, %mul3A_295 : i32
      %swap3A = arith.index_cast %add3A_297 : i32 to index
      %swap3A_298 = tpu.vector_load %arg14[%swap3A] {strides = array<i32>} : memref<512xf32, #tpu.memory_space<vmem>>, vector<16xf32>,
      tpu.vector_store %arg14[%swap3A], %add3A_293 {strides = array<i32>} : memref<512xf32, #tpu.memory_space<vmem>>, vector<16xf32>,
    }
    %scan3A_54 = arith.constant 8 : i32
    %scan3A_55 = arith.constant 0 : i32
    %scan3A_56 = arith.constant 0 : i32
    %scan3A_57 = arith.constant 128 : i32
    %scan3A_58 = arith.addi %scan3A_56, %scan3A_57 : i32
    %scan3A_59 = arith.constant 8 : i32
    scf.for %scan3A_97 = %scan3A_56 to %scan3A_58 step %scan3A_59  : i32 {
      %add3A_98 = arith.constant 384 : i32
      %add3A_99 = arith.addi %add3A_98, %scan3A_97 : i32
      %get3A = arith.index_cast %add3A_99 : i32 to index
      %get3A_100 = memref.load %arg8[%get3A] : memref<512xi32, #tpu.memory_space<smem>>
      %add3A_101 = arith.constant 384 : i32
      %add3A_102 = arith.addi %add3A_101, %scan3A_97 : i32
      %get3A_103 = arith.index_cast %add3A_102 : i32 to index
      %get3A_104 = memref.load %arg9[%get3A_103] : memref<512xi32, #tpu.memory_space<smem>>
      %dma_start3A = arith.constant 0 : i32
      %dma_start3A_105 = tpu.memref_slice %arg12[%scan3A_97, %dma_start3A] : memref<128x32xf32, #tpu.memory_space<vmem>> -> memref<1x32xf32, #tpu.memory_space<vmem>>
      %dma_start3A_106 = arith.constant 0 : i32
      %dma_start3A_107 = tpu.memref_slice %arg4[%get3A_100, %dma_start3A_106] : memref<1100000x32xf32, #tpu.memory_space<hbm>> -> memref<1x32xf32, #tpu.memory_space<hbm>>
      %dma_start3A_108 = arith.constant 0 : i32
      %dma_start3A_109 = tpu.memref_slice %arg12[%scan3A_97, %dma_start3A_108] : memref<128x32xf32, #tpu.memory_space<vmem>> -> memref<1x32xf32, #tpu.memory_space<vmem>>
      %dma_start3A_110 = arith.constant 0 : i32
      %dma_start3A_111 = tpu.memref_slice %arg4[%get3A_100, %dma_start3A_110] : memref<1100000x32xf32, #tpu.memory_space<hbm>> -> memref<1x32xf32, #tpu.memory_space<hbm>>
      tpu.enqueue_dma source(%dma_start3A_111 : memref<1x32xf32, #tpu.memory_space<hbm>>) target(%dma_start3A_109 : memref<1x32xf32, #tpu.memory_space<vmem>>) target_semaphore(%arg16 : memref<!tpu.dma_semaphore, #tpu.memory_space<semaphore_mem>>)
      %dma_start3A_112 = arith.constant 0 : i32
      %dma_start3A_113 = tpu.memref_slice %arg13[%scan3A_97, %dma_start3A_112] : memref<128x32xf32, #tpu.memory_space<vmem>> -> memref<1x32xf32, #tpu.memory_space<vmem>>
      %dma_start3A_114 = arith.constant 0 : i32
      %dma_start3A_115 = tpu.memref_slice %arg4[%get3A_104, %dma_start3A_114] : memref<1100000x32xf32, #tpu.memory_space<hbm>> -> memref<1x32xf32, #tpu.memory_space<hbm>>
      %dma_start3A_116 = arith.constant 0 : i32
      %dma_start3A_117 = tpu.memref_slice %arg13[%scan3A_97, %dma_start3A_116] : memref<128x32xf32, #tpu.memory_space<vmem>> -> memref<1x32xf32, #tpu.memory_space<vmem>>
      %dma_start3A_118 = arith.constant 0 : i32
      %dma_start3A_119 = tpu.memref_slice %arg4[%get3A_104, %dma_start3A_118] : memref<1100000x32xf32, #tpu.memory_space<hbm>> -> memref<1x32xf32, #tpu.memory_space<hbm>>
      tpu.enqueue_dma source(%dma_start3A_119 : memref<1x32xf32, #tpu.memory_space<hbm>>) target(%dma_start3A_117 : memref<1x32xf32, #tpu.memory_space<vmem>>) target_semaphore(%arg16 : memref<!tpu.dma_semaphore, #tpu.memory_space<semaphore_mem>>)
      %scan3A_120 = arith.constant 1 : i32
      %scan3A_121 = arith.addi %scan3A_97, %scan3A_120 : i32
      %add3A_122 = arith.constant 384 : i32
      %add3A_123 = arith.addi %add3A_122, %scan3A_121 : i32
      %get3A_124 = arith.index_cast %add3A_123 : i32 to index
      %get3A_125 = memref.load %arg8[%get3A_124] : memref<512xi32, #tpu.memory_space<smem>>
      %add3A_126 = arith.constant 384 : i32
      %add3A_127 = arith.addi %add3A_126, %scan3A_121 : i32
      %get3A_128 = arith.index_cast %add3A_127 : i32 to index
      %get3A_129 = memref.load %arg9[%get3A_128] : memref<512xi32, #tpu.memory_space<smem>>
      %dma_start3A_130 = arith.constant 0 : i32
      %dma_start3A_131 = tpu.memref_slice %arg12[%scan3A_121, %dma_start3A_130] : memref<128x32xf32, #tpu.memory_space<vmem>> -> memref<1x32xf32, #tpu.memory_space<vmem>>
      %dma_start3A_132 = arith.constant 0 : i32
      %dma_start3A_133 = tpu.memref_slice %arg4[%get3A_125, %dma_start3A_132] : memref<1100000x32xf32, #tpu.memory_space<hbm>> -> memref<1x32xf32, #tpu.memory_space<hbm>>
      %dma_start3A_134 = arith.constant 0 : i32
      %dma_start3A_135 = tpu.memref_slice %arg12[%scan3A_121, %dma_start3A_134] : memref<128x32xf32, #tpu.memory_space<vmem>> -> memref<1x32xf32, #tpu.memory_space<vmem>>
      %dma_start3A_136 = arith.constant 0 : i32
      %dma_start3A_137 = tpu.memref_slice %arg4[%get3A_125, %dma_start3A_136] : memref<1100000x32xf32, #tpu.memory_space<hbm>> -> memref<1x32xf32, #tpu.memory_space<hbm>>
      tpu.enqueue_dma source(%dma_start3A_137 : memref<1x32xf32, #tpu.memory_space<hbm>>) target(%dma_start3A_135 : memref<1x32xf32, #tpu.memory_space<vmem>>) target_semaphore(%arg16 : memref<!tpu.dma_semaphore, #tpu.memory_space<semaphore_mem>>)
      %dma_start3A_138 = arith.constant 0 : i32
      %dma_start3A_139 = tpu.memref_slice %arg13[%scan3A_121, %dma_start3A_138] : memref<128x32xf32, #tpu.memory_space<vmem>> -> memref<1x32xf32, #tpu.memory_space<vmem>>
      %dma_start3A_140 = arith.constant 0 : i32
      %dma_start3A_141 = tpu.memref_slice %arg4[%get3A_129, %dma_start3A_140] : memref<1100000x32xf32, #tpu.memory_space<hbm>> -> memref<1x32xf32, #tpu.memory_space<hbm>>
      %dma_start3A_142 = arith.constant 0 : i32
      %dma_start3A_143 = tpu.memref_slice %arg13[%scan3A_121, %dma_start3A_142] : memref<128x32xf32, #tpu.memory_space<vmem>> -> memref<1x32xf32, #tpu.memory_space<vmem>>
      %dma_start3A_144 = arith.constant 0 : i32
      %dma_start3A_145 = tpu.memref_slice %arg4[%get3A_129, %dma_start3A_144] : memref<1100000x32xf32, #tpu.memory_space<hbm>> -> memref<1x32xf32, #tpu.memory_space<hbm>>
      tpu.enqueue_dma source(%dma_start3A_145 : memref<1x32xf32, #tpu.memory_space<hbm>>) target(%dma_start3A_143 : memref<1x32xf32, #tpu.memory_space<vmem>>) target_semaphore(%arg16 : memref<!tpu.dma_semaphore, #tpu.memory_space<semaphore_mem>>)
      %scan3A_146 = arith.constant 2 : i32
      %scan3A_147 = arith.addi %scan3A_97, %scan3A_146 : i32
      %add3A_148 = arith.constant 384 : i32
      %add3A_149 = arith.addi %add3A_148, %scan3A_147 : i32
      %get3A_150 = arith.index_cast %add3A_149 : i32 to index
      %get3A_151 = memref.load %arg8[%get3A_150] : memref<512xi32, #tpu.memory_space<smem>>
      %add3A_152 = arith.constant 384 : i32
      %add3A_153 = arith.addi %add3A_152, %scan3A_147 : i32
      %get3A_154 = arith.index_cast %add3A_153 : i32 to index
      %get3A_155 = memref.load %arg9[%get3A_154] : memref<512xi32, #tpu.memory_space<smem>>
      %dma_start3A_156 = arith.constant 0 : i32
      %dma_start3A_157 = tpu.memref_slice %arg12[%scan3A_147, %dma_start3A_156] : memref<128x32xf32, #tpu.memory_space<vmem>> -> memref<1x32xf32, #tpu.memory_space<vmem>>
      %dma_start3A_158 = arith.constant 0 : i32
      %dma_start3A_159 = tpu.memref_slice %arg4[%get3A_151, %dma_start3A_158] : memref<1100000x32xf32, #tpu.memory_space<hbm>> -> memref<1x32xf32, #tpu.memory_space<hbm>>
      %dma_start3A_160 = arith.constant 0 : i32
      %dma_start3A_161 = tpu.memref_slice %arg12[%scan3A_147, %dma_start3A_160] : memref<128x32xf32, #tpu.memory_space<vmem>> -> memref<1x32xf32, #tpu.memory_space<vmem>>
      %dma_start3A_162 = arith.constant 0 : i32
      %dma_start3A_163 = tpu.memref_slice %arg4[%get3A_151, %dma_start3A_162] : memref<1100000x32xf32, #tpu.memory_space<hbm>> -> memref<1x32xf32, #tpu.memory_space<hbm>>
      tpu.enqueue_dma source(%dma_start3A_163 : memref<1x32xf32, #tpu.memory_space<hbm>>) target(%dma_start3A_161 : memref<1x32xf32, #tpu.memory_space<vmem>>) target_semaphore(%arg16 : memref<!tpu.dma_semaphore, #tpu.memory_space<semaphore_mem>>)
      %dma_start3A_164 = arith.constant 0 : i32
      %dma_start3A_165 = tpu.memref_slice %arg13[%scan3A_147, %dma_start3A_164] : memref<128x32xf32, #tpu.memory_space<vmem>> -> memref<1x32xf32, #tpu.memory_space<vmem>>
      %dma_start3A_166 = arith.constant 0 : i32
      %dma_start3A_167 = tpu.memref_slice %arg4[%get3A_155, %dma_start3A_166] : memref<1100000x32xf32, #tpu.memory_space<hbm>> -> memref<1x32xf32, #tpu.memory_space<hbm>>
      %dma_start3A_168 = arith.constant 0 : i32
      %dma_start3A_169 = tpu.memref_slice %arg13[%scan3A_147, %dma_start3A_168] : memref<128x32xf32, #tpu.memory_space<vmem>> -> memref<1x32xf32, #tpu.memory_space<vmem>>
      %dma_start3A_170 = arith.constant 0 : i32
      %dma_start3A_171 = tpu.memref_slice %arg4[%get3A_155, %dma_start3A_170] : memref<1100000x32xf32, #tpu.memory_space<hbm>> -> memref<1x32xf32, #tpu.memory_space<hbm>>
      tpu.enqueue_dma source(%dma_start3A_171 : memref<1x32xf32, #tpu.memory_space<hbm>>) target(%dma_start3A_169 : memref<1x32xf32, #tpu.memory_space<vmem>>) target_semaphore(%arg16 : memref<!tpu.dma_semaphore, #tpu.memory_space<semaphore_mem>>)
      %scan3A_172 = arith.constant 3 : i32
      %scan3A_173 = arith.addi %scan3A_97, %scan3A_172 : i32
      %add3A_174 = arith.constant 384 : i32
      %add3A_175 = arith.addi %add3A_174, %scan3A_173 : i32
      %get3A_176 = arith.index_cast %add3A_175 : i32 to index
      %get3A_177 = memref.load %arg8[%get3A_176] : memref<512xi32, #tpu.memory_space<smem>>
      %add3A_178 = arith.constant 384 : i32
      %add3A_179 = arith.addi %add3A_178, %scan3A_173 : i32
      %get3A_180 = arith.index_cast %add3A_179 : i32 to index
      %get3A_181 = memref.load %arg9[%get3A_180] : memref<512xi32, #tpu.memory_space<smem>>
      %dma_start3A_182 = arith.constant 0 : i32
      %dma_start3A_183 = tpu.memref_slice %arg12[%scan3A_173, %dma_start3A_182] : memref<128x32xf32, #tpu.memory_space<vmem>> -> memref<1x32xf32, #tpu.memory_space<vmem>>
      %dma_start3A_184 = arith.constant 0 : i32
      %dma_start3A_185 = tpu.memref_slice %arg4[%get3A_177, %dma_start3A_184] : memref<1100000x32xf32, #tpu.memory_space<hbm>> -> memref<1x32xf32, #tpu.memory_space<hbm>>
      %dma_start3A_186 = arith.constant 0 : i32
      %dma_start3A_187 = tpu.memref_slice %arg12[%scan3A_173, %dma_start3A_186] : memref<128x32xf32, #tpu.memory_space<vmem>> -> memref<1x32xf32, #tpu.memory_space<vmem>>
      %dma_start3A_188 = arith.constant 0 : i32
      %dma_start3A_189 = tpu.memref_slice %arg4[%get3A_177, %dma_start3A_188] : memref<1100000x32xf32, #tpu.memory_space<hbm>> -> memref<1x32xf32, #tpu.memory_space<hbm>>
      tpu.enqueue_dma source(%dma_start3A_189 : memref<1x32xf32, #tpu.memory_space<hbm>>) target(%dma_start3A_187 : memref<1x32xf32, #tpu.memory_space<vmem>>) target_semaphore(%arg16 : memref<!tpu.dma_semaphore, #tpu.memory_space<semaphore_mem>>)
      %dma_start3A_190 = arith.constant 0 : i32
      %dma_start3A_191 = tpu.memref_slice %arg13[%scan3A_173, %dma_start3A_190] : memref<128x32xf32, #tpu.memory_space<vmem>> -> memref<1x32xf32, #tpu.memory_space<vmem>>
      %dma_start3A_192 = arith.constant 0 : i32
      %dma_start3A_193 = tpu.memref_slice %arg4[%get3A_181, %dma_start3A_192] : memref<1100000x32xf32, #tpu.memory_space<hbm>> -> memref<1x32xf32, #tpu.memory_space<hbm>>
      %dma_start3A_194 = arith.constant 0 : i32
      %dma_start3A_195 = tpu.memref_slice %arg13[%scan3A_173, %dma_start3A_194] : memref<128x32xf32, #tpu.memory_space<vmem>> -> memref<1x32xf32, #tpu.memory_space<vmem>>
      %dma_start3A_196 = arith.constant 0 : i32
      %dma_start3A_197 = tpu.memref_slice %arg4[%get3A_181, %dma_start3A_196] : memref<1100000x32xf32, #tpu.memory_space<hbm>> -> memref<1x32xf32, #tpu.memory_space<hbm>>
      tpu.enqueue_dma source(%dma_start3A_197 : memref<1x32xf32, #tpu.memory_space<hbm>>) target(%dma_start3A_195 : memref<1x32xf32, #tpu.memory_space<vmem>>) target_semaphore(%arg16 : memref<!tpu.dma_semaphore, #tpu.memory_space<semaphore_mem>>)
      %scan3A_198 = arith.constant 4 : i32
      %scan3A_199 = arith.addi %scan3A_97, %scan3A_198 : i32
      %add3A_200 = arith.constant 384 : i32
      %add3A_201 = arith.addi %add3A_200, %scan3A_199 : i32
      %get3A_202 = arith.index_cast %add3A_201 : i32 to index
      %get3A_203 = memref.load %arg8[%get3A_202] : memref<512xi32, #tpu.memory_space<smem>>
      %add3A_204 = arith.constant 384 : i32
      %add3A_205 = arith.addi %add3A_204, %scan3A_199 : i32
      %get3A_206 = arith.index_cast %add3A_205 : i32 to index
      %get3A_207 = memref.load %arg9[%get3A_206] : memref<512xi32, #tpu.memory_space<smem>>
      %dma_start3A_208 = arith.constant 0 : i32
      %dma_start3A_209 = tpu.memref_slice %arg12[%scan3A_199, %dma_start3A_208] : memref<128x32xf32, #tpu.memory_space<vmem>> -> memref<1x32xf32, #tpu.memory_space<vmem>>
      %dma_start3A_210 = arith.constant 0 : i32
      %dma_start3A_211 = tpu.memref_slice %arg4[%get3A_203, %dma_start3A_210] : memref<1100000x32xf32, #tpu.memory_space<hbm>> -> memref<1x32xf32, #tpu.memory_space<hbm>>
      %dma_start3A_212 = arith.constant 0 : i32
      %dma_start3A_213 = tpu.memref_slice %arg12[%scan3A_199, %dma_start3A_212] : memref<128x32xf32, #tpu.memory_space<vmem>> -> memref<1x32xf32, #tpu.memory_space<vmem>>
      %dma_start3A_214 = arith.constant 0 : i32
      %dma_start3A_215 = tpu.memref_slice %arg4[%get3A_203, %dma_start3A_214] : memref<1100000x32xf32, #tpu.memory_space<hbm>> -> memref<1x32xf32, #tpu.memory_space<hbm>>
      tpu.enqueue_dma source(%dma_start3A_215 : memref<1x32xf32, #tpu.memory_space<hbm>>) target(%dma_start3A_213 : memref<1x32xf32, #tpu.memory_space<vmem>>) target_semaphore(%arg16 : memref<!tpu.dma_semaphore, #tpu.memory_space<semaphore_mem>>)
      %dma_start3A_216 = arith.constant 0 : i32
      %dma_start3A_217 = tpu.memref_slice %arg13[%scan3A_199, %dma_start3A_216] : memref<128x32xf32, #tpu.memory_space<vmem>> -> memref<1x32xf32, #tpu.memory_space<vmem>>
      %dma_start3A_218 = arith.constant 0 : i32
      %dma_start3A_219 = tpu.memref_slice %arg4[%get3A_207, %dma_start3A_218] : memref<1100000x32xf32, #tpu.memory_space<hbm>> -> memref<1x32xf32, #tpu.memory_space<hbm>>
      %dma_start3A_220 = arith.constant 0 : i32
      %dma_start3A_221 = tpu.memref_slice %arg13[%scan3A_199, %dma_start3A_220] : memref<128x32xf32, #tpu.memory_space<vmem>> -> memref<1x32xf32, #tpu.memory_space<vmem>>
      %dma_start3A_222 = arith.constant 0 : i32
      %dma_start3A_223 = tpu.memref_slice %arg4[%get3A_207, %dma_start3A_222] : memref<1100000x32xf32, #tpu.memory_space<hbm>> -> memref<1x32xf32, #tpu.memory_space<hbm>>
      tpu.enqueue_dma source(%dma_start3A_223 : memref<1x32xf32, #tpu.memory_space<hbm>>) target(%dma_start3A_221 : memref<1x32xf32, #tpu.memory_space<vmem>>) target_semaphore(%arg16 : memref<!tpu.dma_semaphore, #tpu.memory_space<semaphore_mem>>)
      %scan3A_224 = arith.constant 5 : i32
      %scan3A_225 = arith.addi %scan3A_97, %scan3A_224 : i32
      %add3A_226 = arith.constant 384 : i32
      %add3A_227 = arith.addi %add3A_226, %scan3A_225 : i32
      %get3A_228 = arith.index_cast %add3A_227 : i32 to index
      %get3A_229 = memref.load %arg8[%get3A_228] : memref<512xi32, #tpu.memory_space<smem>>
      %add3A_230 = arith.constant 384 : i32
      %add3A_231 = arith.addi %add3A_230, %scan3A_225 : i32
      %get3A_232 = arith.index_cast %add3A_231 : i32 to index
      %get3A_233 = memref.load %arg9[%get3A_232] : memref<512xi32, #tpu.memory_space<smem>>
      %dma_start3A_234 = arith.constant 0 : i32
      %dma_start3A_235 = tpu.memref_slice %arg12[%scan3A_225, %dma_start3A_234] : memref<128x32xf32, #tpu.memory_space<vmem>> -> memref<1x32xf32, #tpu.memory_space<vmem>>
      %dma_start3A_236 = arith.constant 0 : i32
      %dma_start3A_237 = tpu.memref_slice %arg4[%get3A_229, %dma_start3A_236] : memref<1100000x32xf32, #tpu.memory_space<hbm>> -> memref<1x32xf32, #tpu.memory_space<hbm>>
      %dma_start3A_238 = arith.constant 0 : i32
      %dma_start3A_239 = tpu.memref_slice %arg12[%scan3A_225, %dma_start3A_238] : memref<128x32xf32, #tpu.memory_space<vmem>> -> memref<1x32xf32, #tpu.memory_space<vmem>>
      %dma_start3A_240 = arith.constant 0 : i32
      %dma_start3A_241 = tpu.memref_slice %arg4[%get3A_229, %dma_start3A_240] : memref<1100000x32xf32, #tpu.memory_space<hbm>> -> memref<1x32xf32, #tpu.memory_space<hbm>>
      tpu.enqueue_dma source(%dma_start3A_241 : memref<1x32xf32, #tpu.memory_space<hbm>>) target(%dma_start3A_239 : memref<1x32xf32, #tpu.memory_space<vmem>>) target_semaphore(%arg16 : memref<!tpu.dma_semaphore, #tpu.memory_space<semaphore_mem>>)
      %dma_start3A_242 = arith.constant 0 : i32
      %dma_start3A_243 = tpu.memref_slice %arg13[%scan3A_225, %dma_start3A_242] : memref<128x32xf32, #tpu.memory_space<vmem>> -> memref<1x32xf32, #tpu.memory_space<vmem>>
      %dma_start3A_244 = arith.constant 0 : i32
      %dma_start3A_245 = tpu.memref_slice %arg4[%get3A_233, %dma_start3A_244] : memref<1100000x32xf32, #tpu.memory_space<hbm>> -> memref<1x32xf32, #tpu.memory_space<hbm>>
      %dma_start3A_246 = arith.constant 0 : i32
      %dma_start3A_247 = tpu.memref_slice %arg13[%scan3A_225, %dma_start3A_246] : memref<128x32xf32, #tpu.memory_space<vmem>> -> memref<1x32xf32, #tpu.memory_space<vmem>>
      %dma_start3A_248 = arith.constant 0 : i32
      %dma_start3A_249 = tpu.memref_slice %arg4[%get3A_233, %dma_start3A_248] : memref<1100000x32xf32, #tpu.memory_space<hbm>> -> memref<1x32xf32, #tpu.memory_space<hbm>>
      tpu.enqueue_dma source(%dma_start3A_249 : memref<1x32xf32, #tpu.memory_space<hbm>>) target(%dma_start3A_247 : memref<1x32xf32, #tpu.memory_space<vmem>>) target_semaphore(%arg16 : memref<!tpu.dma_semaphore, #tpu.memory_space<semaphore_mem>>)
      %scan3A_250 = arith.constant 6 : i32
      %scan3A_251 = arith.addi %scan3A_97, %scan3A_250 : i32
      %add3A_252 = arith.constant 384 : i32
      %add3A_253 = arith.addi %add3A_252, %scan3A_251 : i32
      %get3A_254 = arith.index_cast %add3A_253 : i32 to index
      %get3A_255 = memref.load %arg8[%get3A_254] : memref<512xi32, #tpu.memory_space<smem>>
      %add3A_256 = arith.constant 384 : i32
      %add3A_257 = arith.addi %add3A_256, %scan3A_251 : i32
      %get3A_258 = arith.index_cast %add3A_257 : i32 to index
      %get3A_259 = memref.load %arg9[%get3A_258] : memref<512xi32, #tpu.memory_space<smem>>
      %dma_start3A_260 = arith.constant 0 : i32
      %dma_start3A_261 = tpu.memref_slice %arg12[%scan3A_251, %dma_start3A_260] : memref<128x32xf32, #tpu.memory_space<vmem>> -> memref<1x32xf32, #tpu.memory_space<vmem>>
      %dma_start3A_262 = arith.constant 0 : i32
      %dma_start3A_263 = tpu.memref_slice %arg4[%get3A_255, %dma_start3A_262] : memref<1100000x32xf32, #tpu.memory_space<hbm>> -> memref<1x32xf32, #tpu.memory_space<hbm>>
      %dma_start3A_264 = arith.constant 0 : i32
      %dma_start3A_265 = tpu.memref_slice %arg12[%scan3A_251, %dma_start3A_264] : memref<128x32xf32, #tpu.memory_space<vmem>> -> memref<1x32xf32, #tpu.memory_space<vmem>>
      %dma_start3A_266 = arith.constant 0 : i32
      %dma_start3A_267 = tpu.memref_slice %arg4[%get3A_255, %dma_start3A_266] : memref<1100000x32xf32, #tpu.memory_space<hbm>> -> memref<1x32xf32, #tpu.memory_space<hbm>>
      tpu.enqueue_dma source(%dma_start3A_267 : memref<1x32xf32, #tpu.memory_space<hbm>>) target(%dma_start3A_265 : memref<1x32xf32, #tpu.memory_space<vmem>>) target_semaphore(%arg16 : memref<!tpu.dma_semaphore, #tpu.memory_space<semaphore_mem>>)
      %dma_start3A_268 = arith.constant 0 : i32
      %dma_start3A_269 = tpu.memref_slice %arg13[%scan3A_251, %dma_start3A_268] : memref<128x32xf32, #tpu.memory_space<vmem>> -> memref<1x32xf32, #tpu.memory_space<vmem>>
      %dma_start3A_270 = arith.constant 0 : i32
      %dma_start3A_271 = tpu.memref_slice %arg4[%get3A_259, %dma_start3A_270] : memref<1100000x32xf32, #tpu.memory_space<hbm>> -> memref<1x32xf32, #tpu.memory_space<hbm>>
      %dma_start3A_272 = arith.constant 0 : i32
      %dma_start3A_273 = tpu.memref_slice %arg13[%scan3A_251, %dma_start3A_272] : memref<128x32xf32, #tpu.memory_space<vmem>> -> memref<1x32xf32, #tpu.memory_space<vmem>>
      %dma_start3A_274 = arith.constant 0 : i32
      %dma_start3A_275 = tpu.memref_slice %arg4[%get3A_259, %dma_start3A_274] : memref<1100000x32xf32, #tpu.memory_space<hbm>> -> memref<1x32xf32, #tpu.memory_space<hbm>>
      tpu.enqueue_dma source(%dma_start3A_275 : memref<1x32xf32, #tpu.memory_space<hbm>>) target(%dma_start3A_273 : memref<1x32xf32, #tpu.memory_space<vmem>>) target_semaphore(%arg16 : memref<!tpu.dma_semaphore, #tpu.memory_space<semaphore_mem>>)
      %scan3A_276 = arith.constant 7 : i32
      %scan3A_277 = arith.addi %scan3A_97, %scan3A_276 : i32
      %add3A_278 = arith.constant 384 : i32
      %add3A_279 = arith.addi %add3A_278, %scan3A_277 : i32
      %get3A_280 = arith.index_cast %add3A_279 : i32 to index
      %get3A_281 = memref.load %arg8[%get3A_280] : memref<512xi32, #tpu.memory_space<smem>>
      %add3A_282 = arith.constant 384 : i32
      %add3A_283 = arith.addi %add3A_282, %scan3A_277 : i32
      %get3A_284 = arith.index_cast %add3A_283 : i32 to index
      %get3A_285 = memref.load %arg9[%get3A_284] : memref<512xi32, #tpu.memory_space<smem>>
      %dma_start3A_286 = arith.constant 0 : i32
      %dma_start3A_287 = tpu.memref_slice %arg12[%scan3A_277, %dma_start3A_286] : memref<128x32xf32, #tpu.memory_space<vmem>> -> memref<1x32xf32, #tpu.memory_space<vmem>>
      %dma_start3A_288 = arith.constant 0 : i32
      %dma_start3A_289 = tpu.memref_slice %arg4[%get3A_281, %dma_start3A_288] : memref<1100000x32xf32, #tpu.memory_space<hbm>> -> memref<1x32xf32, #tpu.memory_space<hbm>>
      %dma_start3A_290 = arith.constant 0 : i32
      %dma_start3A_291 = tpu.memref_slice %arg12[%scan3A_277, %dma_start3A_290] : memref<128x32xf32, #tpu.memory_space<vmem>> -> memref<1x32xf32, #tpu.memory_space<vmem>>
      %dma_start3A_292 = arith.constant 0 : i32
      %dma_start3A_293 = tpu.memref_slice %arg4[%get3A_281, %dma_start3A_292] : memref<1100000x32xf32, #tpu.memory_space<hbm>> -> memref<1x32xf32, #tpu.memory_space<hbm>>
      tpu.enqueue_dma source(%dma_start3A_293 : memref<1x32xf32, #tpu.memory_space<hbm>>) target(%dma_start3A_291 : memref<1x32xf32, #tpu.memory_space<vmem>>) target_semaphore(%arg16 : memref<!tpu.dma_semaphore, #tpu.memory_space<semaphore_mem>>)
      %dma_start3A_294 = arith.constant 0 : i32
      %dma_start3A_295 = tpu.memref_slice %arg13[%scan3A_277, %dma_start3A_294] : memref<128x32xf32, #tpu.memory_space<vmem>> -> memref<1x32xf32, #tpu.memory_space<vmem>>
      %dma_start3A_296 = arith.constant 0 : i32
      %dma_start3A_297 = tpu.memref_slice %arg4[%get3A_285, %dma_start3A_296] : memref<1100000x32xf32, #tpu.memory_space<hbm>> -> memref<1x32xf32, #tpu.memory_space<hbm>>
      %dma_start3A_298 = arith.constant 0 : i32
      %dma_start3A_299 = tpu.memref_slice %arg13[%scan3A_277, %dma_start3A_298] : memref<128x32xf32, #tpu.memory_space<vmem>> -> memref<1x32xf32, #tpu.memory_space<vmem>>
      %dma_start3A_300 = arith.constant 0 : i32
      %dma_start3A_301 = tpu.memref_slice %arg4[%get3A_285, %dma_start3A_300] : memref<1100000x32xf32, #tpu.memory_space<hbm>> -> memref<1x32xf32, #tpu.memory_space<hbm>>
      tpu.enqueue_dma source(%dma_start3A_301 : memref<1x32xf32, #tpu.memory_space<hbm>>) target(%dma_start3A_299 : memref<1x32xf32, #tpu.memory_space<vmem>>) target_semaphore(%arg16 : memref<!tpu.dma_semaphore, #tpu.memory_space<semaphore_mem>>)
    }
    %scan3A_60 = arith.constant 128 : i32
    %dma_wait3A_61 = arith.constant 0 : i32
    %dma_wait3A_62 = arith.constant 0 : i32
    %dma_wait3A_63 = tpu.memref_slice %arg4[%dma_wait3A_61, %dma_wait3A_62] : memref<1100000x32xf32, #tpu.memory_space<hbm>> -> memref<128x32xf32, #tpu.memory_space<hbm>>
    %dma_wait3A_64 = arith.constant 0 : i32
    %dma_wait3A_65 = arith.constant 0 : i32
    %dma_wait3A_66 = tpu.memref_slice %arg4[%dma_wait3A_64, %dma_wait3A_65] : memref<1100000x32xf32, #tpu.memory_space<hbm>> -> memref<128x32xf32, #tpu.memory_space<hbm>>
    tpu.wait_dma2 semaphore(%arg15 : memref<!tpu.dma_semaphore, #tpu.memory_space<semaphore_mem>>) src(%dma_wait3A_66 : memref<128x32xf32, #tpu.memory_space<hbm>>) dst(%arg10 : memref<128x32xf32, #tpu.memory_space<vmem>>)
    %dma_wait3A_67 = arith.constant 0 : i32
    %dma_wait3A_68 = arith.constant 0 : i32
    %dma_wait3A_69 = tpu.memref_slice %arg4[%dma_wait3A_67, %dma_wait3A_68] : memref<1100000x32xf32, #tpu.memory_space<hbm>> -> memref<128x32xf32, #tpu.memory_space<hbm>>
    %dma_wait3A_70 = arith.constant 0 : i32
    %dma_wait3A_71 = arith.constant 0 : i32
    %dma_wait3A_72 = tpu.memref_slice %arg4[%dma_wait3A_70, %dma_wait3A_71] : memref<1100000x32xf32, #tpu.memory_space<hbm>> -> memref<128x32xf32, #tpu.memory_space<hbm>>
    tpu.wait_dma2 semaphore(%arg15 : memref<!tpu.dma_semaphore, #tpu.memory_space<semaphore_mem>>) src(%dma_wait3A_72 : memref<128x32xf32, #tpu.memory_space<hbm>>) dst(%arg11 : memref<128x32xf32, #tpu.memory_space<vmem>>)
    %scan3A_73 = arith.constant 0 : i32
    %scan3A_74 = arith.constant 0 : i32
    %scan3A_75 = arith.constant 8 : i32
    %scan3A_76 = arith.addi %scan3A_74, %scan3A_75 : i32
    %scan3A_77 = arith.constant 1 : i32
    scf.for %scan3A_97 = %scan3A_74 to %scan3A_76 step %scan3A_77  : i32 {
      %mul3A_98 = arith.constant 16 : i32
      %mul3A_99 = arith.muli %scan3A_97, %mul3A_98 : i32
      %add3A_100 = vector.broadcast %mul3A_99 : i32 to vector<16xi32>
      %add3A_101 = arith.addi %add3A_100, %iota3A : vector<16xi32>
      %broadcast_in_dim3A = arith.constant 0.000000e+00 : f32
      %broadcast_in_dim3A_102 = vector.broadcast %broadcast_in_dim3A : f32 to vector<16xf32>
      %broadcast_in_dim3A_103 = arith.constant 0 : i32
      %broadcast_in_dim3A_104 = vector.broadcast %broadcast_in_dim3A_103 : i32 to vector<16xi32>
      %gather3A = tpu.vector_load_idx %arg10[%add3A_101, %broadcast_in_dim3A_104] : memref<128x32xf32, #tpu.memory_space<vmem>>[vector<16xi32>, vector<16xi32>], vector<16xf32>,
      %gather3A_105 = tpu.vector_load_idx %arg11[%add3A_101, %broadcast_in_dim3A_104] : memref<128x32xf32, #tpu.memory_space<vmem>>[vector<16xi32>, vector<16xi32>], vector<16xf32>,
      %mul3A_106 = arith.mulf %gather3A, %gather3A_105 : vector<16xf32>
      %add3A_107 = arith.addf %broadcast_in_dim3A_102, %mul3A_106 : vector<16xf32>
      %broadcast_in_dim3A_108 = arith.constant 1 : i32
      %broadcast_in_dim3A_109 = vector.broadcast %broadcast_in_dim3A_108 : i32 to vector<16xi32>
      %gather3A_110 = tpu.vector_load_idx %arg10[%add3A_101, %broadcast_in_dim3A_109] : memref<128x32xf32, #tpu.memory_space<vmem>>[vector<16xi32>, vector<16xi32>], vector<16xf32>,
      %gather3A_111 = tpu.vector_load_idx %arg11[%add3A_101, %broadcast_in_dim3A_109] : memref<128x32xf32, #tpu.memory_space<vmem>>[vector<16xi32>, vector<16xi32>], vector<16xf32>,
      %mul3A_112 = arith.mulf %gather3A_110, %gather3A_111 : vector<16xf32>
      %add3A_113 = arith.addf %add3A_107, %mul3A_112 : vector<16xf32>
      %broadcast_in_dim3A_114 = arith.constant 2 : i32
      %broadcast_in_dim3A_115 = vector.broadcast %broadcast_in_dim3A_114 : i32 to vector<16xi32>
      %gather3A_116 = tpu.vector_load_idx %arg10[%add3A_101, %broadcast_in_dim3A_115] : memref<128x32xf32, #tpu.memory_space<vmem>>[vector<16xi32>, vector<16xi32>], vector<16xf32>,
      %gather3A_117 = tpu.vector_load_idx %arg11[%add3A_101, %broadcast_in_dim3A_115] : memref<128x32xf32, #tpu.memory_space<vmem>>[vector<16xi32>, vector<16xi32>], vector<16xf32>,
      %mul3A_118 = arith.mulf %gather3A_116, %gather3A_117 : vector<16xf32>
      %add3A_119 = arith.addf %add3A_113, %mul3A_118 : vector<16xf32>
      %broadcast_in_dim3A_120 = arith.constant 3 : i32
      %broadcast_in_dim3A_121 = vector.broadcast %broadcast_in_dim3A_120 : i32 to vector<16xi32>
      %gather3A_122 = tpu.vector_load_idx %arg10[%add3A_101, %broadcast_in_dim3A_121] : memref<128x32xf32, #tpu.memory_space<vmem>>[vector<16xi32>, vector<16xi32>], vector<16xf32>,
      %gather3A_123 = tpu.vector_load_idx %arg11[%add3A_101, %broadcast_in_dim3A_121] : memref<128x32xf32, #tpu.memory_space<vmem>>[vector<16xi32>, vector<16xi32>], vector<16xf32>,
      %mul3A_124 = arith.mulf %gather3A_122, %gather3A_123 : vector<16xf32>
      %add3A_125 = arith.addf %add3A_119, %mul3A_124 : vector<16xf32>
      %broadcast_in_dim3A_126 = arith.constant 4 : i32
      %broadcast_in_dim3A_127 = vector.broadcast %broadcast_in_dim3A_126 : i32 to vector<16xi32>
      %gather3A_128 = tpu.vector_load_idx %arg10[%add3A_101, %broadcast_in_dim3A_127] : memref<128x32xf32, #tpu.memory_space<vmem>>[vector<16xi32>, vector<16xi32>], vector<16xf32>,
      %gather3A_129 = tpu.vector_load_idx %arg11[%add3A_101, %broadcast_in_dim3A_127] : memref<128x32xf32, #tpu.memory_space<vmem>>[vector<16xi32>, vector<16xi32>], vector<16xf32>,
      %mul3A_130 = arith.mulf %gather3A_128, %gather3A_129 : vector<16xf32>
      %add3A_131 = arith.addf %add3A_125, %mul3A_130 : vector<16xf32>
      %broadcast_in_dim3A_132 = arith.constant 5 : i32
      %broadcast_in_dim3A_133 = vector.broadcast %broadcast_in_dim3A_132 : i32 to vector<16xi32>
      %gather3A_134 = tpu.vector_load_idx %arg10[%add3A_101, %broadcast_in_dim3A_133] : memref<128x32xf32, #tpu.memory_space<vmem>>[vector<16xi32>, vector<16xi32>], vector<16xf32>,
      %gather3A_135 = tpu.vector_load_idx %arg11[%add3A_101, %broadcast_in_dim3A_133] : memref<128x32xf32, #tpu.memory_space<vmem>>[vector<16xi32>, vector<16xi32>], vector<16xf32>,
      %mul3A_136 = arith.mulf %gather3A_134, %gather3A_135 : vector<16xf32>
      %add3A_137 = arith.addf %add3A_131, %mul3A_136 : vector<16xf32>
      %broadcast_in_dim3A_138 = arith.constant 6 : i32
      %broadcast_in_dim3A_139 = vector.broadcast %broadcast_in_dim3A_138 : i32 to vector<16xi32>
      %gather3A_140 = tpu.vector_load_idx %arg10[%add3A_101, %broadcast_in_dim3A_139] : memref<128x32xf32, #tpu.memory_space<vmem>>[vector<16xi32>, vector<16xi32>], vector<16xf32>,
      %gather3A_141 = tpu.vector_load_idx %arg11[%add3A_101, %broadcast_in_dim3A_139] : memref<128x32xf32, #tpu.memory_space<vmem>>[vector<16xi32>, vector<16xi32>], vector<16xf32>,
      %mul3A_142 = arith.mulf %gather3A_140, %gather3A_141 : vector<16xf32>
      %add3A_143 = arith.addf %add3A_137, %mul3A_142 : vector<16xf32>
      %broadcast_in_dim3A_144 = arith.constant 7 : i32
      %broadcast_in_dim3A_145 = vector.broadcast %broadcast_in_dim3A_144 : i32 to vector<16xi32>
      %gather3A_146 = tpu.vector_load_idx %arg10[%add3A_101, %broadcast_in_dim3A_145] : memref<128x32xf32, #tpu.memory_space<vmem>>[vector<16xi32>, vector<16xi32>], vector<16xf32>,
      %gather3A_147 = tpu.vector_load_idx %arg11[%add3A_101, %broadcast_in_dim3A_145] : memref<128x32xf32, #tpu.memory_space<vmem>>[vector<16xi32>, vector<16xi32>], vector<16xf32>,
      %mul3A_148 = arith.mulf %gather3A_146, %gather3A_147 : vector<16xf32>
      %add3A_149 = arith.addf %add3A_143, %mul3A_148 : vector<16xf32>
      %broadcast_in_dim3A_150 = arith.constant 8 : i32
      %broadcast_in_dim3A_151 = vector.broadcast %broadcast_in_dim3A_150 : i32 to vector<16xi32>
      %gather3A_152 = tpu.vector_load_idx %arg10[%add3A_101, %broadcast_in_dim3A_151] : memref<128x32xf32, #tpu.memory_space<vmem>>[vector<16xi32>, vector<16xi32>], vector<16xf32>,
      %gather3A_153 = tpu.vector_load_idx %arg11[%add3A_101, %broadcast_in_dim3A_151] : memref<128x32xf32, #tpu.memory_space<vmem>>[vector<16xi32>, vector<16xi32>], vector<16xf32>,
      %mul3A_154 = arith.mulf %gather3A_152, %gather3A_153 : vector<16xf32>
      %add3A_155 = arith.addf %add3A_149, %mul3A_154 : vector<16xf32>
      %broadcast_in_dim3A_156 = arith.constant 9 : i32
      %broadcast_in_dim3A_157 = vector.broadcast %broadcast_in_dim3A_156 : i32 to vector<16xi32>
      %gather3A_158 = tpu.vector_load_idx %arg10[%add3A_101, %broadcast_in_dim3A_157] : memref<128x32xf32, #tpu.memory_space<vmem>>[vector<16xi32>, vector<16xi32>], vector<16xf32>,
      %gather3A_159 = tpu.vector_load_idx %arg11[%add3A_101, %broadcast_in_dim3A_157] : memref<128x32xf32, #tpu.memory_space<vmem>>[vector<16xi32>, vector<16xi32>], vector<16xf32>,
      %mul3A_160 = arith.mulf %gather3A_158, %gather3A_159 : vector<16xf32>
      %add3A_161 = arith.addf %add3A_155, %mul3A_160 : vector<16xf32>
      %broadcast_in_dim3A_162 = arith.constant 10 : i32
      %broadcast_in_dim3A_163 = vector.broadcast %broadcast_in_dim3A_162 : i32 to vector<16xi32>
      %gather3A_164 = tpu.vector_load_idx %arg10[%add3A_101, %broadcast_in_dim3A_163] : memref<128x32xf32, #tpu.memory_space<vmem>>[vector<16xi32>, vector<16xi32>], vector<16xf32>,
      %gather3A_165 = tpu.vector_load_idx %arg11[%add3A_101, %broadcast_in_dim3A_163] : memref<128x32xf32, #tpu.memory_space<vmem>>[vector<16xi32>, vector<16xi32>], vector<16xf32>,
      %mul3A_166 = arith.mulf %gather3A_164, %gather3A_165 : vector<16xf32>
      %add3A_167 = arith.addf %add3A_161, %mul3A_166 : vector<16xf32>
      %broadcast_in_dim3A_168 = arith.constant 11 : i32
      %broadcast_in_dim3A_169 = vector.broadcast %broadcast_in_dim3A_168 : i32 to vector<16xi32>
      %gather3A_170 = tpu.vector_load_idx %arg10[%add3A_101, %broadcast_in_dim3A_169] : memref<128x32xf32, #tpu.memory_space<vmem>>[vector<16xi32>, vector<16xi32>], vector<16xf32>,
      %gather3A_171 = tpu.vector_load_idx %arg11[%add3A_101, %broadcast_in_dim3A_169] : memref<128x32xf32, #tpu.memory_space<vmem>>[vector<16xi32>, vector<16xi32>], vector<16xf32>,
      %mul3A_172 = arith.mulf %gather3A_170, %gather3A_171 : vector<16xf32>
      %add3A_173 = arith.addf %add3A_167, %mul3A_172 : vector<16xf32>
      %broadcast_in_dim3A_174 = arith.constant 12 : i32
      %broadcast_in_dim3A_175 = vector.broadcast %broadcast_in_dim3A_174 : i32 to vector<16xi32>
      %gather3A_176 = tpu.vector_load_idx %arg10[%add3A_101, %broadcast_in_dim3A_175] : memref<128x32xf32, #tpu.memory_space<vmem>>[vector<16xi32>, vector<16xi32>], vector<16xf32>,
      %gather3A_177 = tpu.vector_load_idx %arg11[%add3A_101, %broadcast_in_dim3A_175] : memref<128x32xf32, #tpu.memory_space<vmem>>[vector<16xi32>, vector<16xi32>], vector<16xf32>,
      %mul3A_178 = arith.mulf %gather3A_176, %gather3A_177 : vector<16xf32>
      %add3A_179 = arith.addf %add3A_173, %mul3A_178 : vector<16xf32>
      %broadcast_in_dim3A_180 = arith.constant 13 : i32
      %broadcast_in_dim3A_181 = vector.broadcast %broadcast_in_dim3A_180 : i32 to vector<16xi32>
      %gather3A_182 = tpu.vector_load_idx %arg10[%add3A_101, %broadcast_in_dim3A_181] : memref<128x32xf32, #tpu.memory_space<vmem>>[vector<16xi32>, vector<16xi32>], vector<16xf32>,
      %gather3A_183 = tpu.vector_load_idx %arg11[%add3A_101, %broadcast_in_dim3A_181] : memref<128x32xf32, #tpu.memory_space<vmem>>[vector<16xi32>, vector<16xi32>], vector<16xf32>,
      %mul3A_184 = arith.mulf %gather3A_182, %gather3A_183 : vector<16xf32>
      %add3A_185 = arith.addf %add3A_179, %mul3A_184 : vector<16xf32>
      %broadcast_in_dim3A_186 = arith.constant 14 : i32
      %broadcast_in_dim3A_187 = vector.broadcast %broadcast_in_dim3A_186 : i32 to vector<16xi32>
      %gather3A_188 = tpu.vector_load_idx %arg10[%add3A_101, %broadcast_in_dim3A_187] : memref<128x32xf32, #tpu.memory_space<vmem>>[vector<16xi32>, vector<16xi32>], vector<16xf32>,
      %gather3A_189 = tpu.vector_load_idx %arg11[%add3A_101, %broadcast_in_dim3A_187] : memref<128x32xf32, #tpu.memory_space<vmem>>[vector<16xi32>, vector<16xi32>], vector<16xf32>,
      %mul3A_190 = arith.mulf %gather3A_188, %gather3A_189 : vector<16xf32>
      %add3A_191 = arith.addf %add3A_185, %mul3A_190 : vector<16xf32>
      %broadcast_in_dim3A_192 = arith.constant 15 : i32
      %broadcast_in_dim3A_193 = vector.broadcast %broadcast_in_dim3A_192 : i32 to vector<16xi32>
      %gather3A_194 = tpu.vector_load_idx %arg10[%add3A_101, %broadcast_in_dim3A_193] : memref<128x32xf32, #tpu.memory_space<vmem>>[vector<16xi32>, vector<16xi32>], vector<16xf32>,
      %gather3A_195 = tpu.vector_load_idx %arg11[%add3A_101, %broadcast_in_dim3A_193] : memref<128x32xf32, #tpu.memory_space<vmem>>[vector<16xi32>, vector<16xi32>], vector<16xf32>,
      %mul3A_196 = arith.mulf %gather3A_194, %gather3A_195 : vector<16xf32>
      %add3A_197 = arith.addf %add3A_191, %mul3A_196 : vector<16xf32>
      %broadcast_in_dim3A_198 = arith.constant 16 : i32
      %broadcast_in_dim3A_199 = vector.broadcast %broadcast_in_dim3A_198 : i32 to vector<16xi32>
      %gather3A_200 = tpu.vector_load_idx %arg10[%add3A_101, %broadcast_in_dim3A_199] : memref<128x32xf32, #tpu.memory_space<vmem>>[vector<16xi32>, vector<16xi32>], vector<16xf32>,
      %gather3A_201 = tpu.vector_load_idx %arg11[%add3A_101, %broadcast_in_dim3A_199] : memref<128x32xf32, #tpu.memory_space<vmem>>[vector<16xi32>, vector<16xi32>], vector<16xf32>,
      %mul3A_202 = arith.mulf %gather3A_200, %gather3A_201 : vector<16xf32>
      %add3A_203 = arith.addf %add3A_197, %mul3A_202 : vector<16xf32>
      %broadcast_in_dim3A_204 = arith.constant 17 : i32
      %broadcast_in_dim3A_205 = vector.broadcast %broadcast_in_dim3A_204 : i32 to vector<16xi32>
      %gather3A_206 = tpu.vector_load_idx %arg10[%add3A_101, %broadcast_in_dim3A_205] : memref<128x32xf32, #tpu.memory_space<vmem>>[vector<16xi32>, vector<16xi32>], vector<16xf32>,
      %gather3A_207 = tpu.vector_load_idx %arg11[%add3A_101, %broadcast_in_dim3A_205] : memref<128x32xf32, #tpu.memory_space<vmem>>[vector<16xi32>, vector<16xi32>], vector<16xf32>,
      %mul3A_208 = arith.mulf %gather3A_206, %gather3A_207 : vector<16xf32>
      %add3A_209 = arith.addf %add3A_203, %mul3A_208 : vector<16xf32>
      %broadcast_in_dim3A_210 = arith.constant 18 : i32
      %broadcast_in_dim3A_211 = vector.broadcast %broadcast_in_dim3A_210 : i32 to vector<16xi32>
      %gather3A_212 = tpu.vector_load_idx %arg10[%add3A_101, %broadcast_in_dim3A_211] : memref<128x32xf32, #tpu.memory_space<vmem>>[vector<16xi32>, vector<16xi32>], vector<16xf32>,
      %gather3A_213 = tpu.vector_load_idx %arg11[%add3A_101, %broadcast_in_dim3A_211] : memref<128x32xf32, #tpu.memory_space<vmem>>[vector<16xi32>, vector<16xi32>], vector<16xf32>,
      %mul3A_214 = arith.mulf %gather3A_212, %gather3A_213 : vector<16xf32>
      %add3A_215 = arith.addf %add3A_209, %mul3A_214 : vector<16xf32>
      %broadcast_in_dim3A_216 = arith.constant 19 : i32
      %broadcast_in_dim3A_217 = vector.broadcast %broadcast_in_dim3A_216 : i32 to vector<16xi32>
      %gather3A_218 = tpu.vector_load_idx %arg10[%add3A_101, %broadcast_in_dim3A_217] : memref<128x32xf32, #tpu.memory_space<vmem>>[vector<16xi32>, vector<16xi32>], vector<16xf32>,
      %gather3A_219 = tpu.vector_load_idx %arg11[%add3A_101, %broadcast_in_dim3A_217] : memref<128x32xf32, #tpu.memory_space<vmem>>[vector<16xi32>, vector<16xi32>], vector<16xf32>,
      %mul3A_220 = arith.mulf %gather3A_218, %gather3A_219 : vector<16xf32>
      %add3A_221 = arith.addf %add3A_215, %mul3A_220 : vector<16xf32>
      %broadcast_in_dim3A_222 = arith.constant 20 : i32
      %broadcast_in_dim3A_223 = vector.broadcast %broadcast_in_dim3A_222 : i32 to vector<16xi32>
      %gather3A_224 = tpu.vector_load_idx %arg10[%add3A_101, %broadcast_in_dim3A_223] : memref<128x32xf32, #tpu.memory_space<vmem>>[vector<16xi32>, vector<16xi32>], vector<16xf32>,
      %gather3A_225 = tpu.vector_load_idx %arg11[%add3A_101, %broadcast_in_dim3A_223] : memref<128x32xf32, #tpu.memory_space<vmem>>[vector<16xi32>, vector<16xi32>], vector<16xf32>,
      %mul3A_226 = arith.mulf %gather3A_224, %gather3A_225 : vector<16xf32>
      %add3A_227 = arith.addf %add3A_221, %mul3A_226 : vector<16xf32>
      %broadcast_in_dim3A_228 = arith.constant 21 : i32
      %broadcast_in_dim3A_229 = vector.broadcast %broadcast_in_dim3A_228 : i32 to vector<16xi32>
      %gather3A_230 = tpu.vector_load_idx %arg10[%add3A_101, %broadcast_in_dim3A_229] : memref<128x32xf32, #tpu.memory_space<vmem>>[vector<16xi32>, vector<16xi32>], vector<16xf32>,
      %gather3A_231 = tpu.vector_load_idx %arg11[%add3A_101, %broadcast_in_dim3A_229] : memref<128x32xf32, #tpu.memory_space<vmem>>[vector<16xi32>, vector<16xi32>], vector<16xf32>,
      %mul3A_232 = arith.mulf %gather3A_230, %gather3A_231 : vector<16xf32>
      %add3A_233 = arith.addf %add3A_227, %mul3A_232 : vector<16xf32>
      %broadcast_in_dim3A_234 = arith.constant 22 : i32
      %broadcast_in_dim3A_235 = vector.broadcast %broadcast_in_dim3A_234 : i32 to vector<16xi32>
      %gather3A_236 = tpu.vector_load_idx %arg10[%add3A_101, %broadcast_in_dim3A_235] : memref<128x32xf32, #tpu.memory_space<vmem>>[vector<16xi32>, vector<16xi32>], vector<16xf32>,
      %gather3A_237 = tpu.vector_load_idx %arg11[%add3A_101, %broadcast_in_dim3A_235] : memref<128x32xf32, #tpu.memory_space<vmem>>[vector<16xi32>, vector<16xi32>], vector<16xf32>,
      %mul3A_238 = arith.mulf %gather3A_236, %gather3A_237 : vector<16xf32>
      %add3A_239 = arith.addf %add3A_233, %mul3A_238 : vector<16xf32>
      %broadcast_in_dim3A_240 = arith.constant 23 : i32
      %broadcast_in_dim3A_241 = vector.broadcast %broadcast_in_dim3A_240 : i32 to vector<16xi32>
      %gather3A_242 = tpu.vector_load_idx %arg10[%add3A_101, %broadcast_in_dim3A_241] : memref<128x32xf32, #tpu.memory_space<vmem>>[vector<16xi32>, vector<16xi32>], vector<16xf32>,
      %gather3A_243 = tpu.vector_load_idx %arg11[%add3A_101, %broadcast_in_dim3A_241] : memref<128x32xf32, #tpu.memory_space<vmem>>[vector<16xi32>, vector<16xi32>], vector<16xf32>,
      %mul3A_244 = arith.mulf %gather3A_242, %gather3A_243 : vector<16xf32>
      %add3A_245 = arith.addf %add3A_239, %mul3A_244 : vector<16xf32>
      %broadcast_in_dim3A_246 = arith.constant 24 : i32
      %broadcast_in_dim3A_247 = vector.broadcast %broadcast_in_dim3A_246 : i32 to vector<16xi32>
      %gather3A_248 = tpu.vector_load_idx %arg10[%add3A_101, %broadcast_in_dim3A_247] : memref<128x32xf32, #tpu.memory_space<vmem>>[vector<16xi32>, vector<16xi32>], vector<16xf32>,
      %gather3A_249 = tpu.vector_load_idx %arg11[%add3A_101, %broadcast_in_dim3A_247] : memref<128x32xf32, #tpu.memory_space<vmem>>[vector<16xi32>, vector<16xi32>], vector<16xf32>,
      %mul3A_250 = arith.mulf %gather3A_248, %gather3A_249 : vector<16xf32>
      %add3A_251 = arith.addf %add3A_245, %mul3A_250 : vector<16xf32>
      %broadcast_in_dim3A_252 = arith.constant 25 : i32
      %broadcast_in_dim3A_253 = vector.broadcast %broadcast_in_dim3A_252 : i32 to vector<16xi32>
      %gather3A_254 = tpu.vector_load_idx %arg10[%add3A_101, %broadcast_in_dim3A_253] : memref<128x32xf32, #tpu.memory_space<vmem>>[vector<16xi32>, vector<16xi32>], vector<16xf32>,
      %gather3A_255 = tpu.vector_load_idx %arg11[%add3A_101, %broadcast_in_dim3A_253] : memref<128x32xf32, #tpu.memory_space<vmem>>[vector<16xi32>, vector<16xi32>], vector<16xf32>,
      %mul3A_256 = arith.mulf %gather3A_254, %gather3A_255 : vector<16xf32>
      %add3A_257 = arith.addf %add3A_251, %mul3A_256 : vector<16xf32>
      %broadcast_in_dim3A_258 = arith.constant 26 : i32
      %broadcast_in_dim3A_259 = vector.broadcast %broadcast_in_dim3A_258 : i32 to vector<16xi32>
      %gather3A_260 = tpu.vector_load_idx %arg10[%add3A_101, %broadcast_in_dim3A_259] : memref<128x32xf32, #tpu.memory_space<vmem>>[vector<16xi32>, vector<16xi32>], vector<16xf32>,
      %gather3A_261 = tpu.vector_load_idx %arg11[%add3A_101, %broadcast_in_dim3A_259] : memref<128x32xf32, #tpu.memory_space<vmem>>[vector<16xi32>, vector<16xi32>], vector<16xf32>,
      %mul3A_262 = arith.mulf %gather3A_260, %gather3A_261 : vector<16xf32>
      %add3A_263 = arith.addf %add3A_257, %mul3A_262 : vector<16xf32>
      %broadcast_in_dim3A_264 = arith.constant 27 : i32
      %broadcast_in_dim3A_265 = vector.broadcast %broadcast_in_dim3A_264 : i32 to vector<16xi32>
      %gather3A_266 = tpu.vector_load_idx %arg10[%add3A_101, %broadcast_in_dim3A_265] : memref<128x32xf32, #tpu.memory_space<vmem>>[vector<16xi32>, vector<16xi32>], vector<16xf32>,
      %gather3A_267 = tpu.vector_load_idx %arg11[%add3A_101, %broadcast_in_dim3A_265] : memref<128x32xf32, #tpu.memory_space<vmem>>[vector<16xi32>, vector<16xi32>], vector<16xf32>,
      %mul3A_268 = arith.mulf %gather3A_266, %gather3A_267 : vector<16xf32>
      %add3A_269 = arith.addf %add3A_263, %mul3A_268 : vector<16xf32>
      %broadcast_in_dim3A_270 = arith.constant 28 : i32
      %broadcast_in_dim3A_271 = vector.broadcast %broadcast_in_dim3A_270 : i32 to vector<16xi32>
      %gather3A_272 = tpu.vector_load_idx %arg10[%add3A_101, %broadcast_in_dim3A_271] : memref<128x32xf32, #tpu.memory_space<vmem>>[vector<16xi32>, vector<16xi32>], vector<16xf32>,
      %gather3A_273 = tpu.vector_load_idx %arg11[%add3A_101, %broadcast_in_dim3A_271] : memref<128x32xf32, #tpu.memory_space<vmem>>[vector<16xi32>, vector<16xi32>], vector<16xf32>,
      %mul3A_274 = arith.mulf %gather3A_272, %gather3A_273 : vector<16xf32>
      %add3A_275 = arith.addf %add3A_269, %mul3A_274 : vector<16xf32>
      %broadcast_in_dim3A_276 = arith.constant 29 : i32
      %broadcast_in_dim3A_277 = vector.broadcast %broadcast_in_dim3A_276 : i32 to vector<16xi32>
      %gather3A_278 = tpu.vector_load_idx %arg10[%add3A_101, %broadcast_in_dim3A_277] : memref<128x32xf32, #tpu.memory_space<vmem>>[vector<16xi32>, vector<16xi32>], vector<16xf32>,
      %gather3A_279 = tpu.vector_load_idx %arg11[%add3A_101, %broadcast_in_dim3A_277] : memref<128x32xf32, #tpu.memory_space<vmem>>[vector<16xi32>, vector<16xi32>], vector<16xf32>,
      %mul3A_280 = arith.mulf %gather3A_278, %gather3A_279 : vector<16xf32>
      %add3A_281 = arith.addf %add3A_275, %mul3A_280 : vector<16xf32>
      %broadcast_in_dim3A_282 = arith.constant 30 : i32
      %broadcast_in_dim3A_283 = vector.broadcast %broadcast_in_dim3A_282 : i32 to vector<16xi32>
      %gather3A_284 = tpu.vector_load_idx %arg10[%add3A_101, %broadcast_in_dim3A_283] : memref<128x32xf32, #tpu.memory_space<vmem>>[vector<16xi32>, vector<16xi32>], vector<16xf32>,
      %gather3A_285 = tpu.vector_load_idx %arg11[%add3A_101, %broadcast_in_dim3A_283] : memref<128x32xf32, #tpu.memory_space<vmem>>[vector<16xi32>, vector<16xi32>], vector<16xf32>,
      %mul3A_286 = arith.mulf %gather3A_284, %gather3A_285 : vector<16xf32>
      %add3A_287 = arith.addf %add3A_281, %mul3A_286 : vector<16xf32>
      %broadcast_in_dim3A_288 = arith.constant 31 : i32
      %broadcast_in_dim3A_289 = vector.broadcast %broadcast_in_dim3A_288 : i32 to vector<16xi32>
      %gather3A_290 = tpu.vector_load_idx %arg10[%add3A_101, %broadcast_in_dim3A_289] : memref<128x32xf32, #tpu.memory_space<vmem>>[vector<16xi32>, vector<16xi32>], vector<16xf32>,
      %gather3A_291 = tpu.vector_load_idx %arg11[%add3A_101, %broadcast_in_dim3A_289] : memref<128x32xf32, #tpu.memory_space<vmem>>[vector<16xi32>, vector<16xi32>], vector<16xf32>,
      %mul3A_292 = arith.mulf %gather3A_290, %gather3A_291 : vector<16xf32>
      %add3A_293 = arith.addf %add3A_287, %mul3A_292 : vector<16xf32>
      %mul3A_294 = arith.constant 16 : i32
      %mul3A_295 = arith.muli %scan3A_97, %mul3A_294 : i32
      %add3A_296 = arith.constant 256 : i32
      %add3A_297 = arith.addi %add3A_296, %mul3A_295 : i32
      %swap3A = arith.index_cast %add3A_297 : i32 to index
      %swap3A_298 = tpu.vector_load %arg14[%swap3A] {strides = array<i32>} : memref<512xf32, #tpu.memory_space<vmem>>, vector<16xf32>,
      tpu.vector_store %arg14[%swap3A], %add3A_293 {strides = array<i32>} : memref<512xf32, #tpu.memory_space<vmem>>, vector<16xf32>,
    }
    %scan3A_78 = arith.constant 8 : i32
    %dma_wait3A_79 = arith.constant 0 : i32
    %dma_wait3A_80 = arith.constant 0 : i32
    %dma_wait3A_81 = tpu.memref_slice %arg4[%dma_wait3A_79, %dma_wait3A_80] : memref<1100000x32xf32, #tpu.memory_space<hbm>> -> memref<128x32xf32, #tpu.memory_space<hbm>>
    %dma_wait3A_82 = arith.constant 0 : i32
    %dma_wait3A_83 = arith.constant 0 : i32
    %dma_wait3A_84 = tpu.memref_slice %arg4[%dma_wait3A_82, %dma_wait3A_83] : memref<1100000x32xf32, #tpu.memory_space<hbm>> -> memref<128x32xf32, #tpu.memory_space<hbm>>
    tpu.wait_dma2 semaphore(%arg16 : memref<!tpu.dma_semaphore, #tpu.memory_space<semaphore_mem>>) src(%dma_wait3A_84 : memref<128x32xf32, #tpu.memory_space<hbm>>) dst(%arg12 : memref<128x32xf32, #tpu.memory_space<vmem>>)
    %dma_wait3A_85 = arith.constant 0 : i32
    %dma_wait3A_86 = arith.constant 0 : i32
    %dma_wait3A_87 = tpu.memref_slice %arg4[%dma_wait3A_85, %dma_wait3A_86] : memref<1100000x32xf32, #tpu.memory_space<hbm>> -> memref<128x32xf32, #tpu.memory_space<hbm>>
    %dma_wait3A_88 = arith.constant 0 : i32
    %dma_wait3A_89 = arith.constant 0 : i32
    %dma_wait3A_90 = tpu.memref_slice %arg4[%dma_wait3A_88, %dma_wait3A_89] : memref<1100000x32xf32, #tpu.memory_space<hbm>> -> memref<128x32xf32, #tpu.memory_space<hbm>>
    tpu.wait_dma2 semaphore(%arg16 : memref<!tpu.dma_semaphore, #tpu.memory_space<semaphore_mem>>) src(%dma_wait3A_90 : memref<128x32xf32, #tpu.memory_space<hbm>>) dst(%arg13 : memref<128x32xf32, #tpu.memory_space<vmem>>)
    %scan3A_91 = arith.constant 0 : i32
    %scan3A_92 = arith.constant 0 : i32
    %scan3A_93 = arith.constant 8 : i32
    %scan3A_94 = arith.addi %scan3A_92, %scan3A_93 : i32
    %scan3A_95 = arith.constant 1 : i32
    scf.for %scan3A_97 = %scan3A_92 to %scan3A_94 step %scan3A_95  : i32 {
      %mul3A_98 = arith.constant 16 : i32
      %mul3A_99 = arith.muli %scan3A_97, %mul3A_98 : i32
      %add3A_100 = vector.broadcast %mul3A_99 : i32 to vector<16xi32>
      %add3A_101 = arith.addi %add3A_100, %iota3A : vector<16xi32>
      %broadcast_in_dim3A = arith.constant 0.000000e+00 : f32
      %broadcast_in_dim3A_102 = vector.broadcast %broadcast_in_dim3A : f32 to vector<16xf32>
      %broadcast_in_dim3A_103 = arith.constant 0 : i32
      %broadcast_in_dim3A_104 = vector.broadcast %broadcast_in_dim3A_103 : i32 to vector<16xi32>
      %gather3A = tpu.vector_load_idx %arg12[%add3A_101, %broadcast_in_dim3A_104] : memref<128x32xf32, #tpu.memory_space<vmem>>[vector<16xi32>, vector<16xi32>], vector<16xf32>,
      %gather3A_105 = tpu.vector_load_idx %arg13[%add3A_101, %broadcast_in_dim3A_104] : memref<128x32xf32, #tpu.memory_space<vmem>>[vector<16xi32>, vector<16xi32>], vector<16xf32>,
      %mul3A_106 = arith.mulf %gather3A, %gather3A_105 : vector<16xf32>
      %add3A_107 = arith.addf %broadcast_in_dim3A_102, %mul3A_106 : vector<16xf32>
      %broadcast_in_dim3A_108 = arith.constant 1 : i32
      %broadcast_in_dim3A_109 = vector.broadcast %broadcast_in_dim3A_108 : i32 to vector<16xi32>
      %gather3A_110 = tpu.vector_load_idx %arg12[%add3A_101, %broadcast_in_dim3A_109] : memref<128x32xf32, #tpu.memory_space<vmem>>[vector<16xi32>, vector<16xi32>], vector<16xf32>,
      %gather3A_111 = tpu.vector_load_idx %arg13[%add3A_101, %broadcast_in_dim3A_109] : memref<128x32xf32, #tpu.memory_space<vmem>>[vector<16xi32>, vector<16xi32>], vector<16xf32>,
      %mul3A_112 = arith.mulf %gather3A_110, %gather3A_111 : vector<16xf32>
      %add3A_113 = arith.addf %add3A_107, %mul3A_112 : vector<16xf32>
      %broadcast_in_dim3A_114 = arith.constant 2 : i32
      %broadcast_in_dim3A_115 = vector.broadcast %broadcast_in_dim3A_114 : i32 to vector<16xi32>
      %gather3A_116 = tpu.vector_load_idx %arg12[%add3A_101, %broadcast_in_dim3A_115] : memref<128x32xf32, #tpu.memory_space<vmem>>[vector<16xi32>, vector<16xi32>], vector<16xf32>,
      %gather3A_117 = tpu.vector_load_idx %arg13[%add3A_101, %broadcast_in_dim3A_115] : memref<128x32xf32, #tpu.memory_space<vmem>>[vector<16xi32>, vector<16xi32>], vector<16xf32>,
      %mul3A_118 = arith.mulf %gather3A_116, %gather3A_117 : vector<16xf32>
      %add3A_119 = arith.addf %add3A_113, %mul3A_118 : vector<16xf32>
      %broadcast_in_dim3A_120 = arith.constant 3 : i32
      %broadcast_in_dim3A_121 = vector.broadcast %broadcast_in_dim3A_120 : i32 to vector<16xi32>
      %gather3A_122 = tpu.vector_load_idx %arg12[%add3A_101, %broadcast_in_dim3A_121] : memref<128x32xf32, #tpu.memory_space<vmem>>[vector<16xi32>, vector<16xi32>], vector<16xf32>,
      %gather3A_123 = tpu.vector_load_idx %arg13[%add3A_101, %broadcast_in_dim3A_121] : memref<128x32xf32, #tpu.memory_space<vmem>>[vector<16xi32>, vector<16xi32>], vector<16xf32>,
      %mul3A_124 = arith.mulf %gather3A_122, %gather3A_123 : vector<16xf32>
      %add3A_125 = arith.addf %add3A_119, %mul3A_124 : vector<16xf32>
      %broadcast_in_dim3A_126 = arith.constant 4 : i32
      %broadcast_in_dim3A_127 = vector.broadcast %broadcast_in_dim3A_126 : i32 to vector<16xi32>
      %gather3A_128 = tpu.vector_load_idx %arg12[%add3A_101, %broadcast_in_dim3A_127] : memref<128x32xf32, #tpu.memory_space<vmem>>[vector<16xi32>, vector<16xi32>], vector<16xf32>,
      %gather3A_129 = tpu.vector_load_idx %arg13[%add3A_101, %broadcast_in_dim3A_127] : memref<128x32xf32, #tpu.memory_space<vmem>>[vector<16xi32>, vector<16xi32>], vector<16xf32>,
      %mul3A_130 = arith.mulf %gather3A_128, %gather3A_129 : vector<16xf32>
      %add3A_131 = arith.addf %add3A_125, %mul3A_130 : vector<16xf32>
      %broadcast_in_dim3A_132 = arith.constant 5 : i32
      %broadcast_in_dim3A_133 = vector.broadcast %broadcast_in_dim3A_132 : i32 to vector<16xi32>
      %gather3A_134 = tpu.vector_load_idx %arg12[%add3A_101, %broadcast_in_dim3A_133] : memref<128x32xf32, #tpu.memory_space<vmem>>[vector<16xi32>, vector<16xi32>], vector<16xf32>,
      %gather3A_135 = tpu.vector_load_idx %arg13[%add3A_101, %broadcast_in_dim3A_133] : memref<128x32xf32, #tpu.memory_space<vmem>>[vector<16xi32>, vector<16xi32>], vector<16xf32>,
      %mul3A_136 = arith.mulf %gather3A_134, %gather3A_135 : vector<16xf32>
      %add3A_137 = arith.addf %add3A_131, %mul3A_136 : vector<16xf32>
      %broadcast_in_dim3A_138 = arith.constant 6 : i32
      %broadcast_in_dim3A_139 = vector.broadcast %broadcast_in_dim3A_138 : i32 to vector<16xi32>
      %gather3A_140 = tpu.vector_load_idx %arg12[%add3A_101, %broadcast_in_dim3A_139] : memref<128x32xf32, #tpu.memory_space<vmem>>[vector<16xi32>, vector<16xi32>], vector<16xf32>,
      %gather3A_141 = tpu.vector_load_idx %arg13[%add3A_101, %broadcast_in_dim3A_139] : memref<128x32xf32, #tpu.memory_space<vmem>>[vector<16xi32>, vector<16xi32>], vector<16xf32>,
      %mul3A_142 = arith.mulf %gather3A_140, %gather3A_141 : vector<16xf32>
      %add3A_143 = arith.addf %add3A_137, %mul3A_142 : vector<16xf32>
      %broadcast_in_dim3A_144 = arith.constant 7 : i32
      %broadcast_in_dim3A_145 = vector.broadcast %broadcast_in_dim3A_144 : i32 to vector<16xi32>
      %gather3A_146 = tpu.vector_load_idx %arg12[%add3A_101, %broadcast_in_dim3A_145] : memref<128x32xf32, #tpu.memory_space<vmem>>[vector<16xi32>, vector<16xi32>], vector<16xf32>,
      %gather3A_147 = tpu.vector_load_idx %arg13[%add3A_101, %broadcast_in_dim3A_145] : memref<128x32xf32, #tpu.memory_space<vmem>>[vector<16xi32>, vector<16xi32>], vector<16xf32>,
      %mul3A_148 = arith.mulf %gather3A_146, %gather3A_147 : vector<16xf32>
      %add3A_149 = arith.addf %add3A_143, %mul3A_148 : vector<16xf32>
      %broadcast_in_dim3A_150 = arith.constant 8 : i32
      %broadcast_in_dim3A_151 = vector.broadcast %broadcast_in_dim3A_150 : i32 to vector<16xi32>
      %gather3A_152 = tpu.vector_load_idx %arg12[%add3A_101, %broadcast_in_dim3A_151] : memref<128x32xf32, #tpu.memory_space<vmem>>[vector<16xi32>, vector<16xi32>], vector<16xf32>,
      %gather3A_153 = tpu.vector_load_idx %arg13[%add3A_101, %broadcast_in_dim3A_151] : memref<128x32xf32, #tpu.memory_space<vmem>>[vector<16xi32>, vector<16xi32>], vector<16xf32>,
      %mul3A_154 = arith.mulf %gather3A_152, %gather3A_153 : vector<16xf32>
      %add3A_155 = arith.addf %add3A_149, %mul3A_154 : vector<16xf32>
      %broadcast_in_dim3A_156 = arith.constant 9 : i32
      %broadcast_in_dim3A_157 = vector.broadcast %broadcast_in_dim3A_156 : i32 to vector<16xi32>
      %gather3A_158 = tpu.vector_load_idx %arg12[%add3A_101, %broadcast_in_dim3A_157] : memref<128x32xf32, #tpu.memory_space<vmem>>[vector<16xi32>, vector<16xi32>], vector<16xf32>,
      %gather3A_159 = tpu.vector_load_idx %arg13[%add3A_101, %broadcast_in_dim3A_157] : memref<128x32xf32, #tpu.memory_space<vmem>>[vector<16xi32>, vector<16xi32>], vector<16xf32>,
      %mul3A_160 = arith.mulf %gather3A_158, %gather3A_159 : vector<16xf32>
      %add3A_161 = arith.addf %add3A_155, %mul3A_160 : vector<16xf32>
      %broadcast_in_dim3A_162 = arith.constant 10 : i32
      %broadcast_in_dim3A_163 = vector.broadcast %broadcast_in_dim3A_162 : i32 to vector<16xi32>
      %gather3A_164 = tpu.vector_load_idx %arg12[%add3A_101, %broadcast_in_dim3A_163] : memref<128x32xf32, #tpu.memory_space<vmem>>[vector<16xi32>, vector<16xi32>], vector<16xf32>,
      %gather3A_165 = tpu.vector_load_idx %arg13[%add3A_101, %broadcast_in_dim3A_163] : memref<128x32xf32, #tpu.memory_space<vmem>>[vector<16xi32>, vector<16xi32>], vector<16xf32>,
      %mul3A_166 = arith.mulf %gather3A_164, %gather3A_165 : vector<16xf32>
      %add3A_167 = arith.addf %add3A_161, %mul3A_166 : vector<16xf32>
      %broadcast_in_dim3A_168 = arith.constant 11 : i32
      %broadcast_in_dim3A_169 = vector.broadcast %broadcast_in_dim3A_168 : i32 to vector<16xi32>
      %gather3A_170 = tpu.vector_load_idx %arg12[%add3A_101, %broadcast_in_dim3A_169] : memref<128x32xf32, #tpu.memory_space<vmem>>[vector<16xi32>, vector<16xi32>], vector<16xf32>,
      %gather3A_171 = tpu.vector_load_idx %arg13[%add3A_101, %broadcast_in_dim3A_169] : memref<128x32xf32, #tpu.memory_space<vmem>>[vector<16xi32>, vector<16xi32>], vector<16xf32>,
      %mul3A_172 = arith.mulf %gather3A_170, %gather3A_171 : vector<16xf32>
      %add3A_173 = arith.addf %add3A_167, %mul3A_172 : vector<16xf32>
      %broadcast_in_dim3A_174 = arith.constant 12 : i32
      %broadcast_in_dim3A_175 = vector.broadcast %broadcast_in_dim3A_174 : i32 to vector<16xi32>
      %gather3A_176 = tpu.vector_load_idx %arg12[%add3A_101, %broadcast_in_dim3A_175] : memref<128x32xf32, #tpu.memory_space<vmem>>[vector<16xi32>, vector<16xi32>], vector<16xf32>,
      %gather3A_177 = tpu.vector_load_idx %arg13[%add3A_101, %broadcast_in_dim3A_175] : memref<128x32xf32, #tpu.memory_space<vmem>>[vector<16xi32>, vector<16xi32>], vector<16xf32>,
      %mul3A_178 = arith.mulf %gather3A_176, %gather3A_177 : vector<16xf32>
      %add3A_179 = arith.addf %add3A_173, %mul3A_178 : vector<16xf32>
      %broadcast_in_dim3A_180 = arith.constant 13 : i32
      %broadcast_in_dim3A_181 = vector.broadcast %broadcast_in_dim3A_180 : i32 to vector<16xi32>
      %gather3A_182 = tpu.vector_load_idx %arg12[%add3A_101, %broadcast_in_dim3A_181] : memref<128x32xf32, #tpu.memory_space<vmem>>[vector<16xi32>, vector<16xi32>], vector<16xf32>,
      %gather3A_183 = tpu.vector_load_idx %arg13[%add3A_101, %broadcast_in_dim3A_181] : memref<128x32xf32, #tpu.memory_space<vmem>>[vector<16xi32>, vector<16xi32>], vector<16xf32>,
      %mul3A_184 = arith.mulf %gather3A_182, %gather3A_183 : vector<16xf32>
      %add3A_185 = arith.addf %add3A_179, %mul3A_184 : vector<16xf32>
      %broadcast_in_dim3A_186 = arith.constant 14 : i32
      %broadcast_in_dim3A_187 = vector.broadcast %broadcast_in_dim3A_186 : i32 to vector<16xi32>
      %gather3A_188 = tpu.vector_load_idx %arg12[%add3A_101, %broadcast_in_dim3A_187] : memref<128x32xf32, #tpu.memory_space<vmem>>[vector<16xi32>, vector<16xi32>], vector<16xf32>,
      %gather3A_189 = tpu.vector_load_idx %arg13[%add3A_101, %broadcast_in_dim3A_187] : memref<128x32xf32, #tpu.memory_space<vmem>>[vector<16xi32>, vector<16xi32>], vector<16xf32>,
      %mul3A_190 = arith.mulf %gather3A_188, %gather3A_189 : vector<16xf32>
      %add3A_191 = arith.addf %add3A_185, %mul3A_190 : vector<16xf32>
      %broadcast_in_dim3A_192 = arith.constant 15 : i32
      %broadcast_in_dim3A_193 = vector.broadcast %broadcast_in_dim3A_192 : i32 to vector<16xi32>
      %gather3A_194 = tpu.vector_load_idx %arg12[%add3A_101, %broadcast_in_dim3A_193] : memref<128x32xf32, #tpu.memory_space<vmem>>[vector<16xi32>, vector<16xi32>], vector<16xf32>,
      %gather3A_195 = tpu.vector_load_idx %arg13[%add3A_101, %broadcast_in_dim3A_193] : memref<128x32xf32, #tpu.memory_space<vmem>>[vector<16xi32>, vector<16xi32>], vector<16xf32>,
      %mul3A_196 = arith.mulf %gather3A_194, %gather3A_195 : vector<16xf32>
      %add3A_197 = arith.addf %add3A_191, %mul3A_196 : vector<16xf32>
      %broadcast_in_dim3A_198 = arith.constant 16 : i32
      %broadcast_in_dim3A_199 = vector.broadcast %broadcast_in_dim3A_198 : i32 to vector<16xi32>
      %gather3A_200 = tpu.vector_load_idx %arg12[%add3A_101, %broadcast_in_dim3A_199] : memref<128x32xf32, #tpu.memory_space<vmem>>[vector<16xi32>, vector<16xi32>], vector<16xf32>,
      %gather3A_201 = tpu.vector_load_idx %arg13[%add3A_101, %broadcast_in_dim3A_199] : memref<128x32xf32, #tpu.memory_space<vmem>>[vector<16xi32>, vector<16xi32>], vector<16xf32>,
      %mul3A_202 = arith.mulf %gather3A_200, %gather3A_201 : vector<16xf32>
      %add3A_203 = arith.addf %add3A_197, %mul3A_202 : vector<16xf32>
      %broadcast_in_dim3A_204 = arith.constant 17 : i32
      %broadcast_in_dim3A_205 = vector.broadcast %broadcast_in_dim3A_204 : i32 to vector<16xi32>
      %gather3A_206 = tpu.vector_load_idx %arg12[%add3A_101, %broadcast_in_dim3A_205] : memref<128x32xf32, #tpu.memory_space<vmem>>[vector<16xi32>, vector<16xi32>], vector<16xf32>,
      %gather3A_207 = tpu.vector_load_idx %arg13[%add3A_101, %broadcast_in_dim3A_205] : memref<128x32xf32, #tpu.memory_space<vmem>>[vector<16xi32>, vector<16xi32>], vector<16xf32>,
      %mul3A_208 = arith.mulf %gather3A_206, %gather3A_207 : vector<16xf32>
      %add3A_209 = arith.addf %add3A_203, %mul3A_208 : vector<16xf32>
      %broadcast_in_dim3A_210 = arith.constant 18 : i32
      %broadcast_in_dim3A_211 = vector.broadcast %broadcast_in_dim3A_210 : i32 to vector<16xi32>
      %gather3A_212 = tpu.vector_load_idx %arg12[%add3A_101, %broadcast_in_dim3A_211] : memref<128x32xf32, #tpu.memory_space<vmem>>[vector<16xi32>, vector<16xi32>], vector<16xf32>,
      %gather3A_213 = tpu.vector_load_idx %arg13[%add3A_101, %broadcast_in_dim3A_211] : memref<128x32xf32, #tpu.memory_space<vmem>>[vector<16xi32>, vector<16xi32>], vector<16xf32>,
      %mul3A_214 = arith.mulf %gather3A_212, %gather3A_213 : vector<16xf32>
      %add3A_215 = arith.addf %add3A_209, %mul3A_214 : vector<16xf32>
      %broadcast_in_dim3A_216 = arith.constant 19 : i32
      %broadcast_in_dim3A_217 = vector.broadcast %broadcast_in_dim3A_216 : i32 to vector<16xi32>
      %gather3A_218 = tpu.vector_load_idx %arg12[%add3A_101, %broadcast_in_dim3A_217] : memref<128x32xf32, #tpu.memory_space<vmem>>[vector<16xi32>, vector<16xi32>], vector<16xf32>,
      %gather3A_219 = tpu.vector_load_idx %arg13[%add3A_101, %broadcast_in_dim3A_217] : memref<128x32xf32, #tpu.memory_space<vmem>>[vector<16xi32>, vector<16xi32>], vector<16xf32>,
      %mul3A_220 = arith.mulf %gather3A_218, %gather3A_219 : vector<16xf32>
      %add3A_221 = arith.addf %add3A_215, %mul3A_220 : vector<16xf32>
      %broadcast_in_dim3A_222 = arith.constant 20 : i32
      %broadcast_in_dim3A_223 = vector.broadcast %broadcast_in_dim3A_222 : i32 to vector<16xi32>
      %gather3A_224 = tpu.vector_load_idx %arg12[%add3A_101, %broadcast_in_dim3A_223] : memref<128x32xf32, #tpu.memory_space<vmem>>[vector<16xi32>, vector<16xi32>], vector<16xf32>,
      %gather3A_225 = tpu.vector_load_idx %arg13[%add3A_101, %broadcast_in_dim3A_223] : memref<128x32xf32, #tpu.memory_space<vmem>>[vector<16xi32>, vector<16xi32>], vector<16xf32>,
      %mul3A_226 = arith.mulf %gather3A_224, %gather3A_225 : vector<16xf32>
      %add3A_227 = arith.addf %add3A_221, %mul3A_226 : vector<16xf32>
      %broadcast_in_dim3A_228 = arith.constant 21 : i32
      %broadcast_in_dim3A_229 = vector.broadcast %broadcast_in_dim3A_228 : i32 to vector<16xi32>
      %gather3A_230 = tpu.vector_load_idx %arg12[%add3A_101, %broadcast_in_dim3A_229] : memref<128x32xf32, #tpu.memory_space<vmem>>[vector<16xi32>, vector<16xi32>], vector<16xf32>,
      %gather3A_231 = tpu.vector_load_idx %arg13[%add3A_101, %broadcast_in_dim3A_229] : memref<128x32xf32, #tpu.memory_space<vmem>>[vector<16xi32>, vector<16xi32>], vector<16xf32>,
      %mul3A_232 = arith.mulf %gather3A_230, %gather3A_231 : vector<16xf32>
      %add3A_233 = arith.addf %add3A_227, %mul3A_232 : vector<16xf32>
      %broadcast_in_dim3A_234 = arith.constant 22 : i32
      %broadcast_in_dim3A_235 = vector.broadcast %broadcast_in_dim3A_234 : i32 to vector<16xi32>
      %gather3A_236 = tpu.vector_load_idx %arg12[%add3A_101, %broadcast_in_dim3A_235] : memref<128x32xf32, #tpu.memory_space<vmem>>[vector<16xi32>, vector<16xi32>], vector<16xf32>,
      %gather3A_237 = tpu.vector_load_idx %arg13[%add3A_101, %broadcast_in_dim3A_235] : memref<128x32xf32, #tpu.memory_space<vmem>>[vector<16xi32>, vector<16xi32>], vector<16xf32>,
      %mul3A_238 = arith.mulf %gather3A_236, %gather3A_237 : vector<16xf32>
      %add3A_239 = arith.addf %add3A_233, %mul3A_238 : vector<16xf32>
      %broadcast_in_dim3A_240 = arith.constant 23 : i32
      %broadcast_in_dim3A_241 = vector.broadcast %broadcast_in_dim3A_240 : i32 to vector<16xi32>
      %gather3A_242 = tpu.vector_load_idx %arg12[%add3A_101, %broadcast_in_dim3A_241] : memref<128x32xf32, #tpu.memory_space<vmem>>[vector<16xi32>, vector<16xi32>], vector<16xf32>,
      %gather3A_243 = tpu.vector_load_idx %arg13[%add3A_101, %broadcast_in_dim3A_241] : memref<128x32xf32, #tpu.memory_space<vmem>>[vector<16xi32>, vector<16xi32>], vector<16xf32>,
      %mul3A_244 = arith.mulf %gather3A_242, %gather3A_243 : vector<16xf32>
      %add3A_245 = arith.addf %add3A_239, %mul3A_244 : vector<16xf32>
      %broadcast_in_dim3A_246 = arith.constant 24 : i32
      %broadcast_in_dim3A_247 = vector.broadcast %broadcast_in_dim3A_246 : i32 to vector<16xi32>
      %gather3A_248 = tpu.vector_load_idx %arg12[%add3A_101, %broadcast_in_dim3A_247] : memref<128x32xf32, #tpu.memory_space<vmem>>[vector<16xi32>, vector<16xi32>], vector<16xf32>,
      %gather3A_249 = tpu.vector_load_idx %arg13[%add3A_101, %broadcast_in_dim3A_247] : memref<128x32xf32, #tpu.memory_space<vmem>>[vector<16xi32>, vector<16xi32>], vector<16xf32>,
      %mul3A_250 = arith.mulf %gather3A_248, %gather3A_249 : vector<16xf32>
      %add3A_251 = arith.addf %add3A_245, %mul3A_250 : vector<16xf32>
      %broadcast_in_dim3A_252 = arith.constant 25 : i32
      %broadcast_in_dim3A_253 = vector.broadcast %broadcast_in_dim3A_252 : i32 to vector<16xi32>
      %gather3A_254 = tpu.vector_load_idx %arg12[%add3A_101, %broadcast_in_dim3A_253] : memref<128x32xf32, #tpu.memory_space<vmem>>[vector<16xi32>, vector<16xi32>], vector<16xf32>,
      %gather3A_255 = tpu.vector_load_idx %arg13[%add3A_101, %broadcast_in_dim3A_253] : memref<128x32xf32, #tpu.memory_space<vmem>>[vector<16xi32>, vector<16xi32>], vector<16xf32>,
      %mul3A_256 = arith.mulf %gather3A_254, %gather3A_255 : vector<16xf32>
      %add3A_257 = arith.addf %add3A_251, %mul3A_256 : vector<16xf32>
      %broadcast_in_dim3A_258 = arith.constant 26 : i32
      %broadcast_in_dim3A_259 = vector.broadcast %broadcast_in_dim3A_258 : i32 to vector<16xi32>
      %gather3A_260 = tpu.vector_load_idx %arg12[%add3A_101, %broadcast_in_dim3A_259] : memref<128x32xf32, #tpu.memory_space<vmem>>[vector<16xi32>, vector<16xi32>], vector<16xf32>,
      %gather3A_261 = tpu.vector_load_idx %arg13[%add3A_101, %broadcast_in_dim3A_259] : memref<128x32xf32, #tpu.memory_space<vmem>>[vector<16xi32>, vector<16xi32>], vector<16xf32>,
      %mul3A_262 = arith.mulf %gather3A_260, %gather3A_261 : vector<16xf32>
      %add3A_263 = arith.addf %add3A_257, %mul3A_262 : vector<16xf32>
      %broadcast_in_dim3A_264 = arith.constant 27 : i32
      %broadcast_in_dim3A_265 = vector.broadcast %broadcast_in_dim3A_264 : i32 to vector<16xi32>
      %gather3A_266 = tpu.vector_load_idx %arg12[%add3A_101, %broadcast_in_dim3A_265] : memref<128x32xf32, #tpu.memory_space<vmem>>[vector<16xi32>, vector<16xi32>], vector<16xf32>,
      %gather3A_267 = tpu.vector_load_idx %arg13[%add3A_101, %broadcast_in_dim3A_265] : memref<128x32xf32, #tpu.memory_space<vmem>>[vector<16xi32>, vector<16xi32>], vector<16xf32>,
      %mul3A_268 = arith.mulf %gather3A_266, %gather3A_267 : vector<16xf32>
      %add3A_269 = arith.addf %add3A_263, %mul3A_268 : vector<16xf32>
      %broadcast_in_dim3A_270 = arith.constant 28 : i32
      %broadcast_in_dim3A_271 = vector.broadcast %broadcast_in_dim3A_270 : i32 to vector<16xi32>
      %gather3A_272 = tpu.vector_load_idx %arg12[%add3A_101, %broadcast_in_dim3A_271] : memref<128x32xf32, #tpu.memory_space<vmem>>[vector<16xi32>, vector<16xi32>], vector<16xf32>,
      %gather3A_273 = tpu.vector_load_idx %arg13[%add3A_101, %broadcast_in_dim3A_271] : memref<128x32xf32, #tpu.memory_space<vmem>>[vector<16xi32>, vector<16xi32>], vector<16xf32>,
      %mul3A_274 = arith.mulf %gather3A_272, %gather3A_273 : vector<16xf32>
      %add3A_275 = arith.addf %add3A_269, %mul3A_274 : vector<16xf32>
      %broadcast_in_dim3A_276 = arith.constant 29 : i32
      %broadcast_in_dim3A_277 = vector.broadcast %broadcast_in_dim3A_276 : i32 to vector<16xi32>
      %gather3A_278 = tpu.vector_load_idx %arg12[%add3A_101, %broadcast_in_dim3A_277] : memref<128x32xf32, #tpu.memory_space<vmem>>[vector<16xi32>, vector<16xi32>], vector<16xf32>,
      %gather3A_279 = tpu.vector_load_idx %arg13[%add3A_101, %broadcast_in_dim3A_277] : memref<128x32xf32, #tpu.memory_space<vmem>>[vector<16xi32>, vector<16xi32>], vector<16xf32>,
      %mul3A_280 = arith.mulf %gather3A_278, %gather3A_279 : vector<16xf32>
      %add3A_281 = arith.addf %add3A_275, %mul3A_280 : vector<16xf32>
      %broadcast_in_dim3A_282 = arith.constant 30 : i32
      %broadcast_in_dim3A_283 = vector.broadcast %broadcast_in_dim3A_282 : i32 to vector<16xi32>
      %gather3A_284 = tpu.vector_load_idx %arg12[%add3A_101, %broadcast_in_dim3A_283] : memref<128x32xf32, #tpu.memory_space<vmem>>[vector<16xi32>, vector<16xi32>], vector<16xf32>,
      %gather3A_285 = tpu.vector_load_idx %arg13[%add3A_101, %broadcast_in_dim3A_283] : memref<128x32xf32, #tpu.memory_space<vmem>>[vector<16xi32>, vector<16xi32>], vector<16xf32>,
      %mul3A_286 = arith.mulf %gather3A_284, %gather3A_285 : vector<16xf32>
      %add3A_287 = arith.addf %add3A_281, %mul3A_286 : vector<16xf32>
      %broadcast_in_dim3A_288 = arith.constant 31 : i32
      %broadcast_in_dim3A_289 = vector.broadcast %broadcast_in_dim3A_288 : i32 to vector<16xi32>
      %gather3A_290 = tpu.vector_load_idx %arg12[%add3A_101, %broadcast_in_dim3A_289] : memref<128x32xf32, #tpu.memory_space<vmem>>[vector<16xi32>, vector<16xi32>], vector<16xf32>,
      %gather3A_291 = tpu.vector_load_idx %arg13[%add3A_101, %broadcast_in_dim3A_289] : memref<128x32xf32, #tpu.memory_space<vmem>>[vector<16xi32>, vector<16xi32>], vector<16xf32>,
      %mul3A_292 = arith.mulf %gather3A_290, %gather3A_291 : vector<16xf32>
      %add3A_293 = arith.addf %add3A_287, %mul3A_292 : vector<16xf32>
      %mul3A_294 = arith.constant 16 : i32
      %mul3A_295 = arith.muli %scan3A_97, %mul3A_294 : i32
      %add3A_296 = arith.constant 384 : i32
      %add3A_297 = arith.addi %add3A_296, %mul3A_295 : i32
      %swap3A = arith.index_cast %add3A_297 : i32 to index
      %swap3A_298 = tpu.vector_load %arg14[%swap3A] {strides = array<i32>} : memref<512xf32, #tpu.memory_space<vmem>>, vector<16xf32>,
      tpu.vector_store %arg14[%swap3A], %add3A_293 {strides = array<i32>} : memref<512xf32, #tpu.memory_space<vmem>>, vector<16xf32>,
    }
    %scan3A_96 = arith.constant 8 : i32
    "tpu.region"() ({
      %run_scoped3A = tpu.sem_alloc : memref<!tpu.dma_semaphore, #tpu.memory_space<semaphore_mem>>
      %dma_start3A = tpu.memref_slice %arg5[%multiple_of3A] : memref<16384xf32, #tpu.memory_space<hbm>> -> memref<512xf32, #tpu.memory_space<hbm>>
      %dma_start3A_97 = tpu.memref_slice %arg5[%multiple_of3A] : memref<16384xf32, #tpu.memory_space<hbm>> -> memref<512xf32, #tpu.memory_space<hbm>>
      tpu.enqueue_dma source(%arg14 : memref<512xf32, #tpu.memory_space<vmem>>) target(%dma_start3A_97 : memref<512xf32, #tpu.memory_space<hbm>>) target_semaphore(%run_scoped3A : memref<!tpu.dma_semaphore, #tpu.memory_space<semaphore_mem>>)
      %dma_wait3A_98 = tpu.memref_slice %arg5[%multiple_of3A] : memref<16384xf32, #tpu.memory_space<hbm>> -> memref<512xf32, #tpu.memory_space<hbm>>
      %dma_wait3A_99 = tpu.memref_slice %arg5[%multiple_of3A] : memref<16384xf32, #tpu.memory_space<hbm>> -> memref<512xf32, #tpu.memory_space<hbm>>
      tpu.wait_dma2 semaphore(%run_scoped3A : memref<!tpu.dma_semaphore, #tpu.memory_space<semaphore_mem>>) src(%arg14 : memref<512xf32, #tpu.memory_space<vmem>>) dst(%dma_wait3A_99 : memref<512xf32, #tpu.memory_space<hbm>>)
      tpu.yield
    }) : () -> ()
    return
  }
}

</mosaic_0001>

<sc_bundles>
// kernel: kernel.3.cloned.1.call-start
scs
__scs_entry_jumppad:
0x0: {  	(pc) =	sbr.rel $0x88, $3  }
0x1: {  	(tag) =	ssettag $0x0;
	lr =	simm.s32 $0x1  }
0x2: {  	[smem:$0x3F9E] =	sst lr;
	_ =	strace $0xD0000000  }
0x3: {  	_ = 	snop  }
0x4: {  	_ = 	snop  }
0x5: {  	_ = 	snop  }
0x6: {  	_ = 	snop  }
0x7: {  	_ = 	snop  }
__scs_overlays_trampoline_lowered:
0x8: {  	[smem:$0x3FAD] =	sst s0  }
0x9: {  	[smem:$0x3FAE] =	sst s1  }
0xa: {  	[smem:$0x3FAF] =	sst s2  }
0xb: {  	[smem:$0x3FB0] =	sst s3  }
0xc: {  	[smem:$0x3FB1] =	sst s4  }
0xd: {  	[smem:$0x3FB2] =	sst s5  }
0xe: {  	[smem:$0x3FB3] =	sst s6  }
0xf: {  	[smem:$0x3FB4] =	sst s7  }
0x10: {  	[smem:$0x3FB5] =	sst s8  }
0x11: {  	[smem:$0x3FB6] =	sst s9;
	s0 =	simm.s32 @!p0 $0x0  }
0x12: {  	s1 =	sld [smem:$0x3F9C];
	s0 =	simm.s32 @p0 $0x1  }
0x13: {  	[smem:$0x3FB7] =	sst s0;
	s0 =	simm.s32 @!p1 $0x0  }
0x14: {  	s2 =	sld [smem:$0x3F9B];
	s0 =	simm.s32 @p1 $0x1  }
0x15: {  	[smem:$0x3FB8] =	sst s0;
	s0 =	simm.s32 @!p2 $0x0  }
0x16: {  	s3 =	sld [smem:$0x3FDB];
	s0 =	simm.s32 @p2 $0x1  }
0x17: {  	s4 =	simm.s32 $0x1BF5;
	[smem:$0x3FBA] =	sst s0  }
0x18: {  	s0 =	sld [smem:$0x3F9D];
	_ =	swait.ge [sflag:s4], $0x0  }
0x19: {  	s7 =	sld [smem:$0x3F9E]  }
0x1a: {  	s8 =	sadd.s32 $0xFFFFE003, lr  }
0x1b: {  	s9 =	sadd.s32 $0xFFFFFEF7, lr;
	s5 =	simm.s32 $0xFFFFFFFF;
	p2 =	slt.u32 s8, $0xFFFFF086  }
0x1c: {  	p1 =	slt.u32 s9, $0xF7A;
	s5 =	simm.s32 @!p2 $0x0  }
0x1d: {  	s5 =	simm.s32 @p1 $0x1;
	p0 =	seq.s32 s7, s2  }
0x1e: {  	s7 =	smul.u32 @!p0 $0xF7A, s2;
	p2 =	seq.s32 @!p0 s5, $0x0  }
0x1f: {  	s9 =	smul.u32 $0xF7A, s1;
	s8 =	simm.s32 @!p0 $0x1BF5;
	p2 =	por !p2, p0  }
0x20: {  	[sflag:s8] =	ssyncset.s32 @!p0 $0xFFFFF086;
	s6 =	sadd.s32 @!p0 s3, s7;
	s7 =	simm.s32 @!p0 $0x108  }
0x21: {  	s3 =	sadd.s32 s3, s9;
	s6 =	sadd.s32 @!p0 $0x88, s6;
	s7 =	simm.s32 @p2 $0x1082  }
0x22: {  	[simem:s7], [sflag:s8] =	dma.local @!p0 [hbm:s6], $0xF7A  }
0x23: {  	s9 =	sor.u32 $0xD0000000, s2;
	s6 =	simm.s32 $0x108;
	_ =	swait.ge @!p0 [sflag:s8], $0x0  }
0x24: {  	s3 =	sadd.s32 $0x88, s3;
	s6 =	simm.s32 @!p1 $0x1082;
	[sflag:s4] =	ssyncset.s32 $0xFFFFF086  }
0x25: {  	[simem:s6], [sflag:s4] =	dma.local [hbm:s3], $0xF7A  }
0x26: {  	[smem:$0x3F9E] =	sst s1;
	(tag) =	ssettag s2;
	_ =	strace s9  }
0x27: {  	s1 =	sld [smem:$0x3FAE]  }
0x28: {  	s2 =	sld [smem:$0x3FAF]  }
0x29: {  	s4 =	sld [smem:$0x3FB1]  }
0x2a: {  	p0 =	seq.s32 s5, $0x0;
	s5 =	sld [smem:$0x3FB2]  }
0x2b: {  	s6 =	sld [smem:$0x3FB3]  }
0x2c: {  	s7 =	sld [smem:$0x3FB4]  }
0x2d: {  	s3 =	simm.s32 $0x108;
	s8 =	sld [smem:$0x3FB5]  }
0x2e: {  	s3 =	simm.s32 @!p0 $0x1082;
	s9 =	sld [smem:$0x3FB6]  }
0x2f: {  	lr =	sadd.s32 s0, s3;
	s0 =	sld [smem:$0x3FAD]  }
0x30: {  	s3 =	sld [smem:$0x3FB0]  }
0x31: {  	[smem:$0x3FB9] =	sst s10  }
0x32: {  	s10 =	sld [smem:$0x3FB7];
	_ =	sdelay $0x3  }
0x33: {  	p0 =	seq.s32 s10, $0x1;
	s10 =	sld [smem:$0x3FB9];
	_ =	sdelay $0x3  }
0x34: {  	[smem:$0x3FB9] =	sst s10  }
0x35: {  	s10 =	sld [smem:$0x3FB8];
	_ =	sdelay $0x3  }
0x36: {  	p1 =	seq.s32 s10, $0x1;
	s10 =	sld [smem:$0x3FB9];
	_ =	sdelay $0x3  }
0x37: {  	[smem:$0x3FB9] =	sst s10  }
0x38: {  	s10 =	sld [smem:$0x3FBA]  }
0x39: {  	_ = 	snop;
	(pc) =	sbr.ind lr, $3  }
0x3a: {  	_ = 	snop  }
0x3b: {  	_ = 	snop  }
0x3c: {  	p2 =	seq.s32 s10, $0x1;
	s10 =	sld [smem:$0x3FB9]  }
0x3d: {  	_ =	shalt  }
0x3e: {  	_ =	shalt  }
0x3f: {  	_ =	shalt  }
0x40: {  	_ =	shalt  }
0x41: {  	_ =	shalt  }
0x42: {  	_ =	shalt  }
0x43: {  	_ =	shalt  }
0x44: {  	_ =	shalt  }
0x45: {  	_ =	shalt  }
0x46: {  	_ =	shalt  }
0x47: {  	_ =	shalt  }
0x48: {  	_ =	shalt  }
0x49: {  	_ =	shalt  }
0x4a: {  	_ =	shalt  }
0x4b: {  	_ =	shalt  }
0x4c: {  	_ =	shalt  }
0x4d: {  	_ =	shalt  }
0x4e: {  	_ =	shalt  }
0x4f: {  	_ =	shalt  }
0x50: {  	_ =	shalt  }
0x51: {  	_ =	shalt  }
0x52: {  	_ =	shalt  }
0x53: {  	_ =	shalt  }
0x54: {  	_ =	shalt  }
0x55: {  	_ =	shalt  }
0x56: {  	_ =	shalt  }
0x57: {  	_ =	shalt  }
0x58: {  	_ =	shalt  }
0x59: {  	_ =	shalt  }
0x5a: {  	_ =	shalt  }
0x5b: {  	_ =	shalt  }
0x5c: {  	_ =	shalt  }
0x5d: {  	_ =	shalt  }
0x5e: {  	_ =	shalt  }
0x5f: {  	_ =	shalt  }
0x60: {  	_ =	shalt  }
0x61: {  	_ =	shalt  }
0x62: {  	_ =	shalt  }
0x63: {  	_ =	shalt  }
0x64: {  	_ =	shalt  }
0x65: {  	_ =	shalt  }
0x66: {  	_ =	shalt  }
0x67: {  	_ =	shalt  }
0x68: {  	_ =	shalt  }
0x69: {  	_ =	shalt  }
0x6a: {  	_ =	shalt  }
0x6b: {  	_ =	shalt  }
0x6c: {  	_ =	shalt  }
0x6d: {  	_ =	shalt  }
0x6e: {  	_ =	shalt  }
0x6f: {  	_ =	shalt  }
0x70: {  	_ =	shalt  }
0x71: {  	_ =	shalt  }
0x72: {  	_ =	shalt  }
0x73: {  	_ =	shalt  }
0x74: {  	_ =	shalt  }
0x75: {  	_ =	shalt  }
0x76: {  	_ =	shalt  }
0x77: {  	_ =	shalt  }
0x78: {  	_ =	shalt  }
0x79: {  	_ =	shalt  }
0x7a: {  	_ =	shalt  }
0x7b: {  	_ =	shalt  }
0x7c: {  	_ =	shalt  }
0x7d: {  	_ =	shalt  }
0x7e: {  	_ =	shalt  }
0x7f: {  	_ =	shalt  }
0x80: {  	_ =	shalt  }
0x81: {  	_ =	shalt  }
0x82: {  	_ =	shalt  }
0x83: {  	_ =	shalt  }
0x84: {  	_ =	shalt  }
0x85: {  	_ =	shalt  }
0x86: {  	_ =	shalt  }
0x87: {  	_ =	shalt  }
.Lfunc_end0:
.L_simem_size_0:
called_computation_lowered:
.L_overlay_start_0:
0x88: {  	s2 =	sld [smem:$0x3FD9]  }
0x89: {  	s3 =	sld [smem:$0x3FFE];
	_ =	sdelay $0x1  }
0x8a: {  	s1 =	srdreg.scid  }
0x8b: {  	s0 =	sand.u32 $0x1, s1  }
0x8c: {  	s17 =	sshll.u32 s0, $0xA;
	s2 =	sadd.s32 s3, s2  }
0x8d: {  	s2 =	sadd.s32 s2, s17  }
0x8e: {  	[smem:$0x3FC5] =	sst s2  }
0x8f: {  	_ = 	snop  }
0x90: {  	s2 =	sld [smem:$0x3FC9]  }
0x91: {  	s18 =	sld [smem:$0x3FC8]  }
0x92: {  	s4 =	sld [smem:$0x3FD0];
	(tm) =	ssettm $0x1  }
0x93: {  	s5 =	sld [smem:$0x3FFB];
	_ =	sdelay $0x3  }
0x94: {  	_ =	strace s5  }
0x95: {  	s5 =	sld [smem:$0x3FFC];
	_ =	sdelay $0x3  }
0x96: {  	_ =	strace s5  }
0x97: {  	s5 =	sld [smem:$0x3FFD];
	_ =	sdelay $0x3  }
0x98: {  	_ =	strace s5  }
0x99: {  	_ =	strace $0x8FFFFFFF  }
0x9a: {  	s19 =	sld [smem:$0x3FDB];
	_ =	sdelay $0x1  }
0x9b: {  	s6 =	simm.s32 $_scs_section_size  }
0x9c: {  	s7 =	simm.s32 $_size__tile_overlayer_lowered;
	s8 =	simm.s32 $_tile_overlayer_lowered  }
0x9d: {  	s22 =	simm.s32 $0x1BFF;
	s21 =	sshll.u32 s8, $0x1;
	s5 =	sadd.s32 s6, s19  }
0x9e: {  	s9 =	simm.s32 $0x0;
	s20 =	sshll.u32 s7, $0x1;
	s7 =	sadd.s32 s21, s5  }
0x9f: {  	[timem:s9], [sflag:s22] =	dma.local [hbm:s7], s20  }
0xa0: {  	_ =	swait.ge [sflag:s22], s20  }
0xa1: {  	s6 =	ssub.s32 $0x0, s20;
	[sflag:s22] =	ssyncset.done $0x0  }
0xa2: {  	[sflag:s22] =	ssyncadd.s32 s6;
	_ =	sdelay $0x1  }
0xa3: {  	s23 =	simm.s32 $0x1B8B  }
0xa4: {  	_ =	swait.ge [sflag:s23], $0x1  }
0xa5: {  	[sflag:s23] =	ssyncset.done $0x0  }
0xa6: {  	s25 =	simm.s32 $0x1B8E;
	s24 =	sld [smem:$0x3FFE];
	[sflag:s23] =	ssyncadd.s32 $0xFFFFFFFF  }
0xa7: {  	s26 =	simm.s32 $execute0_lowered;
	[smem:$0x3FD2] =	sst s25  }
0xa8: {  	s7 =	sshll.u32 s26, $0x1;
	_ =	strace $0x80000046;
	[dreg:$0x1] =	wrdreg $0xFFFFFFFF  }
0xa9: {  	s28 =	simm.s32 $_size_execute0_lowered;
	s5 =	sadd.s32 s5, s7;
	[dreg:$0x0] =	wrdreg $0x0  }
0xaa: {  	s7 =	sshll.u32 s28, $0x1;
	[dreg:$0x2] =	wrdreg s5  }
0xab: {  	[dreg:$0x3] =	wrdreg s7  }
0xac: {  	[dreg:$0x4] =	wrdreg $0xC0  }
0xad: {  	_ =	task [dreg:s9], $0x5FFFF  }
0xae: {  	[dreg:$0x1] =	wrdreg $0xFFFFFFFF  }
0xaf: {  	[dreg:$0x0] =	wrdreg $0x60  }
0xb0: {  	[dreg:$0x2] =	wrdreg s2  }
0xb1: {  	[dreg:$0x3] =	wrdreg s18  }
0xb2: {  	[dreg:$0x4] =	wrdreg s24  }
0xb3: {  	[dreg:$0x5] =	wrdreg s4  }
0xb4: {  	[dreg:$0x6] =	wrdreg $0x0  }
0xb5: {  	[dreg:$0x7] =	wrdreg $0x2000  }
0xb6: {  	[dreg:$0x8] =	wrdreg $0x9  }
0xb7: {  	_ =	task.clear_ibuf [dreg:s9], $0x9FFFF;
	_ =	strace $0x90000046  }
0xb8: {  	s29 =	simm.s32 $0x9;
	_ =	strace $0x80000048  }
0xb9: {  	_ =	swait.ge [sflag:s29], $0x1  }
0xba: {  	[sflag:s29] =	ssyncadd.s32 $0xFFFFFFFF  }
0xbb: {  	_ =	strace $0x90000048  }
0xbc: {  	_ =	sfence  }
0xbd: {  	s30 =	sld [smem:$0x0];
	_ =	sdelay $0x2  }
0xbe: {  	s31 =	sshll.u32 s1, $0xD;
	s1 =	sshrl.u32 s1, $0x2  }
0xbf: {  	s3 =	sand.u32 $0x4000, s31;
	s1 =	sadd.s32 s1, s30  }
0xc0: {  	s0 =	sor.u32 s3, s0;
	s1 =	sshll.u32 s1, $0x11  }
0xc1: {  	s0 =	sor.u32 s1, s0  }
0xc2: {  	s0 =	sadd.s32 $0x8F2B, s0  }
0xc3: {  	[sflag:s0] =	ssyncadd.remote.s32 $0x1  }
0xc4: {  	_ =	sfence.sel $0xFFFF  }
0xc5: {  	[dreg:$0x0] =	wrdreg $0xFFFFFFFF;
	(pc) =	sbr.abs _section_cstart, $3  }
0xc6: {  	[dreg:$0x1] =	wrdreg $0xFFFFFFFF  }
0xc7: {  	_ =	task.clear_ibuf [dreg:s9], $0x2FFFF;
	_ =	strace $0x9FFFFFFF  }
0xc8: {  	(tm) =	ssettm $0x7FFFFFFF  }
0xc9: {  	_ =	shalt  }
tec
execute0_lowered:
.L_overlay_start_1:
0x0: {  	(tag) =	ssettag $0x1  }
0x1: {  	s0 =	rddreg [dreg:$0x0]  }
0x2: {  	s2 =	rddreg [dreg:$0x1]  }
0x3: {  	s3 =	rddreg [dreg:$0x2]  }
0x4: {  	s5 =	rddreg [dreg:$0x3]  }
0x5: {  	s4 =	rddreg [dreg:$0x4]  }
0x6: {  	s7 =	rddreg [dreg:$0x5]  }
0x7: {  	s1 =	simm.s32 $0x0;
	s6 =	srdreg.scid;
	s13 =	stileid.u32  }
0x8: {  	s30 =	simm.s32 $0x400;
	s31 =	simm.s32 $0x4400;
	[smem:$0x7FF] =	sst s1  }
0x9: {  	s6 =	sand.u32 $0x1, s6;
	s3 =	sadd.s32 $0x400, s3;
	s10 =	sshll.u32 s13, $0x9  }
0xa: {  	s11 =	sshll.u32 s13, $0x7;
	s8 =	ssub.s32 $0x2, s6;
	s6 =	sshll.u32 s6, $0x6  }
0xb: {  	_ =	strace $0x80000047;
	s10 =	sand.u32 $0x1000, s10;
	s16 =	sor.u32 s6, s11  }
0xc: {  	s12 =	sand.u32 $0x380, s11;
	s9 =	sshrl.u32 s8, $0x1;
	s0 =	sadd.s32 s0, s16  }
0xd: {  	s15 =	sor.u32 s12, s10;
	s18 =	sadd.s32 s2, s16;
	[dreg:$0x7] =	wrdreg s0  }
0xe: {  	s8 =	ssub.s32 s8, s9;
	s19 =	sadd.s32 s5, s16;
	[dreg:$0x8] =	wrdreg s18  }
0xf: {  	s4 =	sadd.s32 s15, s4;
	[dreg:$0x9] =	wrdreg s19;
	s20 =	smax.u32 s8, $0x1  }
0x10: {  	s17 =	sshll.u32 s13, $0x6;
	s21 =	sadd.s32 $0x400, s4;
	[dreg:$0xa] =	wrdreg s20  }
0x11: {  	s6 =	sor.u32 $0x1C03, s17;
	s22 =	sadd.s32 $0x800, s4;
	[dreg:$0xb] =	wrdreg s21  }
0x12: {  	s7 =	sadd.s32 s15, s7;
	s23 =	sadd.s32 $0xC00, s4;
	[dreg:$0xc] =	wrdreg s22  }
0x13: {  	s2 =	simm.s32 $0x8400;
	s24 =	sadd.s32 $0x400, s7;
	[dreg:$0xd] =	wrdreg s23  }
0x14: {  	s25 =	sadd.s32 $0x800, s7;
	s26 =	sadd.s32 $0xC00, s7;
	[dreg:$0xe] =	wrdreg s24  }
0x15: {  	s28 =	sshrl.u32 s4, $0x3;
	s18 =	simm.s32 $0x1;
	[dreg:$0xf] =	wrdreg s25  }
0x16: {  	v0 =	vlaneseq.u32;
	s19 =	simm.s32 $0x80;
	s29 =	sshrl.u32 s7, $0x3;
	[dreg:$0x10] =	wrdreg s26  }
0x17: {  	v0 =	vmul.u32 $0x80, v0;
	s0 =	simm.s32 $0x2;
	[dreg:$0x11] =	wrdreg s28;
	s21 =	simm.s32 $0x3  }
0x18: {  	[dreg:$0x12] =	wrdreg s29;
	s23 =	simm.s32 $0xC400;
	s25 =	simm.s32 $0x0  }
.LBB2_1:
0x19: {  	s5 =	rddreg [dreg:$0x7]  }
0x1a: {  	s8 =	rddreg [dreg:$0x11];
	s9 =	simm.s32 $0x10  }
0x1b: {  	[spmem:s8@s19], [sflag:s6] =	dma.strided [hbm:s5@s9], $0x40, s18, $0x10   }
0x1c: {  	_ =	swait.ge [sflag:s21], $0x40  }
0x1d: {  	[sflag:s21] =	ssyncset.done $0x0;
	s8 =	rddreg [dreg:$0x8]  }
0x1e: {  	s10 =	rddreg [dreg:$0x12];
	[sflag:s21] =	ssyncadd.s32 $0xFFFFFFC0  }
0x1f: {  	[spmem:s10@s19], [sflag:s6] =	dma.strided [hbm:s8@s9], $0x40, s18, $0x10   }
0x20: {  	_ =	swait.ge [sflag:s21], $0x40  }
0x21: {  	[sflag:s21] =	ssyncset.done $0x0  }
0x22: {  	[sflag:s21] =	ssyncadd.s32 $0xFFFFFFC0  }
0x23: {  	[smem:s1], [sflag:$0x3] =	stream.linear.gather [spmem:s4], $0x80, $0x38;
	[tilespmem:$0x10600] =	vst v63  }
0x24: {  	s11 =	rddreg [dreg:$0xb]  }
0x25: {  	[smem:s19], [sflag:$0x3] =	stream.linear.gather [spmem:s11], $0x80, $0x38;
	[tilespmem:$0x10600] =	vst v63  }
0x26: {  	s12 =	simm.s32 $0x100;
	s5 =	rddreg [dreg:$0xc]  }
0x27: {  	[smem:s12], [sflag:$0x3] =	stream.linear.gather [spmem:s5], $0x80, $0x38;
	[tilespmem:$0x10600] =	vst v63  }
0x28: {  	s13 =	simm.s32 $0x180;
	s5 =	rddreg [dreg:$0xd]  }
0x29: {  	[smem:s13], [sflag:$0x3] =	stream.linear.gather [spmem:s5], $0x80, $0x38;
	[tilespmem:$0x10600] =	vst v63  }
0x2a: {  	_ =	swait.ge [sflag:s21], $0x200  }
0x2b: {  	[sflag:s21] =	ssyncset.done $0x0  }
0x2c: {  	s14 =	simm.s32 $0x200;
	[sflag:s21] =	ssyncadd.s32 $0xFFFFFE00  }
0x2d: {  	[smem:s14], [sflag:$0x3] =	stream.linear.gather [spmem:s7], $0x80, $0x38;
	[tilespmem:$0x10600] =	vst v63  }
0x2e: {  	s15 =	simm.s32 $0x280;
	s5 =	rddreg [dreg:$0xe]  }
0x2f: {  	[smem:s15], [sflag:$0x3] =	stream.linear.gather [spmem:s5], $0x80, $0x38;
	[tilespmem:$0x10600] =	vst v63  }
0x30: {  	s16 =	simm.s32 $0x300;
	s5 =	rddreg [dreg:$0xf]  }
0x31: {  	[smem:s16], [sflag:$0x3] =	stream.linear.gather [spmem:s5], $0x80, $0x38;
	[tilespmem:$0x10600] =	vst v63  }
0x32: {  	s17 =	simm.s32 $0x380;
	s5 =	rddreg [dreg:$0x10]  }
0x33: {  	[smem:s17], [sflag:$0x3] =	stream.linear.gather [spmem:s5], $0x80, $0x38;
	[tilespmem:$0x10600] =	vst v63  }
0x34: {  	_ =	swait.ge [sflag:s21], $0x200  }
0x35: {  	[sflag:s21] =	ssyncset.done $0x0  }
0x36: {  	[sflag:s21] =	ssyncadd.s32 $0xFFFFFE00  }
0x37: {  	s5 =	sld [smem:$0x202]  }
0x38: {  	s20 =	sld [smem:$0x3]  }
0x39: {  	s26 =	simm.s32 $0x0;
	s28 =	simm.s32 $0x0;
	s22 =	sld [smem:$0x0]  }
0x3a: {  	s24 =	simm.s32 $0x480;
	s13 =	simm.s32 $0x400;
	s10 =	sld [smem:$0x200]  }
0x3b: {  	s15 =	simm.s32 $0x4400;
	s16 =	simm.s32 $0x4480;
	s11 =	sld [smem:$0x201]  }
0x3c: {  	s5 =	sshll.u32 s5, $0x4;
	s8 =	sshll.u32 s20, $0x4;
	s12 =	sld [smem:$0x1]  }
0x3d: {  	s20 =	simm.s32 $0x500;
	s5 =	sand.u32 $0x1FFFFFF0, s5;
	s9 =	sshll.u32 s22, $0x4  }
0x3e: {  	s9 =	sand.u32 $0x1FFFFFF0, s9;
	s10 =	sshll.u32 s10, $0x4;
	s14 =	sld [smem:$0x2]  }
0x3f: {  	s9 =	sadd.s32 s3, s9;
	s10 =	sand.u32 $0x1FFFFFF0, s10;
	s12 =	sshll.u32 s12, $0x4  }
0x40: {  	[tilespmem:s13], [sflag:$0x1] =	stream.linear.gather [hbm4b:s9+s1], $0x80, $0x38;
	[tilespmem:$0x10600] =	vst v63  }
0x41: {  	s11 =	sshll.u32 s11, $0x4;
	s10 =	sadd.s32 s3, s10;
	s12 =	sand.u32 $0x1FFFFFF0, s12  }
0x42: {  	[tilespmem:s15], [sflag:$0x1] =	stream.linear.gather [hbm4b:s10+s1], $0x80, $0x38;
	[tilespmem:$0x10600] =	vst v63  }
0x43: {  	s11 =	sand.u32 $0x1FFFFFF0, s11;
	s13 =	sadd.s32 s3, s12;
	s15 =	sshll.u32 s14, $0x4  }
0x44: {  	[tilespmem:s24], [sflag:$0x1] =	stream.linear.gather [hbm4b:s13+s1], $0x80, $0x38;
	[tilespmem:$0x10600] =	vst v63  }
0x45: {  	s5 =	sadd.s32 s3, s5;
	s11 =	sadd.s32 s3, s11;
	s17 =	sand.u32 $0x1FFFFFF0, s15  }
0x46: {  	[tilespmem:s16], [sflag:$0x1] =	stream.linear.gather [hbm4b:s11+s1], $0x80, $0x38;
	[tilespmem:$0x10600] =	vst v63  }
0x47: {  	s8 =	sand.u32 $0x1FFFFFF0, s8;
	s10 =	sadd.s32 s3, s17;
	s9 =	sld [smem:$0x203]  }
0x48: {  	[tilespmem:s20], [sflag:$0x1] =	stream.linear.gather [hbm4b:s10+s1], $0x80, $0x38;
	[tilespmem:$0x10600] =	vst v63  }
0x49: {  	s22 =	simm.s32 $0x4500;
	s14 =	simm.s32 $0x580;
	s12 =	sld [smem:$0x4]  }
0x4a: {  	[tilespmem:s22], [sflag:$0x1] =	stream.linear.gather [hbm4b:s5+s1], $0x80, $0x38;
	[tilespmem:$0x10600] =	vst v63  }
0x4b: {  	s15 =	simm.s32 $0x4580;
	s13 =	sshll.u32 s9, $0x4;
	s9 =	sld [smem:$0x7]  }
0x4c: {  	s24 =	sadd.s32 s3, s8;
	s20 =	simm.s32 $0x600;
	s16 =	sld [smem:$0x204]  }
0x4d: {  	[tilespmem:s14], [sflag:$0x1] =	stream.linear.gather [hbm4b:s24+s1], $0x80, $0x38;
	[tilespmem:$0x10600] =	vst v63  }
0x4e: {  	s5 =	sand.u32 $0x1FFFFFF0, s13;
	s12 =	sshll.u32 s12, $0x4;
	s22 =	sld [smem:$0x207]  }
0x4f: {  	s5 =	sadd.s32 s3, s5;
	s17 =	sand.u32 $0x1FFFFFF0, s12;
	s24 =	sld [smem:$0x5]  }
0x50: {  	[tilespmem:s15], [sflag:$0x1] =	stream.linear.gather [hbm4b:s5+s1], $0x80, $0x38;
	[tilespmem:$0x10600] =	vst v63  }
0x51: {  	s10 =	sadd.s32 s3, s17;
	s14 =	sshll.u32 s16, $0x4;
	s17 =	sld [smem:$0x205]  }
0x52: {  	[tilespmem:s20], [sflag:$0x1] =	stream.linear.gather [hbm4b:s10+s1], $0x80, $0x38;
	[tilespmem:$0x10600] =	vst v63  }
0x53: {  	s29 =	simm.s32 $0x0;
	s8 =	simm.s32 $0x4680;
	s14 =	sand.u32 $0x1FFFFFF0, s14  }
0x54: {  	s16 =	simm.s32 $0x4600;
	s12 =	sshll.u32 s22, $0x4;
	s5 =	sadd.s32 s3, s14  }
0x55: {  	s15 =	sshll.u32 s24, $0x4;
	s11 =	sand.u32 $0x1FFFFFF0, s12;
	s12 =	simm.s32 $0x680  }
0x56: {  	s14 =	sld [smem:$0x6];
	s24 =	simm.s32 $0x20C;
	s20 =	sand.u32 $0x1FFFFFF0, s15  }
0x57: {  	[tilespmem:s16], [sflag:$0x1] =	stream.linear.gather [hbm4b:s5+s1], $0x80, $0x38;
	[tilespmem:$0x10600] =	vst v63  }
0x58: {  	s22 =	sshll.u32 s17, $0x4;
	s5 =	simm.s32 $0x1000;
	s13 =	sadd.s32 s3, s20  }
0x59: {  	s20 =	simm.s32 $0xC;
	s15 =	sand.u32 $0x1FFFFFF0, s22;
	s10 =	sld [smem:$0x206]  }
.LBB2_2:
0x5a: {  	s26 =	sadd.s32 $0x8, s26;
	s15 =	sadd.s32 s3, s15;
	s14 =	sshll.u32 s14, $0x4  }
0x5b: {  	[tilespmem:s12], [sflag:$0x1] =	stream.linear.gather [hbm4b:s13+s29], $0x80, $0x38;
	[tilespmem:$0x10600] =	vst v63  }
0x5c: {  	p0 =	slt.u32 s26, $0x78;
	s12 =	sand.u32 $0x1FFFFFF0, s14;
	s10 =	sshll.u32 s10, $0x4  }
0x5d: {  	s13 =	sadd.s32 $0x700, s28;
	s12 =	sadd.s32 s3, s12;
	s10 =	sand.u32 $0x1FFFFFF0, s10  }
0x5e: {  	[tilespmem:s8], [sflag:$0x1] =	stream.linear.gather [hbm4b:s15+s29], $0x80, $0x38;
	[tilespmem:$0x10600] =	vst v63  }
0x5f: {  	s9 =	sshll.u32 s9, $0x4;
	s8 =	sadd.s32 $0x4700, s28;
	s10 =	sadd.s32 s3, s10  }
0x60: {  	[tilespmem:s13], [sflag:$0x1] =	stream.linear.gather [hbm4b:s12+s29], $0x80, $0x38;
	[tilespmem:$0x10600] =	vst v63  }
0x61: {  	s9 =	sand.u32 $0x1FFFFFF0, s9;
	s13 =	sadd.s32 $0x780, s28;
	s12 =	sld [smem:s24+$0xFFFFFFFE]  }
0x62: {  	[tilespmem:s8], [sflag:$0x1] =	stream.linear.gather [hbm4b:s10+s29], $0x80, $0x38;
	[tilespmem:$0x10600] =	vst v63  }
0x63: {  	s9 =	sadd.s32 s3, s9;
	s10 =	sadd.s32 $0x4780, s28;
	s8 =	sld [smem:s20+$0xFFFFFFFF]  }
0x64: {  	[tilespmem:s13], [sflag:$0x1] =	stream.linear.gather [hbm4b:s9+s29], $0x80, $0x38;
	[tilespmem:$0x10600] =	vst v63  }
0x65: {  	s11 =	sadd.s32 s3, s11;
	s9 =	sld [smem:s20+$0xFFFFFFFC]  }
0x66: {  	[tilespmem:s10], [sflag:$0x1] =	stream.linear.gather [hbm4b:s11+s29], $0x80, $0x38;
	[tilespmem:$0x10600] =	vst v63  }
0x67: {  	s8 =	sshll.u32 s8, $0x4;
	s10 =	smov.u32 s24;
	s11 =	sld [smem:s24+$0xFFFFFFFC]  }
0x68: {  	s29 =	simm.s32 $0x0;
	s9 =	sshll.u32 s9, $0x4;
	s13 =	sld [smem:s24+$0xFFFFFFFD]  }
0x69: {  	s28 =	sshra.s32 s5, $0x2;
	s9 =	sand.u32 $0x1FFFFFF0, s9;
	s14 =	sld [smem:s20+$0xFFFFFFFD]  }
0x6a: {  	s15 =	sadd.s32 $0x400, s28;
	s9 =	sadd.s32 s3, s9;
	s11 =	sshll.u32 s11, $0x4  }
0x6b: {  	s11 =	sand.u32 $0x1FFFFFF0, s11;
	s13 =	sshll.u32 s13, $0x4;
	s16 =	sld [smem:s20+$0xFFFFFFFE]  }
0x6c: {  	s17 =	sadd.s32 $0x4400, s28;
	s11 =	sadd.s32 s3, s11;
	s14 =	sshll.u32 s14, $0x4  }
0x6d: {  	[tilespmem:s15], [sflag:$0x1] =	stream.linear.gather [hbm4b:s9+s29], $0x80, $0x38;
	[tilespmem:$0x10600] =	vst v63  }
0x6e: {  	s13 =	sand.u32 $0x1FFFFFF0, s13;
	s9 =	sadd.s32 $0x480, s28;
	s14 =	sand.u32 $0x1FFFFFF0, s14  }
0x6f: {  	[tilespmem:s17], [sflag:$0x1] =	stream.linear.gather [hbm4b:s11+s29], $0x80, $0x38;
	[tilespmem:$0x10600] =	vst v63  }
0x70: {  	s13 =	sadd.s32 s3, s13;
	s11 =	sadd.s32 s3, s14;
	s14 =	sshll.u32 s16, $0x4  }
0x71: {  	[tilespmem:s9], [sflag:$0x1] =	stream.linear.gather [hbm4b:s11+s29], $0x80, $0x38;
	[tilespmem:$0x10600] =	vst v63  }
0x72: {  	s12 =	sshll.u32 s12, $0x4;
	s9 =	sadd.s32 $0x4480, s28;
	s11 =	sand.u32 $0x1FFFFFF0, s14  }
0x73: {  	s12 =	sand.u32 $0x1FFFFFF0, s12;
	s14 =	sadd.s32 $0x500, s28;
	s11 =	sadd.s32 s3, s11  }
0x74: {  	[tilespmem:s9], [sflag:$0x1] =	stream.linear.gather [hbm4b:s13+s29], $0x80, $0x38;
	[tilespmem:$0x10600] =	vst v63  }
0x75: {  	s8 =	sand.u32 $0x1FFFFFF0, s8;
	s9 =	sadd.s32 s3, s12;
	s12 =	sld [smem:s24+$0xFFFFFFFF]  }
0x76: {  	[tilespmem:s14], [sflag:$0x1] =	stream.linear.gather [hbm4b:s11+s29], $0x80, $0x38;
	[tilespmem:$0x10600] =	vst v63  }
0x77: {  	s13 =	sadd.s32 s3, s8;
	s8 =	sadd.s32 $0x4680, s28;
	s11 =	sadd.s32 $0x4500, s28  }
0x78: {  	s12 =	sshll.u32 s12, $0x4;
	s14 =	sld [smem:s20+$0x0]  }
0x79: {  	[tilespmem:s11], [sflag:$0x1] =	stream.linear.gather [hbm4b:s9+s29], $0x80, $0x38;
	[tilespmem:$0x10600] =	vst v63  }
0x7a: {  	s11 =	sadd.s32 $0x580, s28;
	s12 =	sand.u32 $0x1FFFFFF0, s12;
	s9 =	sld [smem:s20+$0x3]  }
0x7b: {  	s15 =	sadd.s32 $0x4580, s28;
	s12 =	sadd.s32 s3, s12;
	s14 =	sshll.u32 s14, $0x4  }
0x7c: {  	s16 =	sld [smem:s24+$0x0];
	s14 =	sand.u32 $0x1FFFFFF0, s14  }
0x7d: {  	[tilespmem:s11], [sflag:$0x1] =	stream.linear.gather [hbm4b:s13+s29], $0x80, $0x38;
	[tilespmem:$0x10600] =	vst v63  }
0x7e: {  	s13 =	sadd.s32 $0x600, s28;
	s14 =	sadd.s32 s3, s14;
	s11 =	sld [smem:s24+$0x3]  }
0x7f: {  	s16 =	sshll.u32 s16, $0x4;
	s17 =	sld [smem:s20+$0x1]  }
0x80: {  	[tilespmem:s15], [sflag:$0x1] =	stream.linear.gather [hbm4b:s12+s29], $0x80, $0x38;
	[tilespmem:$0x10600] =	vst v63  }
0x81: {  	s12 =	sand.u32 $0x1FFFFFF0, s16;
	s11 =	sshll.u32 s11, $0x4  }
0x82: {  	s15 =	sadd.s32 $0x4600, s28;
	s16 =	sadd.s32 s3, s12;
	s12 =	sshll.u32 s17, $0x4  }
0x83: {  	s11 =	sand.u32 $0x1FFFFFF0, s11;
	s17 =	sld [smem:s24+$0x1];
	s22 =	sand.u32 $0x1FFFFFF0, s12  }
0x84: {  	[tilespmem:s13], [sflag:$0x1] =	stream.linear.gather [hbm4b:s14+s29], $0x80, $0x38;
	[tilespmem:$0x10600] =	vst v63  }
.Ltmp0:
0x85: {  	_ = 	snop;
	(pc) =	sbr.rel @p0 .LBB2_2-.Ltmp0, $4  }
0x86: {  	s12 =	sadd.s32 $0x680, s28;
	s24 =	sadd.s32 $0x8, s24;
	s13 =	sadd.s32 s3, s22  }
0x87: {  	s17 =	sshll.u32 s17, $0x4;
	s14 =	sld [smem:s20+$0x2];
	s20 =	sadd.s32 $0x8, s20  }
0x88: {  	[tilespmem:s15], [sflag:$0x1] =	stream.linear.gather [hbm4b:s16+s29], $0x80, $0x38;
	[tilespmem:$0x10600] =	vst v63  }
0x89: {  	s5 =	sadd.s32 $0x1000, s5;
	s15 =	sand.u32 $0x1FFFFFF0, s17;
	s10 =	sld [smem:s10+$0x2]  }
0x8a: {  	s5 =	sadd.s32 s3, s15;
	s14 =	sshll.u32 s14, $0x4  }
0x8b: {  	[tilespmem:s12], [sflag:$0x1] =	stream.linear.gather [hbm4b:s13+s29], $0x80, $0x38;
	[tilespmem:$0x10600] =	vst v63  }
0x8c: {  	s26 =	sadd.s32 $0x700, s28;
	s24 =	sand.u32 $0x1FFFFFF0, s14;
	s10 =	sshll.u32 s10, $0x4  }
0x8d: {  	[tilespmem:s8], [sflag:$0x1] =	stream.linear.gather [hbm4b:s5+s29], $0x80, $0x38;
	[tilespmem:$0x10600] =	vst v63  }
0x8e: {  	s9 =	sshll.u32 s9, $0x4;
	s8 =	sadd.s32 s3, s24;
	s12 =	sand.u32 $0x1FFFFFF0, s10  }
0x8f: {  	[tilespmem:s26], [sflag:$0x1] =	stream.linear.gather [hbm4b:s8+s29], $0x80, $0x38;
	[tilespmem:$0x10600] =	vst v63  }
0x90: {  	s14 =	sadd.s32 $0x4700, s28;
	s9 =	sand.u32 $0x1FFFFFF0, s9;
	s8 =	sadd.s32 s3, s12  }
0x91: {  	[tilespmem:s14], [sflag:$0x1] =	stream.linear.gather [hbm4b:s8+s29], $0x80, $0x38;
	[tilespmem:$0x10600] =	vst v63  }
0x92: {  	s15 =	sadd.s32 $0x780, s28;
	s16 =	sadd.s32 s3, s9  }
0x93: {  	[tilespmem:s15], [sflag:$0x1] =	stream.linear.gather [hbm4b:s16+s29], $0x80, $0x38;
	[tilespmem:$0x10600] =	vst v63  }
0x94: {  	s17 =	sadd.s32 $0x4780, s28;
	s20 =	sadd.s32 s3, s11  }
0x95: {  	[tilespmem:s17], [sflag:$0x1] =	stream.linear.gather [hbm4b:s20+s29], $0x80, $0x38;
	[tilespmem:$0x10600] =	vst v63  }
0x96: {  	s5 =	sld [smem:$0x280]  }
0x97: {  	s22 =	sld [smem:$0x81]  }
0x98: {  	s28 =	simm.s32 $0x0;
	s26 =	simm.s32 $0x0;
	s24 =	sld [smem:$0x281]  }
0x99: {  	s15 =	simm.s32 $0x8400;
	s17 =	simm.s32 $0xC400;
	s13 =	sld [smem:$0x80]  }
0x9a: {  	s20 =	simm.s32 $0x8480;
	s29 =	simm.s32 $0x28F;
	s5 =	sshll.u32 s5, $0x4  }
0x9b: {  	s14 =	sld [smem:$0x83];
	s5 =	sand.u32 $0x1FFFFFF0, s5;
	s8 =	sshll.u32 s22, $0x4  }
0x9c: {  	s12 =	sld [smem:$0x282];
	s9 =	sshll.u32 s24, $0x4;
	s10 =	sshll.u32 s13, $0x4  }
0x9d: {  	s5 =	sadd.s32 s3, s5;
	s8 =	sand.u32 $0x1FFFFFF0, s8;
	s10 =	sand.u32 $0x1FFFFFF0, s10  }
0x9e: {  	s24 =	simm.s32 $0xC480;
	s16 =	sld [smem:$0x82];
	s10 =	sadd.s32 s3, s10  }
0x9f: {  	[tilespmem:s15], [sflag:$0x2] =	stream.linear.gather [hbm4b:s10+s1], $0x80, $0x38;
	[tilespmem:$0x10600] =	vst v63  }
0xa0: {  	s9 =	sand.u32 $0x1FFFFFF0, s9;
	s8 =	sadd.s32 s3, s8;
	s13 =	simm.s32 $0x8500  }
0xa1: {  	[tilespmem:s17], [sflag:$0x2] =	stream.linear.gather [hbm4b:s5+s1], $0x80, $0x38;
	[tilespmem:$0x10600] =	vst v63  }
0xa2: {  	s11 =	sshll.u32 s14, $0x4;
	s9 =	sadd.s32 s3, s9;
	s22 =	sshll.u32 s16, $0x4  }
0xa3: {  	[tilespmem:s20], [sflag:$0x2] =	stream.linear.gather [hbm4b:s8+s1], $0x80, $0x38;
	[tilespmem:$0x10600] =	vst v63  }
0xa4: {  	s11 =	sand.u32 $0x1FFFFFF0, s11;
	s12 =	sshll.u32 s12, $0x4;
	s5 =	sand.u32 $0x1FFFFFF0, s22  }
0xa5: {  	[tilespmem:s24], [sflag:$0x2] =	stream.linear.gather [hbm4b:s9+s1], $0x80, $0x38;
	[tilespmem:$0x10600] =	vst v63  }
0xa6: {  	s10 =	sand.u32 $0x1FFFFFF0, s12;
	s5 =	sadd.s32 s3, s5;
	s15 =	sld [smem:$0x283]  }
0xa7: {  	[tilespmem:s13], [sflag:$0x2] =	stream.linear.gather [hbm4b:s5+s1], $0x80, $0x38;
	[tilespmem:$0x10600] =	vst v63  }
0xa8: {  	s16 =	simm.s32 $0xC500;
	s14 =	sadd.s32 s3, s10;
	s12 =	sld [smem:$0x84]  }
0xa9: {  	[tilespmem:s16], [sflag:$0x2] =	stream.linear.gather [hbm4b:s14+s1], $0x80, $0x38;
	[tilespmem:$0x10600] =	vst v63  }
0xaa: {  	s11 =	sadd.s32 s3, s11;
	s17 =	simm.s32 $0x8580;
	s22 =	sld [smem:$0x284]  }
0xab: {  	[tilespmem:s17], [sflag:$0x2] =	stream.linear.gather [hbm4b:s11+s1], $0x80, $0x38;
	[tilespmem:$0x10600] =	vst v63  }
0xac: {  	s8 =	simm.s32 $0x8700;
	s20 =	simm.s32 $0xC580;
	s10 =	sshll.u32 s15, $0x4  }
0xad: {  	s24 =	simm.s32 $0xC700;
	s10 =	sand.u32 $0x1FFFFFF0, s10;
	s12 =	sshll.u32 s12, $0x4  }
0xae: {  	s17 =	sld [smem:$0x85];
	s11 =	sadd.s32 s3, s10;
	s15 =	sand.u32 $0x1FFFFFF0, s12  }
0xaf: {  	[tilespmem:s20], [sflag:$0x2] =	stream.linear.gather [hbm4b:s11+s1], $0x80, $0x38;
	[tilespmem:$0x10600] =	vst v63  }
0xb0: {  	s12 =	simm.s32 $0x8600;
	s16 =	sshll.u32 s22, $0x4;
	s11 =	sld [smem:$0x87]  }
0xb1: {  	s10 =	sadd.s32 s3, s15;
	s20 =	sand.u32 $0x1FFFFFF0, s16;
	s16 =	sld [smem:$0x285]  }
0xb2: {  	[tilespmem:s12], [sflag:$0x2] =	stream.linear.gather [hbm4b:s10+s1], $0x80, $0x38;
	[tilespmem:$0x10600] =	vst v63  }
0xb3: {  	s9 =	simm.s32 $0xC680;
	s15 =	simm.s32 $0xC600;
	s10 =	sld [smem:$0x287]  }
0xb4: {  	s17 =	sshll.u32 s17, $0x4;
	s22 =	sadd.s32 s3, s20;
	s14 =	sld [smem:$0x86]  }
0xb5: {  	[tilespmem:s15], [sflag:$0x2] =	stream.linear.gather [hbm4b:s22+s1], $0x80, $0x38;
	[tilespmem:$0x10600] =	vst v63  }
0xb6: {  	s13 =	simm.s32 $0x8680;
	s20 =	sand.u32 $0x1FFFFFF0, s17;
	s16 =	sshll.u32 s16, $0x4  }
0xb7: {  	s5 =	simm.s32 $0x8F;
	s15 =	sadd.s32 s3, s20;
	s22 =	sand.u32 $0x1FFFFFF0, s16  }
0xb8: {  	s20 =	simm.s32 $0x1000;
	s16 =	sld [smem:$0x286];
	s12 =	sadd.s32 s3, s22  }
.LBB2_4:
0xb9: {  	[tilespmem:s13], [sflag:$0x2] =	stream.linear.gather [hbm4b:s15+s1], $0x80, $0x38;
	[tilespmem:$0x10600] =	vst v63  }
0xba: {  	s28 =	sadd.s32 $0x8, s28;
	s14 =	sshll.u32 s14, $0x4;
	s13 =	sld [smem:s29+$0xFFFFFFF9]  }
0xbb: {  	p0 =	slt.u32 s28, $0x78;
	s14 =	sand.u32 $0x1FFFFFF0, s14;
	s15 =	sshll.u32 s16, $0x4  }
0xbc: {  	s14 =	sadd.s32 s3, s14;
	s16 =	sld [smem:s5+$0xFFFFFFFA];
	s15 =	sand.u32 $0x1FFFFFF0, s15  }
0xbd: {  	[tilespmem:s9], [sflag:$0x2] =	stream.linear.gather [hbm4b:s12+s1], $0x80, $0x38;
	[tilespmem:$0x10600] =	vst v63  }
0xbe: {  	s11 =	sshll.u32 s11, $0x4;
	s12 =	sadd.s32 s3, s15;
	s9 =	sld [smem:s29+$0xFFFFFFFA]  }
0xbf: {  	[tilespmem:s8], [sflag:$0x2] =	stream.linear.gather [hbm4b:s14+s1], $0x80, $0x38;
	[tilespmem:$0x10600] =	vst v63  }
0xc0: {  	s11 =	sand.u32 $0x1FFFFFF0, s11;
	s14 =	sadd.s32 $0x8780, s26;
	s8 =	sld [smem:s5+$0xFFFFFFF9]  }
0xc1: {  	[tilespmem:s24], [sflag:$0x2] =	stream.linear.gather [hbm4b:s12+s1], $0x80, $0x38;
	[tilespmem:$0x10600] =	vst v63  }
0xc2: {  	s11 =	sadd.s32 s3, s11;
	s15 =	sadd.s32 $0xC780, s26;
	s12 =	sld [smem:s5+$0xFFFFFFFC]  }
0xc3: {  	[tilespmem:s14], [sflag:$0x2] =	stream.linear.gather [hbm4b:s11+s1], $0x80, $0x38;
	[tilespmem:$0x10600] =	vst v63  }
0xc4: {  	s10 =	sshll.u32 s10, $0x4;
	s26 =	sshra.s32 s20, $0x2;
	s11 =	sld [smem:s29+$0xFFFFFFFB]  }
0xc5: {  	s10 =	sand.u32 $0x1FFFFFF0, s10;
	s8 =	sshll.u32 s8, $0x4;
	s12 =	sshll.u32 s12, $0x4  }
0xc6: {  	s10 =	sadd.s32 s3, s10;
	s8 =	sand.u32 $0x1FFFFFF0, s8;
	s12 =	sand.u32 $0x1FFFFFF0, s12  }
0xc7: {  	[tilespmem:s15], [sflag:$0x2] =	stream.linear.gather [hbm4b:s10+s1], $0x80, $0x38;
	[tilespmem:$0x10600] =	vst v63  }
0xc8: {  	s13 =	sshll.u32 s13, $0x4;
	s8 =	sadd.s32 s3, s8;
	s10 =	sadd.s32 $0x8400, s26  }
0xc9: {  	s13 =	sand.u32 $0x1FFFFFF0, s13;
	s9 =	sshll.u32 s9, $0x4;
	s14 =	sld [smem:s5+$0xFFFFFFFB]  }
0xca: {  	s13 =	sadd.s32 s3, s13;
	s16 =	sshll.u32 s16, $0x4;
	s15 =	sadd.s32 $0xC400, s26  }
0xcb: {  	[tilespmem:s10], [sflag:$0x2] =	stream.linear.gather [hbm4b:s8+s1], $0x80, $0x38;
	[tilespmem:$0x10600] =	vst v63  }
0xcc: {  	s9 =	sand.u32 $0x1FFFFFF0, s9;
	s8 =	sadd.s32 $0x8480, s26;
	s10 =	sand.u32 $0x1FFFFFF0, s16  }
0xcd: {  	[tilespmem:s15], [sflag:$0x2] =	stream.linear.gather [hbm4b:s13+s1], $0x80, $0x38;
	[tilespmem:$0x10600] =	vst v63  }
0xce: {  	s9 =	sadd.s32 s3, s9;
	s10 =	sadd.s32 s3, s10;
	s13 =	sshll.u32 s14, $0x4  }
0xcf: {  	[tilespmem:s8], [sflag:$0x2] =	stream.linear.gather [hbm4b:s10+s1], $0x80, $0x38;
	[tilespmem:$0x10600] =	vst v63  }
0xd0: {  	s11 =	sshll.u32 s11, $0x4;
	s8 =	sadd.s32 $0xC480, s26;
	s10 =	sand.u32 $0x1FFFFFF0, s13  }
0xd1: {  	s11 =	sand.u32 $0x1FFFFFF0, s11;
	s13 =	sadd.s32 $0x8500, s26;
	s10 =	sadd.s32 s3, s10  }
0xd2: {  	[tilespmem:s8], [sflag:$0x2] =	stream.linear.gather [hbm4b:s9+s1], $0x80, $0x38;
	[tilespmem:$0x10600] =	vst v63  }
0xd3: {  	s24 =	sadd.s32 $0xC700, s26;
	s11 =	sadd.s32 s3, s11;
	s9 =	sld [smem:s29+$0xFFFFFFFC]  }
0xd4: {  	[tilespmem:s13], [sflag:$0x2] =	stream.linear.gather [hbm4b:s10+s1], $0x80, $0x38;
	[tilespmem:$0x10600] =	vst v63  }
0xd5: {  	s12 =	sadd.s32 s3, s12;
	s8 =	sadd.s32 $0x8700, s26;
	s10 =	sadd.s32 $0xC500, s26  }
0xd6: {  	s13 =	sshll.u32 s9, $0x4;
	s14 =	sld [smem:s5+$0xFFFFFFFD];
	s9 =	sadd.s32 $0xC680, s26  }
0xd7: {  	[tilespmem:s10], [sflag:$0x2] =	stream.linear.gather [hbm4b:s11+s1], $0x80, $0x38;
	[tilespmem:$0x10600] =	vst v63  }
0xd8: {  	s16 =	smov.u32 s29;
	s10 =	sadd.s32 $0x8580, s26;
	s11 =	sand.u32 $0x1FFFFFF0, s13  }
0xd9: {  	s13 =	sadd.s32 $0xC580, s26;
	s11 =	sadd.s32 s3, s11;
	s14 =	sshll.u32 s14, $0x4  }
0xda: {  	s15 =	sld [smem:s29+$0xFFFFFFFD];
	s14 =	sand.u32 $0x1FFFFFF0, s14  }
0xdb: {  	[tilespmem:s10], [sflag:$0x2] =	stream.linear.gather [hbm4b:s12+s1], $0x80, $0x38;
	[tilespmem:$0x10600] =	vst v63  }
0xdc: {  	s10 =	sadd.s32 $0x8600, s26;
	s12 =	sadd.s32 s3, s14  }
0xdd: {  	s14 =	sshll.u32 s15, $0x4;
	s15 =	sld [smem:s5+$0xFFFFFFFE]  }
0xde: {  	[tilespmem:s13], [sflag:$0x2] =	stream.linear.gather [hbm4b:s11+s1], $0x80, $0x38;
	[tilespmem:$0x10600] =	vst v63  }
0xdf: {  	s13 =	sand.u32 $0x1FFFFFF0, s14  }
0xe0: {  	s17 =	sadd.s32 $0xC600, s26;
	s11 =	sld [smem:s5+$0x0];
	s22 =	sadd.s32 s3, s13  }
0xe1: {  	s14 =	sld [smem:s29+$0xFFFFFFFE];
	s13 =	sshll.u32 s15, $0x4;
	s29 =	sadd.s32 $0x8, s29  }
0xe2: {  	[tilespmem:s10], [sflag:$0x2] =	stream.linear.gather [hbm4b:s12+s1], $0x80, $0x38;
	[tilespmem:$0x10600] =	vst v63  }
.Ltmp1:
0xe3: {  	s12 =	sand.u32 $0x1FFFFFF0, s13;
	s10 =	sld [smem:s16+$0x0];
	(pc) =	sbr.rel @p0 .LBB2_4-.Ltmp1, $4  }
0xe4: {  	s13 =	sadd.s32 $0x8680, s26;
	s15 =	sadd.s32 s3, s12;
	s12 =	sshll.u32 s14, $0x4  }
0xe5: {  	s12 =	sand.u32 $0x1FFFFFF0, s12;
	s14 =	sld [smem:s5+$0xFFFFFFFF];
	s5 =	sadd.s32 $0x8, s5  }
0xe6: {  	[tilespmem:s17], [sflag:$0x2] =	stream.linear.gather [hbm4b:s22+s1], $0x80, $0x38;
	[tilespmem:$0x10600] =	vst v63  }
0xe7: {  	s20 =	sadd.s32 $0x1000, s20;
	s12 =	sadd.s32 s3, s12;
	s16 =	sld [smem:s16+$0xFFFFFFFF]  }
0xe8: {  	[tilespmem:s13], [sflag:$0x2] =	stream.linear.gather [hbm4b:s15+s1], $0x80, $0x38;
	[tilespmem:$0x10600] =	vst v63  }
0xe9: {  	s5 =	sshll.u32 s14, $0x4  }
0xea: {  	s5 =	sand.u32 $0x1FFFFFF0, s5;
	s29 =	sshll.u32 s16, $0x4  }
0xeb: {  	[tilespmem:s9], [sflag:$0x2] =	stream.linear.gather [hbm4b:s12+s1], $0x80, $0x38;
	[tilespmem:$0x10600] =	vst v63  }
0xec: {  	s11 =	sshll.u32 s11, $0x4;
	s5 =	sadd.s32 s3, s5;
	s14 =	sand.u32 $0x1FFFFFF0, s29  }
0xed: {  	[tilespmem:s8], [sflag:$0x2] =	stream.linear.gather [hbm4b:s5+s1], $0x80, $0x38;
	[tilespmem:$0x10600] =	vst v63  }
0xee: {  	s20 =	sshll.u32 s10, $0x4;
	s16 =	sand.u32 $0x1FFFFFF0, s11;
	s15 =	sadd.s32 s3, s14  }
0xef: {  	[tilespmem:s24], [sflag:$0x2] =	stream.linear.gather [hbm4b:s15+s1], $0x80, $0x38;
	[tilespmem:$0x10600] =	vst v63  }
0xf0: {  	s17 =	sadd.s32 $0x8780, s26;
	s8 =	sadd.s32 s3, s16;
	s5 =	sand.u32 $0x1FFFFFF0, s20  }
0xf1: {  	[tilespmem:s17], [sflag:$0x2] =	stream.linear.gather [hbm4b:s8+s1], $0x80, $0x38;
	[tilespmem:$0x10600] =	vst v63  }
0xf2: {  	s22 =	sadd.s32 $0xC780, s26;
	s5 =	sadd.s32 s3, s5;
	s24 =	simm.s32 $0x0  }
0xf3: {  	v1 =	vmov s24;
	[tilespmem:s22], [sflag:$0x2] =	stream.linear.gather [hbm4b:s5+s1], $0x80, $0x38;
	[tilespmem:$0x10600] =	vst v63  }
0xf4: {  	v1 =	vshll.u32 v1, $0x7;
	_ =	swait.ge [sflag:s18], $0x4000  }
0xf5: {  	v1 =	vor.u32 v0, v1;
	[sflag:s18] =	ssyncset.done $0x0  }
0xf6: {  	[sflag:s18] =	ssyncadd.s32 $0xFFFFC000  }
0xf7: {  	v2 =	vor.u32 $0x1, v1;
	_ =	swait.ge [sflag:s18], $0x4000  }
0xf8: {  	[sflag:s18] =	ssyncset.done $0x0  }
0xf9: {  	v3 =	vor.u32 $0x2, v1;
	[sflag:s18] =	ssyncadd.s32 $0xFFFFC000  }
0xfa: {  	v4 =	vld.idx.msk [tilespmem:v1+s31+$0x0], $0xffff  }
0xfb: {  	v6 =	vor.u32 $0x3, v1;
	v5 =	vld.idx.msk [tilespmem:v1+s30+$0x0], $0xffff  }
0xfc: {  	v7 =	vld.idx.msk [tilespmem:v2+s30+$0x0], $0xffff  }
0xfd: {  	v8 =	vor.u32 $0x4, v1;
	v2 =	vld.idx.msk [tilespmem:v2+s31+$0x0], $0xffff  }
0xfe: {  	v9 =	vld.idx.msk [tilespmem:v3+s30+$0x0], $0xffff  }
0xff: {  	v10 =	vor.u32 $0x5, v1;
	v3 =	vld.idx.msk [tilespmem:v3+s31+$0x0], $0xffff  }
0x100: {  	v11 =	vld.idx.msk [tilespmem:v6+s30+$0x0], $0xffff;
	v4 =	vmul.f32 v4, v5  }
0x101: {  	v5 =	vld.idx.msk [tilespmem:v6+s31+$0x0], $0xffff;
	v6 =	vor.u32 $0x6, v1  }
0x102: {  	v12 =	vld.idx.msk [tilespmem:v8+s30+$0x0], $0xffff;
	v2 =	vmul.f32 v2, v7;
	v4 =	vadd.f32 $0.0e+00, v4  }
0x103: {  	v25 =	vor.u32 $0x7, v1;
	v7 =	vld.idx.msk [tilespmem:v8+s31+$0x0], $0xffff  }
0x104: {  	v13 =	vld.idx.msk [tilespmem:v10+s30+$0x0], $0xffff;
	v3 =	vmul.f32 v3, v9;
	v2 =	vadd.f32 v2, v4  }
0x105: {  	v26 =	vor.u32 $0x8, v1;
	v4 =	vld.idx.msk [tilespmem:v10+s31+$0x0], $0xffff  }
0x106: {  	v27 =	vld.idx.msk [tilespmem:v6+s30+$0x0], $0xffff;
	v2 =	vadd.f32 v3, v2;
	v3 =	vmul.f32 v5, v11  }
0x107: {  	v5 =	vld.idx.msk [tilespmem:v6+s31+$0x0], $0xffff;
	v6 =	vor.u32 $0x9, v1  }
0x108: {  	v28 =	vld.idx.msk [tilespmem:v25+s30+$0x0], $0xffff;
	v2 =	vadd.f32 v3, v2;
	v3 =	vmul.f32 v7, v12  }
0x109: {  	v29 =	vor.u32 $0xA, v1;
	v7 =	vld.idx.msk [tilespmem:v25+s31+$0x0], $0xffff  }
0x10a: {  	v30 =	vld.idx.msk [tilespmem:v26+s30+$0x0], $0xffff;
	v2 =	vadd.f32 v3, v2;
	v3 =	vmul.f32 v4, v13  }
0x10b: {  	v31 =	vor.u32 $0xB, v1;
	v4 =	vld.idx.msk [tilespmem:v26+s31+$0x0], $0xffff  }
0x10c: {  	v32 =	vld.idx.msk [tilespmem:v6+s30+$0x0], $0xffff;
	v2 =	vadd.f32 v3, v2;
	v3 =	vmul.f32 v5, v27  }
0x10d: {  	v5 =	vld.idx.msk [tilespmem:v6+s31+$0x0], $0xffff;
	v6 =	vor.u32 $0xC, v1  }
0x10e: {  	v33 =	vld.idx.msk [tilespmem:v29+s30+$0x0], $0xffff;
	v2 =	vadd.f32 v3, v2;
	v3 =	vmul.f32 v7, v28  }
0x10f: {  	v34 =	vor.u32 $0xD, v1;
	v7 =	vld.idx.msk [tilespmem:v29+s31+$0x0], $0xffff  }
0x110: {  	v35 =	vld.idx.msk [tilespmem:v31+s30+$0x0], $0xffff;
	v2 =	vadd.f32 v3, v2;
	v3 =	vmul.f32 v4, v30  }
0x111: {  	v36 =	vor.u32 $0xE, v1;
	v4 =	vld.idx.msk [tilespmem:v31+s31+$0x0], $0xffff  }
0x112: {  	v37 =	vld.idx.msk [tilespmem:v6+s30+$0x0], $0xffff;
	v2 =	vadd.f32 v3, v2;
	v3 =	vmul.f32 v5, v32  }
0x113: {  	v5 =	vld.idx.msk [tilespmem:v6+s31+$0x0], $0xffff;
	v6 =	vor.u32 $0xF, v1  }
0x114: {  	v38 =	vld.idx.msk [tilespmem:v34+s30+$0x0], $0xffff;
	v2 =	vadd.f32 v3, v2;
	v3 =	vmul.f32 v7, v33  }
0x115: {  	v39 =	vor.u32 $0x10, v1;
	v7 =	vld.idx.msk [tilespmem:v34+s31+$0x0], $0xffff  }
0x116: {  	v40 =	vld.idx.msk [tilespmem:v36+s30+$0x0], $0xffff;
	v2 =	vadd.f32 v3, v2;
	v3 =	vmul.f32 v4, v35  }
0x117: {  	v41 =	vor.u32 $0x11, v1;
	v4 =	vld.idx.msk [tilespmem:v36+s31+$0x0], $0xffff  }
0x118: {  	v42 =	vld.idx.msk [tilespmem:v6+s30+$0x0], $0xffff;
	v2 =	vadd.f32 v3, v2;
	v3 =	vmul.f32 v5, v37  }
0x119: {  	v5 =	vld.idx.msk [tilespmem:v6+s31+$0x0], $0xffff;
	v6 =	vor.u32 $0x12, v1  }
0x11a: {  	v43 =	vld.idx.msk [tilespmem:v39+s30+$0x0], $0xffff;
	v2 =	vadd.f32 v3, v2;
	v3 =	vmul.f32 v7, v38  }
0x11b: {  	v44 =	vor.u32 $0x13, v1;
	v7 =	vld.idx.msk [tilespmem:v39+s31+$0x0], $0xffff  }
0x11c: {  	v45 =	vld.idx.msk [tilespmem:v41+s30+$0x0], $0xffff;
	v2 =	vadd.f32 v3, v2;
	v3 =	vmul.f32 v4, v40  }
0x11d: {  	v46 =	vor.u32 $0x14, v1;
	v4 =	vld.idx.msk [tilespmem:v41+s31+$0x0], $0xffff  }
0x11e: {  	v47 =	vld.idx.msk [tilespmem:v6+s30+$0x0], $0xffff;
	v2 =	vadd.f32 v3, v2;
	v3 =	vmul.f32 v5, v42  }
0x11f: {  	v5 =	vld.idx.msk [tilespmem:v6+s31+$0x0], $0xffff;
	v6 =	vor.u32 $0x15, v1  }
0x120: {  	v48 =	vld.idx.msk [tilespmem:v44+s30+$0x0], $0xffff;
	v2 =	vadd.f32 v3, v2;
	v3 =	vmul.f32 v7, v43  }
0x121: {  	v49 =	vor.u32 $0x16, v1;
	v7 =	vld.idx.msk [tilespmem:v44+s31+$0x0], $0xffff  }
0x122: {  	v50 =	vld.idx.msk [tilespmem:v46+s30+$0x0], $0xffff;
	v2 =	vadd.f32 v3, v2;
	v3 =	vmul.f32 v4, v45  }
0x123: {  	v51 =	vor.u32 $0x17, v1;
	v4 =	vld.idx.msk [tilespmem:v46+s31+$0x0], $0xffff  }
0x124: {  	v52 =	vld.idx.msk [tilespmem:v6+s30+$0x0], $0xffff;
	v2 =	vadd.f32 v3, v2;
	v3 =	vmul.f32 v5, v47  }
0x125: {  	v5 =	vld.idx.msk [tilespmem:v6+s31+$0x0], $0xffff;
	v6 =	vor.u32 $0x18, v1  }
0x126: {  	v53 =	vld.idx.msk [tilespmem:v49+s30+$0x0], $0xffff;
	v2 =	vadd.f32 v3, v2;
	v3 =	vmul.f32 v7, v48  }
0x127: {  	v54 =	vor.u32 $0x19, v1;
	v7 =	vld.idx.msk [tilespmem:v49+s31+$0x0], $0xffff  }
0x128: {  	v55 =	vld.idx.msk [tilespmem:v51+s30+$0x0], $0xffff;
	v2 =	vadd.f32 v3, v2;
	v3 =	vmul.f32 v4, v50  }
0x129: {  	v56 =	vor.u32 $0x1A, v1;
	v4 =	vld.idx.msk [tilespmem:v51+s31+$0x0], $0xffff  }
0x12a: {  	v57 =	vld.idx.msk [tilespmem:v6+s30+$0x0], $0xffff;
	v2 =	vadd.f32 v3, v2;
	v3 =	vmul.f32 v5, v52  }
0x12b: {  	v5 =	vld.idx.msk [tilespmem:v6+s31+$0x0], $0xffff;
	v6 =	vor.u32 $0x1B, v1  }
0x12c: {  	v58 =	vld.idx.msk [tilespmem:v54+s30+$0x0], $0xffff;
	v2 =	vadd.f32 v3, v2;
	v3 =	vmul.f32 v7, v53  }
0x12d: {  	v59 =	vor.u32 $0x1C, v1;
	v7 =	vld.idx.msk [tilespmem:v54+s31+$0x0], $0xffff  }
0x12e: {  	v60 =	vld.idx.msk [tilespmem:v56+s30+$0x0], $0xffff;
	v2 =	vadd.f32 v3, v2;
	v3 =	vmul.f32 v4, v55  }
0x12f: {  	v61 =	vor.u32 $0x1D, v1;
	v4 =	vld.idx.msk [tilespmem:v56+s31+$0x0], $0xffff  }
0x130: {  	v62 =	vld.idx.msk [tilespmem:v6+s30+$0x0], $0xffff;
	v2 =	vadd.f32 v3, v2;
	v3 =	vmul.f32 v5, v57  }
0x131: {  	v5 =	vld.idx.msk [tilespmem:v6+s31+$0x0], $0xffff;
	v6 =	vor.u32 $0x1E, v1  }
0x132: {  	v63 =	vld.idx.msk [tilespmem:v59+s30+$0x0], $0xffff;
	v2 =	vadd.f32 v3, v2;
	v3 =	vmul.f32 v7, v58  }
0x133: {  	v1 =	vor.u32 $0x1F, v1;
	v7 =	vld.idx.msk [tilespmem:v59+s31+$0x0], $0xffff  }
0x134: {  	v15 =	vld.idx.msk [tilespmem:v61+s30+$0x0], $0xffff;
	v2 =	vadd.f32 v3, v2;
	v3 =	vmul.f32 v4, v60  }
0x135: {  	v4 =	vld.idx.msk [tilespmem:v61+s31+$0x0], $0xffff  }
0x136: {  	v16 =	vld.idx.msk [tilespmem:v6+s30+$0x0], $0xffff;
	v2 =	vadd.f32 v3, v2;
	v3 =	vmul.f32 v5, v62  }
0x137: {  	v5 =	vld.idx.msk [tilespmem:v6+s31+$0x0], $0xffff  }
0x138: {  	v6 =	vld.idx.msk [tilespmem:v1+s30+$0x0], $0xffff;
	v2 =	vadd.f32 v3, v2;
	v3 =	vmul.f32 v7, v63  }
0x139: {  	v7 =	vld.idx.msk [tilespmem:v1+s31+$0x0], $0xffff  }
0x13a: {  	v1 =	vadd.f32 v3, v2;
	v2 =	vmul.f32 v4, v15  }
0x13b: {  	s26 =	simm.s32 $0x10  }
0x13c: {  	v3 =	vmov s26;
	v4 =	vmul.f32 v5, v16;
	v2 =	vadd.f32 v2, v1  }
0x13d: {  	v1 =	vshll.u32 v3, $0x7  }
0x13e: {  	v1 =	vor.u32 v0, v1;
	v3 =	vmul.f32 v7, v6;
	v2 =	vadd.f32 v4, v2;
	_ =	sdelay $0x1  }
0x13f: {  	v4 =	vor.u32 $0x1, v1;
	v2 =	vadd.f32 v3, v2  }
0x140: {  	s26 =	simm.s32 $0x10400  }
0x141: {  	v3 =	vor.u32 $0x2, v1;
	[tilespmem:s26+$0x0] =	vst v2  }
0x142: {  	v2 =	vld.idx.msk [tilespmem:v1+s31+$0x0], $0xffff  }
0x143: {  	v6 =	vor.u32 $0x3, v1;
	v5 =	vld.idx.msk [tilespmem:v1+s30+$0x0], $0xffff  }
0x144: {  	v7 =	vld.idx.msk [tilespmem:v4+s30+$0x0], $0xffff  }
0x145: {  	v17 =	vor.u32 $0x4, v1;
	v4 =	vld.idx.msk [tilespmem:v4+s31+$0x0], $0xffff  }
0x146: {  	v18 =	vld.idx.msk [tilespmem:v3+s30+$0x0], $0xffff  }
0x147: {  	v19 =	vor.u32 $0x5, v1;
	v3 =	vld.idx.msk [tilespmem:v3+s31+$0x0], $0xffff  }
0x148: {  	v20 =	vld.idx.msk [tilespmem:v6+s30+$0x0], $0xffff;
	v2 =	vmul.f32 v2, v5  }
0x149: {  	v5 =	vld.idx.msk [tilespmem:v6+s31+$0x0], $0xffff;
	v6 =	vor.u32 $0x6, v1  }
0x14a: {  	v21 =	vld.idx.msk [tilespmem:v17+s30+$0x0], $0xffff;
	v4 =	vmul.f32 v4, v7;
	v2 =	vadd.f32 $0.0e+00, v2  }
0x14b: {  	v22 =	vor.u32 $0x7, v1;
	v7 =	vld.idx.msk [tilespmem:v17+s31+$0x0], $0xffff  }
0x14c: {  	v23 =	vld.idx.msk [tilespmem:v19+s30+$0x0], $0xffff;
	v3 =	vmul.f32 v3, v18;
	v2 =	vadd.f32 v4, v2  }
0x14d: {  	v24 =	vor.u32 $0x8, v1;
	v4 =	vld.idx.msk [tilespmem:v19+s31+$0x0], $0xffff  }
0x14e: {  	v25 =	vld.idx.msk [tilespmem:v6+s30+$0x0], $0xffff;
	v2 =	vadd.f32 v3, v2;
	v3 =	vmul.f32 v5, v20  }
0x14f: {  	v5 =	vld.idx.msk [tilespmem:v6+s31+$0x0], $0xffff;
	v6 =	vor.u32 $0x9, v1  }
0x150: {  	v26 =	vld.idx.msk [tilespmem:v22+s30+$0x0], $0xffff;
	v2 =	vadd.f32 v3, v2;
	v3 =	vmul.f32 v7, v21  }
0x151: {  	v27 =	vor.u32 $0xA, v1;
	v7 =	vld.idx.msk [tilespmem:v22+s31+$0x0], $0xffff  }
0x152: {  	v28 =	vld.idx.msk [tilespmem:v24+s30+$0x0], $0xffff;
	v2 =	vadd.f32 v3, v2;
	v3 =	vmul.f32 v4, v23  }
0x153: {  	v29 =	vor.u32 $0xB, v1;
	v4 =	vld.idx.msk [tilespmem:v24+s31+$0x0], $0xffff  }
0x154: {  	v30 =	vld.idx.msk [tilespmem:v6+s30+$0x0], $0xffff;
	v2 =	vadd.f32 v3, v2;
	v3 =	vmul.f32 v5, v25  }
0x155: {  	v5 =	vld.idx.msk [tilespmem:v6+s31+$0x0], $0xffff;
	v6 =	vor.u32 $0xC, v1  }
0x156: {  	v31 =	vld.idx.msk [tilespmem:v27+s30+$0x0], $0xffff;
	v2 =	vadd.f32 v3, v2;
	v3 =	vmul.f32 v7, v26  }
0x157: {  	v32 =	vor.u32 $0xD, v1;
	v7 =	vld.idx.msk [tilespmem:v27+s31+$0x0], $0xffff  }
0x158: {  	v33 =	vld.idx.msk [tilespmem:v29+s30+$0x0], $0xffff;
	v2 =	vadd.f32 v3, v2;
	v3 =	vmul.f32 v4, v28  }
0x159: {  	v34 =	vor.u32 $0xE, v1;
	v4 =	vld.idx.msk [tilespmem:v29+s31+$0x0], $0xffff  }
0x15a: {  	v35 =	vld.idx.msk [tilespmem:v6+s30+$0x0], $0xffff;
	v2 =	vadd.f32 v3, v2;
	v3 =	vmul.f32 v5, v30  }
0x15b: {  	v5 =	vld.idx.msk [tilespmem:v6+s31+$0x0], $0xffff;
	v6 =	vor.u32 $0xF, v1  }
0x15c: {  	v36 =	vld.idx.msk [tilespmem:v32+s30+$0x0], $0xffff;
	v2 =	vadd.f32 v3, v2;
	v3 =	vmul.f32 v7, v31  }
0x15d: {  	v37 =	vor.u32 $0x10, v1;
	v7 =	vld.idx.msk [tilespmem:v32+s31+$0x0], $0xffff  }
0x15e: {  	v38 =	vld.idx.msk [tilespmem:v34+s30+$0x0], $0xffff;
	v2 =	vadd.f32 v3, v2;
	v3 =	vmul.f32 v4, v33  }
0x15f: {  	v39 =	vor.u32 $0x11, v1;
	v4 =	vld.idx.msk [tilespmem:v34+s31+$0x0], $0xffff  }
0x160: {  	v40 =	vld.idx.msk [tilespmem:v6+s30+$0x0], $0xffff;
	v2 =	vadd.f32 v3, v2;
	v3 =	vmul.f32 v5, v35  }
0x161: {  	v5 =	vld.idx.msk [tilespmem:v6+s31+$0x0], $0xffff;
	v6 =	vor.u32 $0x12, v1  }
0x162: {  	v41 =	vld.idx.msk [tilespmem:v37+s30+$0x0], $0xffff;
	v2 =	vadd.f32 v3, v2;
	v3 =	vmul.f32 v7, v36  }
0x163: {  	v42 =	vor.u32 $0x13, v1;
	v7 =	vld.idx.msk [tilespmem:v37+s31+$0x0], $0xffff  }
0x164: {  	v43 =	vld.idx.msk [tilespmem:v39+s30+$0x0], $0xffff;
	v2 =	vadd.f32 v3, v2;
	v3 =	vmul.f32 v4, v38  }
0x165: {  	v44 =	vor.u32 $0x14, v1;
	v4 =	vld.idx.msk [tilespmem:v39+s31+$0x0], $0xffff  }
0x166: {  	v45 =	vld.idx.msk [tilespmem:v6+s30+$0x0], $0xffff;
	v2 =	vadd.f32 v3, v2;
	v3 =	vmul.f32 v5, v40  }
0x167: {  	v5 =	vld.idx.msk [tilespmem:v6+s31+$0x0], $0xffff;
	v6 =	vor.u32 $0x15, v1  }
0x168: {  	v46 =	vld.idx.msk [tilespmem:v42+s30+$0x0], $0xffff;
	v2 =	vadd.f32 v3, v2;
	v3 =	vmul.f32 v7, v41  }
0x169: {  	v47 =	vor.u32 $0x16, v1;
	v7 =	vld.idx.msk [tilespmem:v42+s31+$0x0], $0xffff  }
0x16a: {  	v48 =	vld.idx.msk [tilespmem:v44+s30+$0x0], $0xffff;
	v2 =	vadd.f32 v3, v2;
	v3 =	vmul.f32 v4, v43  }
0x16b: {  	v49 =	vor.u32 $0x17, v1;
	v4 =	vld.idx.msk [tilespmem:v44+s31+$0x0], $0xffff  }
0x16c: {  	v50 =	vld.idx.msk [tilespmem:v6+s30+$0x0], $0xffff;
	v2 =	vadd.f32 v3, v2;
	v3 =	vmul.f32 v5, v45  }
0x16d: {  	v5 =	vld.idx.msk [tilespmem:v6+s31+$0x0], $0xffff;
	v6 =	vor.u32 $0x18, v1  }
0x16e: {  	v51 =	vld.idx.msk [tilespmem:v47+s30+$0x0], $0xffff;
	v2 =	vadd.f32 v3, v2;
	v3 =	vmul.f32 v7, v46  }
0x16f: {  	v52 =	vor.u32 $0x19, v1;
	v7 =	vld.idx.msk [tilespmem:v47+s31+$0x0], $0xffff  }
0x170: {  	v53 =	vld.idx.msk [tilespmem:v49+s30+$0x0], $0xffff;
	v2 =	vadd.f32 v3, v2;
	v3 =	vmul.f32 v4, v48  }
0x171: {  	v54 =	vor.u32 $0x1A, v1;
	v4 =	vld.idx.msk [tilespmem:v49+s31+$0x0], $0xffff  }
0x172: {  	v55 =	vld.idx.msk [tilespmem:v6+s30+$0x0], $0xffff;
	v2 =	vadd.f32 v3, v2;
	v3 =	vmul.f32 v5, v50  }
0x173: {  	v5 =	vld.idx.msk [tilespmem:v6+s31+$0x0], $0xffff;
	v6 =	vor.u32 $0x1B, v1  }
0x174: {  	v56 =	vld.idx.msk [tilespmem:v52+s30+$0x0], $0xffff;
	v2 =	vadd.f32 v3, v2;
	v3 =	vmul.f32 v7, v51  }
0x175: {  	v57 =	vor.u32 $0x1C, v1;
	v7 =	vld.idx.msk [tilespmem:v52+s31+$0x0], $0xffff  }
0x176: {  	v58 =	vld.idx.msk [tilespmem:v54+s30+$0x0], $0xffff;
	v2 =	vadd.f32 v3, v2;
	v3 =	vmul.f32 v4, v53  }
0x177: {  	v4 =	vld.idx.msk [tilespmem:v54+s31+$0x0], $0xffff  }
0x178: {  	v60 =	vld.idx.msk [tilespmem:v6+s30+$0x0], $0xffff;
	v2 =	vadd.f32 v3, v2;
	v3 =	vmul.f32 v5, v55  }
0x179: {  	v59 =	vor.u32 $0x1D, v1;
	v5 =	vld.idx.msk [tilespmem:v6+s31+$0x0], $0xffff  }
0x17a: {  	v61 =	vld.idx.msk [tilespmem:v57+s30+$0x0], $0xffff;
	v2 =	vadd.f32 v3, v2;
	v3 =	vmul.f32 v7, v56  }
0x17b: {  	v6 =	vor.u32 $0x1E, v1;
	v7 =	vld.idx.msk [tilespmem:v57+s31+$0x0], $0xffff  }
0x17c: {  	v2 =	vadd.f32 v3, v2;
	v3 =	vmul.f32 v4, v58  }
0x17d: {  	v1 =	vor.u32 $0x1F, v1  }
0x17e: {  	v62 =	vld.idx.msk [tilespmem:v59+s30+$0x0], $0xffff;
	v2 =	vadd.f32 v3, v2;
	v3 =	vmul.f32 v5, v60  }
0x17f: {  	v4 =	vld.idx.msk [tilespmem:v59+s31+$0x0], $0xffff  }
0x180: {  	v63 =	vld.idx.msk [tilespmem:v6+s30+$0x0], $0xffff;
	v2 =	vadd.f32 v3, v2;
	v3 =	vmul.f32 v7, v61  }
0x181: {  	v5 =	vld.idx.msk [tilespmem:v6+s31+$0x0], $0xffff  }
0x182: {  	v6 =	vadd.f32 v3, v2;
	v2 =	vld.idx.msk [tilespmem:v1+s30+$0x0], $0xffff  }
0x183: {  	v3 =	vld.idx.msk [tilespmem:v1+s31+$0x0], $0xffff  }
0x184: {  	v4 =	vmul.f32 v4, v62  }
0x185: {  	s29 =	simm.s32 $0x20  }
0x186: {  	v7 =	vmov s29;
	v5 =	vmul.f32 v5, v63;
	v4 =	vadd.f32 v4, v6  }
0x187: {  	s28 =	simm.s32 $0x30;
	v1 =	vshll.u32 v7, $0x7  }
.LBB2_6:
0x188: {  	p0 =	sne.s32 s28, $0x70;
	v1 =	vor.u32 v0, v1;
	v4 =	vadd.f32 v5, v4;
	v2 =	vmul.f32 v3, v2;
	_ =	sdelay $0x1  }
0x189: {  	v3 =	vor.u32 $0x1, v1;
	v2 =	vadd.f32 v2, v4  }
0x18a: {  	s26 =	sadd.s32 $0x10, s26  }
0x18b: {  	v4 =	vor.u32 $0x2, v1;
	[tilespmem:s26+$0x0] =	vst v2  }
0x18c: {  	v2 =	vld.idx.msk [tilespmem:v1+s31+$0x0], $0xffff  }
0x18d: {  	v6 =	vor.u32 $0x3, v1;
	v5 =	vld.idx.msk [tilespmem:v1+s30+$0x0], $0xffff  }
0x18e: {  	v7 =	vld.idx.msk [tilespmem:v3+s30+$0x0], $0xffff  }
0x18f: {  	v8 =	vor.u32 $0x4, v1;
	v3 =	vld.idx.msk [tilespmem:v3+s31+$0x0], $0xffff  }
0x190: {  	v9 =	vld.idx.msk [tilespmem:v4+s30+$0x0], $0xffff  }
0x191: {  	v10 =	vor.u32 $0x5, v1;
	v4 =	vld.idx.msk [tilespmem:v4+s31+$0x0], $0xffff  }
0x192: {  	v11 =	vld.idx.msk [tilespmem:v6+s30+$0x0], $0xffff  }
0x193: {  	v2 =	vmul.f32 v2, v5;
	v5 =	vld.idx.msk [tilespmem:v6+s31+$0x0], $0xffff;
	v6 =	vor.u32 $0x6, v1  }
0x194: {  	v12 =	vld.idx.msk [tilespmem:v8+s30+$0x0], $0xffff  }
0x195: {  	v2 =	vadd.f32 $0.0e+00, v2;
	v3 =	vmul.f32 v3, v7;
	v7 =	vld.idx.msk [tilespmem:v8+s31+$0x0], $0xffff;
	v8 =	vor.u32 $0x7, v1  }
0x196: {  	v13 =	vld.idx.msk [tilespmem:v10+s30+$0x0], $0xffff  }
0x197: {  	v2 =	vadd.f32 v3, v2;
	v3 =	vmul.f32 v4, v9;
	v9 =	vor.u32 $0x8, v1;
	v4 =	vld.idx.msk [tilespmem:v10+s31+$0x0], $0xffff  }
0x198: {  	v10 =	vld.idx.msk [tilespmem:v6+s30+$0x0], $0xffff  }
0x199: {  	v2 =	vadd.f32 v3, v2;
	v3 =	vmul.f32 v5, v11;
	v5 =	vld.idx.msk [tilespmem:v6+s31+$0x0], $0xffff;
	v6 =	vor.u32 $0x9, v1  }
0x19a: {  	v11 =	vld.idx.msk [tilespmem:v8+s30+$0x0], $0xffff  }
0x19b: {  	v2 =	vadd.f32 v3, v2;
	v3 =	vmul.f32 v7, v12;
	v7 =	vld.idx.msk [tilespmem:v8+s31+$0x0], $0xffff;
	v8 =	vor.u32 $0xA, v1  }
0x19c: {  	v12 =	vld.idx.msk [tilespmem:v9+s30+$0x0], $0xffff  }
0x19d: {  	v2 =	vadd.f32 v3, v2;
	v3 =	vmul.f32 v4, v13;
	v4 =	vld.idx.msk [tilespmem:v9+s31+$0x0], $0xffff;
	v9 =	vor.u32 $0xB, v1  }
0x19e: {  	v13 =	vld.idx.msk [tilespmem:v6+s30+$0x0], $0xffff  }
0x19f: {  	v2 =	vadd.f32 v3, v2;
	v3 =	vmul.f32 v5, v10;
	v5 =	vld.idx.msk [tilespmem:v6+s31+$0x0], $0xffff;
	v6 =	vor.u32 $0xC, v1  }
0x1a0: {  	v10 =	vld.idx.msk [tilespmem:v8+s30+$0x0], $0xffff  }
0x1a1: {  	v2 =	vadd.f32 v3, v2;
	v3 =	vmul.f32 v7, v11;
	v7 =	vld.idx.msk [tilespmem:v8+s31+$0x0], $0xffff;
	v8 =	vor.u32 $0xD, v1  }
0x1a2: {  	v11 =	vld.idx.msk [tilespmem:v9+s30+$0x0], $0xffff  }
0x1a3: {  	v2 =	vadd.f32 v3, v2;
	v3 =	vmul.f32 v4, v12;
	v4 =	vld.idx.msk [tilespmem:v9+s31+$0x0], $0xffff;
	v9 =	vor.u32 $0xE, v1  }
0x1a4: {  	v12 =	vld.idx.msk [tilespmem:v6+s30+$0x0], $0xffff  }
0x1a5: {  	v2 =	vadd.f32 v3, v2;
	v3 =	vmul.f32 v5, v13;
	v5 =	vld.idx.msk [tilespmem:v6+s31+$0x0], $0xffff;
	v6 =	vor.u32 $0xF, v1  }
0x1a6: {  	v13 =	vld.idx.msk [tilespmem:v8+s30+$0x0], $0xffff  }
0x1a7: {  	v2 =	vadd.f32 v3, v2;
	v3 =	vmul.f32 v7, v10;
	v7 =	vld.idx.msk [tilespmem:v8+s31+$0x0], $0xffff;
	v8 =	vor.u32 $0x10, v1  }
0x1a8: {  	v10 =	vld.idx.msk [tilespmem:v9+s30+$0x0], $0xffff  }
0x1a9: {  	v2 =	vadd.f32 v3, v2;
	v3 =	vmul.f32 v4, v11;
	v4 =	vld.idx.msk [tilespmem:v9+s31+$0x0], $0xffff;
	v9 =	vor.u32 $0x11, v1  }
0x1aa: {  	v11 =	vld.idx.msk [tilespmem:v6+s30+$0x0], $0xffff  }
0x1ab: {  	v2 =	vadd.f32 v3, v2;
	v3 =	vmul.f32 v5, v12;
	v5 =	vld.idx.msk [tilespmem:v6+s31+$0x0], $0xffff;
	v6 =	vor.u32 $0x12, v1  }
0x1ac: {  	v12 =	vld.idx.msk [tilespmem:v8+s30+$0x0], $0xffff  }
0x1ad: {  	v2 =	vadd.f32 v3, v2;
	v3 =	vmul.f32 v7, v13;
	v7 =	vld.idx.msk [tilespmem:v8+s31+$0x0], $0xffff;
	v8 =	vor.u32 $0x13, v1  }
0x1ae: {  	v13 =	vld.idx.msk [tilespmem:v9+s30+$0x0], $0xffff  }
0x1af: {  	v2 =	vadd.f32 v3, v2;
	v3 =	vmul.f32 v4, v10;
	v4 =	vld.idx.msk [tilespmem:v9+s31+$0x0], $0xffff;
	v9 =	vor.u32 $0x14, v1  }
0x1b0: {  	v10 =	vld.idx.msk [tilespmem:v6+s30+$0x0], $0xffff  }
0x1b1: {  	v2 =	vadd.f32 v3, v2;
	v3 =	vmul.f32 v5, v11;
	v5 =	vld.idx.msk [tilespmem:v6+s31+$0x0], $0xffff;
	v6 =	vor.u32 $0x15, v1  }
0x1b2: {  	v11 =	vld.idx.msk [tilespmem:v8+s30+$0x0], $0xffff  }
0x1b3: {  	v2 =	vadd.f32 v3, v2;
	v3 =	vmul.f32 v7, v12;
	v7 =	vld.idx.msk [tilespmem:v8+s31+$0x0], $0xffff;
	v8 =	vor.u32 $0x16, v1  }
0x1b4: {  	v12 =	vld.idx.msk [tilespmem:v9+s30+$0x0], $0xffff  }
0x1b5: {  	v2 =	vadd.f32 v3, v2;
	v3 =	vmul.f32 v4, v13;
	v4 =	vld.idx.msk [tilespmem:v9+s31+$0x0], $0xffff;
	v9 =	vor.u32 $0x17, v1  }
0x1b6: {  	v13 =	vld.idx.msk [tilespmem:v6+s30+$0x0], $0xffff  }
0x1b7: {  	v2 =	vadd.f32 v3, v2;
	v3 =	vmul.f32 v5, v10;
	v5 =	vld.idx.msk [tilespmem:v6+s31+$0x0], $0xffff;
	v6 =	vor.u32 $0x18, v1  }
0x1b8: {  	v10 =	vld.idx.msk [tilespmem:v8+s30+$0x0], $0xffff  }
0x1b9: {  	v2 =	vadd.f32 v3, v2;
	v3 =	vmul.f32 v7, v11;
	v7 =	vld.idx.msk [tilespmem:v8+s31+$0x0], $0xffff;
	v8 =	vor.u32 $0x19, v1  }
0x1ba: {  	v11 =	vld.idx.msk [tilespmem:v9+s30+$0x0], $0xffff  }
0x1bb: {  	v2 =	vadd.f32 v3, v2;
	v3 =	vmul.f32 v4, v12;
	v4 =	vld.idx.msk [tilespmem:v9+s31+$0x0], $0xffff;
	v9 =	vor.u32 $0x1A, v1  }
0x1bc: {  	v12 =	vld.idx.msk [tilespmem:v6+s30+$0x0], $0xffff  }
0x1bd: {  	v2 =	vadd.f32 v3, v2;
	v3 =	vmul.f32 v5, v13;
	v5 =	vld.idx.msk [tilespmem:v6+s31+$0x0], $0xffff;
	v6 =	vor.u32 $0x1B, v1  }
0x1be: {  	v13 =	vld.idx.msk [tilespmem:v8+s30+$0x0], $0xffff  }
0x1bf: {  	v2 =	vadd.f32 v3, v2;
	v3 =	vmul.f32 v7, v10;
	v7 =	vld.idx.msk [tilespmem:v8+s31+$0x0], $0xffff;
	v8 =	vor.u32 $0x1C, v1  }
0x1c0: {  	v10 =	vld.idx.msk [tilespmem:v9+s30+$0x0], $0xffff  }
0x1c1: {  	v2 =	vadd.f32 v3, v2;
	v3 =	vmul.f32 v4, v11;
	v4 =	vld.idx.msk [tilespmem:v9+s31+$0x0], $0xffff;
	v9 =	vor.u32 $0x1D, v1  }
0x1c2: {  	v11 =	vld.idx.msk [tilespmem:v6+s30+$0x0], $0xffff  }
0x1c3: {  	v2 =	vadd.f32 v3, v2;
	v3 =	vmul.f32 v5, v12;
	v5 =	vld.idx.msk [tilespmem:v6+s31+$0x0], $0xffff;
	v6 =	vor.u32 $0x1E, v1  }
0x1c4: {  	v12 =	vld.idx.msk [tilespmem:v8+s30+$0x0], $0xffff  }
0x1c5: {  	v1 =	vor.u32 $0x1F, v1;
	v2 =	vadd.f32 v3, v2;
	v3 =	vmul.f32 v7, v13;
	v7 =	vld.idx.msk [tilespmem:v8+s31+$0x0], $0xffff  }
0x1c6: {  	v8 =	vld.idx.msk [tilespmem:v9+s30+$0x0], $0xffff  }
0x1c7: {  	v2 =	vadd.f32 v3, v2;
	v3 =	vmul.f32 v4, v10;
	v4 =	vld.idx.msk [tilespmem:v9+s31+$0x0], $0xffff  }
0x1c8: {  	v9 =	vld.idx.msk [tilespmem:v6+s30+$0x0], $0xffff  }
0x1c9: {  	v3 =	vadd.f32 v3, v2;
	v5 =	vmul.f32 v5, v11;
	v6 =	vld.idx.msk [tilespmem:v6+s31+$0x0], $0xffff  }
0x1ca: {  	v2 =	vld.idx.msk [tilespmem:v1+s30+$0x0], $0xffff  }
0x1cb: {  	v5 =	vadd.f32 v5, v3;
	v7 =	vmul.f32 v7, v12;
	v3 =	vld.idx.msk [tilespmem:v1+s31+$0x0], $0xffff  }
.Ltmp2:
0x1cc: {  	(pc) =	sbr.rel @p0 .LBB2_6-.Ltmp2, $3  }
0x1cd: {  	v1 =	vadd.f32 v7, v5;
	v4 =	vmul.f32 v4, v8;
	_ =	sdelay $0x1  }
0x1ce: {  	v7 =	vmov s28;
	v4 =	vadd.f32 v4, v1;
	v5 =	vmul.f32 v6, v9  }
0x1cf: {  	s28 =	sadd.s32 $0x10, s28;
	v1 =	vshll.u32 v7, $0x7  }
0x1d0: {  	v1 =	vor.u32 v0, v1;
	v4 =	vadd.f32 v5, v4;
	v2 =	vmul.f32 v3, v2;
	_ =	sdelay $0x1  }
0x1d1: {  	v3 =	vor.u32 $0x1, v1;
	v2 =	vadd.f32 v2, v4  }
0x1d2: {  	s26 =	sadd.s32 $0x10, s26  }
0x1d3: {  	v31 =	vor.u32 $0x2, v1;
	[tilespmem:s26+$0x0] =	vst v2  }
0x1d4: {  	v2 =	vld.idx.msk [tilespmem:v1+s31+$0x0], $0xffff  }
0x1d5: {  	v6 =	vor.u32 $0x3, v1;
	v32 =	vld.idx.msk [tilespmem:v1+s30+$0x0], $0xffff  }
0x1d6: {  	v7 =	vld.idx.msk [tilespmem:v3+s30+$0x0], $0xffff  }
0x1d7: {  	v8 =	vor.u32 $0x4, v1;
	v3 =	vld.idx.msk [tilespmem:v3+s31+$0x0], $0xffff  }
0x1d8: {  	v9 =	vld.idx.msk [tilespmem:v31+s30+$0x0], $0xffff  }
0x1d9: {  	v10 =	vor.u32 $0x5, v1;
	v4 =	vld.idx.msk [tilespmem:v31+s31+$0x0], $0xffff  }
0x1da: {  	v11 =	vld.idx.msk [tilespmem:v6+s30+$0x0], $0xffff;
	v2 =	vmul.f32 v2, v32  }
0x1db: {  	v34 =	vor.u32 $0x6, v1;
	v33 =	vld.idx.msk [tilespmem:v6+s31+$0x0], $0xffff  }
0x1dc: {  	v12 =	vld.idx.msk [tilespmem:v8+s30+$0x0], $0xffff;
	v3 =	vmul.f32 v3, v7;
	v2 =	vadd.f32 $0.0e+00, v2  }
0x1dd: {  	v36 =	vor.u32 $0x7, v1;
	v35 =	vld.idx.msk [tilespmem:v8+s31+$0x0], $0xffff  }
0x1de: {  	v13 =	vld.idx.msk [tilespmem:v10+s30+$0x0], $0xffff;
	v2 =	vadd.f32 v3, v2;
	v3 =	vmul.f32 v4, v9  }
0x1df: {  	v38 =	vor.u32 $0x8, v1;
	v37 =	vld.idx.msk [tilespmem:v10+s31+$0x0], $0xffff  }
0x1e0: {  	v39 =	vld.idx.msk [tilespmem:v34+s30+$0x0], $0xffff;
	v2 =	vadd.f32 v3, v2;
	v3 =	vmul.f32 v33, v11  }
0x1e1: {  	v41 =	vor.u32 $0x9, v1;
	v40 =	vld.idx.msk [tilespmem:v34+s31+$0x0], $0xffff  }
0x1e2: {  	v42 =	vld.idx.msk [tilespmem:v36+s30+$0x0], $0xffff;
	v2 =	vadd.f32 v3, v2;
	v3 =	vmul.f32 v35, v12  }
0x1e3: {  	v44 =	vor.u32 $0xA, v1;
	v43 =	vld.idx.msk [tilespmem:v36+s31+$0x0], $0xffff  }
0x1e4: {  	v45 =	vld.idx.msk [tilespmem:v38+s30+$0x0], $0xffff;
	v2 =	vadd.f32 v3, v2;
	v3 =	vmul.f32 v37, v13  }
0x1e5: {  	v47 =	vor.u32 $0xB, v1;
	v46 =	vld.idx.msk [tilespmem:v38+s31+$0x0], $0xffff  }
0x1e6: {  	v48 =	vld.idx.msk [tilespmem:v41+s30+$0x0], $0xffff;
	v2 =	vadd.f32 v3, v2;
	v3 =	vmul.f32 v40, v39  }
0x1e7: {  	v50 =	vor.u32 $0xC, v1;
	v49 =	vld.idx.msk [tilespmem:v41+s31+$0x0], $0xffff  }
0x1e8: {  	v51 =	vld.idx.msk [tilespmem:v44+s30+$0x0], $0xffff;
	v2 =	vadd.f32 v3, v2;
	v3 =	vmul.f32 v43, v42  }
0x1e9: {  	v53 =	vor.u32 $0xD, v1;
	v52 =	vld.idx.msk [tilespmem:v44+s31+$0x0], $0xffff  }
0x1ea: {  	v54 =	vld.idx.msk [tilespmem:v47+s30+$0x0], $0xffff;
	v2 =	vadd.f32 v3, v2;
	v3 =	vmul.f32 v46, v45  }
0x1eb: {  	v56 =	vor.u32 $0xE, v1;
	v55 =	vld.idx.msk [tilespmem:v47+s31+$0x0], $0xffff  }
0x1ec: {  	v57 =	vld.idx.msk [tilespmem:v50+s30+$0x0], $0xffff;
	v2 =	vadd.f32 v3, v2;
	v3 =	vmul.f32 v49, v48  }
0x1ed: {  	v59 =	vor.u32 $0xF, v1;
	v58 =	vld.idx.msk [tilespmem:v50+s31+$0x0], $0xffff  }
0x1ee: {  	v60 =	vld.idx.msk [tilespmem:v53+s30+$0x0], $0xffff;
	v2 =	vadd.f32 v3, v2;
	v3 =	vmul.f32 v52, v51  }
0x1ef: {  	v62 =	vor.u32 $0x10, v1;
	v61 =	vld.idx.msk [tilespmem:v53+s31+$0x0], $0xffff  }
0x1f0: {  	v63 =	vld.idx.msk [tilespmem:v56+s30+$0x0], $0xffff;
	v2 =	vadd.f32 v3, v2;
	v3 =	vmul.f32 v55, v54  }
0x1f1: {  	v17 =	vor.u32 $0x11, v1;
	v16 =	vld.idx.msk [tilespmem:v56+s31+$0x0], $0xffff  }
0x1f2: {  	v18 =	vld.idx.msk [tilespmem:v59+s30+$0x0], $0xffff;
	v2 =	vadd.f32 v3, v2;
	v3 =	vmul.f32 v58, v57  }
0x1f3: {  	v20 =	vor.u32 $0x12, v1;
	v19 =	vld.idx.msk [tilespmem:v59+s31+$0x0], $0xffff  }
0x1f4: {  	v21 =	vld.idx.msk [tilespmem:v62+s30+$0x0], $0xffff;
	v2 =	vadd.f32 v3, v2;
	v3 =	vmul.f32 v61, v60  }
0x1f5: {  	v23 =	vor.u32 $0x13, v1;
	v22 =	vld.idx.msk [tilespmem:v62+s31+$0x0], $0xffff  }
0x1f6: {  	v24 =	vld.idx.msk [tilespmem:v17+s30+$0x0], $0xffff;
	v2 =	vadd.f32 v3, v2;
	v3 =	vmul.f32 v16, v63  }
0x1f7: {  	v26 =	vor.u32 $0x14, v1;
	v25 =	vld.idx.msk [tilespmem:v17+s31+$0x0], $0xffff  }
0x1f8: {  	v27 =	vld.idx.msk [tilespmem:v20+s30+$0x0], $0xffff;
	v2 =	vadd.f32 v3, v2;
	v3 =	vmul.f32 v19, v18  }
0x1f9: {  	v29 =	vor.u32 $0x15, v1;
	v28 =	vld.idx.msk [tilespmem:v20+s31+$0x0], $0xffff  }
0x1fa: {  	v30 =	vld.idx.msk [tilespmem:v23+s30+$0x0], $0xffff;
	v2 =	vadd.f32 v3, v2;
	v3 =	vmul.f32 v22, v21  }
0x1fb: {  	v31 =	vld.idx.msk [tilespmem:v23+s31+$0x0], $0xffff;
	v32 =	vor.u32 $0x16, v1  }
0x1fc: {  	v34 =	vld.idx.msk [tilespmem:v26+s31+$0x0], $0xffff;
	v2 =	vadd.f32 v3, v2;
	v3 =	vmul.f32 v25, v24  }
0x1fd: {  	v33 =	vld.idx.msk [tilespmem:v26+s30+$0x0], $0xffff;
	v35 =	vor.u32 $0x17, v1  }
0x1fe: {  	v36 =	vld.idx.msk [tilespmem:v29+s30+$0x0], $0xffff;
	v2 =	vadd.f32 v3, v2;
	v3 =	vmul.f32 v28, v27  }
0x1ff: {  	v38 =	vor.u32 $0x18, v1;
	v37 =	vld.idx.msk [tilespmem:v29+s31+$0x0], $0xffff  }
0x200: {  	v39 =	vld.idx.msk [tilespmem:v32+s30+$0x0], $0xffff;
	v2 =	vadd.f32 v3, v2;
	v3 =	vmul.f32 v31, v30  }
0x201: {  	v41 =	vor.u32 $0x19, v1;
	v40 =	vld.idx.msk [tilespmem:v32+s31+$0x0], $0xffff  }
0x202: {  	v42 =	vld.idx.msk [tilespmem:v35+s30+$0x0], $0xffff;
	v2 =	vadd.f32 v3, v2;
	v3 =	vmul.f32 v34, v33  }
0x203: {  	v44 =	vor.u32 $0x1A, v1;
	v43 =	vld.idx.msk [tilespmem:v35+s31+$0x0], $0xffff  }
0x204: {  	v45 =	vld.idx.msk [tilespmem:v38+s30+$0x0], $0xffff;
	v2 =	vadd.f32 v3, v2;
	v3 =	vmul.f32 v37, v36  }
0x205: {  	v47 =	vor.u32 $0x1B, v1;
	v46 =	vld.idx.msk [tilespmem:v38+s31+$0x0], $0xffff  }
0x206: {  	v48 =	vld.idx.msk [tilespmem:v41+s30+$0x0], $0xffff;
	v2 =	vadd.f32 v3, v2;
	v3 =	vmul.f32 v40, v39  }
0x207: {  	v50 =	vor.u32 $0x1C, v1;
	v49 =	vld.idx.msk [tilespmem:v41+s31+$0x0], $0xffff  }
0x208: {  	v51 =	vld.idx.msk [tilespmem:v44+s30+$0x0], $0xffff;
	v2 =	vadd.f32 v3, v2;
	v3 =	vmul.f32 v43, v42  }
0x209: {  	v53 =	vor.u32 $0x1D, v1;
	v52 =	vld.idx.msk [tilespmem:v44+s31+$0x0], $0xffff  }
0x20a: {  	v54 =	vld.idx.msk [tilespmem:v47+s30+$0x0], $0xffff;
	v2 =	vadd.f32 v3, v2;
	v3 =	vmul.f32 v46, v45  }
0x20b: {  	v56 =	vor.u32 $0x1E, v1;
	v55 =	vld.idx.msk [tilespmem:v47+s31+$0x0], $0xffff  }
0x20c: {  	v57 =	vld.idx.msk [tilespmem:v50+s30+$0x0], $0xffff;
	v2 =	vadd.f32 v3, v2;
	v3 =	vmul.f32 v49, v48  }
0x20d: {  	v1 =	vor.u32 $0x1F, v1;
	v58 =	vld.idx.msk [tilespmem:v50+s31+$0x0], $0xffff  }
0x20e: {  	v59 =	vld.idx.msk [tilespmem:v53+s30+$0x0], $0xffff;
	v2 =	vadd.f32 v3, v2;
	v3 =	vmul.f32 v52, v51  }
0x20f: {  	v60 =	vld.idx.msk [tilespmem:v53+s31+$0x0], $0xffff  }
0x210: {  	v62 =	vld.idx.msk [tilespmem:v56+s31+$0x0], $0xffff;
	v2 =	vadd.f32 v3, v2;
	v3 =	vmul.f32 v55, v54  }
0x211: {  	v61 =	vld.idx.msk [tilespmem:v56+s30+$0x0], $0xffff  }
0x212: {  	v63 =	vld.idx.msk [tilespmem:v1+s30+$0x0], $0xffff;
	v2 =	vadd.f32 v3, v2;
	v3 =	vmul.f32 v58, v57  }
0x213: {  	v1 =	vld.idx.msk [tilespmem:v1+s31+$0x0], $0xffff  }
0x214: {  	v2 =	vadd.f32 v3, v2;
	v3 =	vmul.f32 v60, v59;
	_ =	sdelay $0x1  }
0x215: {  	v2 =	vadd.f32 v3, v2;
	v3 =	vmul.f32 v62, v61;
	_ =	sdelay $0x1  }
0x216: {  	v1 =	vmul.f32 v1, v63;
	v2 =	vadd.f32 v3, v2;
	_ =	sdelay $0x1  }
0x217: {  	v1 =	vadd.f32 v1, v2  }
0x218: {  	s5 =	sadd.s32 $0x10, s26  }
0x219: {  	[tilespmem:s5+$0x0] =	vst v1  }
0x21a: {  	s5 =	sld [smem:$0x300]  }
0x21b: {  	s8 =	sld [smem:$0x101]  }
0x21c: {  	s28 =	simm.s32 $0x0;
	s13 =	simm.s32 $0x400;
	s9 =	sld [smem:$0x301]  }
0x21d: {  	s15 =	simm.s32 $0x4400;
	s20 =	simm.s32 $0x480;
	s10 =	sld [smem:$0x100]  }
0x21e: {  	s24 =	simm.s32 $0x4480;
	s16 =	simm.s32 $0x4500;
	s17 =	simm.s32 $0x580  }
0x21f: {  	s29 =	simm.s32 $0x30F;
	s5 =	sshll.u32 s5, $0x4;
	s11 =	sld [smem:$0x103]  }
0x220: {  	s5 =	sand.u32 $0x1FFFFFF0, s5;
	s8 =	sshll.u32 s8, $0x4;
	s10 =	sshll.u32 s10, $0x4  }
0x221: {  	s12 =	sld [smem:$0x302];
	s9 =	sshll.u32 s9, $0x4;
	s10 =	sand.u32 $0x1FFFFFF0, s10  }
0x222: {  	s8 =	sand.u32 $0x1FFFFFF0, s8;
	s14 =	sld [smem:$0x102];
	s10 =	sadd.s32 s3, s10  }
0x223: {  	[tilespmem:s13], [sflag:$0x1] =	stream.linear.gather [hbm4b:s10+s1], $0x80, $0x38;
	[tilespmem:$0x10600] =	vst v63  }
0x224: {  	s5 =	sadd.s32 s3, s5;
	s9 =	sand.u32 $0x1FFFFFF0, s9;
	s8 =	sadd.s32 s3, s8  }
0x225: {  	[tilespmem:s15], [sflag:$0x1] =	stream.linear.gather [hbm4b:s5+s1], $0x80, $0x38;
	[tilespmem:$0x10600] =	vst v63  }
0x226: {  	s11 =	sshll.u32 s11, $0x4;
	s9 =	sadd.s32 s3, s9;
	s22 =	sshll.u32 s14, $0x4  }
0x227: {  	[tilespmem:s20], [sflag:$0x1] =	stream.linear.gather [hbm4b:s8+s1], $0x80, $0x38;
	[tilespmem:$0x10600] =	vst v63  }
0x228: {  	s12 =	sshll.u32 s12, $0x4;
	s13 =	simm.s32 $0x500;
	s5 =	sand.u32 $0x1FFFFFF0, s22  }
0x229: {  	[tilespmem:s24], [sflag:$0x1] =	stream.linear.gather [hbm4b:s9+s1], $0x80, $0x38;
	[tilespmem:$0x10600] =	vst v63  }
0x22a: {  	s10 =	sand.u32 $0x1FFFFFF0, s12;
	s5 =	sadd.s32 s3, s5;
	s15 =	sld [smem:$0x303]  }
0x22b: {  	[tilespmem:s13], [sflag:$0x1] =	stream.linear.gather [hbm4b:s5+s1], $0x80, $0x38;
	[tilespmem:$0x10600] =	vst v63  }
0x22c: {  	s11 =	sand.u32 $0x1FFFFFF0, s11;
	s14 =	sadd.s32 s3, s10;
	s12 =	sld [smem:$0x104]  }
0x22d: {  	[tilespmem:s16], [sflag:$0x1] =	stream.linear.gather [hbm4b:s14+s1], $0x80, $0x38;
	[tilespmem:$0x10600] =	vst v63  }
0x22e: {  	s26 =	simm.s32 $0x0;
	s11 =	sadd.s32 s3, s11;
	s22 =	sld [smem:$0x304]  }
0x22f: {  	[tilespmem:s17], [sflag:$0x1] =	stream.linear.gather [hbm4b:s11+s1], $0x80, $0x38;
	[tilespmem:$0x10600] =	vst v63  }
0x230: {  	s8 =	simm.s32 $0x700;
	s20 =	simm.s32 $0x4580;
	s10 =	sshll.u32 s15, $0x4  }
0x231: {  	s24 =	simm.s32 $0x4700;
	s10 =	sand.u32 $0x1FFFFFF0, s10;
	s12 =	sshll.u32 s12, $0x4  }
0x232: {  	s17 =	sld [smem:$0x105];
	s11 =	sadd.s32 s3, s10;
	s15 =	sand.u32 $0x1FFFFFF0, s12  }
0x233: {  	[tilespmem:s20], [sflag:$0x1] =	stream.linear.gather [hbm4b:s11+s1], $0x80, $0x38;
	[tilespmem:$0x10600] =	vst v63  }
0x234: {  	s12 =	simm.s32 $0x600;
	s16 =	sshll.u32 s22, $0x4;
	s11 =	sld [smem:$0x107]  }
0x235: {  	s10 =	sadd.s32 s3, s15;
	s20 =	sand.u32 $0x1FFFFFF0, s16;
	s16 =	sld [smem:$0x305]  }
0x236: {  	[tilespmem:s12], [sflag:$0x1] =	stream.linear.gather [hbm4b:s10+s1], $0x80, $0x38;
	[tilespmem:$0x10600] =	vst v63  }
0x237: {  	s9 =	simm.s32 $0x4680;
	s15 =	simm.s32 $0x4600;
	s10 =	sld [smem:$0x307]  }
0x238: {  	s17 =	sshll.u32 s17, $0x4;
	s22 =	sadd.s32 s3, s20;
	s14 =	sld [smem:$0x106]  }
0x239: {  	[tilespmem:s15], [sflag:$0x1] =	stream.linear.gather [hbm4b:s22+s1], $0x80, $0x38;
	[tilespmem:$0x10600] =	vst v63  }
0x23a: {  	s13 =	simm.s32 $0x680;
	s20 =	sand.u32 $0x1FFFFFF0, s17;
	s16 =	sshll.u32 s16, $0x4  }
0x23b: {  	s5 =	simm.s32 $0x10F;
	s15 =	sadd.s32 s3, s20;
	s22 =	sand.u32 $0x1FFFFFF0, s16  }
0x23c: {  	s20 =	simm.s32 $0x1000;
	s16 =	sld [smem:$0x306];
	s12 =	sadd.s32 s3, s22  }
.LBB2_8:
0x23d: {  	[tilespmem:s13], [sflag:$0x1] =	stream.linear.gather [hbm4b:s15+s1], $0x80, $0x38;
	[tilespmem:$0x10600] =	vst v63  }
0x23e: {  	s28 =	sadd.s32 $0x8, s28;
	s14 =	sshll.u32 s14, $0x4;
	s13 =	sld [smem:s29+$0xFFFFFFF9]  }
0x23f: {  	p0 =	slt.u32 s28, $0x78;
	s14 =	sand.u32 $0x1FFFFFF0, s14;
	s15 =	sshll.u32 s16, $0x4  }
0x240: {  	s14 =	sadd.s32 s3, s14;
	s16 =	sld [smem:s5+$0xFFFFFFFA];
	s15 =	sand.u32 $0x1FFFFFF0, s15  }
0x241: {  	[tilespmem:s9], [sflag:$0x1] =	stream.linear.gather [hbm4b:s12+s1], $0x80, $0x38;
	[tilespmem:$0x10600] =	vst v63  }
0x242: {  	s11 =	sshll.u32 s11, $0x4;
	s12 =	sadd.s32 s3, s15;
	s9 =	sld [smem:s29+$0xFFFFFFFA]  }
0x243: {  	[tilespmem:s8], [sflag:$0x1] =	stream.linear.gather [hbm4b:s14+s1], $0x80, $0x38;
	[tilespmem:$0x10600] =	vst v63  }
0x244: {  	s11 =	sand.u32 $0x1FFFFFF0, s11;
	s14 =	sadd.s32 $0x780, s26;
	s8 =	sld [smem:s5+$0xFFFFFFF9]  }
0x245: {  	[tilespmem:s24], [sflag:$0x1] =	stream.linear.gather [hbm4b:s12+s1], $0x80, $0x38;
	[tilespmem:$0x10600] =	vst v63  }
0x246: {  	s11 =	sadd.s32 s3, s11;
	s15 =	sadd.s32 $0x4780, s26;
	s12 =	sld [smem:s5+$0xFFFFFFFC]  }
0x247: {  	[tilespmem:s14], [sflag:$0x1] =	stream.linear.gather [hbm4b:s11+s1], $0x80, $0x38;
	[tilespmem:$0x10600] =	vst v63  }
0x248: {  	s10 =	sshll.u32 s10, $0x4;
	s26 =	sshra.s32 s20, $0x2;
	s11 =	sld [smem:s29+$0xFFFFFFFB]  }
0x249: {  	s10 =	sand.u32 $0x1FFFFFF0, s10;
	s8 =	sshll.u32 s8, $0x4;
	s12 =	sshll.u32 s12, $0x4  }
0x24a: {  	s10 =	sadd.s32 s3, s10;
	s8 =	sand.u32 $0x1FFFFFF0, s8;
	s12 =	sand.u32 $0x1FFFFFF0, s12  }
0x24b: {  	[tilespmem:s15], [sflag:$0x1] =	stream.linear.gather [hbm4b:s10+s1], $0x80, $0x38;
	[tilespmem:$0x10600] =	vst v63  }
0x24c: {  	s13 =	sshll.u32 s13, $0x4;
	s8 =	sadd.s32 s3, s8;
	s10 =	sadd.s32 $0x400, s26  }
0x24d: {  	s13 =	sand.u32 $0x1FFFFFF0, s13;
	s9 =	sshll.u32 s9, $0x4;
	s14 =	sld [smem:s5+$0xFFFFFFFB]  }
0x24e: {  	s13 =	sadd.s32 s3, s13;
	s16 =	sshll.u32 s16, $0x4;
	s15 =	sadd.s32 $0x4400, s26  }
0x24f: {  	[tilespmem:s10], [sflag:$0x1] =	stream.linear.gather [hbm4b:s8+s1], $0x80, $0x38;
	[tilespmem:$0x10600] =	vst v63  }
0x250: {  	s9 =	sand.u32 $0x1FFFFFF0, s9;
	s8 =	sadd.s32 $0x480, s26;
	s10 =	sand.u32 $0x1FFFFFF0, s16  }
0x251: {  	[tilespmem:s15], [sflag:$0x1] =	stream.linear.gather [hbm4b:s13+s1], $0x80, $0x38;
	[tilespmem:$0x10600] =	vst v63  }
0x252: {  	s9 =	sadd.s32 s3, s9;
	s10 =	sadd.s32 s3, s10;
	s13 =	sshll.u32 s14, $0x4  }
0x253: {  	[tilespmem:s8], [sflag:$0x1] =	stream.linear.gather [hbm4b:s10+s1], $0x80, $0x38;
	[tilespmem:$0x10600] =	vst v63  }
0x254: {  	s11 =	sshll.u32 s11, $0x4;
	s8 =	sadd.s32 $0x4480, s26;
	s10 =	sand.u32 $0x1FFFFFF0, s13  }
0x255: {  	s11 =	sand.u32 $0x1FFFFFF0, s11;
	s13 =	sadd.s32 $0x500, s26;
	s10 =	sadd.s32 s3, s10  }
0x256: {  	[tilespmem:s8], [sflag:$0x1] =	stream.linear.gather [hbm4b:s9+s1], $0x80, $0x38;
	[tilespmem:$0x10600] =	vst v63  }
0x257: {  	s24 =	sadd.s32 $0x4700, s26;
	s11 =	sadd.s32 s3, s11;
	s9 =	sld [smem:s29+$0xFFFFFFFC]  }
0x258: {  	[tilespmem:s13], [sflag:$0x1] =	stream.linear.gather [hbm4b:s10+s1], $0x80, $0x38;
	[tilespmem:$0x10600] =	vst v63  }
0x259: {  	s12 =	sadd.s32 s3, s12;
	s8 =	sadd.s32 $0x700, s26;
	s10 =	sadd.s32 $0x4500, s26  }
0x25a: {  	s13 =	sshll.u32 s9, $0x4;
	s14 =	sld [smem:s5+$0xFFFFFFFD];
	s9 =	sadd.s32 $0x4680, s26  }
0x25b: {  	[tilespmem:s10], [sflag:$0x1] =	stream.linear.gather [hbm4b:s11+s1], $0x80, $0x38;
	[tilespmem:$0x10600] =	vst v63  }
0x25c: {  	s16 =	smov.u32 s29;
	s10 =	sadd.s32 $0x580, s26;
	s11 =	sand.u32 $0x1FFFFFF0, s13  }
0x25d: {  	s13 =	sadd.s32 $0x4580, s26;
	s11 =	sadd.s32 s3, s11;
	s14 =	sshll.u32 s14, $0x4  }
0x25e: {  	s15 =	sld [smem:s29+$0xFFFFFFFD];
	s14 =	sand.u32 $0x1FFFFFF0, s14  }
0x25f: {  	[tilespmem:s10], [sflag:$0x1] =	stream.linear.gather [hbm4b:s12+s1], $0x80, $0x38;
	[tilespmem:$0x10600] =	vst v63  }
0x260: {  	s10 =	sadd.s32 $0x600, s26;
	s12 =	sadd.s32 s3, s14  }
0x261: {  	s14 =	sshll.u32 s15, $0x4;
	s15 =	sld [smem:s5+$0xFFFFFFFE]  }
0x262: {  	[tilespmem:s13], [sflag:$0x1] =	stream.linear.gather [hbm4b:s11+s1], $0x80, $0x38;
	[tilespmem:$0x10600] =	vst v63  }
0x263: {  	s13 =	sand.u32 $0x1FFFFFF0, s14  }
0x264: {  	s17 =	sadd.s32 $0x4600, s26;
	s11 =	sld [smem:s5+$0x0];
	s22 =	sadd.s32 s3, s13  }
0x265: {  	s14 =	sld [smem:s29+$0xFFFFFFFE];
	s13 =	sshll.u32 s15, $0x4;
	s29 =	sadd.s32 $0x8, s29  }
0x266: {  	[tilespmem:s10], [sflag:$0x1] =	stream.linear.gather [hbm4b:s12+s1], $0x80, $0x38;
	[tilespmem:$0x10600] =	vst v63  }
.Ltmp3:
0x267: {  	s12 =	sand.u32 $0x1FFFFFF0, s13;
	s10 =	sld [smem:s16+$0x0];
	(pc) =	sbr.rel @p0 .LBB2_8-.Ltmp3, $4  }
0x268: {  	s13 =	sadd.s32 $0x680, s26;
	s15 =	sadd.s32 s3, s12;
	s12 =	sshll.u32 s14, $0x4  }
0x269: {  	s12 =	sand.u32 $0x1FFFFFF0, s12;
	s14 =	sld [smem:s5+$0xFFFFFFFF];
	s5 =	sadd.s32 $0x8, s5  }
0x26a: {  	[tilespmem:s17], [sflag:$0x1] =	stream.linear.gather [hbm4b:s22+s1], $0x80, $0x38;
	[tilespmem:$0x10600] =	vst v63  }
0x26b: {  	s20 =	sadd.s32 $0x1000, s20;
	s12 =	sadd.s32 s3, s12;
	s16 =	sld [smem:s16+$0xFFFFFFFF]  }
0x26c: {  	[tilespmem:s13], [sflag:$0x1] =	stream.linear.gather [hbm4b:s15+s1], $0x80, $0x38;
	[tilespmem:$0x10600] =	vst v63  }
0x26d: {  	s5 =	sshll.u32 s14, $0x4  }
0x26e: {  	s5 =	sand.u32 $0x1FFFFFF0, s5;
	s29 =	sshll.u32 s16, $0x4  }
0x26f: {  	[tilespmem:s9], [sflag:$0x1] =	stream.linear.gather [hbm4b:s12+s1], $0x80, $0x38;
	[tilespmem:$0x10600] =	vst v63  }
0x270: {  	s11 =	sshll.u32 s11, $0x4;
	s5 =	sadd.s32 s3, s5;
	s14 =	sand.u32 $0x1FFFFFF0, s29  }
0x271: {  	[tilespmem:s8], [sflag:$0x1] =	stream.linear.gather [hbm4b:s5+s1], $0x80, $0x38;
	[tilespmem:$0x10600] =	vst v63  }
0x272: {  	s20 =	sshll.u32 s10, $0x4;
	s16 =	sand.u32 $0x1FFFFFF0, s11;
	s15 =	sadd.s32 s3, s14  }
0x273: {  	[tilespmem:s24], [sflag:$0x1] =	stream.linear.gather [hbm4b:s15+s1], $0x80, $0x38;
	[tilespmem:$0x10600] =	vst v63  }
0x274: {  	s17 =	sadd.s32 $0x780, s26;
	s8 =	sadd.s32 s3, s16;
	s5 =	sand.u32 $0x1FFFFFF0, s20  }
0x275: {  	[tilespmem:s17], [sflag:$0x1] =	stream.linear.gather [hbm4b:s8+s1], $0x80, $0x38;
	[tilespmem:$0x10600] =	vst v63  }
0x276: {  	s22 =	sadd.s32 $0x4780, s26;
	s5 =	sadd.s32 s3, s5;
	s24 =	simm.s32 $0x0  }
0x277: {  	v1 =	vmov s24;
	[tilespmem:s22], [sflag:$0x1] =	stream.linear.gather [hbm4b:s5+s1], $0x80, $0x38;
	[tilespmem:$0x10600] =	vst v63  }
0x278: {  	v1 =	vshll.u32 v1, $0x7;
	_ =	swait.ge [sflag:s0], $0x4000  }
0x279: {  	v1 =	vor.u32 v0, v1;
	[sflag:s0] =	ssyncset.done $0x0  }
0x27a: {  	[sflag:s0] =	ssyncadd.s32 $0xFFFFC000  }
0x27b: {  	v2 =	vor.u32 $0x1, v1;
	_ =	swait.ge [sflag:s0], $0x4000  }
0x27c: {  	[sflag:s0] =	ssyncset.done $0x0  }
0x27d: {  	v3 =	vor.u32 $0x2, v1;
	[sflag:s0] =	ssyncadd.s32 $0xFFFFC000  }
0x27e: {  	v4 =	vld.idx.msk [tilespmem:v1+s23+$0x0], $0xffff  }
0x27f: {  	v6 =	vor.u32 $0x3, v1;
	v5 =	vld.idx.msk [tilespmem:v1+s2+$0x0], $0xffff  }
0x280: {  	v7 =	vld.idx.msk [tilespmem:v2+s2+$0x0], $0xffff  }
0x281: {  	v8 =	vor.u32 $0x4, v1;
	v2 =	vld.idx.msk [tilespmem:v2+s23+$0x0], $0xffff  }
0x282: {  	v9 =	vld.idx.msk [tilespmem:v3+s2+$0x0], $0xffff  }
0x283: {  	v10 =	vor.u32 $0x5, v1;
	v3 =	vld.idx.msk [tilespmem:v3+s23+$0x0], $0xffff  }
0x284: {  	v11 =	vld.idx.msk [tilespmem:v6+s2+$0x0], $0xffff;
	v4 =	vmul.f32 v4, v5  }
0x285: {  	v5 =	vld.idx.msk [tilespmem:v6+s23+$0x0], $0xffff;
	v6 =	vor.u32 $0x6, v1  }
0x286: {  	v12 =	vld.idx.msk [tilespmem:v8+s2+$0x0], $0xffff;
	v2 =	vmul.f32 v2, v7;
	v4 =	vadd.f32 $0.0e+00, v4  }
0x287: {  	v25 =	vor.u32 $0x7, v1;
	v7 =	vld.idx.msk [tilespmem:v8+s23+$0x0], $0xffff  }
0x288: {  	v13 =	vld.idx.msk [tilespmem:v10+s2+$0x0], $0xffff;
	v3 =	vmul.f32 v3, v9;
	v2 =	vadd.f32 v2, v4  }
0x289: {  	v26 =	vor.u32 $0x8, v1;
	v4 =	vld.idx.msk [tilespmem:v10+s23+$0x0], $0xffff  }
0x28a: {  	v27 =	vld.idx.msk [tilespmem:v6+s2+$0x0], $0xffff;
	v2 =	vadd.f32 v3, v2;
	v3 =	vmul.f32 v5, v11  }
0x28b: {  	v5 =	vld.idx.msk [tilespmem:v6+s23+$0x0], $0xffff;
	v6 =	vor.u32 $0x9, v1  }
0x28c: {  	v28 =	vld.idx.msk [tilespmem:v25+s2+$0x0], $0xffff;
	v2 =	vadd.f32 v3, v2;
	v3 =	vmul.f32 v7, v12  }
0x28d: {  	v29 =	vor.u32 $0xA, v1;
	v7 =	vld.idx.msk [tilespmem:v25+s23+$0x0], $0xffff  }
0x28e: {  	v30 =	vld.idx.msk [tilespmem:v26+s2+$0x0], $0xffff;
	v2 =	vadd.f32 v3, v2;
	v3 =	vmul.f32 v4, v13  }
0x28f: {  	v31 =	vor.u32 $0xB, v1;
	v4 =	vld.idx.msk [tilespmem:v26+s23+$0x0], $0xffff  }
0x290: {  	v32 =	vld.idx.msk [tilespmem:v6+s2+$0x0], $0xffff;
	v2 =	vadd.f32 v3, v2;
	v3 =	vmul.f32 v5, v27  }
0x291: {  	v5 =	vld.idx.msk [tilespmem:v6+s23+$0x0], $0xffff;
	v6 =	vor.u32 $0xC, v1  }
0x292: {  	v33 =	vld.idx.msk [tilespmem:v29+s2+$0x0], $0xffff;
	v2 =	vadd.f32 v3, v2;
	v3 =	vmul.f32 v7, v28  }
0x293: {  	v34 =	vor.u32 $0xD, v1;
	v7 =	vld.idx.msk [tilespmem:v29+s23+$0x0], $0xffff  }
0x294: {  	v35 =	vld.idx.msk [tilespmem:v31+s2+$0x0], $0xffff;
	v2 =	vadd.f32 v3, v2;
	v3 =	vmul.f32 v4, v30  }
0x295: {  	v36 =	vor.u32 $0xE, v1;
	v4 =	vld.idx.msk [tilespmem:v31+s23+$0x0], $0xffff  }
0x296: {  	v37 =	vld.idx.msk [tilespmem:v6+s2+$0x0], $0xffff;
	v2 =	vadd.f32 v3, v2;
	v3 =	vmul.f32 v5, v32  }
0x297: {  	v5 =	vld.idx.msk [tilespmem:v6+s23+$0x0], $0xffff;
	v6 =	vor.u32 $0xF, v1  }
0x298: {  	v38 =	vld.idx.msk [tilespmem:v34+s2+$0x0], $0xffff;
	v2 =	vadd.f32 v3, v2;
	v3 =	vmul.f32 v7, v33  }
0x299: {  	v39 =	vor.u32 $0x10, v1;
	v7 =	vld.idx.msk [tilespmem:v34+s23+$0x0], $0xffff  }
0x29a: {  	v40 =	vld.idx.msk [tilespmem:v36+s2+$0x0], $0xffff;
	v2 =	vadd.f32 v3, v2;
	v3 =	vmul.f32 v4, v35  }
0x29b: {  	v41 =	vor.u32 $0x11, v1;
	v4 =	vld.idx.msk [tilespmem:v36+s23+$0x0], $0xffff  }
0x29c: {  	v42 =	vld.idx.msk [tilespmem:v6+s2+$0x0], $0xffff;
	v2 =	vadd.f32 v3, v2;
	v3 =	vmul.f32 v5, v37  }
0x29d: {  	v5 =	vld.idx.msk [tilespmem:v6+s23+$0x0], $0xffff;
	v6 =	vor.u32 $0x12, v1  }
0x29e: {  	v43 =	vld.idx.msk [tilespmem:v39+s2+$0x0], $0xffff;
	v2 =	vadd.f32 v3, v2;
	v3 =	vmul.f32 v7, v38  }
0x29f: {  	v44 =	vor.u32 $0x13, v1;
	v7 =	vld.idx.msk [tilespmem:v39+s23+$0x0], $0xffff  }
0x2a0: {  	v45 =	vld.idx.msk [tilespmem:v41+s2+$0x0], $0xffff;
	v2 =	vadd.f32 v3, v2;
	v3 =	vmul.f32 v4, v40  }
0x2a1: {  	v46 =	vor.u32 $0x14, v1;
	v4 =	vld.idx.msk [tilespmem:v41+s23+$0x0], $0xffff  }
0x2a2: {  	v47 =	vld.idx.msk [tilespmem:v6+s2+$0x0], $0xffff;
	v2 =	vadd.f32 v3, v2;
	v3 =	vmul.f32 v5, v42  }
0x2a3: {  	v5 =	vld.idx.msk [tilespmem:v6+s23+$0x0], $0xffff;
	v6 =	vor.u32 $0x15, v1  }
0x2a4: {  	v48 =	vld.idx.msk [tilespmem:v44+s2+$0x0], $0xffff;
	v2 =	vadd.f32 v3, v2;
	v3 =	vmul.f32 v7, v43  }
0x2a5: {  	v49 =	vor.u32 $0x16, v1;
	v7 =	vld.idx.msk [tilespmem:v44+s23+$0x0], $0xffff  }
0x2a6: {  	v50 =	vld.idx.msk [tilespmem:v46+s2+$0x0], $0xffff;
	v2 =	vadd.f32 v3, v2;
	v3 =	vmul.f32 v4, v45  }
0x2a7: {  	v51 =	vor.u32 $0x17, v1;
	v4 =	vld.idx.msk [tilespmem:v46+s23+$0x0], $0xffff  }
0x2a8: {  	v52 =	vld.idx.msk [tilespmem:v6+s2+$0x0], $0xffff;
	v2 =	vadd.f32 v3, v2;
	v3 =	vmul.f32 v5, v47  }
0x2a9: {  	v5 =	vld.idx.msk [tilespmem:v6+s23+$0x0], $0xffff;
	v6 =	vor.u32 $0x18, v1  }
0x2aa: {  	v53 =	vld.idx.msk [tilespmem:v49+s2+$0x0], $0xffff;
	v2 =	vadd.f32 v3, v2;
	v3 =	vmul.f32 v7, v48  }
0x2ab: {  	v54 =	vor.u32 $0x19, v1;
	v7 =	vld.idx.msk [tilespmem:v49+s23+$0x0], $0xffff  }
0x2ac: {  	v55 =	vld.idx.msk [tilespmem:v51+s2+$0x0], $0xffff;
	v2 =	vadd.f32 v3, v2;
	v3 =	vmul.f32 v4, v50  }
0x2ad: {  	v56 =	vor.u32 $0x1A, v1;
	v4 =	vld.idx.msk [tilespmem:v51+s23+$0x0], $0xffff  }
0x2ae: {  	v57 =	vld.idx.msk [tilespmem:v6+s2+$0x0], $0xffff;
	v2 =	vadd.f32 v3, v2;
	v3 =	vmul.f32 v5, v52  }
0x2af: {  	v5 =	vld.idx.msk [tilespmem:v6+s23+$0x0], $0xffff;
	v6 =	vor.u32 $0x1B, v1  }
0x2b0: {  	v58 =	vld.idx.msk [tilespmem:v54+s2+$0x0], $0xffff;
	v2 =	vadd.f32 v3, v2;
	v3 =	vmul.f32 v7, v53  }
0x2b1: {  	v59 =	vor.u32 $0x1C, v1;
	v7 =	vld.idx.msk [tilespmem:v54+s23+$0x0], $0xffff  }
0x2b2: {  	v60 =	vld.idx.msk [tilespmem:v56+s2+$0x0], $0xffff;
	v2 =	vadd.f32 v3, v2;
	v3 =	vmul.f32 v4, v55  }
0x2b3: {  	v61 =	vor.u32 $0x1D, v1;
	v4 =	vld.idx.msk [tilespmem:v56+s23+$0x0], $0xffff  }
0x2b4: {  	v62 =	vld.idx.msk [tilespmem:v6+s2+$0x0], $0xffff;
	v2 =	vadd.f32 v3, v2;
	v3 =	vmul.f32 v5, v57  }
0x2b5: {  	v5 =	vld.idx.msk [tilespmem:v6+s23+$0x0], $0xffff;
	v6 =	vor.u32 $0x1E, v1  }
0x2b6: {  	v63 =	vld.idx.msk [tilespmem:v59+s2+$0x0], $0xffff;
	v2 =	vadd.f32 v3, v2;
	v3 =	vmul.f32 v7, v58  }
0x2b7: {  	v1 =	vor.u32 $0x1F, v1;
	v7 =	vld.idx.msk [tilespmem:v59+s23+$0x0], $0xffff  }
0x2b8: {  	v15 =	vld.idx.msk [tilespmem:v61+s2+$0x0], $0xffff;
	v2 =	vadd.f32 v3, v2;
	v3 =	vmul.f32 v4, v60  }
0x2b9: {  	v4 =	vld.idx.msk [tilespmem:v61+s23+$0x0], $0xffff  }
0x2ba: {  	v16 =	vld.idx.msk [tilespmem:v6+s2+$0x0], $0xffff;
	v2 =	vadd.f32 v3, v2;
	v3 =	vmul.f32 v5, v62  }
0x2bb: {  	v5 =	vld.idx.msk [tilespmem:v6+s23+$0x0], $0xffff  }
0x2bc: {  	v6 =	vld.idx.msk [tilespmem:v1+s2+$0x0], $0xffff;
	v2 =	vadd.f32 v3, v2;
	v3 =	vmul.f32 v7, v63  }
0x2bd: {  	v7 =	vld.idx.msk [tilespmem:v1+s23+$0x0], $0xffff  }
0x2be: {  	v1 =	vadd.f32 v3, v2;
	v2 =	vmul.f32 v4, v15  }
0x2bf: {  	s26 =	simm.s32 $0x10  }
0x2c0: {  	v3 =	vmov s26;
	v4 =	vmul.f32 v5, v16;
	v2 =	vadd.f32 v2, v1  }
0x2c1: {  	v1 =	vshll.u32 v3, $0x7  }
0x2c2: {  	v1 =	vor.u32 v0, v1;
	v3 =	vmul.f32 v7, v6;
	v2 =	vadd.f32 v4, v2;
	_ =	sdelay $0x1  }
0x2c3: {  	v4 =	vor.u32 $0x1, v1;
	v2 =	vadd.f32 v3, v2  }
0x2c4: {  	s26 =	simm.s32 $0x10480  }
0x2c5: {  	v3 =	vor.u32 $0x2, v1;
	[tilespmem:s26+$0x0] =	vst v2  }
0x2c6: {  	v2 =	vld.idx.msk [tilespmem:v1+s23+$0x0], $0xffff  }
0x2c7: {  	v6 =	vor.u32 $0x3, v1;
	v5 =	vld.idx.msk [tilespmem:v1+s2+$0x0], $0xffff  }
0x2c8: {  	v7 =	vld.idx.msk [tilespmem:v4+s2+$0x0], $0xffff  }
0x2c9: {  	v17 =	vor.u32 $0x4, v1;
	v4 =	vld.idx.msk [tilespmem:v4+s23+$0x0], $0xffff  }
0x2ca: {  	v18 =	vld.idx.msk [tilespmem:v3+s2+$0x0], $0xffff  }
0x2cb: {  	v19 =	vor.u32 $0x5, v1;
	v3 =	vld.idx.msk [tilespmem:v3+s23+$0x0], $0xffff  }
0x2cc: {  	v20 =	vld.idx.msk [tilespmem:v6+s2+$0x0], $0xffff;
	v2 =	vmul.f32 v2, v5  }
0x2cd: {  	v5 =	vld.idx.msk [tilespmem:v6+s23+$0x0], $0xffff;
	v6 =	vor.u32 $0x6, v1  }
0x2ce: {  	v21 =	vld.idx.msk [tilespmem:v17+s2+$0x0], $0xffff;
	v4 =	vmul.f32 v4, v7;
	v2 =	vadd.f32 $0.0e+00, v2  }
0x2cf: {  	v22 =	vor.u32 $0x7, v1;
	v7 =	vld.idx.msk [tilespmem:v17+s23+$0x0], $0xffff  }
0x2d0: {  	v23 =	vld.idx.msk [tilespmem:v19+s2+$0x0], $0xffff;
	v3 =	vmul.f32 v3, v18;
	v2 =	vadd.f32 v4, v2  }
0x2d1: {  	v24 =	vor.u32 $0x8, v1;
	v4 =	vld.idx.msk [tilespmem:v19+s23+$0x0], $0xffff  }
0x2d2: {  	v25 =	vld.idx.msk [tilespmem:v6+s2+$0x0], $0xffff;
	v2 =	vadd.f32 v3, v2;
	v3 =	vmul.f32 v5, v20  }
0x2d3: {  	v5 =	vld.idx.msk [tilespmem:v6+s23+$0x0], $0xffff;
	v6 =	vor.u32 $0x9, v1  }
0x2d4: {  	v26 =	vld.idx.msk [tilespmem:v22+s2+$0x0], $0xffff;
	v2 =	vadd.f32 v3, v2;
	v3 =	vmul.f32 v7, v21  }
0x2d5: {  	v27 =	vor.u32 $0xA, v1;
	v7 =	vld.idx.msk [tilespmem:v22+s23+$0x0], $0xffff  }
0x2d6: {  	v28 =	vld.idx.msk [tilespmem:v24+s2+$0x0], $0xffff;
	v2 =	vadd.f32 v3, v2;
	v3 =	vmul.f32 v4, v23  }
0x2d7: {  	v29 =	vor.u32 $0xB, v1;
	v4 =	vld.idx.msk [tilespmem:v24+s23+$0x0], $0xffff  }
0x2d8: {  	v30 =	vld.idx.msk [tilespmem:v6+s2+$0x0], $0xffff;
	v2 =	vadd.f32 v3, v2;
	v3 =	vmul.f32 v5, v25  }
0x2d9: {  	v5 =	vld.idx.msk [tilespmem:v6+s23+$0x0], $0xffff;
	v6 =	vor.u32 $0xC, v1  }
0x2da: {  	v31 =	vld.idx.msk [tilespmem:v27+s2+$0x0], $0xffff;
	v2 =	vadd.f32 v3, v2;
	v3 =	vmul.f32 v7, v26  }
0x2db: {  	v32 =	vor.u32 $0xD, v1;
	v7 =	vld.idx.msk [tilespmem:v27+s23+$0x0], $0xffff  }
0x2dc: {  	v33 =	vld.idx.msk [tilespmem:v29+s2+$0x0], $0xffff;
	v2 =	vadd.f32 v3, v2;
	v3 =	vmul.f32 v4, v28  }
0x2dd: {  	v34 =	vor.u32 $0xE, v1;
	v4 =	vld.idx.msk [tilespmem:v29+s23+$0x0], $0xffff  }
0x2de: {  	v35 =	vld.idx.msk [tilespmem:v6+s2+$0x0], $0xffff;
	v2 =	vadd.f32 v3, v2;
	v3 =	vmul.f32 v5, v30  }
0x2df: {  	v5 =	vld.idx.msk [tilespmem:v6+s23+$0x0], $0xffff;
	v6 =	vor.u32 $0xF, v1  }
0x2e0: {  	v36 =	vld.idx.msk [tilespmem:v32+s2+$0x0], $0xffff;
	v2 =	vadd.f32 v3, v2;
	v3 =	vmul.f32 v7, v31  }
0x2e1: {  	v37 =	vor.u32 $0x10, v1;
	v7 =	vld.idx.msk [tilespmem:v32+s23+$0x0], $0xffff  }
0x2e2: {  	v38 =	vld.idx.msk [tilespmem:v34+s2+$0x0], $0xffff;
	v2 =	vadd.f32 v3, v2;
	v3 =	vmul.f32 v4, v33  }
0x2e3: {  	v39 =	vor.u32 $0x11, v1;
	v4 =	vld.idx.msk [tilespmem:v34+s23+$0x0], $0xffff  }
0x2e4: {  	v40 =	vld.idx.msk [tilespmem:v6+s2+$0x0], $0xffff;
	v2 =	vadd.f32 v3, v2;
	v3 =	vmul.f32 v5, v35  }
0x2e5: {  	v5 =	vld.idx.msk [tilespmem:v6+s23+$0x0], $0xffff;
	v6 =	vor.u32 $0x12, v1  }
0x2e6: {  	v41 =	vld.idx.msk [tilespmem:v37+s2+$0x0], $0xffff;
	v2 =	vadd.f32 v3, v2;
	v3 =	vmul.f32 v7, v36  }
0x2e7: {  	v42 =	vor.u32 $0x13, v1;
	v7 =	vld.idx.msk [tilespmem:v37+s23+$0x0], $0xffff  }
0x2e8: {  	v43 =	vld.idx.msk [tilespmem:v39+s2+$0x0], $0xffff;
	v2 =	vadd.f32 v3, v2;
	v3 =	vmul.f32 v4, v38  }
0x2e9: {  	v44 =	vor.u32 $0x14, v1;
	v4 =	vld.idx.msk [tilespmem:v39+s23+$0x0], $0xffff  }
0x2ea: {  	v45 =	vld.idx.msk [tilespmem:v6+s2+$0x0], $0xffff;
	v2 =	vadd.f32 v3, v2;
	v3 =	vmul.f32 v5, v40  }
0x2eb: {  	v5 =	vld.idx.msk [tilespmem:v6+s23+$0x0], $0xffff;
	v6 =	vor.u32 $0x15, v1  }
0x2ec: {  	v46 =	vld.idx.msk [tilespmem:v42+s2+$0x0], $0xffff;
	v2 =	vadd.f32 v3, v2;
	v3 =	vmul.f32 v7, v41  }
0x2ed: {  	v47 =	vor.u32 $0x16, v1;
	v7 =	vld.idx.msk [tilespmem:v42+s23+$0x0], $0xffff  }
0x2ee: {  	v48 =	vld.idx.msk [tilespmem:v44+s2+$0x0], $0xffff;
	v2 =	vadd.f32 v3, v2;
	v3 =	vmul.f32 v4, v43  }
0x2ef: {  	v49 =	vor.u32 $0x17, v1;
	v4 =	vld.idx.msk [tilespmem:v44+s23+$0x0], $0xffff  }
0x2f0: {  	v50 =	vld.idx.msk [tilespmem:v6+s2+$0x0], $0xffff;
	v2 =	vadd.f32 v3, v2;
	v3 =	vmul.f32 v5, v45  }
0x2f1: {  	v5 =	vld.idx.msk [tilespmem:v6+s23+$0x0], $0xffff;
	v6 =	vor.u32 $0x18, v1  }
0x2f2: {  	v51 =	vld.idx.msk [tilespmem:v47+s2+$0x0], $0xffff;
	v2 =	vadd.f32 v3, v2;
	v3 =	vmul.f32 v7, v46  }
0x2f3: {  	v52 =	vor.u32 $0x19, v1;
	v7 =	vld.idx.msk [tilespmem:v47+s23+$0x0], $0xffff  }
0x2f4: {  	v53 =	vld.idx.msk [tilespmem:v49+s2+$0x0], $0xffff;
	v2 =	vadd.f32 v3, v2;
	v3 =	vmul.f32 v4, v48  }
0x2f5: {  	v54 =	vor.u32 $0x1A, v1;
	v4 =	vld.idx.msk [tilespmem:v49+s23+$0x0], $0xffff  }
0x2f6: {  	v55 =	vld.idx.msk [tilespmem:v6+s2+$0x0], $0xffff;
	v2 =	vadd.f32 v3, v2;
	v3 =	vmul.f32 v5, v50  }
0x2f7: {  	v5 =	vld.idx.msk [tilespmem:v6+s23+$0x0], $0xffff;
	v6 =	vor.u32 $0x1B, v1  }
0x2f8: {  	v56 =	vld.idx.msk [tilespmem:v52+s2+$0x0], $0xffff;
	v2 =	vadd.f32 v3, v2;
	v3 =	vmul.f32 v7, v51  }
0x2f9: {  	v57 =	vor.u32 $0x1C, v1;
	v7 =	vld.idx.msk [tilespmem:v52+s23+$0x0], $0xffff  }
0x2fa: {  	v58 =	vld.idx.msk [tilespmem:v54+s2+$0x0], $0xffff;
	v2 =	vadd.f32 v3, v2;
	v3 =	vmul.f32 v4, v53  }
0x2fb: {  	v4 =	vld.idx.msk [tilespmem:v54+s23+$0x0], $0xffff  }
0x2fc: {  	v60 =	vld.idx.msk [tilespmem:v6+s2+$0x0], $0xffff;
	v2 =	vadd.f32 v3, v2;
	v3 =	vmul.f32 v5, v55  }
0x2fd: {  	v59 =	vor.u32 $0x1D, v1;
	v5 =	vld.idx.msk [tilespmem:v6+s23+$0x0], $0xffff  }
0x2fe: {  	v61 =	vld.idx.msk [tilespmem:v57+s2+$0x0], $0xffff;
	v2 =	vadd.f32 v3, v2;
	v3 =	vmul.f32 v7, v56  }
0x2ff: {  	v6 =	vor.u32 $0x1E, v1;
	v7 =	vld.idx.msk [tilespmem:v57+s23+$0x0], $0xffff  }
0x300: {  	v2 =	vadd.f32 v3, v2;
	v3 =	vmul.f32 v4, v58  }
0x301: {  	v1 =	vor.u32 $0x1F, v1  }
0x302: {  	v62 =	vld.idx.msk [tilespmem:v59+s2+$0x0], $0xffff;
	v2 =	vadd.f32 v3, v2;
	v3 =	vmul.f32 v5, v60  }
0x303: {  	v4 =	vld.idx.msk [tilespmem:v59+s23+$0x0], $0xffff  }
0x304: {  	v63 =	vld.idx.msk [tilespmem:v6+s2+$0x0], $0xffff;
	v2 =	vadd.f32 v3, v2;
	v3 =	vmul.f32 v7, v61  }
0x305: {  	v5 =	vld.idx.msk [tilespmem:v6+s23+$0x0], $0xffff  }
0x306: {  	v6 =	vadd.f32 v3, v2;
	v2 =	vld.idx.msk [tilespmem:v1+s2+$0x0], $0xffff  }
0x307: {  	v3 =	vld.idx.msk [tilespmem:v1+s23+$0x0], $0xffff  }
0x308: {  	v4 =	vmul.f32 v4, v62  }
0x309: {  	s29 =	simm.s32 $0x20  }
0x30a: {  	v7 =	vmov s29;
	v5 =	vmul.f32 v5, v63;
	v4 =	vadd.f32 v4, v6  }
0x30b: {  	s28 =	simm.s32 $0x30;
	v1 =	vshll.u32 v7, $0x7  }
.LBB2_10:
0x30c: {  	p0 =	sne.s32 s28, $0x70;
	v1 =	vor.u32 v0, v1;
	v4 =	vadd.f32 v5, v4;
	v2 =	vmul.f32 v3, v2;
	_ =	sdelay $0x1  }
0x30d: {  	v3 =	vor.u32 $0x1, v1;
	v2 =	vadd.f32 v2, v4  }
0x30e: {  	s26 =	sadd.s32 $0x10, s26  }
0x30f: {  	v4 =	vor.u32 $0x2, v1;
	[tilespmem:s26+$0x0] =	vst v2  }
0x310: {  	v2 =	vld.idx.msk [tilespmem:v1+s23+$0x0], $0xffff  }
0x311: {  	v6 =	vor.u32 $0x3, v1;
	v5 =	vld.idx.msk [tilespmem:v1+s2+$0x0], $0xffff  }
0x312: {  	v7 =	vld.idx.msk [tilespmem:v3+s2+$0x0], $0xffff  }
0x313: {  	v8 =	vor.u32 $0x4, v1;
	v3 =	vld.idx.msk [tilespmem:v3+s23+$0x0], $0xffff  }
0x314: {  	v9 =	vld.idx.msk [tilespmem:v4+s2+$0x0], $0xffff  }
0x315: {  	v10 =	vor.u32 $0x5, v1;
	v4 =	vld.idx.msk [tilespmem:v4+s23+$0x0], $0xffff  }
0x316: {  	v11 =	vld.idx.msk [tilespmem:v6+s2+$0x0], $0xffff  }
0x317: {  	v2 =	vmul.f32 v2, v5;
	v5 =	vld.idx.msk [tilespmem:v6+s23+$0x0], $0xffff;
	v6 =	vor.u32 $0x6, v1  }
0x318: {  	v12 =	vld.idx.msk [tilespmem:v8+s2+$0x0], $0xffff  }
0x319: {  	v2 =	vadd.f32 $0.0e+00, v2;
	v3 =	vmul.f32 v3, v7;
	v7 =	vld.idx.msk [tilespmem:v8+s23+$0x0], $0xffff;
	v8 =	vor.u32 $0x7, v1  }
0x31a: {  	v13 =	vld.idx.msk [tilespmem:v10+s2+$0x0], $0xffff  }
0x31b: {  	v2 =	vadd.f32 v3, v2;
	v3 =	vmul.f32 v4, v9;
	v9 =	vor.u32 $0x8, v1;
	v4 =	vld.idx.msk [tilespmem:v10+s23+$0x0], $0xffff  }
0x31c: {  	v10 =	vld.idx.msk [tilespmem:v6+s2+$0x0], $0xffff  }
0x31d: {  	v2 =	vadd.f32 v3, v2;
	v3 =	vmul.f32 v5, v11;
	v5 =	vld.idx.msk [tilespmem:v6+s23+$0x0], $0xffff;
	v6 =	vor.u32 $0x9, v1  }
0x31e: {  	v11 =	vld.idx.msk [tilespmem:v8+s2+$0x0], $0xffff  }
0x31f: {  	v2 =	vadd.f32 v3, v2;
	v3 =	vmul.f32 v7, v12;
	v7 =	vld.idx.msk [tilespmem:v8+s23+$0x0], $0xffff;
	v8 =	vor.u32 $0xA, v1  }
0x320: {  	v12 =	vld.idx.msk [tilespmem:v9+s2+$0x0], $0xffff  }
0x321: {  	v2 =	vadd.f32 v3, v2;
	v3 =	vmul.f32 v4, v13;
	v4 =	vld.idx.msk [tilespmem:v9+s23+$0x0], $0xffff;
	v9 =	vor.u32 $0xB, v1  }
0x322: {  	v13 =	vld.idx.msk [tilespmem:v6+s2+$0x0], $0xffff  }
0x323: {  	v2 =	vadd.f32 v3, v2;
	v3 =	vmul.f32 v5, v10;
	v5 =	vld.idx.msk [tilespmem:v6+s23+$0x0], $0xffff;
	v6 =	vor.u32 $0xC, v1  }
0x324: {  	v10 =	vld.idx.msk [tilespmem:v8+s2+$0x0], $0xffff  }
0x325: {  	v2 =	vadd.f32 v3, v2;
	v3 =	vmul.f32 v7, v11;
	v7 =	vld.idx.msk [tilespmem:v8+s23+$0x0], $0xffff;
	v8 =	vor.u32 $0xD, v1  }
0x326: {  	v11 =	vld.idx.msk [tilespmem:v9+s2+$0x0], $0xffff  }
0x327: {  	v2 =	vadd.f32 v3, v2;
	v3 =	vmul.f32 v4, v12;
	v4 =	vld.idx.msk [tilespmem:v9+s23+$0x0], $0xffff;
	v9 =	vor.u32 $0xE, v1  }
0x328: {  	v12 =	vld.idx.msk [tilespmem:v6+s2+$0x0], $0xffff  }
0x329: {  	v2 =	vadd.f32 v3, v2;
	v3 =	vmul.f32 v5, v13;
	v5 =	vld.idx.msk [tilespmem:v6+s23+$0x0], $0xffff;
	v6 =	vor.u32 $0xF, v1  }
0x32a: {  	v13 =	vld.idx.msk [tilespmem:v8+s2+$0x0], $0xffff  }
0x32b: {  	v2 =	vadd.f32 v3, v2;
	v3 =	vmul.f32 v7, v10;
	v7 =	vld.idx.msk [tilespmem:v8+s23+$0x0], $0xffff;
	v8 =	vor.u32 $0x10, v1  }
0x32c: {  	v10 =	vld.idx.msk [tilespmem:v9+s2+$0x0], $0xffff  }
0x32d: {  	v2 =	vadd.f32 v3, v2;
	v3 =	vmul.f32 v4, v11;
	v4 =	vld.idx.msk [tilespmem:v9+s23+$0x0], $0xffff;
	v9 =	vor.u32 $0x11, v1  }
0x32e: {  	v11 =	vld.idx.msk [tilespmem:v6+s2+$0x0], $0xffff  }
0x32f: {  	v2 =	vadd.f32 v3, v2;
	v3 =	vmul.f32 v5, v12;
	v5 =	vld.idx.msk [tilespmem:v6+s23+$0x0], $0xffff;
	v6 =	vor.u32 $0x12, v1  }
0x330: {  	v12 =	vld.idx.msk [tilespmem:v8+s2+$0x0], $0xffff  }
0x331: {  	v2 =	vadd.f32 v3, v2;
	v3 =	vmul.f32 v7, v13;
	v7 =	vld.idx.msk [tilespmem:v8+s23+$0x0], $0xffff;
	v8 =	vor.u32 $0x13, v1  }
0x332: {  	v13 =	vld.idx.msk [tilespmem:v9+s2+$0x0], $0xffff  }
0x333: {  	v2 =	vadd.f32 v3, v2;
	v3 =	vmul.f32 v4, v10;
	v4 =	vld.idx.msk [tilespmem:v9+s23+$0x0], $0xffff;
	v9 =	vor.u32 $0x14, v1  }
0x334: {  	v10 =	vld.idx.msk [tilespmem:v6+s2+$0x0], $0xffff  }
0x335: {  	v2 =	vadd.f32 v3, v2;
	v3 =	vmul.f32 v5, v11;
	v5 =	vld.idx.msk [tilespmem:v6+s23+$0x0], $0xffff;
	v6 =	vor.u32 $0x15, v1  }
0x336: {  	v11 =	vld.idx.msk [tilespmem:v8+s2+$0x0], $0xffff  }
0x337: {  	v2 =	vadd.f32 v3, v2;
	v3 =	vmul.f32 v7, v12;
	v7 =	vld.idx.msk [tilespmem:v8+s23+$0x0], $0xffff;
	v8 =	vor.u32 $0x16, v1  }
0x338: {  	v12 =	vld.idx.msk [tilespmem:v9+s2+$0x0], $0xffff  }
0x339: {  	v2 =	vadd.f32 v3, v2;
	v3 =	vmul.f32 v4, v13;
	v4 =	vld.idx.msk [tilespmem:v9+s23+$0x0], $0xffff;
	v9 =	vor.u32 $0x17, v1  }
0x33a: {  	v13 =	vld.idx.msk [tilespmem:v6+s2+$0x0], $0xffff  }
0x33b: {  	v2 =	vadd.f32 v3, v2;
	v3 =	vmul.f32 v5, v10;
	v5 =	vld.idx.msk [tilespmem:v6+s23+$0x0], $0xffff;
	v6 =	vor.u32 $0x18, v1  }
0x33c: {  	v10 =	vld.idx.msk [tilespmem:v8+s2+$0x0], $0xffff  }
0x33d: {  	v2 =	vadd.f32 v3, v2;
	v3 =	vmul.f32 v7, v11;
	v7 =	vld.idx.msk [tilespmem:v8+s23+$0x0], $0xffff;
	v8 =	vor.u32 $0x19, v1  }
0x33e: {  	v11 =	vld.idx.msk [tilespmem:v9+s2+$0x0], $0xffff  }
0x33f: {  	v2 =	vadd.f32 v3, v2;
	v3 =	vmul.f32 v4, v12;
	v4 =	vld.idx.msk [tilespmem:v9+s23+$0x0], $0xffff;
	v9 =	vor.u32 $0x1A, v1  }
0x340: {  	v12 =	vld.idx.msk [tilespmem:v6+s2+$0x0], $0xffff  }
0x341: {  	v2 =	vadd.f32 v3, v2;
	v3 =	vmul.f32 v5, v13;
	v5 =	vld.idx.msk [tilespmem:v6+s23+$0x0], $0xffff;
	v6 =	vor.u32 $0x1B, v1  }
0x342: {  	v13 =	vld.idx.msk [tilespmem:v8+s2+$0x0], $0xffff  }
0x343: {  	v2 =	vadd.f32 v3, v2;
	v3 =	vmul.f32 v7, v10;
	v7 =	vld.idx.msk [tilespmem:v8+s23+$0x0], $0xffff;
	v8 =	vor.u32 $0x1C, v1  }
0x344: {  	v10 =	vld.idx.msk [tilespmem:v9+s2+$0x0], $0xffff  }
0x345: {  	v2 =	vadd.f32 v3, v2;
	v3 =	vmul.f32 v4, v11;
	v4 =	vld.idx.msk [tilespmem:v9+s23+$0x0], $0xffff;
	v9 =	vor.u32 $0x1D, v1  }
0x346: {  	v11 =	vld.idx.msk [tilespmem:v6+s2+$0x0], $0xffff  }
0x347: {  	v2 =	vadd.f32 v3, v2;
	v3 =	vmul.f32 v5, v12;
	v5 =	vld.idx.msk [tilespmem:v6+s23+$0x0], $0xffff;
	v6 =	vor.u32 $0x1E, v1  }
0x348: {  	v12 =	vld.idx.msk [tilespmem:v8+s2+$0x0], $0xffff  }
0x349: {  	v1 =	vor.u32 $0x1F, v1;
	v2 =	vadd.f32 v3, v2;
	v3 =	vmul.f32 v7, v13;
	v7 =	vld.idx.msk [tilespmem:v8+s23+$0x0], $0xffff  }
0x34a: {  	v8 =	vld.idx.msk [tilespmem:v9+s2+$0x0], $0xffff  }
0x34b: {  	v2 =	vadd.f32 v3, v2;
	v3 =	vmul.f32 v4, v10;
	v4 =	vld.idx.msk [tilespmem:v9+s23+$0x0], $0xffff  }
0x34c: {  	v9 =	vld.idx.msk [tilespmem:v6+s2+$0x0], $0xffff  }
0x34d: {  	v3 =	vadd.f32 v3, v2;
	v5 =	vmul.f32 v5, v11;
	v6 =	vld.idx.msk [tilespmem:v6+s23+$0x0], $0xffff  }
0x34e: {  	v2 =	vld.idx.msk [tilespmem:v1+s2+$0x0], $0xffff  }
0x34f: {  	v5 =	vadd.f32 v5, v3;
	v7 =	vmul.f32 v7, v12;
	v3 =	vld.idx.msk [tilespmem:v1+s23+$0x0], $0xffff  }
.Ltmp4:
0x350: {  	(pc) =	sbr.rel @p0 .LBB2_10-.Ltmp4, $3  }
0x351: {  	v1 =	vadd.f32 v7, v5;
	v4 =	vmul.f32 v4, v8;
	_ =	sdelay $0x1  }
0x352: {  	v7 =	vmov s28;
	v4 =	vadd.f32 v4, v1;
	v5 =	vmul.f32 v6, v9  }
0x353: {  	s28 =	sadd.s32 $0x10, s28;
	v1 =	vshll.u32 v7, $0x7  }
0x354: {  	v1 =	vor.u32 v0, v1;
	v4 =	vadd.f32 v5, v4;
	v2 =	vmul.f32 v3, v2;
	_ =	sdelay $0x1  }
0x355: {  	v3 =	vor.u32 $0x1, v1;
	v2 =	vadd.f32 v2, v4  }
0x356: {  	s26 =	sadd.s32 $0x10, s26  }
0x357: {  	v31 =	vor.u32 $0x2, v1;
	[tilespmem:s26+$0x0] =	vst v2  }
0x358: {  	v2 =	vld.idx.msk [tilespmem:v1+s23+$0x0], $0xffff  }
0x359: {  	v6 =	vor.u32 $0x3, v1;
	v32 =	vld.idx.msk [tilespmem:v1+s2+$0x0], $0xffff  }
0x35a: {  	v7 =	vld.idx.msk [tilespmem:v3+s2+$0x0], $0xffff  }
0x35b: {  	v8 =	vor.u32 $0x4, v1;
	v3 =	vld.idx.msk [tilespmem:v3+s23+$0x0], $0xffff  }
0x35c: {  	v9 =	vld.idx.msk [tilespmem:v31+s2+$0x0], $0xffff  }
0x35d: {  	v10 =	vor.u32 $0x5, v1;
	v4 =	vld.idx.msk [tilespmem:v31+s23+$0x0], $0xffff  }
0x35e: {  	v11 =	vld.idx.msk [tilespmem:v6+s2+$0x0], $0xffff;
	v2 =	vmul.f32 v2, v32  }
0x35f: {  	v34 =	vor.u32 $0x6, v1;
	v33 =	vld.idx.msk [tilespmem:v6+s23+$0x0], $0xffff  }
0x360: {  	v12 =	vld.idx.msk [tilespmem:v8+s2+$0x0], $0xffff;
	v3 =	vmul.f32 v3, v7;
	v2 =	vadd.f32 $0.0e+00, v2  }
0x361: {  	v36 =	vor.u32 $0x7, v1;
	v35 =	vld.idx.msk [tilespmem:v8+s23+$0x0], $0xffff  }
0x362: {  	v13 =	vld.idx.msk [tilespmem:v10+s2+$0x0], $0xffff;
	v2 =	vadd.f32 v3, v2;
	v3 =	vmul.f32 v4, v9  }
0x363: {  	v38 =	vor.u32 $0x8, v1;
	v37 =	vld.idx.msk [tilespmem:v10+s23+$0x0], $0xffff  }
0x364: {  	v39 =	vld.idx.msk [tilespmem:v34+s2+$0x0], $0xffff;
	v2 =	vadd.f32 v3, v2;
	v3 =	vmul.f32 v33, v11  }
0x365: {  	v41 =	vor.u32 $0x9, v1;
	v40 =	vld.idx.msk [tilespmem:v34+s23+$0x0], $0xffff  }
0x366: {  	v42 =	vld.idx.msk [tilespmem:v36+s2+$0x0], $0xffff;
	v2 =	vadd.f32 v3, v2;
	v3 =	vmul.f32 v35, v12  }
0x367: {  	v44 =	vor.u32 $0xA, v1;
	v43 =	vld.idx.msk [tilespmem:v36+s23+$0x0], $0xffff  }
0x368: {  	v45 =	vld.idx.msk [tilespmem:v38+s2+$0x0], $0xffff;
	v2 =	vadd.f32 v3, v2;
	v3 =	vmul.f32 v37, v13  }
0x369: {  	v47 =	vor.u32 $0xB, v1;
	v46 =	vld.idx.msk [tilespmem:v38+s23+$0x0], $0xffff  }
0x36a: {  	v48 =	vld.idx.msk [tilespmem:v41+s2+$0x0], $0xffff;
	v2 =	vadd.f32 v3, v2;
	v3 =	vmul.f32 v40, v39  }
0x36b: {  	v50 =	vor.u32 $0xC, v1;
	v49 =	vld.idx.msk [tilespmem:v41+s23+$0x0], $0xffff  }
0x36c: {  	v51 =	vld.idx.msk [tilespmem:v44+s2+$0x0], $0xffff;
	v2 =	vadd.f32 v3, v2;
	v3 =	vmul.f32 v43, v42  }
0x36d: {  	v53 =	vor.u32 $0xD, v1;
	v52 =	vld.idx.msk [tilespmem:v44+s23+$0x0], $0xffff  }
0x36e: {  	v54 =	vld.idx.msk [tilespmem:v47+s2+$0x0], $0xffff;
	v2 =	vadd.f32 v3, v2;
	v3 =	vmul.f32 v46, v45  }
0x36f: {  	v56 =	vor.u32 $0xE, v1;
	v55 =	vld.idx.msk [tilespmem:v47+s23+$0x0], $0xffff  }
0x370: {  	v57 =	vld.idx.msk [tilespmem:v50+s2+$0x0], $0xffff;
	v2 =	vadd.f32 v3, v2;
	v3 =	vmul.f32 v49, v48  }
0x371: {  	v59 =	vor.u32 $0xF, v1;
	v58 =	vld.idx.msk [tilespmem:v50+s23+$0x0], $0xffff  }
0x372: {  	v60 =	vld.idx.msk [tilespmem:v53+s2+$0x0], $0xffff;
	v2 =	vadd.f32 v3, v2;
	v3 =	vmul.f32 v52, v51  }
0x373: {  	v62 =	vor.u32 $0x10, v1;
	v61 =	vld.idx.msk [tilespmem:v53+s23+$0x0], $0xffff  }
0x374: {  	v63 =	vld.idx.msk [tilespmem:v56+s2+$0x0], $0xffff;
	v2 =	vadd.f32 v3, v2;
	v3 =	vmul.f32 v55, v54  }
0x375: {  	v17 =	vor.u32 $0x11, v1;
	v16 =	vld.idx.msk [tilespmem:v56+s23+$0x0], $0xffff  }
0x376: {  	v18 =	vld.idx.msk [tilespmem:v59+s2+$0x0], $0xffff;
	v2 =	vadd.f32 v3, v2;
	v3 =	vmul.f32 v58, v57  }
0x377: {  	v20 =	vor.u32 $0x12, v1;
	v19 =	vld.idx.msk [tilespmem:v59+s23+$0x0], $0xffff  }
0x378: {  	v21 =	vld.idx.msk [tilespmem:v62+s2+$0x0], $0xffff;
	v2 =	vadd.f32 v3, v2;
	v3 =	vmul.f32 v61, v60  }
0x379: {  	v23 =	vor.u32 $0x13, v1;
	v22 =	vld.idx.msk [tilespmem:v62+s23+$0x0], $0xffff  }
0x37a: {  	v24 =	vld.idx.msk [tilespmem:v17+s2+$0x0], $0xffff;
	v2 =	vadd.f32 v3, v2;
	v3 =	vmul.f32 v16, v63  }
0x37b: {  	v26 =	vor.u32 $0x14, v1;
	v25 =	vld.idx.msk [tilespmem:v17+s23+$0x0], $0xffff  }
0x37c: {  	v27 =	vld.idx.msk [tilespmem:v20+s2+$0x0], $0xffff;
	v2 =	vadd.f32 v3, v2;
	v3 =	vmul.f32 v19, v18  }
0x37d: {  	v29 =	vor.u32 $0x15, v1;
	v28 =	vld.idx.msk [tilespmem:v20+s23+$0x0], $0xffff  }
0x37e: {  	v30 =	vld.idx.msk [tilespmem:v23+s2+$0x0], $0xffff;
	v2 =	vadd.f32 v3, v2;
	v3 =	vmul.f32 v22, v21  }
0x37f: {  	v31 =	vld.idx.msk [tilespmem:v23+s23+$0x0], $0xffff;
	v32 =	vor.u32 $0x16, v1  }
0x380: {  	v34 =	vld.idx.msk [tilespmem:v26+s23+$0x0], $0xffff;
	v2 =	vadd.f32 v3, v2;
	v3 =	vmul.f32 v25, v24  }
0x381: {  	v33 =	vld.idx.msk [tilespmem:v26+s2+$0x0], $0xffff;
	v35 =	vor.u32 $0x17, v1  }
0x382: {  	v36 =	vld.idx.msk [tilespmem:v29+s2+$0x0], $0xffff;
	v2 =	vadd.f32 v3, v2;
	v3 =	vmul.f32 v28, v27  }
0x383: {  	v38 =	vor.u32 $0x18, v1;
	v37 =	vld.idx.msk [tilespmem:v29+s23+$0x0], $0xffff  }
0x384: {  	v39 =	vld.idx.msk [tilespmem:v32+s2+$0x0], $0xffff;
	v2 =	vadd.f32 v3, v2;
	v3 =	vmul.f32 v31, v30  }
0x385: {  	v41 =	vor.u32 $0x19, v1;
	v40 =	vld.idx.msk [tilespmem:v32+s23+$0x0], $0xffff  }
0x386: {  	v42 =	vld.idx.msk [tilespmem:v35+s2+$0x0], $0xffff;
	v2 =	vadd.f32 v3, v2;
	v3 =	vmul.f32 v34, v33  }
0x387: {  	v44 =	vor.u32 $0x1A, v1;
	v43 =	vld.idx.msk [tilespmem:v35+s23+$0x0], $0xffff  }
0x388: {  	v45 =	vld.idx.msk [tilespmem:v38+s2+$0x0], $0xffff;
	v2 =	vadd.f32 v3, v2;
	v3 =	vmul.f32 v37, v36  }
0x389: {  	v47 =	vor.u32 $0x1B, v1;
	v46 =	vld.idx.msk [tilespmem:v38+s23+$0x0], $0xffff  }
0x38a: {  	v48 =	vld.idx.msk [tilespmem:v41+s2+$0x0], $0xffff;
	v2 =	vadd.f32 v3, v2;
	v3 =	vmul.f32 v40, v39  }
0x38b: {  	v50 =	vor.u32 $0x1C, v1;
	v49 =	vld.idx.msk [tilespmem:v41+s23+$0x0], $0xffff  }
0x38c: {  	v51 =	vld.idx.msk [tilespmem:v44+s2+$0x0], $0xffff;
	v2 =	vadd.f32 v3, v2;
	v3 =	vmul.f32 v43, v42  }
0x38d: {  	v53 =	vor.u32 $0x1D, v1;
	v52 =	vld.idx.msk [tilespmem:v44+s23+$0x0], $0xffff  }
0x38e: {  	v54 =	vld.idx.msk [tilespmem:v47+s2+$0x0], $0xffff;
	v2 =	vadd.f32 v3, v2;
	v3 =	vmul.f32 v46, v45  }
0x38f: {  	v56 =	vor.u32 $0x1E, v1;
	v55 =	vld.idx.msk [tilespmem:v47+s23+$0x0], $0xffff  }
0x390: {  	v57 =	vld.idx.msk [tilespmem:v50+s2+$0x0], $0xffff;
	v2 =	vadd.f32 v3, v2;
	v3 =	vmul.f32 v49, v48  }
0x391: {  	v1 =	vor.u32 $0x1F, v1;
	v58 =	vld.idx.msk [tilespmem:v50+s23+$0x0], $0xffff  }
0x392: {  	v59 =	vld.idx.msk [tilespmem:v53+s2+$0x0], $0xffff;
	v2 =	vadd.f32 v3, v2;
	v3 =	vmul.f32 v52, v51  }
0x393: {  	v60 =	vld.idx.msk [tilespmem:v53+s23+$0x0], $0xffff  }
0x394: {  	v62 =	vld.idx.msk [tilespmem:v56+s23+$0x0], $0xffff;
	v2 =	vadd.f32 v3, v2;
	v3 =	vmul.f32 v55, v54  }
0x395: {  	v61 =	vld.idx.msk [tilespmem:v56+s2+$0x0], $0xffff  }
0x396: {  	v63 =	vld.idx.msk [tilespmem:v1+s2+$0x0], $0xffff;
	v2 =	vadd.f32 v3, v2;
	v3 =	vmul.f32 v58, v57  }
0x397: {  	v1 =	vld.idx.msk [tilespmem:v1+s23+$0x0], $0xffff  }
0x398: {  	v2 =	vadd.f32 v3, v2;
	v3 =	vmul.f32 v60, v59;
	_ =	sdelay $0x1  }
0x399: {  	v2 =	vadd.f32 v3, v2;
	v3 =	vmul.f32 v62, v61;
	_ =	sdelay $0x1  }
0x39a: {  	v1 =	vmul.f32 v1, v63;
	v2 =	vadd.f32 v3, v2;
	_ =	sdelay $0x1  }
0x39b: {  	v1 =	vadd.f32 v1, v2  }
0x39c: {  	s5 =	sadd.s32 $0x10, s26  }
0x39d: {  	[tilespmem:s5+$0x0] =	vst v1  }
0x39e: {  	s5 =	sld [smem:$0x380]  }
0x39f: {  	s8 =	sld [smem:$0x181]  }
0x3a0: {  	s28 =	simm.s32 $0x0;
	s13 =	simm.s32 $0x8400;
	s9 =	sld [smem:$0x381]  }
0x3a1: {  	s15 =	simm.s32 $0xC400;
	s20 =	simm.s32 $0x8480;
	s10 =	sld [smem:$0x180]  }
0x3a2: {  	s24 =	simm.s32 $0xC480;
	s16 =	simm.s32 $0xC500;
	s17 =	simm.s32 $0x8580  }
0x3a3: {  	s29 =	simm.s32 $0x38F;
	s5 =	sshll.u32 s5, $0x4;
	s11 =	sld [smem:$0x183]  }
0x3a4: {  	s5 =	sand.u32 $0x1FFFFFF0, s5;
	s8 =	sshll.u32 s8, $0x4;
	s10 =	sshll.u32 s10, $0x4  }
0x3a5: {  	s12 =	sld [smem:$0x382];
	s9 =	sshll.u32 s9, $0x4;
	s10 =	sand.u32 $0x1FFFFFF0, s10  }
0x3a6: {  	s8 =	sand.u32 $0x1FFFFFF0, s8;
	s14 =	sld [smem:$0x182];
	s10 =	sadd.s32 s3, s10  }
0x3a7: {  	[tilespmem:s13], [sflag:$0x2] =	stream.linear.gather [hbm4b:s10+s1], $0x80, $0x38;
	[tilespmem:$0x10600] =	vst v63  }
0x3a8: {  	s5 =	sadd.s32 s3, s5;
	s9 =	sand.u32 $0x1FFFFFF0, s9;
	s8 =	sadd.s32 s3, s8  }
0x3a9: {  	[tilespmem:s15], [sflag:$0x2] =	stream.linear.gather [hbm4b:s5+s1], $0x80, $0x38;
	[tilespmem:$0x10600] =	vst v63  }
0x3aa: {  	s11 =	sshll.u32 s11, $0x4;
	s9 =	sadd.s32 s3, s9;
	s22 =	sshll.u32 s14, $0x4  }
0x3ab: {  	[tilespmem:s20], [sflag:$0x2] =	stream.linear.gather [hbm4b:s8+s1], $0x80, $0x38;
	[tilespmem:$0x10600] =	vst v63  }
0x3ac: {  	s12 =	sshll.u32 s12, $0x4;
	s13 =	simm.s32 $0x8500;
	s5 =	sand.u32 $0x1FFFFFF0, s22  }
0x3ad: {  	[tilespmem:s24], [sflag:$0x2] =	stream.linear.gather [hbm4b:s9+s1], $0x80, $0x38;
	[tilespmem:$0x10600] =	vst v63  }
0x3ae: {  	s10 =	sand.u32 $0x1FFFFFF0, s12;
	s5 =	sadd.s32 s3, s5;
	s15 =	sld [smem:$0x383]  }
0x3af: {  	[tilespmem:s13], [sflag:$0x2] =	stream.linear.gather [hbm4b:s5+s1], $0x80, $0x38;
	[tilespmem:$0x10600] =	vst v63  }
0x3b0: {  	s11 =	sand.u32 $0x1FFFFFF0, s11;
	s14 =	sadd.s32 s3, s10;
	s12 =	sld [smem:$0x184]  }
0x3b1: {  	[tilespmem:s16], [sflag:$0x2] =	stream.linear.gather [hbm4b:s14+s1], $0x80, $0x38;
	[tilespmem:$0x10600] =	vst v63  }
0x3b2: {  	s26 =	simm.s32 $0x0;
	s11 =	sadd.s32 s3, s11;
	s22 =	sld [smem:$0x384]  }
0x3b3: {  	[tilespmem:s17], [sflag:$0x2] =	stream.linear.gather [hbm4b:s11+s1], $0x80, $0x38;
	[tilespmem:$0x10600] =	vst v63  }
0x3b4: {  	s8 =	simm.s32 $0x8700;
	s20 =	simm.s32 $0xC580;
	s10 =	sshll.u32 s15, $0x4  }
0x3b5: {  	s24 =	simm.s32 $0xC700;
	s10 =	sand.u32 $0x1FFFFFF0, s10;
	s12 =	sshll.u32 s12, $0x4  }
0x3b6: {  	s17 =	sld [smem:$0x185];
	s11 =	sadd.s32 s3, s10;
	s15 =	sand.u32 $0x1FFFFFF0, s12  }
0x3b7: {  	[tilespmem:s20], [sflag:$0x2] =	stream.linear.gather [hbm4b:s11+s1], $0x80, $0x38;
	[tilespmem:$0x10600] =	vst v63  }
0x3b8: {  	s12 =	simm.s32 $0x8600;
	s16 =	sshll.u32 s22, $0x4;
	s11 =	sld [smem:$0x187]  }
0x3b9: {  	s10 =	sadd.s32 s3, s15;
	s20 =	sand.u32 $0x1FFFFFF0, s16;
	s16 =	sld [smem:$0x385]  }
0x3ba: {  	[tilespmem:s12], [sflag:$0x2] =	stream.linear.gather [hbm4b:s10+s1], $0x80, $0x38;
	[tilespmem:$0x10600] =	vst v63  }
0x3bb: {  	s9 =	simm.s32 $0xC680;
	s15 =	simm.s32 $0xC600;
	s10 =	sld [smem:$0x387]  }
0x3bc: {  	s17 =	sshll.u32 s17, $0x4;
	s22 =	sadd.s32 s3, s20;
	s14 =	sld [smem:$0x186]  }
0x3bd: {  	[tilespmem:s15], [sflag:$0x2] =	stream.linear.gather [hbm4b:s22+s1], $0x80, $0x38;
	[tilespmem:$0x10600] =	vst v63  }
0x3be: {  	s13 =	simm.s32 $0x8680;
	s20 =	sand.u32 $0x1FFFFFF0, s17;
	s16 =	sshll.u32 s16, $0x4  }
0x3bf: {  	s5 =	simm.s32 $0x18F;
	s15 =	sadd.s32 s3, s20;
	s22 =	sand.u32 $0x1FFFFFF0, s16  }
0x3c0: {  	s20 =	simm.s32 $0x1000;
	s16 =	sld [smem:$0x386];
	s12 =	sadd.s32 s3, s22  }
.LBB2_12:
0x3c1: {  	[tilespmem:s13], [sflag:$0x2] =	stream.linear.gather [hbm4b:s15+s1], $0x80, $0x38;
	[tilespmem:$0x10600] =	vst v63  }
0x3c2: {  	s28 =	sadd.s32 $0x8, s28;
	s14 =	sshll.u32 s14, $0x4;
	s13 =	sld [smem:s29+$0xFFFFFFF9]  }
0x3c3: {  	p0 =	slt.u32 s28, $0x78;
	s14 =	sand.u32 $0x1FFFFFF0, s14;
	s15 =	sshll.u32 s16, $0x4  }
0x3c4: {  	s14 =	sadd.s32 s3, s14;
	s16 =	sld [smem:s5+$0xFFFFFFFA];
	s15 =	sand.u32 $0x1FFFFFF0, s15  }
0x3c5: {  	[tilespmem:s9], [sflag:$0x2] =	stream.linear.gather [hbm4b:s12+s1], $0x80, $0x38;
	[tilespmem:$0x10600] =	vst v63  }
0x3c6: {  	s11 =	sshll.u32 s11, $0x4;
	s12 =	sadd.s32 s3, s15;
	s9 =	sld [smem:s29+$0xFFFFFFFA]  }
0x3c7: {  	[tilespmem:s8], [sflag:$0x2] =	stream.linear.gather [hbm4b:s14+s1], $0x80, $0x38;
	[tilespmem:$0x10600] =	vst v63  }
0x3c8: {  	s11 =	sand.u32 $0x1FFFFFF0, s11;
	s14 =	sadd.s32 $0x8780, s26;
	s8 =	sld [smem:s5+$0xFFFFFFF9]  }
0x3c9: {  	[tilespmem:s24], [sflag:$0x2] =	stream.linear.gather [hbm4b:s12+s1], $0x80, $0x38;
	[tilespmem:$0x10600] =	vst v63  }
0x3ca: {  	s11 =	sadd.s32 s3, s11;
	s15 =	sadd.s32 $0xC780, s26;
	s12 =	sld [smem:s5+$0xFFFFFFFC]  }
0x3cb: {  	[tilespmem:s14], [sflag:$0x2] =	stream.linear.gather [hbm4b:s11+s1], $0x80, $0x38;
	[tilespmem:$0x10600] =	vst v63  }
0x3cc: {  	s10 =	sshll.u32 s10, $0x4;
	s26 =	sshra.s32 s20, $0x2;
	s11 =	sld [smem:s29+$0xFFFFFFFB]  }
0x3cd: {  	s10 =	sand.u32 $0x1FFFFFF0, s10;
	s8 =	sshll.u32 s8, $0x4;
	s12 =	sshll.u32 s12, $0x4  }
0x3ce: {  	s10 =	sadd.s32 s3, s10;
	s8 =	sand.u32 $0x1FFFFFF0, s8;
	s12 =	sand.u32 $0x1FFFFFF0, s12  }
0x3cf: {  	[tilespmem:s15], [sflag:$0x2] =	stream.linear.gather [hbm4b:s10+s1], $0x80, $0x38;
	[tilespmem:$0x10600] =	vst v63  }
0x3d0: {  	s13 =	sshll.u32 s13, $0x4;
	s8 =	sadd.s32 s3, s8;
	s10 =	sadd.s32 $0x8400, s26  }
0x3d1: {  	s13 =	sand.u32 $0x1FFFFFF0, s13;
	s9 =	sshll.u32 s9, $0x4;
	s14 =	sld [smem:s5+$0xFFFFFFFB]  }
0x3d2: {  	s13 =	sadd.s32 s3, s13;
	s16 =	sshll.u32 s16, $0x4;
	s15 =	sadd.s32 $0xC400, s26  }
0x3d3: {  	[tilespmem:s10], [sflag:$0x2] =	stream.linear.gather [hbm4b:s8+s1], $0x80, $0x38;
	[tilespmem:$0x10600] =	vst v63  }
0x3d4: {  	s9 =	sand.u32 $0x1FFFFFF0, s9;
	s8 =	sadd.s32 $0x8480, s26;
	s10 =	sand.u32 $0x1FFFFFF0, s16  }
0x3d5: {  	[tilespmem:s15], [sflag:$0x2] =	stream.linear.gather [hbm4b:s13+s1], $0x80, $0x38;
	[tilespmem:$0x10600] =	vst v63  }
0x3d6: {  	s9 =	sadd.s32 s3, s9;
	s10 =	sadd.s32 s3, s10;
	s13 =	sshll.u32 s14, $0x4  }
0x3d7: {  	[tilespmem:s8], [sflag:$0x2] =	stream.linear.gather [hbm4b:s10+s1], $0x80, $0x38;
	[tilespmem:$0x10600] =	vst v63  }
0x3d8: {  	s11 =	sshll.u32 s11, $0x4;
	s8 =	sadd.s32 $0xC480, s26;
	s10 =	sand.u32 $0x1FFFFFF0, s13  }
0x3d9: {  	s11 =	sand.u32 $0x1FFFFFF0, s11;
	s13 =	sadd.s32 $0x8500, s26;
	s10 =	sadd.s32 s3, s10  }
0x3da: {  	[tilespmem:s8], [sflag:$0x2] =	stream.linear.gather [hbm4b:s9+s1], $0x80, $0x38;
	[tilespmem:$0x10600] =	vst v63  }
0x3db: {  	s24 =	sadd.s32 $0xC700, s26;
	s11 =	sadd.s32 s3, s11;
	s9 =	sld [smem:s29+$0xFFFFFFFC]  }
0x3dc: {  	[tilespmem:s13], [sflag:$0x2] =	stream.linear.gather [hbm4b:s10+s1], $0x80, $0x38;
	[tilespmem:$0x10600] =	vst v63  }
0x3dd: {  	s12 =	sadd.s32 s3, s12;
	s8 =	sadd.s32 $0x8700, s26;
	s10 =	sadd.s32 $0xC500, s26  }
0x3de: {  	s13 =	sshll.u32 s9, $0x4;
	s14 =	sld [smem:s5+$0xFFFFFFFD];
	s9 =	sadd.s32 $0xC680, s26  }
0x3df: {  	[tilespmem:s10], [sflag:$0x2] =	stream.linear.gather [hbm4b:s11+s1], $0x80, $0x38;
	[tilespmem:$0x10600] =	vst v63  }
0x3e0: {  	s16 =	smov.u32 s29;
	s10 =	sadd.s32 $0x8580, s26;
	s11 =	sand.u32 $0x1FFFFFF0, s13  }
0x3e1: {  	s13 =	sadd.s32 $0xC580, s26;
	s11 =	sadd.s32 s3, s11;
	s14 =	sshll.u32 s14, $0x4  }
0x3e2: {  	s15 =	sld [smem:s29+$0xFFFFFFFD];
	s14 =	sand.u32 $0x1FFFFFF0, s14  }
0x3e3: {  	[tilespmem:s10], [sflag:$0x2] =	stream.linear.gather [hbm4b:s12+s1], $0x80, $0x38;
	[tilespmem:$0x10600] =	vst v63  }
0x3e4: {  	s10 =	sadd.s32 $0x8600, s26;
	s12 =	sadd.s32 s3, s14  }
0x3e5: {  	s14 =	sshll.u32 s15, $0x4;
	s15 =	sld [smem:s5+$0xFFFFFFFE]  }
0x3e6: {  	[tilespmem:s13], [sflag:$0x2] =	stream.linear.gather [hbm4b:s11+s1], $0x80, $0x38;
	[tilespmem:$0x10600] =	vst v63  }
0x3e7: {  	s13 =	sand.u32 $0x1FFFFFF0, s14  }
0x3e8: {  	s17 =	sadd.s32 $0xC600, s26;
	s11 =	sld [smem:s5+$0x0];
	s22 =	sadd.s32 s3, s13  }
0x3e9: {  	s14 =	sld [smem:s29+$0xFFFFFFFE];
	s13 =	sshll.u32 s15, $0x4;
	s29 =	sadd.s32 $0x8, s29  }
0x3ea: {  	[tilespmem:s10], [sflag:$0x2] =	stream.linear.gather [hbm4b:s12+s1], $0x80, $0x38;
	[tilespmem:$0x10600] =	vst v63  }
.Ltmp5:
0x3eb: {  	s12 =	sand.u32 $0x1FFFFFF0, s13;
	s10 =	sld [smem:s16+$0x0];
	(pc) =	sbr.rel @p0 .LBB2_12-.Ltmp5, $4  }
0x3ec: {  	s13 =	sadd.s32 $0x8680, s26;
	s15 =	sadd.s32 s3, s12;
	s12 =	sshll.u32 s14, $0x4  }
0x3ed: {  	s12 =	sand.u32 $0x1FFFFFF0, s12;
	s14 =	sld [smem:s5+$0xFFFFFFFF];
	s5 =	sadd.s32 $0x8, s5  }
0x3ee: {  	[tilespmem:s17], [sflag:$0x2] =	stream.linear.gather [hbm4b:s22+s1], $0x80, $0x38;
	[tilespmem:$0x10600] =	vst v63  }
0x3ef: {  	s20 =	sadd.s32 $0x1000, s20;
	s12 =	sadd.s32 s3, s12;
	s16 =	sld [smem:s16+$0xFFFFFFFF]  }
0x3f0: {  	[tilespmem:s13], [sflag:$0x2] =	stream.linear.gather [hbm4b:s15+s1], $0x80, $0x38;
	[tilespmem:$0x10600] =	vst v63  }
0x3f1: {  	s5 =	sshll.u32 s14, $0x4  }
0x3f2: {  	s5 =	sand.u32 $0x1FFFFFF0, s5;
	s29 =	sshll.u32 s16, $0x4  }
0x3f3: {  	[tilespmem:s9], [sflag:$0x2] =	stream.linear.gather [hbm4b:s12+s1], $0x80, $0x38;
	[tilespmem:$0x10600] =	vst v63  }
0x3f4: {  	s11 =	sshll.u32 s11, $0x4;
	s5 =	sadd.s32 s3, s5;
	s14 =	sand.u32 $0x1FFFFFF0, s29  }
0x3f5: {  	[tilespmem:s8], [sflag:$0x2] =	stream.linear.gather [hbm4b:s5+s1], $0x80, $0x38;
	[tilespmem:$0x10600] =	vst v63  }
0x3f6: {  	s20 =	sshll.u32 s10, $0x4;
	s16 =	sand.u32 $0x1FFFFFF0, s11;
	s15 =	sadd.s32 s3, s14  }
0x3f7: {  	[tilespmem:s24], [sflag:$0x2] =	stream.linear.gather [hbm4b:s15+s1], $0x80, $0x38;
	[tilespmem:$0x10600] =	vst v63  }
0x3f8: {  	s17 =	sadd.s32 $0x8780, s26;
	s8 =	sadd.s32 s3, s16;
	s5 =	sand.u32 $0x1FFFFFF0, s20  }
0x3f9: {  	[tilespmem:s17], [sflag:$0x2] =	stream.linear.gather [hbm4b:s8+s1], $0x80, $0x38;
	[tilespmem:$0x10600] =	vst v63  }
0x3fa: {  	s22 =	sadd.s32 $0xC780, s26;
	s5 =	sadd.s32 s3, s5;
	s24 =	simm.s32 $0x0  }
0x3fb: {  	v1 =	vmov s24;
	[tilespmem:s22], [sflag:$0x2] =	stream.linear.gather [hbm4b:s5+s1], $0x80, $0x38;
	[tilespmem:$0x10600] =	vst v63  }
0x3fc: {  	v1 =	vshll.u32 v1, $0x7;
	_ =	swait.ge [sflag:s18], $0x4000  }
0x3fd: {  	v1 =	vor.u32 v0, v1;
	[sflag:s18] =	ssyncset.done $0x0  }
0x3fe: {  	[sflag:s18] =	ssyncadd.s32 $0xFFFFC000  }
0x3ff: {  	v2 =	vor.u32 $0x1, v1;
	_ =	swait.ge [sflag:s18], $0x4000  }
0x400: {  	[sflag:s18] =	ssyncset.done $0x0  }
0x401: {  	v3 =	vor.u32 $0x2, v1;
	[sflag:s18] =	ssyncadd.s32 $0xFFFFC000  }
0x402: {  	v4 =	vld.idx.msk [tilespmem:v1+s31+$0x0], $0xffff  }
0x403: {  	v6 =	vor.u32 $0x3, v1;
	v5 =	vld.idx.msk [tilespmem:v1+s30+$0x0], $0xffff  }
0x404: {  	v7 =	vld.idx.msk [tilespmem:v2+s30+$0x0], $0xffff  }
0x405: {  	v8 =	vor.u32 $0x4, v1;
	v2 =	vld.idx.msk [tilespmem:v2+s31+$0x0], $0xffff  }
0x406: {  	v9 =	vld.idx.msk [tilespmem:v3+s30+$0x0], $0xffff  }
0x407: {  	v10 =	vor.u32 $0x5, v1;
	v3 =	vld.idx.msk [tilespmem:v3+s31+$0x0], $0xffff  }
0x408: {  	v11 =	vld.idx.msk [tilespmem:v6+s30+$0x0], $0xffff;
	v4 =	vmul.f32 v4, v5  }
0x409: {  	v5 =	vld.idx.msk [tilespmem:v6+s31+$0x0], $0xffff;
	v6 =	vor.u32 $0x6, v1  }
0x40a: {  	v12 =	vld.idx.msk [tilespmem:v8+s30+$0x0], $0xffff;
	v2 =	vmul.f32 v2, v7;
	v4 =	vadd.f32 $0.0e+00, v4  }
0x40b: {  	v25 =	vor.u32 $0x7, v1;
	v7 =	vld.idx.msk [tilespmem:v8+s31+$0x0], $0xffff  }
0x40c: {  	v13 =	vld.idx.msk [tilespmem:v10+s30+$0x0], $0xffff;
	v3 =	vmul.f32 v3, v9;
	v2 =	vadd.f32 v2, v4  }
0x40d: {  	v26 =	vor.u32 $0x8, v1;
	v4 =	vld.idx.msk [tilespmem:v10+s31+$0x0], $0xffff  }
0x40e: {  	v27 =	vld.idx.msk [tilespmem:v6+s30+$0x0], $0xffff;
	v2 =	vadd.f32 v3, v2;
	v3 =	vmul.f32 v5, v11  }
0x40f: {  	v5 =	vld.idx.msk [tilespmem:v6+s31+$0x0], $0xffff;
	v6 =	vor.u32 $0x9, v1  }
0x410: {  	v28 =	vld.idx.msk [tilespmem:v25+s30+$0x0], $0xffff;
	v2 =	vadd.f32 v3, v2;
	v3 =	vmul.f32 v7, v12  }
0x411: {  	v29 =	vor.u32 $0xA, v1;
	v7 =	vld.idx.msk [tilespmem:v25+s31+$0x0], $0xffff  }
0x412: {  	v30 =	vld.idx.msk [tilespmem:v26+s30+$0x0], $0xffff;
	v2 =	vadd.f32 v3, v2;
	v3 =	vmul.f32 v4, v13  }
0x413: {  	v31 =	vor.u32 $0xB, v1;
	v4 =	vld.idx.msk [tilespmem:v26+s31+$0x0], $0xffff  }
0x414: {  	v32 =	vld.idx.msk [tilespmem:v6+s30+$0x0], $0xffff;
	v2 =	vadd.f32 v3, v2;
	v3 =	vmul.f32 v5, v27  }
0x415: {  	v5 =	vld.idx.msk [tilespmem:v6+s31+$0x0], $0xffff;
	v6 =	vor.u32 $0xC, v1  }
0x416: {  	v33 =	vld.idx.msk [tilespmem:v29+s30+$0x0], $0xffff;
	v2 =	vadd.f32 v3, v2;
	v3 =	vmul.f32 v7, v28  }
0x417: {  	v34 =	vor.u32 $0xD, v1;
	v7 =	vld.idx.msk [tilespmem:v29+s31+$0x0], $0xffff  }
0x418: {  	v35 =	vld.idx.msk [tilespmem:v31+s30+$0x0], $0xffff;
	v2 =	vadd.f32 v3, v2;
	v3 =	vmul.f32 v4, v30  }
0x419: {  	v36 =	vor.u32 $0xE, v1;
	v4 =	vld.idx.msk [tilespmem:v31+s31+$0x0], $0xffff  }
0x41a: {  	v37 =	vld.idx.msk [tilespmem:v6+s30+$0x0], $0xffff;
	v2 =	vadd.f32 v3, v2;
	v3 =	vmul.f32 v5, v32  }
0x41b: {  	v5 =	vld.idx.msk [tilespmem:v6+s31+$0x0], $0xffff;
	v6 =	vor.u32 $0xF, v1  }
0x41c: {  	v38 =	vld.idx.msk [tilespmem:v34+s30+$0x0], $0xffff;
	v2 =	vadd.f32 v3, v2;
	v3 =	vmul.f32 v7, v33  }
0x41d: {  	v39 =	vor.u32 $0x10, v1;
	v7 =	vld.idx.msk [tilespmem:v34+s31+$0x0], $0xffff  }
0x41e: {  	v40 =	vld.idx.msk [tilespmem:v36+s30+$0x0], $0xffff;
	v2 =	vadd.f32 v3, v2;
	v3 =	vmul.f32 v4, v35  }
0x41f: {  	v41 =	vor.u32 $0x11, v1;
	v4 =	vld.idx.msk [tilespmem:v36+s31+$0x0], $0xffff  }
0x420: {  	v42 =	vld.idx.msk [tilespmem:v6+s30+$0x0], $0xffff;
	v2 =	vadd.f32 v3, v2;
	v3 =	vmul.f32 v5, v37  }
0x421: {  	v5 =	vld.idx.msk [tilespmem:v6+s31+$0x0], $0xffff;
	v6 =	vor.u32 $0x12, v1  }
0x422: {  	v43 =	vld.idx.msk [tilespmem:v39+s30+$0x0], $0xffff;
	v2 =	vadd.f32 v3, v2;
	v3 =	vmul.f32 v7, v38  }
0x423: {  	v44 =	vor.u32 $0x13, v1;
	v7 =	vld.idx.msk [tilespmem:v39+s31+$0x0], $0xffff  }
0x424: {  	v45 =	vld.idx.msk [tilespmem:v41+s30+$0x0], $0xffff;
	v2 =	vadd.f32 v3, v2;
	v3 =	vmul.f32 v4, v40  }
0x425: {  	v46 =	vor.u32 $0x14, v1;
	v4 =	vld.idx.msk [tilespmem:v41+s31+$0x0], $0xffff  }
0x426: {  	v47 =	vld.idx.msk [tilespmem:v6+s30+$0x0], $0xffff;
	v2 =	vadd.f32 v3, v2;
	v3 =	vmul.f32 v5, v42  }
0x427: {  	v5 =	vld.idx.msk [tilespmem:v6+s31+$0x0], $0xffff;
	v6 =	vor.u32 $0x15, v1  }
0x428: {  	v48 =	vld.idx.msk [tilespmem:v44+s30+$0x0], $0xffff;
	v2 =	vadd.f32 v3, v2;
	v3 =	vmul.f32 v7, v43  }
0x429: {  	v49 =	vor.u32 $0x16, v1;
	v7 =	vld.idx.msk [tilespmem:v44+s31+$0x0], $0xffff  }
0x42a: {  	v50 =	vld.idx.msk [tilespmem:v46+s30+$0x0], $0xffff;
	v2 =	vadd.f32 v3, v2;
	v3 =	vmul.f32 v4, v45  }
0x42b: {  	v51 =	vor.u32 $0x17, v1;
	v4 =	vld.idx.msk [tilespmem:v46+s31+$0x0], $0xffff  }
0x42c: {  	v52 =	vld.idx.msk [tilespmem:v6+s30+$0x0], $0xffff;
	v2 =	vadd.f32 v3, v2;
	v3 =	vmul.f32 v5, v47  }
0x42d: {  	v5 =	vld.idx.msk [tilespmem:v6+s31+$0x0], $0xffff;
	v6 =	vor.u32 $0x18, v1  }
0x42e: {  	v53 =	vld.idx.msk [tilespmem:v49+s30+$0x0], $0xffff;
	v2 =	vadd.f32 v3, v2;
	v3 =	vmul.f32 v7, v48  }
0x42f: {  	v54 =	vor.u32 $0x19, v1;
	v7 =	vld.idx.msk [tilespmem:v49+s31+$0x0], $0xffff  }
0x430: {  	v55 =	vld.idx.msk [tilespmem:v51+s30+$0x0], $0xffff;
	v2 =	vadd.f32 v3, v2;
	v3 =	vmul.f32 v4, v50  }
0x431: {  	v56 =	vor.u32 $0x1A, v1;
	v4 =	vld.idx.msk [tilespmem:v51+s31+$0x0], $0xffff  }
0x432: {  	v57 =	vld.idx.msk [tilespmem:v6+s30+$0x0], $0xffff;
	v2 =	vadd.f32 v3, v2;
	v3 =	vmul.f32 v5, v52  }
0x433: {  	v5 =	vld.idx.msk [tilespmem:v6+s31+$0x0], $0xffff;
	v6 =	vor.u32 $0x1B, v1  }
0x434: {  	v58 =	vld.idx.msk [tilespmem:v54+s30+$0x0], $0xffff;
	v2 =	vadd.f32 v3, v2;
	v3 =	vmul.f32 v7, v53  }
0x435: {  	v59 =	vor.u32 $0x1C, v1;
	v7 =	vld.idx.msk [tilespmem:v54+s31+$0x0], $0xffff  }
0x436: {  	v60 =	vld.idx.msk [tilespmem:v56+s30+$0x0], $0xffff;
	v2 =	vadd.f32 v3, v2;
	v3 =	vmul.f32 v4, v55  }
0x437: {  	v61 =	vor.u32 $0x1D, v1;
	v4 =	vld.idx.msk [tilespmem:v56+s31+$0x0], $0xffff  }
0x438: {  	v62 =	vld.idx.msk [tilespmem:v6+s30+$0x0], $0xffff;
	v2 =	vadd.f32 v3, v2;
	v3 =	vmul.f32 v5, v57  }
0x439: {  	v5 =	vld.idx.msk [tilespmem:v6+s31+$0x0], $0xffff;
	v6 =	vor.u32 $0x1E, v1  }
0x43a: {  	v63 =	vld.idx.msk [tilespmem:v59+s30+$0x0], $0xffff;
	v2 =	vadd.f32 v3, v2;
	v3 =	vmul.f32 v7, v58  }
0x43b: {  	v1 =	vor.u32 $0x1F, v1;
	v7 =	vld.idx.msk [tilespmem:v59+s31+$0x0], $0xffff  }
0x43c: {  	v15 =	vld.idx.msk [tilespmem:v61+s30+$0x0], $0xffff;
	v2 =	vadd.f32 v3, v2;
	v3 =	vmul.f32 v4, v60  }
0x43d: {  	v4 =	vld.idx.msk [tilespmem:v61+s31+$0x0], $0xffff  }
0x43e: {  	v16 =	vld.idx.msk [tilespmem:v6+s30+$0x0], $0xffff;
	v2 =	vadd.f32 v3, v2;
	v3 =	vmul.f32 v5, v62  }
0x43f: {  	v5 =	vld.idx.msk [tilespmem:v6+s31+$0x0], $0xffff  }
0x440: {  	v6 =	vld.idx.msk [tilespmem:v1+s30+$0x0], $0xffff;
	v2 =	vadd.f32 v3, v2;
	v3 =	vmul.f32 v7, v63  }
0x441: {  	v7 =	vld.idx.msk [tilespmem:v1+s31+$0x0], $0xffff  }
0x442: {  	v1 =	vadd.f32 v3, v2;
	v2 =	vmul.f32 v4, v15  }
0x443: {  	s26 =	simm.s32 $0x10  }
0x444: {  	v3 =	vmov s26;
	v4 =	vmul.f32 v5, v16;
	v2 =	vadd.f32 v2, v1  }
0x445: {  	v1 =	vshll.u32 v3, $0x7  }
0x446: {  	v1 =	vor.u32 v0, v1;
	v3 =	vmul.f32 v7, v6;
	v2 =	vadd.f32 v4, v2;
	_ =	sdelay $0x1  }
0x447: {  	v4 =	vor.u32 $0x1, v1;
	v2 =	vadd.f32 v3, v2  }
0x448: {  	s26 =	simm.s32 $0x10500  }
0x449: {  	v3 =	vor.u32 $0x2, v1;
	[tilespmem:s26+$0x0] =	vst v2  }
0x44a: {  	v2 =	vld.idx.msk [tilespmem:v1+s31+$0x0], $0xffff  }
0x44b: {  	v6 =	vor.u32 $0x3, v1;
	v5 =	vld.idx.msk [tilespmem:v1+s30+$0x0], $0xffff  }
0x44c: {  	v7 =	vld.idx.msk [tilespmem:v4+s30+$0x0], $0xffff  }
0x44d: {  	v17 =	vor.u32 $0x4, v1;
	v4 =	vld.idx.msk [tilespmem:v4+s31+$0x0], $0xffff  }
0x44e: {  	v18 =	vld.idx.msk [tilespmem:v3+s30+$0x0], $0xffff  }
0x44f: {  	v19 =	vor.u32 $0x5, v1;
	v3 =	vld.idx.msk [tilespmem:v3+s31+$0x0], $0xffff  }
0x450: {  	v20 =	vld.idx.msk [tilespmem:v6+s30+$0x0], $0xffff;
	v2 =	vmul.f32 v2, v5  }
0x451: {  	v5 =	vld.idx.msk [tilespmem:v6+s31+$0x0], $0xffff;
	v6 =	vor.u32 $0x6, v1  }
0x452: {  	v21 =	vld.idx.msk [tilespmem:v17+s30+$0x0], $0xffff;
	v4 =	vmul.f32 v4, v7;
	v2 =	vadd.f32 $0.0e+00, v2  }
0x453: {  	v22 =	vor.u32 $0x7, v1;
	v7 =	vld.idx.msk [tilespmem:v17+s31+$0x0], $0xffff  }
0x454: {  	v23 =	vld.idx.msk [tilespmem:v19+s30+$0x0], $0xffff;
	v3 =	vmul.f32 v3, v18;
	v2 =	vadd.f32 v4, v2  }
0x455: {  	v24 =	vor.u32 $0x8, v1;
	v4 =	vld.idx.msk [tilespmem:v19+s31+$0x0], $0xffff  }
0x456: {  	v25 =	vld.idx.msk [tilespmem:v6+s30+$0x0], $0xffff;
	v2 =	vadd.f32 v3, v2;
	v3 =	vmul.f32 v5, v20  }
0x457: {  	v5 =	vld.idx.msk [tilespmem:v6+s31+$0x0], $0xffff;
	v6 =	vor.u32 $0x9, v1  }
0x458: {  	v26 =	vld.idx.msk [tilespmem:v22+s30+$0x0], $0xffff;
	v2 =	vadd.f32 v3, v2;
	v3 =	vmul.f32 v7, v21  }
0x459: {  	v27 =	vor.u32 $0xA, v1;
	v7 =	vld.idx.msk [tilespmem:v22+s31+$0x0], $0xffff  }
0x45a: {  	v28 =	vld.idx.msk [tilespmem:v24+s30+$0x0], $0xffff;
	v2 =	vadd.f32 v3, v2;
	v3 =	vmul.f32 v4, v23  }
0x45b: {  	v29 =	vor.u32 $0xB, v1;
	v4 =	vld.idx.msk [tilespmem:v24+s31+$0x0], $0xffff  }
0x45c: {  	v30 =	vld.idx.msk [tilespmem:v6+s30+$0x0], $0xffff;
	v2 =	vadd.f32 v3, v2;
	v3 =	vmul.f32 v5, v25  }
0x45d: {  	v5 =	vld.idx.msk [tilespmem:v6+s31+$0x0], $0xffff;
	v6 =	vor.u32 $0xC, v1  }
0x45e: {  	v31 =	vld.idx.msk [tilespmem:v27+s30+$0x0], $0xffff;
	v2 =	vadd.f32 v3, v2;
	v3 =	vmul.f32 v7, v26  }
0x45f: {  	v32 =	vor.u32 $0xD, v1;
	v7 =	vld.idx.msk [tilespmem:v27+s31+$0x0], $0xffff  }
0x460: {  	v33 =	vld.idx.msk [tilespmem:v29+s30+$0x0], $0xffff;
	v2 =	vadd.f32 v3, v2;
	v3 =	vmul.f32 v4, v28  }
0x461: {  	v34 =	vor.u32 $0xE, v1;
	v4 =	vld.idx.msk [tilespmem:v29+s31+$0x0], $0xffff  }
0x462: {  	v35 =	vld.idx.msk [tilespmem:v6+s30+$0x0], $0xffff;
	v2 =	vadd.f32 v3, v2;
	v3 =	vmul.f32 v5, v30  }
0x463: {  	v5 =	vld.idx.msk [tilespmem:v6+s31+$0x0], $0xffff;
	v6 =	vor.u32 $0xF, v1  }
0x464: {  	v36 =	vld.idx.msk [tilespmem:v32+s30+$0x0], $0xffff;
	v2 =	vadd.f32 v3, v2;
	v3 =	vmul.f32 v7, v31  }
0x465: {  	v37 =	vor.u32 $0x10, v1;
	v7 =	vld.idx.msk [tilespmem:v32+s31+$0x0], $0xffff  }
0x466: {  	v38 =	vld.idx.msk [tilespmem:v34+s30+$0x0], $0xffff;
	v2 =	vadd.f32 v3, v2;
	v3 =	vmul.f32 v4, v33  }
0x467: {  	v39 =	vor.u32 $0x11, v1;
	v4 =	vld.idx.msk [tilespmem:v34+s31+$0x0], $0xffff  }
0x468: {  	v40 =	vld.idx.msk [tilespmem:v6+s30+$0x0], $0xffff;
	v2 =	vadd.f32 v3, v2;
	v3 =	vmul.f32 v5, v35  }
0x469: {  	v5 =	vld.idx.msk [tilespmem:v6+s31+$0x0], $0xffff;
	v6 =	vor.u32 $0x12, v1  }
0x46a: {  	v41 =	vld.idx.msk [tilespmem:v37+s30+$0x0], $0xffff;
	v2 =	vadd.f32 v3, v2;
	v3 =	vmul.f32 v7, v36  }
0x46b: {  	v42 =	vor.u32 $0x13, v1;
	v7 =	vld.idx.msk [tilespmem:v37+s31+$0x0], $0xffff  }
0x46c: {  	v43 =	vld.idx.msk [tilespmem:v39+s30+$0x0], $0xffff;
	v2 =	vadd.f32 v3, v2;
	v3 =	vmul.f32 v4, v38  }
0x46d: {  	v44 =	vor.u32 $0x14, v1;
	v4 =	vld.idx.msk [tilespmem:v39+s31+$0x0], $0xffff  }
0x46e: {  	v45 =	vld.idx.msk [tilespmem:v6+s30+$0x0], $0xffff;
	v2 =	vadd.f32 v3, v2;
	v3 =	vmul.f32 v5, v40  }
0x46f: {  	v5 =	vld.idx.msk [tilespmem:v6+s31+$0x0], $0xffff;
	v6 =	vor.u32 $0x15, v1  }
0x470: {  	v46 =	vld.idx.msk [tilespmem:v42+s30+$0x0], $0xffff;
	v2 =	vadd.f32 v3, v2;
	v3 =	vmul.f32 v7, v41  }
0x471: {  	v47 =	vor.u32 $0x16, v1;
	v7 =	vld.idx.msk [tilespmem:v42+s31+$0x0], $0xffff  }
0x472: {  	v48 =	vld.idx.msk [tilespmem:v44+s30+$0x0], $0xffff;
	v2 =	vadd.f32 v3, v2;
	v3 =	vmul.f32 v4, v43  }
0x473: {  	v49 =	vor.u32 $0x17, v1;
	v4 =	vld.idx.msk [tilespmem:v44+s31+$0x0], $0xffff  }
0x474: {  	v50 =	vld.idx.msk [tilespmem:v6+s30+$0x0], $0xffff;
	v2 =	vadd.f32 v3, v2;
	v3 =	vmul.f32 v5, v45  }
0x475: {  	v5 =	vld.idx.msk [tilespmem:v6+s31+$0x0], $0xffff;
	v6 =	vor.u32 $0x18, v1  }
0x476: {  	v51 =	vld.idx.msk [tilespmem:v47+s30+$0x0], $0xffff;
	v2 =	vadd.f32 v3, v2;
	v3 =	vmul.f32 v7, v46  }
0x477: {  	v52 =	vor.u32 $0x19, v1;
	v7 =	vld.idx.msk [tilespmem:v47+s31+$0x0], $0xffff  }
0x478: {  	v53 =	vld.idx.msk [tilespmem:v49+s30+$0x0], $0xffff;
	v2 =	vadd.f32 v3, v2;
	v3 =	vmul.f32 v4, v48  }
0x479: {  	v54 =	vor.u32 $0x1A, v1;
	v4 =	vld.idx.msk [tilespmem:v49+s31+$0x0], $0xffff  }
0x47a: {  	v55 =	vld.idx.msk [tilespmem:v6+s30+$0x0], $0xffff;
	v2 =	vadd.f32 v3, v2;
	v3 =	vmul.f32 v5, v50  }
0x47b: {  	v5 =	vld.idx.msk [tilespmem:v6+s31+$0x0], $0xffff;
	v6 =	vor.u32 $0x1B, v1  }
0x47c: {  	v56 =	vld.idx.msk [tilespmem:v52+s30+$0x0], $0xffff;
	v2 =	vadd.f32 v3, v2;
	v3 =	vmul.f32 v7, v51  }
0x47d: {  	v57 =	vor.u32 $0x1C, v1;
	v7 =	vld.idx.msk [tilespmem:v52+s31+$0x0], $0xffff  }
0x47e: {  	v58 =	vld.idx.msk [tilespmem:v54+s30+$0x0], $0xffff;
	v2 =	vadd.f32 v3, v2;
	v3 =	vmul.f32 v4, v53  }
0x47f: {  	v4 =	vld.idx.msk [tilespmem:v54+s31+$0x0], $0xffff  }
0x480: {  	v60 =	vld.idx.msk [tilespmem:v6+s30+$0x0], $0xffff;
	v2 =	vadd.f32 v3, v2;
	v3 =	vmul.f32 v5, v55  }
0x481: {  	v59 =	vor.u32 $0x1D, v1;
	v5 =	vld.idx.msk [tilespmem:v6+s31+$0x0], $0xffff  }
0x482: {  	v61 =	vld.idx.msk [tilespmem:v57+s30+$0x0], $0xffff;
	v2 =	vadd.f32 v3, v2;
	v3 =	vmul.f32 v7, v56  }
0x483: {  	v6 =	vor.u32 $0x1E, v1;
	v7 =	vld.idx.msk [tilespmem:v57+s31+$0x0], $0xffff  }
0x484: {  	v2 =	vadd.f32 v3, v2;
	v3 =	vmul.f32 v4, v58  }
0x485: {  	v1 =	vor.u32 $0x1F, v1  }
0x486: {  	v62 =	vld.idx.msk [tilespmem:v59+s30+$0x0], $0xffff;
	v2 =	vadd.f32 v3, v2;
	v3 =	vmul.f32 v5, v60  }
0x487: {  	v4 =	vld.idx.msk [tilespmem:v59+s31+$0x0], $0xffff  }
0x488: {  	v63 =	vld.idx.msk [tilespmem:v6+s30+$0x0], $0xffff;
	v2 =	vadd.f32 v3, v2;
	v3 =	vmul.f32 v7, v61  }
0x489: {  	v5 =	vld.idx.msk [tilespmem:v6+s31+$0x0], $0xffff  }
0x48a: {  	v6 =	vadd.f32 v3, v2;
	v2 =	vld.idx.msk [tilespmem:v1+s30+$0x0], $0xffff  }
0x48b: {  	v3 =	vld.idx.msk [tilespmem:v1+s31+$0x0], $0xffff  }
0x48c: {  	v4 =	vmul.f32 v4, v62  }
0x48d: {  	s29 =	simm.s32 $0x20  }
0x48e: {  	v7 =	vmov s29;
	v5 =	vmul.f32 v5, v63;
	v4 =	vadd.f32 v4, v6  }
0x48f: {  	s28 =	simm.s32 $0x30;
	v1 =	vshll.u32 v7, $0x7  }
.LBB2_14:
0x490: {  	p0 =	sne.s32 s28, $0x70;
	v1 =	vor.u32 v0, v1;
	v4 =	vadd.f32 v5, v4;
	v2 =	vmul.f32 v3, v2;
	_ =	sdelay $0x1  }
0x491: {  	v3 =	vor.u32 $0x1, v1;
	v2 =	vadd.f32 v2, v4  }
0x492: {  	s26 =	sadd.s32 $0x10, s26  }
0x493: {  	v4 =	vor.u32 $0x2, v1;
	[tilespmem:s26+$0x0] =	vst v2  }
0x494: {  	v2 =	vld.idx.msk [tilespmem:v1+s31+$0x0], $0xffff  }
0x495: {  	v6 =	vor.u32 $0x3, v1;
	v5 =	vld.idx.msk [tilespmem:v1+s30+$0x0], $0xffff  }
0x496: {  	v7 =	vld.idx.msk [tilespmem:v3+s30+$0x0], $0xffff  }
0x497: {  	v8 =	vor.u32 $0x4, v1;
	v3 =	vld.idx.msk [tilespmem:v3+s31+$0x0], $0xffff  }
0x498: {  	v9 =	vld.idx.msk [tilespmem:v4+s30+$0x0], $0xffff  }
0x499: {  	v10 =	vor.u32 $0x5, v1;
	v4 =	vld.idx.msk [tilespmem:v4+s31+$0x0], $0xffff  }
0x49a: {  	v11 =	vld.idx.msk [tilespmem:v6+s30+$0x0], $0xffff  }
0x49b: {  	v2 =	vmul.f32 v2, v5;
	v5 =	vld.idx.msk [tilespmem:v6+s31+$0x0], $0xffff;
	v6 =	vor.u32 $0x6, v1  }
0x49c: {  	v12 =	vld.idx.msk [tilespmem:v8+s30+$0x0], $0xffff  }
0x49d: {  	v2 =	vadd.f32 $0.0e+00, v2;
	v3 =	vmul.f32 v3, v7;
	v7 =	vld.idx.msk [tilespmem:v8+s31+$0x0], $0xffff;
	v8 =	vor.u32 $0x7, v1  }
0x49e: {  	v13 =	vld.idx.msk [tilespmem:v10+s30+$0x0], $0xffff  }
0x49f: {  	v2 =	vadd.f32 v3, v2;
	v3 =	vmul.f32 v4, v9;
	v9 =	vor.u32 $0x8, v1;
	v4 =	vld.idx.msk [tilespmem:v10+s31+$0x0], $0xffff  }
0x4a0: {  	v10 =	vld.idx.msk [tilespmem:v6+s30+$0x0], $0xffff  }
0x4a1: {  	v2 =	vadd.f32 v3, v2;
	v3 =	vmul.f32 v5, v11;
	v5 =	vld.idx.msk [tilespmem:v6+s31+$0x0], $0xffff;
	v6 =	vor.u32 $0x9, v1  }
0x4a2: {  	v11 =	vld.idx.msk [tilespmem:v8+s30+$0x0], $0xffff  }
0x4a3: {  	v2 =	vadd.f32 v3, v2;
	v3 =	vmul.f32 v7, v12;
	v7 =	vld.idx.msk [tilespmem:v8+s31+$0x0], $0xffff;
	v8 =	vor.u32 $0xA, v1  }
0x4a4: {  	v12 =	vld.idx.msk [tilespmem:v9+s30+$0x0], $0xffff  }
0x4a5: {  	v2 =	vadd.f32 v3, v2;
	v3 =	vmul.f32 v4, v13;
	v4 =	vld.idx.msk [tilespmem:v9+s31+$0x0], $0xffff;
	v9 =	vor.u32 $0xB, v1  }
0x4a6: {  	v13 =	vld.idx.msk [tilespmem:v6+s30+$0x0], $0xffff  }
0x4a7: {  	v2 =	vadd.f32 v3, v2;
	v3 =	vmul.f32 v5, v10;
	v5 =	vld.idx.msk [tilespmem:v6+s31+$0x0], $0xffff;
	v6 =	vor.u32 $0xC, v1  }
0x4a8: {  	v10 =	vld.idx.msk [tilespmem:v8+s30+$0x0], $0xffff  }
0x4a9: {  	v2 =	vadd.f32 v3, v2;
	v3 =	vmul.f32 v7, v11;
	v7 =	vld.idx.msk [tilespmem:v8+s31+$0x0], $0xffff;
	v8 =	vor.u32 $0xD, v1  }
0x4aa: {  	v11 =	vld.idx.msk [tilespmem:v9+s30+$0x0], $0xffff  }
0x4ab: {  	v2 =	vadd.f32 v3, v2;
	v3 =	vmul.f32 v4, v12;
	v4 =	vld.idx.msk [tilespmem:v9+s31+$0x0], $0xffff;
	v9 =	vor.u32 $0xE, v1  }
0x4ac: {  	v12 =	vld.idx.msk [tilespmem:v6+s30+$0x0], $0xffff  }
0x4ad: {  	v2 =	vadd.f32 v3, v2;
	v3 =	vmul.f32 v5, v13;
	v5 =	vld.idx.msk [tilespmem:v6+s31+$0x0], $0xffff;
	v6 =	vor.u32 $0xF, v1  }
0x4ae: {  	v13 =	vld.idx.msk [tilespmem:v8+s30+$0x0], $0xffff  }
0x4af: {  	v2 =	vadd.f32 v3, v2;
	v3 =	vmul.f32 v7, v10;
	v7 =	vld.idx.msk [tilespmem:v8+s31+$0x0], $0xffff;
	v8 =	vor.u32 $0x10, v1  }
0x4b0: {  	v10 =	vld.idx.msk [tilespmem:v9+s30+$0x0], $0xffff  }
0x4b1: {  	v2 =	vadd.f32 v3, v2;
	v3 =	vmul.f32 v4, v11;
	v4 =	vld.idx.msk [tilespmem:v9+s31+$0x0], $0xffff;
	v9 =	vor.u32 $0x11, v1  }
0x4b2: {  	v11 =	vld.idx.msk [tilespmem:v6+s30+$0x0], $0xffff  }
0x4b3: {  	v2 =	vadd.f32 v3, v2;
	v3 =	vmul.f32 v5, v12;
	v5 =	vld.idx.msk [tilespmem:v6+s31+$0x0], $0xffff;
	v6 =	vor.u32 $0x12, v1  }
0x4b4: {  	v12 =	vld.idx.msk [tilespmem:v8+s30+$0x0], $0xffff  }
0x4b5: {  	v2 =	vadd.f32 v3, v2;
	v3 =	vmul.f32 v7, v13;
	v7 =	vld.idx.msk [tilespmem:v8+s31+$0x0], $0xffff;
	v8 =	vor.u32 $0x13, v1  }
0x4b6: {  	v13 =	vld.idx.msk [tilespmem:v9+s30+$0x0], $0xffff  }
0x4b7: {  	v2 =	vadd.f32 v3, v2;
	v3 =	vmul.f32 v4, v10;
	v4 =	vld.idx.msk [tilespmem:v9+s31+$0x0], $0xffff;
	v9 =	vor.u32 $0x14, v1  }
0x4b8: {  	v10 =	vld.idx.msk [tilespmem:v6+s30+$0x0], $0xffff  }
0x4b9: {  	v2 =	vadd.f32 v3, v2;
	v3 =	vmul.f32 v5, v11;
	v5 =	vld.idx.msk [tilespmem:v6+s31+$0x0], $0xffff;
	v6 =	vor.u32 $0x15, v1  }
0x4ba: {  	v11 =	vld.idx.msk [tilespmem:v8+s30+$0x0], $0xffff  }
0x4bb: {  	v2 =	vadd.f32 v3, v2;
	v3 =	vmul.f32 v7, v12;
	v7 =	vld.idx.msk [tilespmem:v8+s31+$0x0], $0xffff;
	v8 =	vor.u32 $0x16, v1  }
0x4bc: {  	v12 =	vld.idx.msk [tilespmem:v9+s30+$0x0], $0xffff  }
0x4bd: {  	v2 =	vadd.f32 v3, v2;
	v3 =	vmul.f32 v4, v13;
	v4 =	vld.idx.msk [tilespmem:v9+s31+$0x0], $0xffff;
	v9 =	vor.u32 $0x17, v1  }
0x4be: {  	v13 =	vld.idx.msk [tilespmem:v6+s30+$0x0], $0xffff  }
0x4bf: {  	v2 =	vadd.f32 v3, v2;
	v3 =	vmul.f32 v5, v10;
	v5 =	vld.idx.msk [tilespmem:v6+s31+$0x0], $0xffff;
	v6 =	vor.u32 $0x18, v1  }
0x4c0: {  	v10 =	vld.idx.msk [tilespmem:v8+s30+$0x0], $0xffff  }
0x4c1: {  	v2 =	vadd.f32 v3, v2;
	v3 =	vmul.f32 v7, v11;
	v7 =	vld.idx.msk [tilespmem:v8+s31+$0x0], $0xffff;
	v8 =	vor.u32 $0x19, v1  }
0x4c2: {  	v11 =	vld.idx.msk [tilespmem:v9+s30+$0x0], $0xffff  }
0x4c3: {  	v2 =	vadd.f32 v3, v2;
	v3 =	vmul.f32 v4, v12;
	v4 =	vld.idx.msk [tilespmem:v9+s31+$0x0], $0xffff;
	v9 =	vor.u32 $0x1A, v1  }
0x4c4: {  	v12 =	vld.idx.msk [tilespmem:v6+s30+$0x0], $0xffff  }
0x4c5: {  	v2 =	vadd.f32 v3, v2;
	v3 =	vmul.f32 v5, v13;
	v5 =	vld.idx.msk [tilespmem:v6+s31+$0x0], $0xffff;
	v6 =	vor.u32 $0x1B, v1  }
0x4c6: {  	v13 =	vld.idx.msk [tilespmem:v8+s30+$0x0], $0xffff  }
0x4c7: {  	v2 =	vadd.f32 v3, v2;
	v3 =	vmul.f32 v7, v10;
	v7 =	vld.idx.msk [tilespmem:v8+s31+$0x0], $0xffff;
	v8 =	vor.u32 $0x1C, v1  }
0x4c8: {  	v10 =	vld.idx.msk [tilespmem:v9+s30+$0x0], $0xffff  }
0x4c9: {  	v2 =	vadd.f32 v3, v2;
	v3 =	vmul.f32 v4, v11;
	v4 =	vld.idx.msk [tilespmem:v9+s31+$0x0], $0xffff;
	v9 =	vor.u32 $0x1D, v1  }
0x4ca: {  	v11 =	vld.idx.msk [tilespmem:v6+s30+$0x0], $0xffff  }
0x4cb: {  	v2 =	vadd.f32 v3, v2;
	v3 =	vmul.f32 v5, v12;
	v5 =	vld.idx.msk [tilespmem:v6+s31+$0x0], $0xffff;
	v6 =	vor.u32 $0x1E, v1  }
0x4cc: {  	v12 =	vld.idx.msk [tilespmem:v8+s30+$0x0], $0xffff  }
0x4cd: {  	v1 =	vor.u32 $0x1F, v1;
	v2 =	vadd.f32 v3, v2;
	v3 =	vmul.f32 v7, v13;
	v7 =	vld.idx.msk [tilespmem:v8+s31+$0x0], $0xffff  }
0x4ce: {  	v8 =	vld.idx.msk [tilespmem:v9+s30+$0x0], $0xffff  }
0x4cf: {  	v2 =	vadd.f32 v3, v2;
	v3 =	vmul.f32 v4, v10;
	v4 =	vld.idx.msk [tilespmem:v9+s31+$0x0], $0xffff  }
0x4d0: {  	v9 =	vld.idx.msk [tilespmem:v6+s30+$0x0], $0xffff  }
0x4d1: {  	v3 =	vadd.f32 v3, v2;
	v5 =	vmul.f32 v5, v11;
	v6 =	vld.idx.msk [tilespmem:v6+s31+$0x0], $0xffff  }
0x4d2: {  	v2 =	vld.idx.msk [tilespmem:v1+s30+$0x0], $0xffff  }
0x4d3: {  	v5 =	vadd.f32 v5, v3;
	v7 =	vmul.f32 v7, v12;
	v3 =	vld.idx.msk [tilespmem:v1+s31+$0x0], $0xffff  }
.Ltmp6:
0x4d4: {  	(pc) =	sbr.rel @p0 .LBB2_14-.Ltmp6, $3  }
0x4d5: {  	v1 =	vadd.f32 v7, v5;
	v4 =	vmul.f32 v4, v8;
	_ =	sdelay $0x1  }
0x4d6: {  	v7 =	vmov s28;
	v4 =	vadd.f32 v4, v1;
	v5 =	vmul.f32 v6, v9  }
0x4d7: {  	s28 =	sadd.s32 $0x10, s28;
	v1 =	vshll.u32 v7, $0x7  }
0x4d8: {  	v1 =	vor.u32 v0, v1;
	v4 =	vadd.f32 v5, v4;
	v2 =	vmul.f32 v3, v2;
	_ =	sdelay $0x1  }
0x4d9: {  	v3 =	vor.u32 $0x1, v1;
	v2 =	vadd.f32 v2, v4  }
0x4da: {  	s26 =	sadd.s32 $0x10, s26  }
0x4db: {  	v4 =	vor.u32 $0x2, v1;
	[tilespmem:s26+$0x0] =	vst v2  }
0x4dc: {  	v2 =	vld.idx.msk [tilespmem:v1+s31+$0x0], $0xffff  }
0x4dd: {  	v6 =	vor.u32 $0x3, v1;
	v5 =	vld.idx.msk [tilespmem:v1+s30+$0x0], $0xffff  }
0x4de: {  	v7 =	vld.idx.msk [tilespmem:v3+s30+$0x0], $0xffff  }
0x4df: {  	v8 =	vor.u32 $0x4, v1;
	v3 =	vld.idx.msk [tilespmem:v3+s31+$0x0], $0xffff  }
0x4e0: {  	v9 =	vld.idx.msk [tilespmem:v4+s30+$0x0], $0xffff  }
0x4e1: {  	v10 =	vor.u32 $0x5, v1;
	v4 =	vld.idx.msk [tilespmem:v4+s31+$0x0], $0xffff  }
0x4e2: {  	v11 =	vld.idx.msk [tilespmem:v6+s30+$0x0], $0xffff;
	v2 =	vmul.f32 v2, v5  }
0x4e3: {  	v5 =	vld.idx.msk [tilespmem:v6+s31+$0x0], $0xffff;
	v6 =	vor.u32 $0x6, v1  }
0x4e4: {  	v12 =	vld.idx.msk [tilespmem:v8+s30+$0x0], $0xffff;
	v3 =	vmul.f32 v3, v7;
	v2 =	vadd.f32 $0.0e+00, v2  }
0x4e5: {  	v26 =	vor.u32 $0x7, v1;
	v7 =	vld.idx.msk [tilespmem:v8+s31+$0x0], $0xffff  }
0x4e6: {  	v13 =	vld.idx.msk [tilespmem:v10+s30+$0x0], $0xffff;
	v2 =	vadd.f32 v3, v2;
	v3 =	vmul.f32 v4, v9  }
0x4e7: {  	v27 =	vor.u32 $0x8, v1;
	v4 =	vld.idx.msk [tilespmem:v10+s31+$0x0], $0xffff  }
0x4e8: {  	v28 =	vld.idx.msk [tilespmem:v6+s30+$0x0], $0xffff;
	v2 =	vadd.f32 v3, v2;
	v3 =	vmul.f32 v5, v11  }
0x4e9: {  	v5 =	vld.idx.msk [tilespmem:v6+s31+$0x0], $0xffff;
	v6 =	vor.u32 $0x9, v1  }
0x4ea: {  	v29 =	vld.idx.msk [tilespmem:v26+s30+$0x0], $0xffff;
	v2 =	vadd.f32 v3, v2;
	v3 =	vmul.f32 v7, v12  }
0x4eb: {  	v30 =	vor.u32 $0xA, v1;
	v7 =	vld.idx.msk [tilespmem:v26+s31+$0x0], $0xffff  }
0x4ec: {  	v31 =	vld.idx.msk [tilespmem:v27+s30+$0x0], $0xffff;
	v2 =	vadd.f32 v3, v2;
	v3 =	vmul.f32 v4, v13  }
0x4ed: {  	v32 =	vor.u32 $0xB, v1;
	v4 =	vld.idx.msk [tilespmem:v27+s31+$0x0], $0xffff  }
0x4ee: {  	v33 =	vld.idx.msk [tilespmem:v6+s30+$0x0], $0xffff;
	v2 =	vadd.f32 v3, v2;
	v3 =	vmul.f32 v5, v28  }
0x4ef: {  	v5 =	vld.idx.msk [tilespmem:v6+s31+$0x0], $0xffff;
	v6 =	vor.u32 $0xC, v1  }
0x4f0: {  	v34 =	vld.idx.msk [tilespmem:v30+s30+$0x0], $0xffff;
	v2 =	vadd.f32 v3, v2;
	v3 =	vmul.f32 v7, v29  }
0x4f1: {  	v35 =	vor.u32 $0xD, v1;
	v7 =	vld.idx.msk [tilespmem:v30+s31+$0x0], $0xffff  }
0x4f2: {  	v36 =	vld.idx.msk [tilespmem:v32+s30+$0x0], $0xffff;
	v2 =	vadd.f32 v3, v2;
	v3 =	vmul.f32 v4, v31  }
0x4f3: {  	v37 =	vor.u32 $0xE, v1;
	v4 =	vld.idx.msk [tilespmem:v32+s31+$0x0], $0xffff  }
0x4f4: {  	v38 =	vld.idx.msk [tilespmem:v6+s30+$0x0], $0xffff;
	v2 =	vadd.f32 v3, v2;
	v3 =	vmul.f32 v5, v33  }
0x4f5: {  	v5 =	vld.idx.msk [tilespmem:v6+s31+$0x0], $0xffff;
	v6 =	vor.u32 $0xF, v1  }
0x4f6: {  	v39 =	vld.idx.msk [tilespmem:v35+s30+$0x0], $0xffff;
	v2 =	vadd.f32 v3, v2;
	v3 =	vmul.f32 v7, v34  }
0x4f7: {  	v40 =	vor.u32 $0x10, v1;
	v7 =	vld.idx.msk [tilespmem:v35+s31+$0x0], $0xffff  }
0x4f8: {  	v41 =	vld.idx.msk [tilespmem:v37+s30+$0x0], $0xffff;
	v2 =	vadd.f32 v3, v2;
	v3 =	vmul.f32 v4, v36  }
0x4f9: {  	v42 =	vor.u32 $0x11, v1;
	v4 =	vld.idx.msk [tilespmem:v37+s31+$0x0], $0xffff  }
0x4fa: {  	v43 =	vld.idx.msk [tilespmem:v6+s30+$0x0], $0xffff;
	v2 =	vadd.f32 v3, v2;
	v3 =	vmul.f32 v5, v38  }
0x4fb: {  	v5 =	vld.idx.msk [tilespmem:v6+s31+$0x0], $0xffff;
	v6 =	vor.u32 $0x12, v1  }
0x4fc: {  	v44 =	vld.idx.msk [tilespmem:v40+s30+$0x0], $0xffff;
	v2 =	vadd.f32 v3, v2;
	v3 =	vmul.f32 v7, v39  }
0x4fd: {  	v45 =	vor.u32 $0x13, v1;
	v7 =	vld.idx.msk [tilespmem:v40+s31+$0x0], $0xffff  }
0x4fe: {  	v46 =	vld.idx.msk [tilespmem:v42+s30+$0x0], $0xffff;
	v2 =	vadd.f32 v3, v2;
	v3 =	vmul.f32 v4, v41  }
0x4ff: {  	v47 =	vor.u32 $0x14, v1;
	v4 =	vld.idx.msk [tilespmem:v42+s31+$0x0], $0xffff  }
0x500: {  	v48 =	vld.idx.msk [tilespmem:v6+s30+$0x0], $0xffff;
	v2 =	vadd.f32 v3, v2;
	v3 =	vmul.f32 v5, v43  }
0x501: {  	v5 =	vld.idx.msk [tilespmem:v6+s31+$0x0], $0xffff;
	v6 =	vor.u32 $0x15, v1  }
0x502: {  	v49 =	vld.idx.msk [tilespmem:v45+s30+$0x0], $0xffff;
	v2 =	vadd.f32 v3, v2;
	v3 =	vmul.f32 v7, v44  }
0x503: {  	v50 =	vor.u32 $0x16, v1;
	v7 =	vld.idx.msk [tilespmem:v45+s31+$0x0], $0xffff  }
0x504: {  	v51 =	vld.idx.msk [tilespmem:v47+s30+$0x0], $0xffff;
	v2 =	vadd.f32 v3, v2;
	v3 =	vmul.f32 v4, v46  }
0x505: {  	v52 =	vor.u32 $0x17, v1;
	v4 =	vld.idx.msk [tilespmem:v47+s31+$0x0], $0xffff  }
0x506: {  	v53 =	vld.idx.msk [tilespmem:v6+s30+$0x0], $0xffff;
	v2 =	vadd.f32 v3, v2;
	v3 =	vmul.f32 v5, v48  }
0x507: {  	v5 =	vld.idx.msk [tilespmem:v6+s31+$0x0], $0xffff;
	v6 =	vor.u32 $0x18, v1  }
0x508: {  	v54 =	vld.idx.msk [tilespmem:v50+s30+$0x0], $0xffff;
	v2 =	vadd.f32 v3, v2;
	v3 =	vmul.f32 v7, v49  }
0x509: {  	v55 =	vor.u32 $0x19, v1;
	v7 =	vld.idx.msk [tilespmem:v50+s31+$0x0], $0xffff  }
0x50a: {  	v56 =	vld.idx.msk [tilespmem:v52+s30+$0x0], $0xffff;
	v2 =	vadd.f32 v3, v2;
	v3 =	vmul.f32 v4, v51  }
0x50b: {  	v57 =	vor.u32 $0x1A, v1;
	v4 =	vld.idx.msk [tilespmem:v52+s31+$0x0], $0xffff  }
0x50c: {  	v58 =	vld.idx.msk [tilespmem:v6+s30+$0x0], $0xffff;
	v2 =	vadd.f32 v3, v2;
	v3 =	vmul.f32 v5, v53  }
0x50d: {  	v5 =	vld.idx.msk [tilespmem:v6+s31+$0x0], $0xffff;
	v6 =	vor.u32 $0x1B, v1  }
0x50e: {  	v59 =	vld.idx.msk [tilespmem:v55+s30+$0x0], $0xffff;
	v2 =	vadd.f32 v3, v2;
	v3 =	vmul.f32 v7, v54  }
0x50f: {  	v60 =	vor.u32 $0x1C, v1;
	v7 =	vld.idx.msk [tilespmem:v55+s31+$0x0], $0xffff  }
0x510: {  	v61 =	vld.idx.msk [tilespmem:v57+s30+$0x0], $0xffff;
	v2 =	vadd.f32 v3, v2;
	v3 =	vmul.f32 v4, v56  }
0x511: {  	v62 =	vor.u32 $0x1D, v1;
	v4 =	vld.idx.msk [tilespmem:v57+s31+$0x0], $0xffff  }
0x512: {  	v63 =	vld.idx.msk [tilespmem:v6+s30+$0x0], $0xffff;
	v2 =	vadd.f32 v3, v2;
	v3 =	vmul.f32 v5, v58  }
0x513: {  	v5 =	vld.idx.msk [tilespmem:v6+s31+$0x0], $0xffff;
	v6 =	vor.u32 $0x1E, v1  }
0x514: {  	v16 =	vld.idx.msk [tilespmem:v60+s30+$0x0], $0xffff;
	v2 =	vadd.f32 v3, v2;
	v3 =	vmul.f32 v7, v59  }
0x515: {  	v1 =	vor.u32 $0x1F, v1;
	v7 =	vld.idx.msk [tilespmem:v60+s31+$0x0], $0xffff  }
0x516: {  	v17 =	vld.idx.msk [tilespmem:v62+s30+$0x0], $0xffff;
	v2 =	vadd.f32 v3, v2;
	v3 =	vmul.f32 v4, v61  }
0x517: {  	v4 =	vld.idx.msk [tilespmem:v62+s31+$0x0], $0xffff  }
0x518: {  	v18 =	vld.idx.msk [tilespmem:v6+s30+$0x0], $0xffff;
	v2 =	vadd.f32 v3, v2;
	v3 =	vmul.f32 v5, v63  }
0x519: {  	v5 =	vld.idx.msk [tilespmem:v6+s31+$0x0], $0xffff  }
0x51a: {  	v6 =	vld.idx.msk [tilespmem:v1+s30+$0x0], $0xffff;
	v2 =	vadd.f32 v3, v2;
	v3 =	vmul.f32 v7, v16  }
0x51b: {  	v1 =	vld.idx.msk [tilespmem:v1+s31+$0x0], $0xffff  }
0x51c: {  	v2 =	vadd.f32 v3, v2;
	v3 =	vmul.f32 v4, v17;
	_ =	sdelay $0x1  }
0x51d: {  	v2 =	vadd.f32 v3, v2;
	v3 =	vmul.f32 v5, v18;
	_ =	sdelay $0x1  }
0x51e: {  	v1 =	vmul.f32 v1, v6;
	v2 =	vadd.f32 v3, v2;
	_ =	sdelay $0x1  }
0x51f: {  	v1 =	vadd.f32 v1, v2  }
0x520: {  	s8 =	simm.s32 $0x0;
	s5 =	sadd.s32 $0x10, s26  }
0x521: {  	[tilespmem:s5+$0x0] =	vst v1;
	v1 =	vmov s8  }
0x522: {  	_ =	swait.ge [sflag:s0], $0x4000;
	v1 =	vshll.u32 v1, $0x7  }
0x523: {  	[sflag:s0] =	ssyncset.done $0x0;
	v1 =	vor.u32 v0, v1  }
0x524: {  	[sflag:s0] =	ssyncadd.s32 $0xFFFFC000  }
0x525: {  	v2 =	vor.u32 $0x1, v1;
	_ =	swait.ge [sflag:s0], $0x4000  }
0x526: {  	[sflag:s0] =	ssyncset.done $0x0  }
0x527: {  	v3 =	vor.u32 $0x2, v1;
	[sflag:s0] =	ssyncadd.s32 $0xFFFFC000  }
0x528: {  	v4 =	vld.idx.msk [tilespmem:v1+s23+$0x0], $0xffff  }
0x529: {  	v6 =	vor.u32 $0x3, v1;
	v5 =	vld.idx.msk [tilespmem:v1+s2+$0x0], $0xffff  }
0x52a: {  	v7 =	vld.idx.msk [tilespmem:v2+s2+$0x0], $0xffff  }
0x52b: {  	v19 =	vor.u32 $0x4, v1;
	v2 =	vld.idx.msk [tilespmem:v2+s23+$0x0], $0xffff  }
0x52c: {  	v20 =	vld.idx.msk [tilespmem:v3+s2+$0x0], $0xffff  }
0x52d: {  	v21 =	vor.u32 $0x5, v1;
	v3 =	vld.idx.msk [tilespmem:v3+s23+$0x0], $0xffff  }
0x52e: {  	v22 =	vld.idx.msk [tilespmem:v6+s2+$0x0], $0xffff;
	v4 =	vmul.f32 v4, v5  }
0x52f: {  	v5 =	vld.idx.msk [tilespmem:v6+s23+$0x0], $0xffff;
	v6 =	vor.u32 $0x6, v1  }
0x530: {  	v23 =	vld.idx.msk [tilespmem:v19+s2+$0x0], $0xffff;
	v2 =	vmul.f32 v2, v7;
	v4 =	vadd.f32 $0.0e+00, v4  }
0x531: {  	v24 =	vor.u32 $0x7, v1;
	v7 =	vld.idx.msk [tilespmem:v19+s23+$0x0], $0xffff  }
0x532: {  	v25 =	vld.idx.msk [tilespmem:v21+s2+$0x0], $0xffff;
	v3 =	vmul.f32 v3, v20;
	v2 =	vadd.f32 v2, v4  }
0x533: {  	v26 =	vor.u32 $0x8, v1;
	v4 =	vld.idx.msk [tilespmem:v21+s23+$0x0], $0xffff  }
0x534: {  	v27 =	vld.idx.msk [tilespmem:v6+s2+$0x0], $0xffff;
	v2 =	vadd.f32 v3, v2;
	v3 =	vmul.f32 v5, v22  }
0x535: {  	v5 =	vld.idx.msk [tilespmem:v6+s23+$0x0], $0xffff;
	v6 =	vor.u32 $0x9, v1  }
0x536: {  	v28 =	vld.idx.msk [tilespmem:v24+s2+$0x0], $0xffff;
	v2 =	vadd.f32 v3, v2;
	v3 =	vmul.f32 v7, v23  }
0x537: {  	v29 =	vor.u32 $0xA, v1;
	v7 =	vld.idx.msk [tilespmem:v24+s23+$0x0], $0xffff  }
0x538: {  	v30 =	vld.idx.msk [tilespmem:v26+s2+$0x0], $0xffff;
	v2 =	vadd.f32 v3, v2;
	v3 =	vmul.f32 v4, v25  }
0x539: {  	v31 =	vor.u32 $0xB, v1;
	v4 =	vld.idx.msk [tilespmem:v26+s23+$0x0], $0xffff  }
0x53a: {  	v32 =	vld.idx.msk [tilespmem:v6+s2+$0x0], $0xffff;
	v2 =	vadd.f32 v3, v2;
	v3 =	vmul.f32 v5, v27  }
0x53b: {  	v5 =	vld.idx.msk [tilespmem:v6+s23+$0x0], $0xffff;
	v6 =	vor.u32 $0xC, v1  }
0x53c: {  	v33 =	vld.idx.msk [tilespmem:v29+s2+$0x0], $0xffff;
	v2 =	vadd.f32 v3, v2;
	v3 =	vmul.f32 v7, v28  }
0x53d: {  	v34 =	vor.u32 $0xD, v1;
	v7 =	vld.idx.msk [tilespmem:v29+s23+$0x0], $0xffff  }
0x53e: {  	v35 =	vld.idx.msk [tilespmem:v31+s2+$0x0], $0xffff;
	v2 =	vadd.f32 v3, v2;
	v3 =	vmul.f32 v4, v30  }
0x53f: {  	v36 =	vor.u32 $0xE, v1;
	v4 =	vld.idx.msk [tilespmem:v31+s23+$0x0], $0xffff  }
0x540: {  	v37 =	vld.idx.msk [tilespmem:v6+s2+$0x0], $0xffff;
	v2 =	vadd.f32 v3, v2;
	v3 =	vmul.f32 v5, v32  }
0x541: {  	v5 =	vld.idx.msk [tilespmem:v6+s23+$0x0], $0xffff;
	v6 =	vor.u32 $0xF, v1  }
0x542: {  	v38 =	vld.idx.msk [tilespmem:v34+s2+$0x0], $0xffff;
	v2 =	vadd.f32 v3, v2;
	v3 =	vmul.f32 v7, v33  }
0x543: {  	v39 =	vor.u32 $0x10, v1;
	v7 =	vld.idx.msk [tilespmem:v34+s23+$0x0], $0xffff  }
0x544: {  	v40 =	vld.idx.msk [tilespmem:v36+s2+$0x0], $0xffff;
	v2 =	vadd.f32 v3, v2;
	v3 =	vmul.f32 v4, v35  }
0x545: {  	v41 =	vor.u32 $0x11, v1;
	v4 =	vld.idx.msk [tilespmem:v36+s23+$0x0], $0xffff  }
0x546: {  	v42 =	vld.idx.msk [tilespmem:v6+s2+$0x0], $0xffff;
	v2 =	vadd.f32 v3, v2;
	v3 =	vmul.f32 v5, v37  }
0x547: {  	v5 =	vld.idx.msk [tilespmem:v6+s23+$0x0], $0xffff;
	v6 =	vor.u32 $0x12, v1  }
0x548: {  	v43 =	vld.idx.msk [tilespmem:v39+s2+$0x0], $0xffff;
	v2 =	vadd.f32 v3, v2;
	v3 =	vmul.f32 v7, v38  }
0x549: {  	v44 =	vor.u32 $0x13, v1;
	v7 =	vld.idx.msk [tilespmem:v39+s23+$0x0], $0xffff  }
0x54a: {  	v45 =	vld.idx.msk [tilespmem:v41+s2+$0x0], $0xffff;
	v2 =	vadd.f32 v3, v2;
	v3 =	vmul.f32 v4, v40  }
0x54b: {  	v46 =	vor.u32 $0x14, v1;
	v4 =	vld.idx.msk [tilespmem:v41+s23+$0x0], $0xffff  }
0x54c: {  	v47 =	vld.idx.msk [tilespmem:v6+s2+$0x0], $0xffff;
	v2 =	vadd.f32 v3, v2;
	v3 =	vmul.f32 v5, v42  }
0x54d: {  	v5 =	vld.idx.msk [tilespmem:v6+s23+$0x0], $0xffff;
	v6 =	vor.u32 $0x15, v1  }
0x54e: {  	v48 =	vld.idx.msk [tilespmem:v44+s2+$0x0], $0xffff;
	v2 =	vadd.f32 v3, v2;
	v3 =	vmul.f32 v7, v43  }
0x54f: {  	v49 =	vor.u32 $0x16, v1;
	v7 =	vld.idx.msk [tilespmem:v44+s23+$0x0], $0xffff  }
0x550: {  	v50 =	vld.idx.msk [tilespmem:v46+s2+$0x0], $0xffff;
	v2 =	vadd.f32 v3, v2;
	v3 =	vmul.f32 v4, v45  }
0x551: {  	v51 =	vor.u32 $0x17, v1;
	v4 =	vld.idx.msk [tilespmem:v46+s23+$0x0], $0xffff  }
0x552: {  	v52 =	vld.idx.msk [tilespmem:v6+s2+$0x0], $0xffff;
	v2 =	vadd.f32 v3, v2;
	v3 =	vmul.f32 v5, v47  }
0x553: {  	v5 =	vld.idx.msk [tilespmem:v6+s23+$0x0], $0xffff;
	v6 =	vor.u32 $0x18, v1  }
0x554: {  	v53 =	vld.idx.msk [tilespmem:v49+s2+$0x0], $0xffff;
	v2 =	vadd.f32 v3, v2;
	v3 =	vmul.f32 v7, v48  }
0x555: {  	v54 =	vor.u32 $0x19, v1;
	v7 =	vld.idx.msk [tilespmem:v49+s23+$0x0], $0xffff  }
0x556: {  	v55 =	vld.idx.msk [tilespmem:v51+s2+$0x0], $0xffff;
	v2 =	vadd.f32 v3, v2;
	v3 =	vmul.f32 v4, v50  }
0x557: {  	v56 =	vor.u32 $0x1A, v1;
	v4 =	vld.idx.msk [tilespmem:v51+s23+$0x0], $0xffff  }
0x558: {  	v57 =	vld.idx.msk [tilespmem:v6+s2+$0x0], $0xffff;
	v2 =	vadd.f32 v3, v2;
	v3 =	vmul.f32 v5, v52  }
0x559: {  	v5 =	vld.idx.msk [tilespmem:v6+s23+$0x0], $0xffff;
	v6 =	vor.u32 $0x1B, v1  }
0x55a: {  	v58 =	vld.idx.msk [tilespmem:v54+s2+$0x0], $0xffff;
	v2 =	vadd.f32 v3, v2;
	v3 =	vmul.f32 v7, v53  }
0x55b: {  	v59 =	vor.u32 $0x1C, v1;
	v7 =	vld.idx.msk [tilespmem:v54+s23+$0x0], $0xffff  }
0x55c: {  	v60 =	vld.idx.msk [tilespmem:v56+s2+$0x0], $0xffff;
	v2 =	vadd.f32 v3, v2;
	v3 =	vmul.f32 v4, v55  }
0x55d: {  	v61 =	vor.u32 $0x1D, v1;
	v4 =	vld.idx.msk [tilespmem:v56+s23+$0x0], $0xffff  }
0x55e: {  	v62 =	vld.idx.msk [tilespmem:v6+s2+$0x0], $0xffff;
	v2 =	vadd.f32 v3, v2;
	v3 =	vmul.f32 v5, v57  }
0x55f: {  	v5 =	vld.idx.msk [tilespmem:v6+s23+$0x0], $0xffff;
	v6 =	vor.u32 $0x1E, v1  }
0x560: {  	v63 =	vld.idx.msk [tilespmem:v59+s2+$0x0], $0xffff;
	v2 =	vadd.f32 v3, v2;
	v3 =	vmul.f32 v7, v58  }
0x561: {  	v1 =	vor.u32 $0x1F, v1;
	v7 =	vld.idx.msk [tilespmem:v59+s23+$0x0], $0xffff  }
0x562: {  	v15 =	vld.idx.msk [tilespmem:v61+s2+$0x0], $0xffff;
	v2 =	vadd.f32 v3, v2;
	v3 =	vmul.f32 v4, v60  }
0x563: {  	v4 =	vld.idx.msk [tilespmem:v61+s23+$0x0], $0xffff  }
0x564: {  	v16 =	vld.idx.msk [tilespmem:v6+s2+$0x0], $0xffff;
	v2 =	vadd.f32 v3, v2;
	v3 =	vmul.f32 v5, v62  }
0x565: {  	v5 =	vld.idx.msk [tilespmem:v6+s23+$0x0], $0xffff  }
0x566: {  	v6 =	vld.idx.msk [tilespmem:v1+s2+$0x0], $0xffff;
	v2 =	vadd.f32 v3, v2;
	v3 =	vmul.f32 v7, v63  }
0x567: {  	v7 =	vld.idx.msk [tilespmem:v1+s23+$0x0], $0xffff  }
0x568: {  	v1 =	vadd.f32 v3, v2;
	v2 =	vmul.f32 v4, v15  }
0x569: {  	s26 =	simm.s32 $0x10  }
0x56a: {  	v3 =	vmov s26;
	v4 =	vmul.f32 v5, v16;
	v2 =	vadd.f32 v2, v1  }
0x56b: {  	v1 =	vshll.u32 v3, $0x7  }
0x56c: {  	v1 =	vor.u32 v0, v1;
	v3 =	vmul.f32 v7, v6;
	v2 =	vadd.f32 v4, v2;
	_ =	sdelay $0x1  }
0x56d: {  	v4 =	vor.u32 $0x1, v1;
	v2 =	vadd.f32 v3, v2  }
0x56e: {  	s26 =	simm.s32 $0x10580  }
0x56f: {  	v3 =	vor.u32 $0x2, v1;
	[tilespmem:s26+$0x0] =	vst v2  }
0x570: {  	v2 =	vld.idx.msk [tilespmem:v1+s23+$0x0], $0xffff  }
0x571: {  	v6 =	vor.u32 $0x3, v1;
	v5 =	vld.idx.msk [tilespmem:v1+s2+$0x0], $0xffff  }
0x572: {  	v7 =	vld.idx.msk [tilespmem:v4+s2+$0x0], $0xffff  }
0x573: {  	v17 =	vor.u32 $0x4, v1;
	v4 =	vld.idx.msk [tilespmem:v4+s23+$0x0], $0xffff  }
0x574: {  	v18 =	vld.idx.msk [tilespmem:v3+s2+$0x0], $0xffff  }
0x575: {  	v19 =	vor.u32 $0x5, v1;
	v3 =	vld.idx.msk [tilespmem:v3+s23+$0x0], $0xffff  }
0x576: {  	v20 =	vld.idx.msk [tilespmem:v6+s2+$0x0], $0xffff;
	v2 =	vmul.f32 v2, v5  }
0x577: {  	v5 =	vld.idx.msk [tilespmem:v6+s23+$0x0], $0xffff;
	v6 =	vor.u32 $0x6, v1  }
0x578: {  	v21 =	vld.idx.msk [tilespmem:v17+s2+$0x0], $0xffff;
	v4 =	vmul.f32 v4, v7;
	v2 =	vadd.f32 $0.0e+00, v2  }
0x579: {  	v22 =	vor.u32 $0x7, v1;
	v7 =	vld.idx.msk [tilespmem:v17+s23+$0x0], $0xffff  }
0x57a: {  	v23 =	vld.idx.msk [tilespmem:v19+s2+$0x0], $0xffff;
	v3 =	vmul.f32 v3, v18;
	v2 =	vadd.f32 v4, v2  }
0x57b: {  	v24 =	vor.u32 $0x8, v1;
	v4 =	vld.idx.msk [tilespmem:v19+s23+$0x0], $0xffff  }
0x57c: {  	v25 =	vld.idx.msk [tilespmem:v6+s2+$0x0], $0xffff;
	v2 =	vadd.f32 v3, v2;
	v3 =	vmul.f32 v5, v20  }
0x57d: {  	v5 =	vld.idx.msk [tilespmem:v6+s23+$0x0], $0xffff;
	v6 =	vor.u32 $0x9, v1  }
0x57e: {  	v26 =	vld.idx.msk [tilespmem:v22+s2+$0x0], $0xffff;
	v2 =	vadd.f32 v3, v2;
	v3 =	vmul.f32 v7, v21  }
0x57f: {  	v27 =	vor.u32 $0xA, v1;
	v7 =	vld.idx.msk [tilespmem:v22+s23+$0x0], $0xffff  }
0x580: {  	v28 =	vld.idx.msk [tilespmem:v24+s2+$0x0], $0xffff;
	v2 =	vadd.f32 v3, v2;
	v3 =	vmul.f32 v4, v23  }
0x581: {  	v29 =	vor.u32 $0xB, v1;
	v4 =	vld.idx.msk [tilespmem:v24+s23+$0x0], $0xffff  }
0x582: {  	v30 =	vld.idx.msk [tilespmem:v6+s2+$0x0], $0xffff;
	v2 =	vadd.f32 v3, v2;
	v3 =	vmul.f32 v5, v25  }
0x583: {  	v5 =	vld.idx.msk [tilespmem:v6+s23+$0x0], $0xffff;
	v6 =	vor.u32 $0xC, v1  }
0x584: {  	v31 =	vld.idx.msk [tilespmem:v27+s2+$0x0], $0xffff;
	v2 =	vadd.f32 v3, v2;
	v3 =	vmul.f32 v7, v26  }
0x585: {  	v32 =	vor.u32 $0xD, v1;
	v7 =	vld.idx.msk [tilespmem:v27+s23+$0x0], $0xffff  }
0x586: {  	v33 =	vld.idx.msk [tilespmem:v29+s2+$0x0], $0xffff;
	v2 =	vadd.f32 v3, v2;
	v3 =	vmul.f32 v4, v28  }
0x587: {  	v34 =	vor.u32 $0xE, v1;
	v4 =	vld.idx.msk [tilespmem:v29+s23+$0x0], $0xffff  }
0x588: {  	v35 =	vld.idx.msk [tilespmem:v6+s2+$0x0], $0xffff;
	v2 =	vadd.f32 v3, v2;
	v3 =	vmul.f32 v5, v30  }
0x589: {  	v5 =	vld.idx.msk [tilespmem:v6+s23+$0x0], $0xffff;
	v6 =	vor.u32 $0xF, v1  }
0x58a: {  	v36 =	vld.idx.msk [tilespmem:v32+s2+$0x0], $0xffff;
	v2 =	vadd.f32 v3, v2;
	v3 =	vmul.f32 v7, v31  }
0x58b: {  	v37 =	vor.u32 $0x10, v1;
	v7 =	vld.idx.msk [tilespmem:v32+s23+$0x0], $0xffff  }
0x58c: {  	v38 =	vld.idx.msk [tilespmem:v34+s2+$0x0], $0xffff;
	v2 =	vadd.f32 v3, v2;
	v3 =	vmul.f32 v4, v33  }
0x58d: {  	v39 =	vor.u32 $0x11, v1;
	v4 =	vld.idx.msk [tilespmem:v34+s23+$0x0], $0xffff  }
0x58e: {  	v40 =	vld.idx.msk [tilespmem:v6+s2+$0x0], $0xffff;
	v2 =	vadd.f32 v3, v2;
	v3 =	vmul.f32 v5, v35  }
0x58f: {  	v5 =	vld.idx.msk [tilespmem:v6+s23+$0x0], $0xffff;
	v6 =	vor.u32 $0x12, v1  }
0x590: {  	v41 =	vld.idx.msk [tilespmem:v37+s2+$0x0], $0xffff;
	v2 =	vadd.f32 v3, v2;
	v3 =	vmul.f32 v7, v36  }
0x591: {  	v42 =	vor.u32 $0x13, v1;
	v7 =	vld.idx.msk [tilespmem:v37+s23+$0x0], $0xffff  }
0x592: {  	v43 =	vld.idx.msk [tilespmem:v39+s2+$0x0], $0xffff;
	v2 =	vadd.f32 v3, v2;
	v3 =	vmul.f32 v4, v38  }
0x593: {  	v44 =	vor.u32 $0x14, v1;
	v4 =	vld.idx.msk [tilespmem:v39+s23+$0x0], $0xffff  }
0x594: {  	v45 =	vld.idx.msk [tilespmem:v6+s2+$0x0], $0xffff;
	v2 =	vadd.f32 v3, v2;
	v3 =	vmul.f32 v5, v40  }
0x595: {  	v5 =	vld.idx.msk [tilespmem:v6+s23+$0x0], $0xffff;
	v6 =	vor.u32 $0x15, v1  }
0x596: {  	v46 =	vld.idx.msk [tilespmem:v42+s2+$0x0], $0xffff;
	v2 =	vadd.f32 v3, v2;
	v3 =	vmul.f32 v7, v41  }
0x597: {  	v47 =	vor.u32 $0x16, v1;
	v7 =	vld.idx.msk [tilespmem:v42+s23+$0x0], $0xffff  }
0x598: {  	v48 =	vld.idx.msk [tilespmem:v44+s2+$0x0], $0xffff;
	v2 =	vadd.f32 v3, v2;
	v3 =	vmul.f32 v4, v43  }
0x599: {  	v49 =	vor.u32 $0x17, v1;
	v4 =	vld.idx.msk [tilespmem:v44+s23+$0x0], $0xffff  }
0x59a: {  	v50 =	vld.idx.msk [tilespmem:v6+s2+$0x0], $0xffff;
	v2 =	vadd.f32 v3, v2;
	v3 =	vmul.f32 v5, v45  }
0x59b: {  	v5 =	vld.idx.msk [tilespmem:v6+s23+$0x0], $0xffff;
	v6 =	vor.u32 $0x18, v1  }
0x59c: {  	v51 =	vld.idx.msk [tilespmem:v47+s2+$0x0], $0xffff;
	v2 =	vadd.f32 v3, v2;
	v3 =	vmul.f32 v7, v46  }
0x59d: {  	v52 =	vor.u32 $0x19, v1;
	v7 =	vld.idx.msk [tilespmem:v47+s23+$0x0], $0xffff  }
0x59e: {  	v53 =	vld.idx.msk [tilespmem:v49+s2+$0x0], $0xffff;
	v2 =	vadd.f32 v3, v2;
	v3 =	vmul.f32 v4, v48  }
0x59f: {  	v54 =	vor.u32 $0x1A, v1;
	v4 =	vld.idx.msk [tilespmem:v49+s23+$0x0], $0xffff  }
0x5a0: {  	v55 =	vld.idx.msk [tilespmem:v6+s2+$0x0], $0xffff;
	v2 =	vadd.f32 v3, v2;
	v3 =	vmul.f32 v5, v50  }
0x5a1: {  	v5 =	vld.idx.msk [tilespmem:v6+s23+$0x0], $0xffff;
	v6 =	vor.u32 $0x1B, v1  }
0x5a2: {  	v56 =	vld.idx.msk [tilespmem:v52+s2+$0x0], $0xffff;
	v2 =	vadd.f32 v3, v2;
	v3 =	vmul.f32 v7, v51  }
0x5a3: {  	v57 =	vor.u32 $0x1C, v1;
	v7 =	vld.idx.msk [tilespmem:v52+s23+$0x0], $0xffff  }
0x5a4: {  	v58 =	vld.idx.msk [tilespmem:v54+s2+$0x0], $0xffff;
	v2 =	vadd.f32 v3, v2;
	v3 =	vmul.f32 v4, v53  }
0x5a5: {  	v4 =	vld.idx.msk [tilespmem:v54+s23+$0x0], $0xffff  }
0x5a6: {  	v60 =	vld.idx.msk [tilespmem:v6+s2+$0x0], $0xffff;
	v2 =	vadd.f32 v3, v2;
	v3 =	vmul.f32 v5, v55  }
0x5a7: {  	v59 =	vor.u32 $0x1D, v1;
	v5 =	vld.idx.msk [tilespmem:v6+s23+$0x0], $0xffff  }
0x5a8: {  	v61 =	vld.idx.msk [tilespmem:v57+s2+$0x0], $0xffff;
	v2 =	vadd.f32 v3, v2;
	v3 =	vmul.f32 v7, v56  }
0x5a9: {  	v6 =	vor.u32 $0x1E, v1;
	v7 =	vld.idx.msk [tilespmem:v57+s23+$0x0], $0xffff  }
0x5aa: {  	v2 =	vadd.f32 v3, v2;
	v3 =	vmul.f32 v4, v58  }
0x5ab: {  	v1 =	vor.u32 $0x1F, v1  }
0x5ac: {  	v62 =	vld.idx.msk [tilespmem:v59+s2+$0x0], $0xffff;
	v2 =	vadd.f32 v3, v2;
	v3 =	vmul.f32 v5, v60  }
0x5ad: {  	v4 =	vld.idx.msk [tilespmem:v59+s23+$0x0], $0xffff  }
0x5ae: {  	v63 =	vld.idx.msk [tilespmem:v6+s2+$0x0], $0xffff;
	v2 =	vadd.f32 v3, v2;
	v3 =	vmul.f32 v7, v61  }
0x5af: {  	v5 =	vld.idx.msk [tilespmem:v6+s23+$0x0], $0xffff  }
0x5b0: {  	v6 =	vadd.f32 v3, v2;
	v2 =	vld.idx.msk [tilespmem:v1+s2+$0x0], $0xffff  }
0x5b1: {  	v3 =	vld.idx.msk [tilespmem:v1+s23+$0x0], $0xffff  }
0x5b2: {  	v4 =	vmul.f32 v4, v62  }
0x5b3: {  	s29 =	simm.s32 $0x20  }
0x5b4: {  	v7 =	vmov s29;
	v5 =	vmul.f32 v5, v63;
	v4 =	vadd.f32 v4, v6  }
0x5b5: {  	s28 =	simm.s32 $0x30;
	v1 =	vshll.u32 v7, $0x7  }
.LBB2_16:
0x5b6: {  	p0 =	sne.s32 s28, $0x70;
	v1 =	vor.u32 v0, v1;
	v4 =	vadd.f32 v5, v4;
	v2 =	vmul.f32 v3, v2;
	_ =	sdelay $0x1  }
0x5b7: {  	v3 =	vor.u32 $0x1, v1;
	v2 =	vadd.f32 v2, v4  }
0x5b8: {  	s26 =	sadd.s32 $0x10, s26  }
0x5b9: {  	v4 =	vor.u32 $0x2, v1;
	[tilespmem:s26+$0x0] =	vst v2  }
0x5ba: {  	v2 =	vld.idx.msk [tilespmem:v1+s23+$0x0], $0xffff  }
0x5bb: {  	v6 =	vor.u32 $0x3, v1;
	v5 =	vld.idx.msk [tilespmem:v1+s2+$0x0], $0xffff  }
0x5bc: {  	v7 =	vld.idx.msk [tilespmem:v3+s2+$0x0], $0xffff  }
0x5bd: {  	v8 =	vor.u32 $0x4, v1;
	v3 =	vld.idx.msk [tilespmem:v3+s23+$0x0], $0xffff  }
0x5be: {  	v9 =	vld.idx.msk [tilespmem:v4+s2+$0x0], $0xffff  }
0x5bf: {  	v10 =	vor.u32 $0x5, v1;
	v4 =	vld.idx.msk [tilespmem:v4+s23+$0x0], $0xffff  }
0x5c0: {  	v11 =	vld.idx.msk [tilespmem:v6+s2+$0x0], $0xffff  }
0x5c1: {  	v2 =	vmul.f32 v2, v5;
	v5 =	vld.idx.msk [tilespmem:v6+s23+$0x0], $0xffff;
	v6 =	vor.u32 $0x6, v1  }
0x5c2: {  	v12 =	vld.idx.msk [tilespmem:v8+s2+$0x0], $0xffff  }
0x5c3: {  	v2 =	vadd.f32 $0.0e+00, v2;
	v3 =	vmul.f32 v3, v7;
	v7 =	vld.idx.msk [tilespmem:v8+s23+$0x0], $0xffff;
	v8 =	vor.u32 $0x7, v1  }
0x5c4: {  	v13 =	vld.idx.msk [tilespmem:v10+s2+$0x0], $0xffff  }
0x5c5: {  	v2 =	vadd.f32 v3, v2;
	v3 =	vmul.f32 v4, v9;
	v9 =	vor.u32 $0x8, v1;
	v4 =	vld.idx.msk [tilespmem:v10+s23+$0x0], $0xffff  }
0x5c6: {  	v10 =	vld.idx.msk [tilespmem:v6+s2+$0x0], $0xffff  }
0x5c7: {  	v2 =	vadd.f32 v3, v2;
	v3 =	vmul.f32 v5, v11;
	v5 =	vld.idx.msk [tilespmem:v6+s23+$0x0], $0xffff;
	v6 =	vor.u32 $0x9, v1  }
0x5c8: {  	v11 =	vld.idx.msk [tilespmem:v8+s2+$0x0], $0xffff  }
0x5c9: {  	v2 =	vadd.f32 v3, v2;
	v3 =	vmul.f32 v7, v12;
	v7 =	vld.idx.msk [tilespmem:v8+s23+$0x0], $0xffff;
	v8 =	vor.u32 $0xA, v1  }
0x5ca: {  	v12 =	vld.idx.msk [tilespmem:v9+s2+$0x0], $0xffff  }
0x5cb: {  	v2 =	vadd.f32 v3, v2;
	v3 =	vmul.f32 v4, v13;
	v4 =	vld.idx.msk [tilespmem:v9+s23+$0x0], $0xffff;
	v9 =	vor.u32 $0xB, v1  }
0x5cc: {  	v13 =	vld.idx.msk [tilespmem:v6+s2+$0x0], $0xffff  }
0x5cd: {  	v2 =	vadd.f32 v3, v2;
	v3 =	vmul.f32 v5, v10;
	v5 =	vld.idx.msk [tilespmem:v6+s23+$0x0], $0xffff;
	v6 =	vor.u32 $0xC, v1  }
0x5ce: {  	v10 =	vld.idx.msk [tilespmem:v8+s2+$0x0], $0xffff  }
0x5cf: {  	v2 =	vadd.f32 v3, v2;
	v3 =	vmul.f32 v7, v11;
	v7 =	vld.idx.msk [tilespmem:v8+s23+$0x0], $0xffff;
	v8 =	vor.u32 $0xD, v1  }
0x5d0: {  	v11 =	vld.idx.msk [tilespmem:v9+s2+$0x0], $0xffff  }
0x5d1: {  	v2 =	vadd.f32 v3, v2;
	v3 =	vmul.f32 v4, v12;
	v4 =	vld.idx.msk [tilespmem:v9+s23+$0x0], $0xffff;
	v9 =	vor.u32 $0xE, v1  }
0x5d2: {  	v12 =	vld.idx.msk [tilespmem:v6+s2+$0x0], $0xffff  }
0x5d3: {  	v2 =	vadd.f32 v3, v2;
	v3 =	vmul.f32 v5, v13;
	v5 =	vld.idx.msk [tilespmem:v6+s23+$0x0], $0xffff;
	v6 =	vor.u32 $0xF, v1  }
0x5d4: {  	v13 =	vld.idx.msk [tilespmem:v8+s2+$0x0], $0xffff  }
0x5d5: {  	v2 =	vadd.f32 v3, v2;
	v3 =	vmul.f32 v7, v10;
	v7 =	vld.idx.msk [tilespmem:v8+s23+$0x0], $0xffff;
	v8 =	vor.u32 $0x10, v1  }
0x5d6: {  	v10 =	vld.idx.msk [tilespmem:v9+s2+$0x0], $0xffff  }
0x5d7: {  	v2 =	vadd.f32 v3, v2;
	v3 =	vmul.f32 v4, v11;
	v4 =	vld.idx.msk [tilespmem:v9+s23+$0x0], $0xffff;
	v9 =	vor.u32 $0x11, v1  }
0x5d8: {  	v11 =	vld.idx.msk [tilespmem:v6+s2+$0x0], $0xffff  }
0x5d9: {  	v2 =	vadd.f32 v3, v2;
	v3 =	vmul.f32 v5, v12;
	v5 =	vld.idx.msk [tilespmem:v6+s23+$0x0], $0xffff;
	v6 =	vor.u32 $0x12, v1  }
0x5da: {  	v12 =	vld.idx.msk [tilespmem:v8+s2+$0x0], $0xffff  }
0x5db: {  	v2 =	vadd.f32 v3, v2;
	v3 =	vmul.f32 v7, v13;
	v7 =	vld.idx.msk [tilespmem:v8+s23+$0x0], $0xffff;
	v8 =	vor.u32 $0x13, v1  }
0x5dc: {  	v13 =	vld.idx.msk [tilespmem:v9+s2+$0x0], $0xffff  }
0x5dd: {  	v2 =	vadd.f32 v3, v2;
	v3 =	vmul.f32 v4, v10;
	v4 =	vld.idx.msk [tilespmem:v9+s23+$0x0], $0xffff;
	v9 =	vor.u32 $0x14, v1  }
0x5de: {  	v10 =	vld.idx.msk [tilespmem:v6+s2+$0x0], $0xffff  }
0x5df: {  	v2 =	vadd.f32 v3, v2;
	v3 =	vmul.f32 v5, v11;
	v5 =	vld.idx.msk [tilespmem:v6+s23+$0x0], $0xffff;
	v6 =	vor.u32 $0x15, v1  }
0x5e0: {  	v11 =	vld.idx.msk [tilespmem:v8+s2+$0x0], $0xffff  }
0x5e1: {  	v2 =	vadd.f32 v3, v2;
	v3 =	vmul.f32 v7, v12;
	v7 =	vld.idx.msk [tilespmem:v8+s23+$0x0], $0xffff;
	v8 =	vor.u32 $0x16, v1  }
0x5e2: {  	v12 =	vld.idx.msk [tilespmem:v9+s2+$0x0], $0xffff  }
0x5e3: {  	v2 =	vadd.f32 v3, v2;
	v3 =	vmul.f32 v4, v13;
	v4 =	vld.idx.msk [tilespmem:v9+s23+$0x0], $0xffff;
	v9 =	vor.u32 $0x17, v1  }
0x5e4: {  	v13 =	vld.idx.msk [tilespmem:v6+s2+$0x0], $0xffff  }
0x5e5: {  	v2 =	vadd.f32 v3, v2;
	v3 =	vmul.f32 v5, v10;
	v5 =	vld.idx.msk [tilespmem:v6+s23+$0x0], $0xffff;
	v6 =	vor.u32 $0x18, v1  }
0x5e6: {  	v10 =	vld.idx.msk [tilespmem:v8+s2+$0x0], $0xffff  }
0x5e7: {  	v2 =	vadd.f32 v3, v2;
	v3 =	vmul.f32 v7, v11;
	v7 =	vld.idx.msk [tilespmem:v8+s23+$0x0], $0xffff;
	v8 =	vor.u32 $0x19, v1  }
0x5e8: {  	v11 =	vld.idx.msk [tilespmem:v9+s2+$0x0], $0xffff  }
0x5e9: {  	v2 =	vadd.f32 v3, v2;
	v3 =	vmul.f32 v4, v12;
	v4 =	vld.idx.msk [tilespmem:v9+s23+$0x0], $0xffff;
	v9 =	vor.u32 $0x1A, v1  }
0x5ea: {  	v12 =	vld.idx.msk [tilespmem:v6+s2+$0x0], $0xffff  }
0x5eb: {  	v2 =	vadd.f32 v3, v2;
	v3 =	vmul.f32 v5, v13;
	v5 =	vld.idx.msk [tilespmem:v6+s23+$0x0], $0xffff;
	v6 =	vor.u32 $0x1B, v1  }
0x5ec: {  	v13 =	vld.idx.msk [tilespmem:v8+s2+$0x0], $0xffff  }
0x5ed: {  	v2 =	vadd.f32 v3, v2;
	v3 =	vmul.f32 v7, v10;
	v7 =	vld.idx.msk [tilespmem:v8+s23+$0x0], $0xffff;
	v8 =	vor.u32 $0x1C, v1  }
0x5ee: {  	v10 =	vld.idx.msk [tilespmem:v9+s2+$0x0], $0xffff  }
0x5ef: {  	v2 =	vadd.f32 v3, v2;
	v3 =	vmul.f32 v4, v11;
	v4 =	vld.idx.msk [tilespmem:v9+s23+$0x0], $0xffff;
	v9 =	vor.u32 $0x1D, v1  }
0x5f0: {  	v11 =	vld.idx.msk [tilespmem:v6+s2+$0x0], $0xffff  }
0x5f1: {  	v2 =	vadd.f32 v3, v2;
	v3 =	vmul.f32 v5, v12;
	v5 =	vld.idx.msk [tilespmem:v6+s23+$0x0], $0xffff;
	v6 =	vor.u32 $0x1E, v1  }
0x5f2: {  	v12 =	vld.idx.msk [tilespmem:v8+s2+$0x0], $0xffff  }
0x5f3: {  	v1 =	vor.u32 $0x1F, v1;
	v2 =	vadd.f32 v3, v2;
	v3 =	vmul.f32 v7, v13;
	v7 =	vld.idx.msk [tilespmem:v8+s23+$0x0], $0xffff  }
0x5f4: {  	v8 =	vld.idx.msk [tilespmem:v9+s2+$0x0], $0xffff  }
0x5f5: {  	v2 =	vadd.f32 v3, v2;
	v3 =	vmul.f32 v4, v10;
	v4 =	vld.idx.msk [tilespmem:v9+s23+$0x0], $0xffff  }
0x5f6: {  	v9 =	vld.idx.msk [tilespmem:v6+s2+$0x0], $0xffff  }
0x5f7: {  	v3 =	vadd.f32 v3, v2;
	v5 =	vmul.f32 v5, v11;
	v6 =	vld.idx.msk [tilespmem:v6+s23+$0x0], $0xffff  }
0x5f8: {  	v2 =	vld.idx.msk [tilespmem:v1+s2+$0x0], $0xffff  }
0x5f9: {  	v5 =	vadd.f32 v5, v3;
	v7 =	vmul.f32 v7, v12;
	v3 =	vld.idx.msk [tilespmem:v1+s23+$0x0], $0xffff  }
.Ltmp7:
0x5fa: {  	(pc) =	sbr.rel @p0 .LBB2_16-.Ltmp7, $3  }
0x5fb: {  	v1 =	vadd.f32 v7, v5;
	v4 =	vmul.f32 v4, v8;
	_ =	sdelay $0x1  }
0x5fc: {  	v7 =	vmov s28;
	v4 =	vadd.f32 v4, v1;
	v5 =	vmul.f32 v6, v9  }
0x5fd: {  	s28 =	sadd.s32 $0x10, s28;
	v1 =	vshll.u32 v7, $0x7  }
0x5fe: {  	v1 =	vor.u32 v0, v1;
	v4 =	vadd.f32 v5, v4;
	v2 =	vmul.f32 v3, v2;
	_ =	sdelay $0x1  }
0x5ff: {  	v3 =	vor.u32 $0x1, v1;
	v2 =	vadd.f32 v2, v4  }
0x600: {  	s26 =	sadd.s32 $0x10, s26  }
0x601: {  	v31 =	vor.u32 $0x2, v1;
	[tilespmem:s26+$0x0] =	vst v2  }
0x602: {  	v2 =	vld.idx.msk [tilespmem:v1+s23+$0x0], $0xffff  }
0x603: {  	v6 =	vor.u32 $0x3, v1;
	v32 =	vld.idx.msk [tilespmem:v1+s2+$0x0], $0xffff  }
0x604: {  	v7 =	vld.idx.msk [tilespmem:v3+s2+$0x0], $0xffff  }
0x605: {  	v8 =	vor.u32 $0x4, v1;
	v3 =	vld.idx.msk [tilespmem:v3+s23+$0x0], $0xffff  }
0x606: {  	v9 =	vld.idx.msk [tilespmem:v31+s2+$0x0], $0xffff  }
0x607: {  	v10 =	vor.u32 $0x5, v1;
	v4 =	vld.idx.msk [tilespmem:v31+s23+$0x0], $0xffff  }
0x608: {  	v11 =	vld.idx.msk [tilespmem:v6+s2+$0x0], $0xffff;
	v2 =	vmul.f32 v2, v32  }
0x609: {  	v34 =	vor.u32 $0x6, v1;
	v33 =	vld.idx.msk [tilespmem:v6+s23+$0x0], $0xffff  }
0x60a: {  	v12 =	vld.idx.msk [tilespmem:v8+s2+$0x0], $0xffff;
	v3 =	vmul.f32 v3, v7;
	v2 =	vadd.f32 $0.0e+00, v2  }
0x60b: {  	v36 =	vor.u32 $0x7, v1;
	v35 =	vld.idx.msk [tilespmem:v8+s23+$0x0], $0xffff  }
0x60c: {  	v13 =	vld.idx.msk [tilespmem:v10+s2+$0x0], $0xffff;
	v2 =	vadd.f32 v3, v2;
	v3 =	vmul.f32 v4, v9  }
0x60d: {  	v38 =	vor.u32 $0x8, v1;
	v37 =	vld.idx.msk [tilespmem:v10+s23+$0x0], $0xffff  }
0x60e: {  	v39 =	vld.idx.msk [tilespmem:v34+s2+$0x0], $0xffff;
	v2 =	vadd.f32 v3, v2;
	v3 =	vmul.f32 v33, v11  }
0x60f: {  	v41 =	vor.u32 $0x9, v1;
	v40 =	vld.idx.msk [tilespmem:v34+s23+$0x0], $0xffff  }
0x610: {  	v42 =	vld.idx.msk [tilespmem:v36+s2+$0x0], $0xffff;
	v2 =	vadd.f32 v3, v2;
	v3 =	vmul.f32 v35, v12  }
0x611: {  	v44 =	vor.u32 $0xA, v1;
	v43 =	vld.idx.msk [tilespmem:v36+s23+$0x0], $0xffff  }
0x612: {  	v45 =	vld.idx.msk [tilespmem:v38+s2+$0x0], $0xffff;
	v2 =	vadd.f32 v3, v2;
	v3 =	vmul.f32 v37, v13  }
0x613: {  	v47 =	vor.u32 $0xB, v1;
	v46 =	vld.idx.msk [tilespmem:v38+s23+$0x0], $0xffff  }
0x614: {  	v48 =	vld.idx.msk [tilespmem:v41+s2+$0x0], $0xffff;
	v2 =	vadd.f32 v3, v2;
	v3 =	vmul.f32 v40, v39  }
0x615: {  	v50 =	vor.u32 $0xC, v1;
	v49 =	vld.idx.msk [tilespmem:v41+s23+$0x0], $0xffff  }
0x616: {  	v51 =	vld.idx.msk [tilespmem:v44+s2+$0x0], $0xffff;
	v2 =	vadd.f32 v3, v2;
	v3 =	vmul.f32 v43, v42  }
0x617: {  	v53 =	vor.u32 $0xD, v1;
	v52 =	vld.idx.msk [tilespmem:v44+s23+$0x0], $0xffff  }
0x618: {  	v54 =	vld.idx.msk [tilespmem:v47+s2+$0x0], $0xffff;
	v2 =	vadd.f32 v3, v2;
	v3 =	vmul.f32 v46, v45  }
0x619: {  	v56 =	vor.u32 $0xE, v1;
	v55 =	vld.idx.msk [tilespmem:v47+s23+$0x0], $0xffff  }
0x61a: {  	v57 =	vld.idx.msk [tilespmem:v50+s2+$0x0], $0xffff;
	v2 =	vadd.f32 v3, v2;
	v3 =	vmul.f32 v49, v48  }
0x61b: {  	v59 =	vor.u32 $0xF, v1;
	v58 =	vld.idx.msk [tilespmem:v50+s23+$0x0], $0xffff  }
0x61c: {  	v60 =	vld.idx.msk [tilespmem:v53+s2+$0x0], $0xffff;
	v2 =	vadd.f32 v3, v2;
	v3 =	vmul.f32 v52, v51  }
0x61d: {  	v62 =	vor.u32 $0x10, v1;
	v61 =	vld.idx.msk [tilespmem:v53+s23+$0x0], $0xffff  }
0x61e: {  	v63 =	vld.idx.msk [tilespmem:v56+s2+$0x0], $0xffff;
	v2 =	vadd.f32 v3, v2;
	v3 =	vmul.f32 v55, v54  }
0x61f: {  	v17 =	vor.u32 $0x11, v1;
	v16 =	vld.idx.msk [tilespmem:v56+s23+$0x0], $0xffff  }
0x620: {  	v18 =	vld.idx.msk [tilespmem:v59+s2+$0x0], $0xffff;
	v2 =	vadd.f32 v3, v2;
	v3 =	vmul.f32 v58, v57  }
0x621: {  	v20 =	vor.u32 $0x12, v1;
	v19 =	vld.idx.msk [tilespmem:v59+s23+$0x0], $0xffff  }
0x622: {  	v21 =	vld.idx.msk [tilespmem:v62+s2+$0x0], $0xffff;
	v2 =	vadd.f32 v3, v2;
	v3 =	vmul.f32 v61, v60  }
0x623: {  	v23 =	vor.u32 $0x13, v1;
	v22 =	vld.idx.msk [tilespmem:v62+s23+$0x0], $0xffff  }
0x624: {  	v24 =	vld.idx.msk [tilespmem:v17+s2+$0x0], $0xffff;
	v2 =	vadd.f32 v3, v2;
	v3 =	vmul.f32 v16, v63  }
0x625: {  	v26 =	vor.u32 $0x14, v1;
	v25 =	vld.idx.msk [tilespmem:v17+s23+$0x0], $0xffff  }
0x626: {  	v27 =	vld.idx.msk [tilespmem:v20+s2+$0x0], $0xffff;
	v2 =	vadd.f32 v3, v2;
	v3 =	vmul.f32 v19, v18  }
0x627: {  	v29 =	vor.u32 $0x15, v1;
	v28 =	vld.idx.msk [tilespmem:v20+s23+$0x0], $0xffff  }
0x628: {  	v30 =	vld.idx.msk [tilespmem:v23+s2+$0x0], $0xffff;
	v2 =	vadd.f32 v3, v2;
	v3 =	vmul.f32 v22, v21  }
0x629: {  	v31 =	vld.idx.msk [tilespmem:v23+s23+$0x0], $0xffff;
	v32 =	vor.u32 $0x16, v1  }
0x62a: {  	v34 =	vld.idx.msk [tilespmem:v26+s23+$0x0], $0xffff;
	v2 =	vadd.f32 v3, v2;
	v3 =	vmul.f32 v25, v24  }
0x62b: {  	v33 =	vld.idx.msk [tilespmem:v26+s2+$0x0], $0xffff;
	v35 =	vor.u32 $0x17, v1  }
0x62c: {  	v36 =	vld.idx.msk [tilespmem:v29+s2+$0x0], $0xffff;
	v2 =	vadd.f32 v3, v2;
	v3 =	vmul.f32 v28, v27  }
0x62d: {  	v38 =	vor.u32 $0x18, v1;
	v37 =	vld.idx.msk [tilespmem:v29+s23+$0x0], $0xffff  }
0x62e: {  	v39 =	vld.idx.msk [tilespmem:v32+s2+$0x0], $0xffff;
	v2 =	vadd.f32 v3, v2;
	v3 =	vmul.f32 v31, v30  }
0x62f: {  	v41 =	vor.u32 $0x19, v1;
	v40 =	vld.idx.msk [tilespmem:v32+s23+$0x0], $0xffff  }
0x630: {  	v42 =	vld.idx.msk [tilespmem:v35+s2+$0x0], $0xffff;
	v2 =	vadd.f32 v3, v2;
	v3 =	vmul.f32 v34, v33  }
0x631: {  	v44 =	vor.u32 $0x1A, v1;
	v43 =	vld.idx.msk [tilespmem:v35+s23+$0x0], $0xffff  }
0x632: {  	v45 =	vld.idx.msk [tilespmem:v38+s2+$0x0], $0xffff;
	v2 =	vadd.f32 v3, v2;
	v3 =	vmul.f32 v37, v36  }
0x633: {  	v47 =	vor.u32 $0x1B, v1;
	v46 =	vld.idx.msk [tilespmem:v38+s23+$0x0], $0xffff  }
0x634: {  	v48 =	vld.idx.msk [tilespmem:v41+s2+$0x0], $0xffff;
	v2 =	vadd.f32 v3, v2;
	v3 =	vmul.f32 v40, v39  }
0x635: {  	v50 =	vor.u32 $0x1C, v1;
	v49 =	vld.idx.msk [tilespmem:v41+s23+$0x0], $0xffff  }
0x636: {  	v51 =	vld.idx.msk [tilespmem:v44+s2+$0x0], $0xffff;
	v2 =	vadd.f32 v3, v2;
	v3 =	vmul.f32 v43, v42  }
0x637: {  	v53 =	vor.u32 $0x1D, v1;
	v52 =	vld.idx.msk [tilespmem:v44+s23+$0x0], $0xffff  }
0x638: {  	v54 =	vld.idx.msk [tilespmem:v47+s2+$0x0], $0xffff;
	v2 =	vadd.f32 v3, v2;
	v3 =	vmul.f32 v46, v45  }
0x639: {  	v56 =	vor.u32 $0x1E, v1;
	v55 =	vld.idx.msk [tilespmem:v47+s23+$0x0], $0xffff  }
0x63a: {  	v57 =	vld.idx.msk [tilespmem:v50+s2+$0x0], $0xffff;
	v2 =	vadd.f32 v3, v2;
	v3 =	vmul.f32 v49, v48  }
0x63b: {  	v1 =	vor.u32 $0x1F, v1;
	v58 =	vld.idx.msk [tilespmem:v50+s23+$0x0], $0xffff  }
0x63c: {  	v59 =	vld.idx.msk [tilespmem:v53+s2+$0x0], $0xffff;
	v2 =	vadd.f32 v3, v2;
	v3 =	vmul.f32 v52, v51  }
0x63d: {  	v60 =	vld.idx.msk [tilespmem:v53+s23+$0x0], $0xffff  }
0x63e: {  	v62 =	vld.idx.msk [tilespmem:v56+s23+$0x0], $0xffff;
	v2 =	vadd.f32 v3, v2;
	v3 =	vmul.f32 v55, v54  }
0x63f: {  	v61 =	vld.idx.msk [tilespmem:v56+s2+$0x0], $0xffff  }
0x640: {  	v63 =	vld.idx.msk [tilespmem:v1+s2+$0x0], $0xffff;
	v2 =	vadd.f32 v3, v2;
	v3 =	vmul.f32 v58, v57  }
0x641: {  	v1 =	vld.idx.msk [tilespmem:v1+s23+$0x0], $0xffff  }
0x642: {  	v2 =	vadd.f32 v3, v2;
	v3 =	vmul.f32 v60, v59;
	_ =	sdelay $0x1  }
0x643: {  	v2 =	vadd.f32 v3, v2;
	v3 =	vmul.f32 v62, v61;
	_ =	sdelay $0x1  }
0x644: {  	v1 =	vmul.f32 v1, v63;
	v2 =	vadd.f32 v3, v2;
	_ =	sdelay $0x1  }
0x645: {  	v1 =	vadd.f32 v1, v2  }
0x646: {  	s5 =	sadd.s32 $0x10, s26  }
0x647: {  	s28 =	rddreg [dreg:$0x9];
	s8 =	simm.s32 $0x10400;
	[tilespmem:s5+$0x0] =	vst v1  }
0x648: {  	[hbm4b:s28+s1] =	stream.linear.scatter [tilespmem:s8], [sflag:$0x3], $0x200, $0x38;
	[tilespmem:$0x10600] =	vst v63  }
0x649: {  	_ =	swait.ge [sflag:s21], $0x200  }
0x64a: {  	s25 =	sadd.s32 $0x1, s25;
	s29 =	rddreg [dreg:$0xa]  }
0x64b: {  	p0 =	sne.s32 s25, s29  }
.Ltmp8:
0x64c: {  	_ = 	snop;
	(pc) =	sbr.rel @p0 .LBB2_1-.Ltmp8, $3  }
0x64d: {  	_ =	sdelay $0x1  }
0x64e: {  	[sflag:s21] =	ssyncset.done $0x0  }
0x64f: {  	[sflag:s21] =	ssyncadd.s32 $0xFFFFFE00  }
0x650: {  	_ =	sfence.sel $0x180000  }
0x651: {  	[bflag:$0x0] =	sbarrier.arrive $0xFFFF  }
0x652: {  	_ =	strace $0x90000047  }
0x653: {  	s0 =	stileid.u32;
	[bflag:$0x2] =	sbarrier.arrive $0xFFFF  }
0x654: {  	p0 =	sne.s32 s0, $0x0;
	s0 =	rddreg [dreg:$0x6]  }
0x655: {  	s0 =	sadd.s32 @!p0 $0x100000, s0  }
0x656: {  	[sflag:s0] =	ssyncadd.tile.s32 @!p0 $0x1;
	_ =	shalt  }
.Lfunc_end2:
_tile_overlayer_lowered:
.L_overlay_start_2:
0x657: {  	(tag) =	ssettag $0x2  }
0x658: {  	s0 =	rddreg [dreg:$0x0];
	s2 =	stileid.u32  }
0x659: {  	s1 =	rddreg [dreg:$0x1];
	p0 =	sne.s32 s2, $0x0  }
0x65a: {  	s3 =	rddreg [dreg:$0x2];
	[bflag:$0x3] =	sbarrier.arrive $0xFFFF;
	s2 =	simm.s32 @!p0 $0x1C03  }
0x65b: {  	[timem:s3], [sflag:s2] =	dma.local @!p0 [hbm:s0], s1  }
0x65c: {  	s0 =	simm.s32 @!p0 $0x3  }
0x65d: {  	_ =	swait.ge @!p0 [sflag:s0], s1  }
0x65e: {  	s1 =	ssub.s32 @!p0 $0x0, s1;
	[sflag:s0] =	ssyncset.done @!p0 $0x0  }
0x65f: {  	[sflag:s0] =	ssyncadd.s32 @!p0 s1  }
0x660: {  	[bflag:$0x3] =	sbarrier.arrive $0xFFFF  }
0x661: {  	_ =	shalt  }

</sc_bundles>
